<compile_context>
chip_gen: v7x
topology: tpu7x:2x2x1
jax: 0.10.2.dev20260603
libtpu: 0.0.44.dev20260713+nightly
codegen_flags: <defaults>
</compile_context>

<pallas_src>
import functools

import jax
import jax.numpy as jnp
from jax import lax
from jax.experimental import pallas as pl
from jax.experimental.pallas import tpu as pltpu
from jax.experimental.pallas import tpu_sc as plsc

V = 100000
R = 7
M = 6
NW = 32
PV = 100096
CV = 128
IC = CV * R * M
NI = V * R * M
NCHUNKS = PV // CV
NITER = -(-NCHUNKS // NW)


def _sc_gather_mean(x, idx):
    mesh = plsc.VectorSubcoreMesh(core_axis_name="c", subcore_axis_name="s")

    @functools.partial(
        pl.kernel,
        out_type=jax.ShapeDtypeStruct((R, PV), jnp.float32),
        mesh=mesh,
        compiler_params=pltpu.CompilerParams(needs_layout_passes=False),
        scratch_types=[
            pltpu.VMEM((V,), jnp.float32),
            pltpu.VMEM_SHARED((V,), jnp.float32),
            pltpu.VMEM((IC,), jnp.int32),
            pltpu.VMEM((IC,), jnp.int32),
            pltpu.VMEM((R, CV), jnp.float32),
            pltpu.VMEM((R, CV), jnp.float32),
            pltpu.SemaphoreType.DMA,
            pltpu.SemaphoreType.DMA,
            pltpu.SemaphoreType.DMA,
            pltpu.SemaphoreType.DMA,
            pltpu.SemaphoreType.DMA,
        ],
    )
    def k(x_hbm, idx_hbm, out_hbm, table_v, table_s, idx_v0, idx_v1,
          out_v0, out_v1, sem_t, sem_i0, sem_i1, sem_o0, sem_o1):
        wid = lax.axis_index("s") * 2 + lax.axis_index("c")
        idx_bufs = (idx_v0, idx_v1)
        out_bufs = (out_v0, out_v1)
        idx_sems = (sem_i0, sem_i1)
        out_sems = (sem_o0, sem_o1)
        iota42 = lax.iota(jnp.int32, 16) * (R * M)
        njlast = (V - (NCHUNKS - 1) * CV) // 16

        def cid(g):
            return jnp.minimum(wid + NW * g, NCHUNKS - 1)

        def ibase(c):
            return jnp.minimum(c * IC, NI - IC)

        def fire_idx(g, b):
            return pltpu.async_copy(
                idx_hbm.at[pl.ds(ibase(cid(g)), IC)], idx_bufs[b],
                idx_sems[b])

        def wait_idx(g, b):
            pltpu.make_async_copy(
                idx_hbm.at[pl.ds(ibase(cid(g)), IC)], idx_bufs[b],
                idx_sems[b]).wait()

        def fire_out(g, b):
            pltpu.async_copy(
                out_bufs[b], out_hbm.at[:, pl.ds(cid(g) * CV, CV)],
                out_sems[b])

        def wait_out(g, b):
            pltpu.make_async_copy(
                out_bufs[b], out_hbm.at[:, pl.ds(cid(g) * CV, CV)],
                out_sems[b]).wait()

        def compute(g, idx_ref, out_ref):
            c = cid(g)
            shift = c * IC - ibase(c)
            nj = jnp.where(jnp.equal(c, NCHUNKS - 1), njlast, CV // 16)
            for r in range(R):
                @plsc.parallel_loop(0, nj, unroll=2)
                def _(j):
                    u0 = j * 16
                    acc = jnp.zeros((16,), jnp.float32)
                    for m in range(M):
                        sv = iota42 + (shift + u0 * (R * M) + r * M + m)
                        iv = plsc.load_gather(idx_ref, [sv])
                        acc = acc + plsc.load_gather(table_v, [iv])
                    out_ref[r, pl.ds(u0, 16)] = acc * (1.0 / M)

        sid = lax.axis_index("s")
        fire_idx(0, 0)
        fire_idx(1, 1)

        @pl.when(jnp.equal(sid, 0))
        def _():
            pltpu.async_copy(x_hbm.at[0], table_s, sem_t).wait()

        plsc.subcore_barrier()
        pltpu.sync_copy(table_s, table_v)

        @pl.loop(0, (NITER + 1) // 2)
        def _(t):
            for b in range(2):
                g = 2 * t + b

                @pl.when(g < NITER)
                def _():
                    wait_idx(g, b)

                    @pl.when(g >= 2)
                    def _():
                        wait_out(g - 2, b)

                    compute(g, idx_bufs[b], out_bufs[b])
                    fire_out(g, b)

                    @pl.when(g + 2 < NITER)
                    def _():
                        fire_idx(g + 2, b)

        wait_out(NITER - 2, 1)
        wait_out(NITER - 1, 0)

    return k(x, idx)


def kernel(x, indices):
    idx = indices.astype(jnp.int32)
    out = _sc_gather_mean(x, idx)
    out = out[:, :V]
    return jnp.reshape(jnp.transpose(out, (1, 0)), (1, V, R))

# --- scband reference (transcript-rebuilt; emitter-appended) ---
"""Pipeline reference for scband-update-regions-6236292513955 (READ-ONLY COPY).

The authoritative reference and input builder live on the scoring server;
editing this copy changes nothing except your own understanding.
"""

import jax, jax.numpy as jnp
import numpy as np

BATCH_SIZE = 1
NO_OF_VERTICES = 100000
NO_OF_REGIONS = 7
NO_OF_MEASUREMENTS = 6


def setup_inputs(seed: int = 0) -> dict:
    key = jax.random.key(seed)
    k1, k2 = jax.random.split(key)
    x = jax.random.normal(k1, (BATCH_SIZE, NO_OF_VERTICES), dtype=jnp.float32)
    total = BATCH_SIZE * NO_OF_VERTICES * NO_OF_REGIONS * NO_OF_MEASUREMENTS
    indices = jax.random.randint(k2, (total,), 0, NO_OF_VERTICES, dtype=jnp.int64 if jax.config.jax_enable_x64 else jnp.int32)
    return {"x": x, "indices": indices}


def reference(x, indices):
    # Faithful translation of UpdateRegions.call
    xf = jnp.reshape(x, (NO_OF_VERTICES,))
    g = jnp.take(xf, indices, axis=0)
    g = jnp.reshape(g, (BATCH_SIZE, NO_OF_VERTICES, NO_OF_REGIONS, NO_OF_MEASUREMENTS))
    out = jnp.mean(g, axis=-1)
    return out

if __name__ == "__main__":
    import jax
    _d = setup_inputs()
    print(jax.jit(kernel)(*tuple(_d.values())))

</pallas_src>

<mosaic_0001>
#map = affine_map<(d0, d1) -> (0, 0)>
#map1 = affine_map<(d0, d1) -> (0)>
module attributes {stable_mosaic.version = 14 : i64} {
  func.func @k(%arg0: i32, %arg1: i32, %arg2: memref<1x100000xf32, #tpu.memory_space<hbm>>, %arg3: memref<4200000xi32, #tpu.memory_space<hbm>>, %arg4: memref<7x100096xf32, #tpu.memory_space<hbm>>, %arg5: memref<100000xf32, #tpu.memory_space<vmem>>, %arg6: memref<100000xf32, #tpu.memory_space<vmem_shared>>, %arg7: memref<5376xi32, #tpu.memory_space<vmem>>, %arg8: memref<5376xi32, #tpu.memory_space<vmem>>, %arg9: memref<7x128xf32, #tpu.memory_space<vmem>>, %arg10: memref<7x128xf32, #tpu.memory_space<vmem>>, %arg11: memref<!tpu.dma_semaphore, #tpu.memory_space<semaphore_mem>>, %arg12: memref<!tpu.dma_semaphore, #tpu.memory_space<semaphore_mem>>, %arg13: memref<!tpu.dma_semaphore, #tpu.memory_space<semaphore_mem>>, %arg14: memref<!tpu.dma_semaphore, #tpu.memory_space<semaphore_mem>>, %arg15: memref<!tpu.dma_semaphore, #tpu.memory_space<semaphore_mem>>) attributes {dimension_semantics = [#tpu.dimension_semantics<core_parallel>, #tpu.dimension_semantics<subcore_parallel>], iteration_bounds = array<i64: 2, 16>, scalar_prefetch = 0 : i64, scratch_operands = 11 : i64, tpu.core_type = #tpu.core_type<sc_vector_subcore>, window_params = [{transform_indices = #map}, {transform_indices = #map1}, {transform_indices = #map}]} {
    %mul3A = arith.constant 2 : i32
    %mul3A_0 = arith.muli %arg1, %mul3A : i32
    %add3A = arith.addi %mul3A_0, %arg0 : i32
    %iota3A = tpu.iota {dimensions = array<i32: 0>} : vector<16xi32>
    %mul3A_1 = arith.constant 42 : i32
    %mul3A_2 = vector.broadcast %mul3A_1 : i32 to vector<16xi32>
    %mul3A_3 = arith.muli %iota3A, %mul3A_2 : vector<16xi32>
    %add3A_4 = arith.constant 0 : i32
    %add3A_5 = arith.addi %add3A, %add3A_4 : i32
    %min3A = arith.constant 781 : i32
    %min3A_6 = arith.minsi %add3A_5, %min3A : i32
    %mul3A_7 = arith.constant 5376 : i32
    %mul3A_8 = arith.muli %min3A_6, %mul3A_7 : i32
    %min3A_9 = arith.constant 4194624 : i32
    %min3A_10 = arith.minsi %mul3A_8, %min3A_9 : i32
    %dma_start3A = tpu.memref_slice %arg3[%min3A_10] : memref<4200000xi32, #tpu.memory_space<hbm>> -> memref<5376xi32, #tpu.memory_space<hbm>>
    %dma_start3A_11 = tpu.memref_slice %arg3[%min3A_10] : memref<4200000xi32, #tpu.memory_space<hbm>> -> memref<5376xi32, #tpu.memory_space<hbm>>
    tpu.enqueue_dma source(%dma_start3A_11 : memref<5376xi32, #tpu.memory_space<hbm>>) target(%arg7 : memref<5376xi32, #tpu.memory_space<vmem>>) target_semaphore(%arg12 : memref<!tpu.dma_semaphore, #tpu.memory_space<semaphore_mem>>)
    %add3A_12 = arith.constant 32 : i32
    %add3A_13 = arith.addi %add3A, %add3A_12 : i32
    %min3A_14 = arith.constant 781 : i32
    %min3A_15 = arith.minsi %add3A_13, %min3A_14 : i32
    %mul3A_16 = arith.constant 5376 : i32
    %mul3A_17 = arith.muli %min3A_15, %mul3A_16 : i32
    %min3A_18 = arith.constant 4194624 : i32
    %min3A_19 = arith.minsi %mul3A_17, %min3A_18 : i32
    %dma_start3A_20 = tpu.memref_slice %arg3[%min3A_19] : memref<4200000xi32, #tpu.memory_space<hbm>> -> memref<5376xi32, #tpu.memory_space<hbm>>
    %dma_start3A_21 = tpu.memref_slice %arg3[%min3A_19] : memref<4200000xi32, #tpu.memory_space<hbm>> -> memref<5376xi32, #tpu.memory_space<hbm>>
    tpu.enqueue_dma source(%dma_start3A_21 : memref<5376xi32, #tpu.memory_space<hbm>>) target(%arg8 : memref<5376xi32, #tpu.memory_space<vmem>>) target_semaphore(%arg13 : memref<!tpu.dma_semaphore, #tpu.memory_space<semaphore_mem>>)
    %eq3A = arith.constant 0 : i32
    %eq3A_22 = arith.cmpi eq, %arg1, %eq3A : i32
    %convert_element_type3A = arith.extui %eq3A_22 : i1 to i32
    %cond3A = arith.constant 0 : i32
    %cond3A_23 = arith.cmpi ne, %convert_element_type3A, %cond3A : i32
    scf.if %cond3A_23 {
      %dma_start3A_47 = arith.constant 0 : i32
      %dma_start3A_48 = arith.constant 0 : i32
      %dma_start3A_49 = tpu.memref_slice %arg2[%dma_start3A_47, %dma_start3A_48] : memref<1x100000xf32, #tpu.memory_space<hbm>> -> memref<1x100000xf32, #tpu.memory_space<hbm>>
      %dma_start3A_50 = tpu.memref_squeeze %dma_start3A_49 : memref<1x100000xf32, #tpu.memory_space<hbm>> -> memref<100000xf32, #tpu.memory_space<hbm>>
      tpu.enqueue_dma source(%dma_start3A_50 : memref<100000xf32, #tpu.memory_space<hbm>>) target(%arg6 : memref<100000xf32, #tpu.memory_space<vmem_shared>>) target_semaphore(%arg11 : memref<!tpu.dma_semaphore, #tpu.memory_space<semaphore_mem>>)
      %dma_wait3A_51 = arith.constant 0 : i32
      %dma_wait3A_52 = arith.constant 0 : i32
      %dma_wait3A_53 = tpu.memref_slice %arg2[%dma_wait3A_51, %dma_wait3A_52] : memref<1x100000xf32, #tpu.memory_space<hbm>> -> memref<1x100000xf32, #tpu.memory_space<hbm>>
      %dma_wait3A_54 = tpu.memref_squeeze %dma_wait3A_53 : memref<1x100000xf32, #tpu.memory_space<hbm>> -> memref<100000xf32, #tpu.memory_space<hbm>>
      tpu.wait_dma2 semaphore(%arg11 : memref<!tpu.dma_semaphore, #tpu.memory_space<semaphore_mem>>) src(%dma_wait3A_54 : memref<100000xf32, #tpu.memory_space<hbm>>) dst(%arg6 : memref<100000xf32, #tpu.memory_space<vmem_shared>>)
    } else {
    }
    %barrier3A = arith.constant 0 : index
    tpu.barrier barrier_id(%barrier3A)
    "tpu.region"() ({
      %run_scoped3A = tpu.sem_alloc : memref<!tpu.dma_semaphore, #tpu.memory_space<semaphore_mem>>
      tpu.enqueue_dma source(%arg6 : memref<100000xf32, #tpu.memory_space<vmem_shared>>) target(%arg5 : memref<100000xf32, #tpu.memory_space<vmem>>) target_semaphore(%run_scoped3A : memref<!tpu.dma_semaphore, #tpu.memory_space<semaphore_mem>>)
      tpu.wait_dma2 semaphore(%run_scoped3A : memref<!tpu.dma_semaphore, #tpu.memory_space<semaphore_mem>>) src(%arg6 : memref<100000xf32, #tpu.memory_space<vmem_shared>>) dst(%arg5 : memref<100000xf32, #tpu.memory_space<vmem>>)
      tpu.yield
    }) : () -> ()
    %scan3A = arith.constant 0 : i32
    %scan3A_24 = arith.constant 13 : i32
    %scan3A_25 = arith.addi %scan3A, %scan3A_24 : i32
    %scan3A_26 = arith.constant 1 : i32
    scf.for %scan3A_47 = %scan3A to %scan3A_25 step %scan3A_26  : i32 {
      %mul3A_48 = arith.constant 1 : i32
      %mul3A_49 = arith.muli %scan3A_47, %mul3A_48 : i32
      %add3A_50 = arith.constant 0 : i32
      %add3A_51 = arith.addi %add3A_50, %mul3A_49 : i32
      %mul3A_52 = arith.constant 2 : i32
      %mul3A_53 = arith.muli %mul3A_52, %add3A_51 : i32
      %add3A_54 = arith.constant 0 : i32
      %add3A_55 = arith.addi %mul3A_53, %add3A_54 : i32
      %lt3A = arith.constant 25 : i32
      %lt3A_56 = arith.cmpi slt, %add3A_55, %lt3A : i32
      %convert_element_type3A_57 = arith.extui %lt3A_56 : i1 to i32
      %cond3A_58 = arith.constant 0 : i32
      %cond3A_59 = arith.cmpi ne, %convert_element_type3A_57, %cond3A_58 : i32
      scf.if %cond3A_59 {
        %mul3A_69 = arith.constant 32 : i32
        %mul3A_70 = arith.muli %mul3A_69, %add3A_55 : i32
        %add3A_71 = arith.addi %add3A, %mul3A_70 : i32
        %min3A_72 = arith.constant 781 : i32
        %min3A_73 = arith.minsi %add3A_71, %min3A_72 : i32
        %mul3A_74 = arith.constant 5376 : i32
        %mul3A_75 = arith.muli %min3A_73, %mul3A_74 : i32
        %min3A_76 = arith.constant 4194624 : i32
        %min3A_77 = arith.minsi %mul3A_75, %min3A_76 : i32
        %dma_wait3A_78 = tpu.memref_slice %arg3[%min3A_77] : memref<4200000xi32, #tpu.memory_space<hbm>> -> memref<5376xi32, #tpu.memory_space<hbm>>
        %dma_wait3A_79 = tpu.memref_slice %arg3[%min3A_77] : memref<4200000xi32, #tpu.memory_space<hbm>> -> memref<5376xi32, #tpu.memory_space<hbm>>
        tpu.wait_dma2 semaphore(%arg12 : memref<!tpu.dma_semaphore, #tpu.memory_space<semaphore_mem>>) src(%dma_wait3A_79 : memref<5376xi32, #tpu.memory_space<hbm>>) dst(%arg7 : memref<5376xi32, #tpu.memory_space<vmem>>)
        %ge3A = arith.constant 2 : i32
        %ge3A_80 = arith.cmpi sge, %add3A_55, %ge3A : i32
        %convert_element_type3A_81 = arith.extui %ge3A_80 : i1 to i32
        %cond3A_82 = arith.constant 0 : i32
        %cond3A_83 = arith.cmpi ne, %convert_element_type3A_81, %cond3A_82 : i32
        scf.if %cond3A_83 {
          %sub3A_129 = arith.constant 2 : i32
          %sub3A_130 = arith.subi %add3A_55, %sub3A_129 : i32
          %mul3A_131 = arith.constant 32 : i32
          %mul3A_132 = arith.muli %mul3A_131, %sub3A_130 : i32
          %add3A_133 = arith.addi %add3A, %mul3A_132 : i32
          %min3A_134 = arith.constant 781 : i32
          %min3A_135 = arith.minsi %add3A_133, %min3A_134 : i32
          %mul3A_136 = arith.constant 128 : i32
          %mul3A_137 = arith.muli %min3A_135, %mul3A_136 : i32
          %dma_wait3A_138 = arith.constant 0 : i32
          %dma_wait3A_139 = tpu.memref_slice %arg4[%dma_wait3A_138, %mul3A_137] : memref<7x100096xf32, #tpu.memory_space<hbm>> -> memref<7x128xf32, #tpu.memory_space<hbm>>
          %dma_wait3A_140 = arith.constant 0 : i32
          %dma_wait3A_141 = tpu.memref_slice %arg4[%dma_wait3A_140, %mul3A_137] : memref<7x100096xf32, #tpu.memory_space<hbm>> -> memref<7x128xf32, #tpu.memory_space<hbm>>
          tpu.wait_dma2 semaphore(%arg14 : memref<!tpu.dma_semaphore, #tpu.memory_space<semaphore_mem>>) src(%arg9 : memref<7x128xf32, #tpu.memory_space<vmem>>) dst(%dma_wait3A_141 : memref<7x128xf32, #tpu.memory_space<hbm>>)
        } else {
        }
        %mul3A_84 = arith.constant 32 : i32
        %mul3A_85 = arith.muli %mul3A_84, %add3A_55 : i32
        %add3A_86 = arith.addi %add3A, %mul3A_85 : i32
        %min3A_87 = arith.constant 781 : i32
        %min3A_88 = arith.minsi %add3A_86, %min3A_87 : i32
        %mul3A_89 = arith.constant 5376 : i32
        %mul3A_90 = arith.muli %min3A_88, %mul3A_89 : i32
        %mul3A_91 = arith.constant 5376 : i32
        %mul3A_92 = arith.muli %min3A_88, %mul3A_91 : i32
        %min3A_93 = arith.constant 4194624 : i32
        %min3A_94 = arith.minsi %mul3A_92, %min3A_93 : i32
        %sub3A = arith.subi %mul3A_90, %min3A_94 : i32
        %eq3A_95 = arith.constant 781 : i32
        %eq3A_96 = arith.cmpi eq, %min3A_88, %eq3A_95 : i32
        %jit3A = arith.constant 2 : i32
        %jit3A_97 = arith.constant 8 : i32
        %select_n3A = arith.select %eq3A_96, %jit3A, %jit3A_97 : i32
        %parallel_loop3A = arith.constant 0 : i32
        %parallel_loop3A_98 = arith.constant 1 : i32
        scf.for %parallel_loop3A_129 = %parallel_loop3A to %select_n3A step %parallel_loop3A_98  : i32 {
          %parallel_loop3A_130 = arith.constant 16 : i32
          %parallel_loop3A_131 = arith.muli %parallel_loop3A_129, %parallel_loop3A_130 : i32
          %parallel_loop3A_132 = arith.constant 0.000000e+00 : f32
          %parallel_loop3A_133 = vector.broadcast %parallel_loop3A_132 : f32 to vector<16xf32>
          %parallel_loop3A_134 = arith.constant 42 : i32
          %parallel_loop3A_135 = arith.muli %parallel_loop3A_131, %parallel_loop3A_134 : i32
          %parallel_loop3A_136 = arith.addi %sub3A, %parallel_loop3A_135 : i32
          %parallel_loop3A_137 = arith.constant 0 : i32
          %parallel_loop3A_138 = arith.addi %parallel_loop3A_136, %parallel_loop3A_137 : i32
          %parallel_loop3A_139 = arith.constant 0 : i32
          %parallel_loop3A_140 = arith.addi %parallel_loop3A_138, %parallel_loop3A_139 : i32
          %parallel_loop3A_141 = vector.broadcast %parallel_loop3A_140 : i32 to vector<16xi32>
          %parallel_loop3A_142 = arith.addi %mul3A_3, %parallel_loop3A_141 : vector<16xi32>
          %parallel_loop3A_143 = tpu.vector_load_idx %arg7[%parallel_loop3A_142] : memref<5376xi32, #tpu.memory_space<vmem>>[vector<16xi32>], vector<16xi32>,
          %parallel_loop3A_144 = tpu.vector_load_idx %arg5[%parallel_loop3A_143] : memref<100000xf32, #tpu.memory_space<vmem>>[vector<16xi32>], vector<16xf32>,
          %parallel_loop3A_145 = arith.addf %parallel_loop3A_133, %parallel_loop3A_144 : vector<16xf32>
          %parallel_loop3A_146 = arith.constant 42 : i32
          %parallel_loop3A_147 = arith.muli %parallel_loop3A_131, %parallel_loop3A_146 : i32
          %parallel_loop3A_148 = arith.addi %sub3A, %parallel_loop3A_147 : i32
          %parallel_loop3A_149 = arith.constant 0 : i32
          %parallel_loop3A_150 = arith.addi %parallel_loop3A_148, %parallel_loop3A_149 : i32
          %parallel_loop3A_151 = arith.constant 1 : i32
          %parallel_loop3A_152 = arith.addi %parallel_loop3A_150, %parallel_loop3A_151 : i32
          %parallel_loop3A_153 = vector.broadcast %parallel_loop3A_152 : i32 to vector<16xi32>
          %parallel_loop3A_154 = arith.addi %mul3A_3, %parallel_loop3A_153 : vector<16xi32>
          %parallel_loop3A_155 = tpu.vector_load_idx %arg7[%parallel_loop3A_154] : memref<5376xi32, #tpu.memory_space<vmem>>[vector<16xi32>], vector<16xi32>,
          %parallel_loop3A_156 = tpu.vector_load_idx %arg5[%parallel_loop3A_155] : memref<100000xf32, #tpu.memory_space<vmem>>[vector<16xi32>], vector<16xf32>,
          %parallel_loop3A_157 = arith.addf %parallel_loop3A_145, %parallel_loop3A_156 : vector<16xf32>
          %parallel_loop3A_158 = arith.constant 42 : i32
          %parallel_loop3A_159 = arith.muli %parallel_loop3A_131, %parallel_loop3A_158 : i32
          %parallel_loop3A_160 = arith.addi %sub3A, %parallel_loop3A_159 : i32
          %parallel_loop3A_161 = arith.constant 0 : i32
          %parallel_loop3A_162 = arith.addi %parallel_loop3A_160, %parallel_loop3A_161 : i32
          %parallel_loop3A_163 = arith.constant 2 : i32
          %parallel_loop3A_164 = arith.addi %parallel_loop3A_162, %parallel_loop3A_163 : i32
          %parallel_loop3A_165 = vector.broadcast %parallel_loop3A_164 : i32 to vector<16xi32>
          %parallel_loop3A_166 = arith.addi %mul3A_3, %parallel_loop3A_165 : vector<16xi32>
          %parallel_loop3A_167 = tpu.vector_load_idx %arg7[%parallel_loop3A_166] : memref<5376xi32, #tpu.memory_space<vmem>>[vector<16xi32>], vector<16xi32>,
          %parallel_loop3A_168 = tpu.vector_load_idx %arg5[%parallel_loop3A_167] : memref<100000xf32, #tpu.memory_space<vmem>>[vector<16xi32>], vector<16xf32>,
          %parallel_loop3A_169 = arith.addf %parallel_loop3A_157, %parallel_loop3A_168 : vector<16xf32>
          %parallel_loop3A_170 = arith.constant 42 : i32
          %parallel_loop3A_171 = arith.muli %parallel_loop3A_131, %parallel_loop3A_170 : i32
          %parallel_loop3A_172 = arith.addi %sub3A, %parallel_loop3A_171 : i32
          %parallel_loop3A_173 = arith.constant 0 : i32
          %parallel_loop3A_174 = arith.addi %parallel_loop3A_172, %parallel_loop3A_173 : i32
          %parallel_loop3A_175 = arith.constant 3 : i32
          %parallel_loop3A_176 = arith.addi %parallel_loop3A_174, %parallel_loop3A_175 : i32
          %parallel_loop3A_177 = vector.broadcast %parallel_loop3A_176 : i32 to vector<16xi32>
          %parallel_loop3A_178 = arith.addi %mul3A_3, %parallel_loop3A_177 : vector<16xi32>
          %parallel_loop3A_179 = tpu.vector_load_idx %arg7[%parallel_loop3A_178] : memref<5376xi32, #tpu.memory_space<vmem>>[vector<16xi32>], vector<16xi32>,
          %parallel_loop3A_180 = tpu.vector_load_idx %arg5[%parallel_loop3A_179] : memref<100000xf32, #tpu.memory_space<vmem>>[vector<16xi32>], vector<16xf32>,
          %parallel_loop3A_181 = arith.addf %parallel_loop3A_169, %parallel_loop3A_180 : vector<16xf32>
          %parallel_loop3A_182 = arith.constant 42 : i32
          %parallel_loop3A_183 = arith.muli %parallel_loop3A_131, %parallel_loop3A_182 : i32
          %parallel_loop3A_184 = arith.addi %sub3A, %parallel_loop3A_183 : i32
          %parallel_loop3A_185 = arith.constant 0 : i32
          %parallel_loop3A_186 = arith.addi %parallel_loop3A_184, %parallel_loop3A_185 : i32
          %parallel_loop3A_187 = arith.constant 4 : i32
          %parallel_loop3A_188 = arith.addi %parallel_loop3A_186, %parallel_loop3A_187 : i32
          %parallel_loop3A_189 = vector.broadcast %parallel_loop3A_188 : i32 to vector<16xi32>
          %parallel_loop3A_190 = arith.addi %mul3A_3, %parallel_loop3A_189 : vector<16xi32>
          %parallel_loop3A_191 = tpu.vector_load_idx %arg7[%parallel_loop3A_190] : memref<5376xi32, #tpu.memory_space<vmem>>[vector<16xi32>], vector<16xi32>,
          %parallel_loop3A_192 = tpu.vector_load_idx %arg5[%parallel_loop3A_191] : memref<100000xf32, #tpu.memory_space<vmem>>[vector<16xi32>], vector<16xf32>,
          %parallel_loop3A_193 = arith.addf %parallel_loop3A_181, %parallel_loop3A_192 : vector<16xf32>
          %parallel_loop3A_194 = arith.constant 42 : i32
          %parallel_loop3A_195 = arith.muli %parallel_loop3A_131, %parallel_loop3A_194 : i32
          %parallel_loop3A_196 = arith.addi %sub3A, %parallel_loop3A_195 : i32
          %parallel_loop3A_197 = arith.constant 0 : i32
          %parallel_loop3A_198 = arith.addi %parallel_loop3A_196, %parallel_loop3A_197 : i32
          %parallel_loop3A_199 = arith.constant 5 : i32
          %parallel_loop3A_200 = arith.addi %parallel_loop3A_198, %parallel_loop3A_199 : i32
          %parallel_loop3A_201 = vector.broadcast %parallel_loop3A_200 : i32 to vector<16xi32>
          %parallel_loop3A_202 = arith.addi %mul3A_3, %parallel_loop3A_201 : vector<16xi32>
          %parallel_loop3A_203 = tpu.vector_load_idx %arg7[%parallel_loop3A_202] : memref<5376xi32, #tpu.memory_space<vmem>>[vector<16xi32>], vector<16xi32>,
          %parallel_loop3A_204 = tpu.vector_load_idx %arg5[%parallel_loop3A_203] : memref<100000xf32, #tpu.memory_space<vmem>>[vector<16xi32>], vector<16xf32>,
          %parallel_loop3A_205 = arith.addf %parallel_loop3A_193, %parallel_loop3A_204 : vector<16xf32>
          %parallel_loop3A_206 = arith.constant 0.166666672 : f32
          %parallel_loop3A_207 = vector.broadcast %parallel_loop3A_206 : f32 to vector<16xf32>
          %parallel_loop3A_208 = arith.mulf %parallel_loop3A_205, %parallel_loop3A_207 : vector<16xf32>
          %parallel_loop3A_209 = arith.constant 0 : i32
          %parallel_loop3A_210 = arith.index_cast %parallel_loop3A_209 : i32 to index
          %parallel_loop3A_211 = arith.index_cast %parallel_loop3A_131 : i32 to index
          %parallel_loop3A_212 = tpu.vector_load %arg9[%parallel_loop3A_210, %parallel_loop3A_211] {strides = array<i32>} : memref<7x128xf32, #tpu.memory_space<vmem>>, vector<16xf32>,
          tpu.vector_store %arg9[%parallel_loop3A_210, %parallel_loop3A_211], %parallel_loop3A_208 {strides = array<i32>} : memref<7x128xf32, #tpu.memory_space<vmem>>, vector<16xf32>,
        } {sc.loop_unroll_factor = 2 : i64, sc.parallel_access}
        %parallel_loop3A_99 = arith.constant 0 : i32
        %parallel_loop3A_100 = arith.constant 1 : i32
        scf.for %parallel_loop3A_129 = %parallel_loop3A_99 to %select_n3A step %parallel_loop3A_100  : i32 {
          %parallel_loop3A_130 = arith.constant 16 : i32
          %parallel_loop3A_131 = arith.muli %parallel_loop3A_129, %parallel_loop3A_130 : i32
          %parallel_loop3A_132 = arith.constant 0.000000e+00 : f32
          %parallel_loop3A_133 = vector.broadcast %parallel_loop3A_132 : f32 to vector<16xf32>
          %parallel_loop3A_134 = arith.constant 42 : i32
          %parallel_loop3A_135 = arith.muli %parallel_loop3A_131, %parallel_loop3A_134 : i32
          %parallel_loop3A_136 = arith.addi %sub3A, %parallel_loop3A_135 : i32
          %parallel_loop3A_137 = arith.constant 6 : i32
          %parallel_loop3A_138 = arith.addi %parallel_loop3A_136, %parallel_loop3A_137 : i32
          %parallel_loop3A_139 = arith.constant 0 : i32
          %parallel_loop3A_140 = arith.addi %parallel_loop3A_138, %parallel_loop3A_139 : i32
          %parallel_loop3A_141 = vector.broadcast %parallel_loop3A_140 : i32 to vector<16xi32>
          %parallel_loop3A_142 = arith.addi %mul3A_3, %parallel_loop3A_141 : vector<16xi32>
          %parallel_loop3A_143 = tpu.vector_load_idx %arg7[%parallel_loop3A_142] : memref<5376xi32, #tpu.memory_space<vmem>>[vector<16xi32>], vector<16xi32>,
          %parallel_loop3A_144 = tpu.vector_load_idx %arg5[%parallel_loop3A_143] : memref<100000xf32, #tpu.memory_space<vmem>>[vector<16xi32>], vector<16xf32>,
          %parallel_loop3A_145 = arith.addf %parallel_loop3A_133, %parallel_loop3A_144 : vector<16xf32>
          %parallel_loop3A_146 = arith.constant 42 : i32
          %parallel_loop3A_147 = arith.muli %parallel_loop3A_131, %parallel_loop3A_146 : i32
          %parallel_loop3A_148 = arith.addi %sub3A, %parallel_loop3A_147 : i32
          %parallel_loop3A_149 = arith.constant 6 : i32
          %parallel_loop3A_150 = arith.addi %parallel_loop3A_148, %parallel_loop3A_149 : i32
          %parallel_loop3A_151 = arith.constant 1 : i32
          %parallel_loop3A_152 = arith.addi %parallel_loop3A_150, %parallel_loop3A_151 : i32
          %parallel_loop3A_153 = vector.broadcast %parallel_loop3A_152 : i32 to vector<16xi32>
          %parallel_loop3A_154 = arith.addi %mul3A_3, %parallel_loop3A_153 : vector<16xi32>
          %parallel_loop3A_155 = tpu.vector_load_idx %arg7[%parallel_loop3A_154] : memref<5376xi32, #tpu.memory_space<vmem>>[vector<16xi32>], vector<16xi32>,
          %parallel_loop3A_156 = tpu.vector_load_idx %arg5[%parallel_loop3A_155] : memref<100000xf32, #tpu.memory_space<vmem>>[vector<16xi32>], vector<16xf32>,
          %parallel_loop3A_157 = arith.addf %parallel_loop3A_145, %parallel_loop3A_156 : vector<16xf32>
          %parallel_loop3A_158 = arith.constant 42 : i32
          %parallel_loop3A_159 = arith.muli %parallel_loop3A_131, %parallel_loop3A_158 : i32
          %parallel_loop3A_160 = arith.addi %sub3A, %parallel_loop3A_159 : i32
          %parallel_loop3A_161 = arith.constant 6 : i32
          %parallel_loop3A_162 = arith.addi %parallel_loop3A_160, %parallel_loop3A_161 : i32
          %parallel_loop3A_163 = arith.constant 2 : i32
          %parallel_loop3A_164 = arith.addi %parallel_loop3A_162, %parallel_loop3A_163 : i32
          %parallel_loop3A_165 = vector.broadcast %parallel_loop3A_164 : i32 to vector<16xi32>
          %parallel_loop3A_166 = arith.addi %mul3A_3, %parallel_loop3A_165 : vector<16xi32>
          %parallel_loop3A_167 = tpu.vector_load_idx %arg7[%parallel_loop3A_166] : memref<5376xi32, #tpu.memory_space<vmem>>[vector<16xi32>], vector<16xi32>,
          %parallel_loop3A_168 = tpu.vector_load_idx %arg5[%parallel_loop3A_167] : memref<100000xf32, #tpu.memory_space<vmem>>[vector<16xi32>], vector<16xf32>,
          %parallel_loop3A_169 = arith.addf %parallel_loop3A_157, %parallel_loop3A_168 : vector<16xf32>
          %parallel_loop3A_170 = arith.constant 42 : i32
          %parallel_loop3A_171 = arith.muli %parallel_loop3A_131, %parallel_loop3A_170 : i32
          %parallel_loop3A_172 = arith.addi %sub3A, %parallel_loop3A_171 : i32
          %parallel_loop3A_173 = arith.constant 6 : i32
          %parallel_loop3A_174 = arith.addi %parallel_loop3A_172, %parallel_loop3A_173 : i32
          %parallel_loop3A_175 = arith.constant 3 : i32
          %parallel_loop3A_176 = arith.addi %parallel_loop3A_174, %parallel_loop3A_175 : i32
          %parallel_loop3A_177 = vector.broadcast %parallel_loop3A_176 : i32 to vector<16xi32>
          %parallel_loop3A_178 = arith.addi %mul3A_3, %parallel_loop3A_177 : vector<16xi32>
          %parallel_loop3A_179 = tpu.vector_load_idx %arg7[%parallel_loop3A_178] : memref<5376xi32, #tpu.memory_space<vmem>>[vector<16xi32>], vector<16xi32>,
          %parallel_loop3A_180 = tpu.vector_load_idx %arg5[%parallel_loop3A_179] : memref<100000xf32, #tpu.memory_space<vmem>>[vector<16xi32>], vector<16xf32>,
          %parallel_loop3A_181 = arith.addf %parallel_loop3A_169, %parallel_loop3A_180 : vector<16xf32>
          %parallel_loop3A_182 = arith.constant 42 : i32
          %parallel_loop3A_183 = arith.muli %parallel_loop3A_131, %parallel_loop3A_182 : i32
          %parallel_loop3A_184 = arith.addi %sub3A, %parallel_loop3A_183 : i32
          %parallel_loop3A_185 = arith.constant 6 : i32
          %parallel_loop3A_186 = arith.addi %parallel_loop3A_184, %parallel_loop3A_185 : i32
          %parallel_loop3A_187 = arith.constant 4 : i32
          %parallel_loop3A_188 = arith.addi %parallel_loop3A_186, %parallel_loop3A_187 : i32
          %parallel_loop3A_189 = vector.broadcast %parallel_loop3A_188 : i32 to vector<16xi32>
          %parallel_loop3A_190 = arith.addi %mul3A_3, %parallel_loop3A_189 : vector<16xi32>
          %parallel_loop3A_191 = tpu.vector_load_idx %arg7[%parallel_loop3A_190] : memref<5376xi32, #tpu.memory_space<vmem>>[vector<16xi32>], vector<16xi32>,
          %parallel_loop3A_192 = tpu.vector_load_idx %arg5[%parallel_loop3A_191] : memref<100000xf32, #tpu.memory_space<vmem>>[vector<16xi32>], vector<16xf32>,
          %parallel_loop3A_193 = arith.addf %parallel_loop3A_181, %parallel_loop3A_192 : vector<16xf32>
          %parallel_loop3A_194 = arith.constant 42 : i32
          %parallel_loop3A_195 = arith.muli %parallel_loop3A_131, %parallel_loop3A_194 : i32
          %parallel_loop3A_196 = arith.addi %sub3A, %parallel_loop3A_195 : i32
          %parallel_loop3A_197 = arith.constant 6 : i32
          %parallel_loop3A_198 = arith.addi %parallel_loop3A_196, %parallel_loop3A_197 : i32
          %parallel_loop3A_199 = arith.constant 5 : i32
          %parallel_loop3A_200 = arith.addi %parallel_loop3A_198, %parallel_loop3A_199 : i32
          %parallel_loop3A_201 = vector.broadcast %parallel_loop3A_200 : i32 to vector<16xi32>
          %parallel_loop3A_202 = arith.addi %mul3A_3, %parallel_loop3A_201 : vector<16xi32>
          %parallel_loop3A_203 = tpu.vector_load_idx %arg7[%parallel_loop3A_202] : memref<5376xi32, #tpu.memory_space<vmem>>[vector<16xi32>], vector<16xi32>,
          %parallel_loop3A_204 = tpu.vector_load_idx %arg5[%parallel_loop3A_203] : memref<100000xf32, #tpu.memory_space<vmem>>[vector<16xi32>], vector<16xf32>,
          %parallel_loop3A_205 = arith.addf %parallel_loop3A_193, %parallel_loop3A_204 : vector<16xf32>
          %parallel_loop3A_206 = arith.constant 0.166666672 : f32
          %parallel_loop3A_207 = vector.broadcast %parallel_loop3A_206 : f32 to vector<16xf32>
          %parallel_loop3A_208 = arith.mulf %parallel_loop3A_205, %parallel_loop3A_207 : vector<16xf32>
          %parallel_loop3A_209 = arith.constant 1 : i32
          %parallel_loop3A_210 = arith.index_cast %parallel_loop3A_209 : i32 to index
          %parallel_loop3A_211 = arith.index_cast %parallel_loop3A_131 : i32 to index
          %parallel_loop3A_212 = tpu.vector_load %arg9[%parallel_loop3A_210, %parallel_loop3A_211] {strides = array<i32>} : memref<7x128xf32, #tpu.memory_space<vmem>>, vector<16xf32>,
          tpu.vector_store %arg9[%parallel_loop3A_210, %parallel_loop3A_211], %parallel_loop3A_208 {strides = array<i32>} : memref<7x128xf32, #tpu.memory_space<vmem>>, vector<16xf32>,
        } {sc.loop_unroll_factor = 2 : i64, sc.parallel_access}
        %parallel_loop3A_101 = arith.constant 0 : i32
        %parallel_loop3A_102 = arith.constant 1 : i32
        scf.for %parallel_loop3A_129 = %parallel_loop3A_101 to %select_n3A step %parallel_loop3A_102  : i32 {
          %parallel_loop3A_130 = arith.constant 16 : i32
          %parallel_loop3A_131 = arith.muli %parallel_loop3A_129, %parallel_loop3A_130 : i32
          %parallel_loop3A_132 = arith.constant 0.000000e+00 : f32
          %parallel_loop3A_133 = vector.broadcast %parallel_loop3A_132 : f32 to vector<16xf32>
          %parallel_loop3A_134 = arith.constant 42 : i32
          %parallel_loop3A_135 = arith.muli %parallel_loop3A_131, %parallel_loop3A_134 : i32
          %parallel_loop3A_136 = arith.addi %sub3A, %parallel_loop3A_135 : i32
          %parallel_loop3A_137 = arith.constant 12 : i32
          %parallel_loop3A_138 = arith.addi %parallel_loop3A_136, %parallel_loop3A_137 : i32
          %parallel_loop3A_139 = arith.constant 0 : i32
          %parallel_loop3A_140 = arith.addi %parallel_loop3A_138, %parallel_loop3A_139 : i32
          %parallel_loop3A_141 = vector.broadcast %parallel_loop3A_140 : i32 to vector<16xi32>
          %parallel_loop3A_142 = arith.addi %mul3A_3, %parallel_loop3A_141 : vector<16xi32>
          %parallel_loop3A_143 = tpu.vector_load_idx %arg7[%parallel_loop3A_142] : memref<5376xi32, #tpu.memory_space<vmem>>[vector<16xi32>], vector<16xi32>,
          %parallel_loop3A_144 = tpu.vector_load_idx %arg5[%parallel_loop3A_143] : memref<100000xf32, #tpu.memory_space<vmem>>[vector<16xi32>], vector<16xf32>,
          %parallel_loop3A_145 = arith.addf %parallel_loop3A_133, %parallel_loop3A_144 : vector<16xf32>
          %parallel_loop3A_146 = arith.constant 42 : i32
          %parallel_loop3A_147 = arith.muli %parallel_loop3A_131, %parallel_loop3A_146 : i32
          %parallel_loop3A_148 = arith.addi %sub3A, %parallel_loop3A_147 : i32
          %parallel_loop3A_149 = arith.constant 12 : i32
          %parallel_loop3A_150 = arith.addi %parallel_loop3A_148, %parallel_loop3A_149 : i32
          %parallel_loop3A_151 = arith.constant 1 : i32
          %parallel_loop3A_152 = arith.addi %parallel_loop3A_150, %parallel_loop3A_151 : i32
          %parallel_loop3A_153 = vector.broadcast %parallel_loop3A_152 : i32 to vector<16xi32>
          %parallel_loop3A_154 = arith.addi %mul3A_3, %parallel_loop3A_153 : vector<16xi32>
          %parallel_loop3A_155 = tpu.vector_load_idx %arg7[%parallel_loop3A_154] : memref<5376xi32, #tpu.memory_space<vmem>>[vector<16xi32>], vector<16xi32>,
          %parallel_loop3A_156 = tpu.vector_load_idx %arg5[%parallel_loop3A_155] : memref<100000xf32, #tpu.memory_space<vmem>>[vector<16xi32>], vector<16xf32>,
          %parallel_loop3A_157 = arith.addf %parallel_loop3A_145, %parallel_loop3A_156 : vector<16xf32>
          %parallel_loop3A_158 = arith.constant 42 : i32
          %parallel_loop3A_159 = arith.muli %parallel_loop3A_131, %parallel_loop3A_158 : i32
          %parallel_loop3A_160 = arith.addi %sub3A, %parallel_loop3A_159 : i32
          %parallel_loop3A_161 = arith.constant 12 : i32
          %parallel_loop3A_162 = arith.addi %parallel_loop3A_160, %parallel_loop3A_161 : i32
          %parallel_loop3A_163 = arith.constant 2 : i32
          %parallel_loop3A_164 = arith.addi %parallel_loop3A_162, %parallel_loop3A_163 : i32
          %parallel_loop3A_165 = vector.broadcast %parallel_loop3A_164 : i32 to vector<16xi32>
          %parallel_loop3A_166 = arith.addi %mul3A_3, %parallel_loop3A_165 : vector<16xi32>
          %parallel_loop3A_167 = tpu.vector_load_idx %arg7[%parallel_loop3A_166] : memref<5376xi32, #tpu.memory_space<vmem>>[vector<16xi32>], vector<16xi32>,
          %parallel_loop3A_168 = tpu.vector_load_idx %arg5[%parallel_loop3A_167] : memref<100000xf32, #tpu.memory_space<vmem>>[vector<16xi32>], vector<16xf32>,
          %parallel_loop3A_169 = arith.addf %parallel_loop3A_157, %parallel_loop3A_168 : vector<16xf32>
          %parallel_loop3A_170 = arith.constant 42 : i32
          %parallel_loop3A_171 = arith.muli %parallel_loop3A_131, %parallel_loop3A_170 : i32
          %parallel_loop3A_172 = arith.addi %sub3A, %parallel_loop3A_171 : i32
          %parallel_loop3A_173 = arith.constant 12 : i32
          %parallel_loop3A_174 = arith.addi %parallel_loop3A_172, %parallel_loop3A_173 : i32
          %parallel_loop3A_175 = arith.constant 3 : i32
          %parallel_loop3A_176 = arith.addi %parallel_loop3A_174, %parallel_loop3A_175 : i32
          %parallel_loop3A_177 = vector.broadcast %parallel_loop3A_176 : i32 to vector<16xi32>
          %parallel_loop3A_178 = arith.addi %mul3A_3, %parallel_loop3A_177 : vector<16xi32>
          %parallel_loop3A_179 = tpu.vector_load_idx %arg7[%parallel_loop3A_178] : memref<5376xi32, #tpu.memory_space<vmem>>[vector<16xi32>], vector<16xi32>,
          %parallel_loop3A_180 = tpu.vector_load_idx %arg5[%parallel_loop3A_179] : memref<100000xf32, #tpu.memory_space<vmem>>[vector<16xi32>], vector<16xf32>,
          %parallel_loop3A_181 = arith.addf %parallel_loop3A_169, %parallel_loop3A_180 : vector<16xf32>
          %parallel_loop3A_182 = arith.constant 42 : i32
          %parallel_loop3A_183 = arith.muli %parallel_loop3A_131, %parallel_loop3A_182 : i32
          %parallel_loop3A_184 = arith.addi %sub3A, %parallel_loop3A_183 : i32
          %parallel_loop3A_185 = arith.constant 12 : i32
          %parallel_loop3A_186 = arith.addi %parallel_loop3A_184, %parallel_loop3A_185 : i32
          %parallel_loop3A_187 = arith.constant 4 : i32
          %parallel_loop3A_188 = arith.addi %parallel_loop3A_186, %parallel_loop3A_187 : i32
          %parallel_loop3A_189 = vector.broadcast %parallel_loop3A_188 : i32 to vector<16xi32>
          %parallel_loop3A_190 = arith.addi %mul3A_3, %parallel_loop3A_189 : vector<16xi32>
          %parallel_loop3A_191 = tpu.vector_load_idx %arg7[%parallel_loop3A_190] : memref<5376xi32, #tpu.memory_space<vmem>>[vector<16xi32>], vector<16xi32>,
          %parallel_loop3A_192 = tpu.vector_load_idx %arg5[%parallel_loop3A_191] : memref<100000xf32, #tpu.memory_space<vmem>>[vector<16xi32>], vector<16xf32>,
          %parallel_loop3A_193 = arith.addf %parallel_loop3A_181, %parallel_loop3A_192 : vector<16xf32>
          %parallel_loop3A_194 = arith.constant 42 : i32
          %parallel_loop3A_195 = arith.muli %parallel_loop3A_131, %parallel_loop3A_194 : i32
          %parallel_loop3A_196 = arith.addi %sub3A, %parallel_loop3A_195 : i32
          %parallel_loop3A_197 = arith.constant 12 : i32
          %parallel_loop3A_198 = arith.addi %parallel_loop3A_196, %parallel_loop3A_197 : i32
          %parallel_loop3A_199 = arith.constant 5 : i32
          %parallel_loop3A_200 = arith.addi %parallel_loop3A_198, %parallel_loop3A_199 : i32
          %parallel_loop3A_201 = vector.broadcast %parallel_loop3A_200 : i32 to vector<16xi32>
          %parallel_loop3A_202 = arith.addi %mul3A_3, %parallel_loop3A_201 : vector<16xi32>
          %parallel_loop3A_203 = tpu.vector_load_idx %arg7[%parallel_loop3A_202] : memref<5376xi32, #tpu.memory_space<vmem>>[vector<16xi32>], vector<16xi32>,
          %parallel_loop3A_204 = tpu.vector_load_idx %arg5[%parallel_loop3A_203] : memref<100000xf32, #tpu.memory_space<vmem>>[vector<16xi32>], vector<16xf32>,
          %parallel_loop3A_205 = arith.addf %parallel_loop3A_193, %parallel_loop3A_204 : vector<16xf32>
          %parallel_loop3A_206 = arith.constant 0.166666672 : f32
          %parallel_loop3A_207 = vector.broadcast %parallel_loop3A_206 : f32 to vector<16xf32>
          %parallel_loop3A_208 = arith.mulf %parallel_loop3A_205, %parallel_loop3A_207 : vector<16xf32>
          %parallel_loop3A_209 = arith.constant 2 : i32
          %parallel_loop3A_210 = arith.index_cast %parallel_loop3A_209 : i32 to index
          %parallel_loop3A_211 = arith.index_cast %parallel_loop3A_131 : i32 to index
          %parallel_loop3A_212 = tpu.vector_load %arg9[%parallel_loop3A_210, %parallel_loop3A_211] {strides = array<i32>} : memref<7x128xf32, #tpu.memory_space<vmem>>, vector<16xf32>,
          tpu.vector_store %arg9[%parallel_loop3A_210, %parallel_loop3A_211], %parallel_loop3A_208 {strides = array<i32>} : memref<7x128xf32, #tpu.memory_space<vmem>>, vector<16xf32>,
        } {sc.loop_unroll_factor = 2 : i64, sc.parallel_access}
        %parallel_loop3A_103 = arith.constant 0 : i32
        %parallel_loop3A_104 = arith.constant 1 : i32
        scf.for %parallel_loop3A_129 = %parallel_loop3A_103 to %select_n3A step %parallel_loop3A_104  : i32 {
          %parallel_loop3A_130 = arith.constant 16 : i32
          %parallel_loop3A_131 = arith.muli %parallel_loop3A_129, %parallel_loop3A_130 : i32
          %parallel_loop3A_132 = arith.constant 0.000000e+00 : f32
          %parallel_loop3A_133 = vector.broadcast %parallel_loop3A_132 : f32 to vector<16xf32>
          %parallel_loop3A_134 = arith.constant 42 : i32
          %parallel_loop3A_135 = arith.muli %parallel_loop3A_131, %parallel_loop3A_134 : i32
          %parallel_loop3A_136 = arith.addi %sub3A, %parallel_loop3A_135 : i32
          %parallel_loop3A_137 = arith.constant 18 : i32
          %parallel_loop3A_138 = arith.addi %parallel_loop3A_136, %parallel_loop3A_137 : i32
          %parallel_loop3A_139 = arith.constant 0 : i32
          %parallel_loop3A_140 = arith.addi %parallel_loop3A_138, %parallel_loop3A_139 : i32
          %parallel_loop3A_141 = vector.broadcast %parallel_loop3A_140 : i32 to vector<16xi32>
          %parallel_loop3A_142 = arith.addi %mul3A_3, %parallel_loop3A_141 : vector<16xi32>
          %parallel_loop3A_143 = tpu.vector_load_idx %arg7[%parallel_loop3A_142] : memref<5376xi32, #tpu.memory_space<vmem>>[vector<16xi32>], vector<16xi32>,
          %parallel_loop3A_144 = tpu.vector_load_idx %arg5[%parallel_loop3A_143] : memref<100000xf32, #tpu.memory_space<vmem>>[vector<16xi32>], vector<16xf32>,
          %parallel_loop3A_145 = arith.addf %parallel_loop3A_133, %parallel_loop3A_144 : vector<16xf32>
          %parallel_loop3A_146 = arith.constant 42 : i32
          %parallel_loop3A_147 = arith.muli %parallel_loop3A_131, %parallel_loop3A_146 : i32
          %parallel_loop3A_148 = arith.addi %sub3A, %parallel_loop3A_147 : i32
          %parallel_loop3A_149 = arith.constant 18 : i32
          %parallel_loop3A_150 = arith.addi %parallel_loop3A_148, %parallel_loop3A_149 : i32
          %parallel_loop3A_151 = arith.constant 1 : i32
          %parallel_loop3A_152 = arith.addi %parallel_loop3A_150, %parallel_loop3A_151 : i32
          %parallel_loop3A_153 = vector.broadcast %parallel_loop3A_152 : i32 to vector<16xi32>
          %parallel_loop3A_154 = arith.addi %mul3A_3, %parallel_loop3A_153 : vector<16xi32>
          %parallel_loop3A_155 = tpu.vector_load_idx %arg7[%parallel_loop3A_154] : memref<5376xi32, #tpu.memory_space<vmem>>[vector<16xi32>], vector<16xi32>,
          %parallel_loop3A_156 = tpu.vector_load_idx %arg5[%parallel_loop3A_155] : memref<100000xf32, #tpu.memory_space<vmem>>[vector<16xi32>], vector<16xf32>,
          %parallel_loop3A_157 = arith.addf %parallel_loop3A_145, %parallel_loop3A_156 : vector<16xf32>
          %parallel_loop3A_158 = arith.constant 42 : i32
          %parallel_loop3A_159 = arith.muli %parallel_loop3A_131, %parallel_loop3A_158 : i32
          %parallel_loop3A_160 = arith.addi %sub3A, %parallel_loop3A_159 : i32
          %parallel_loop3A_161 = arith.constant 18 : i32
          %parallel_loop3A_162 = arith.addi %parallel_loop3A_160, %parallel_loop3A_161 : i32
          %parallel_loop3A_163 = arith.constant 2 : i32
          %parallel_loop3A_164 = arith.addi %parallel_loop3A_162, %parallel_loop3A_163 : i32
          %parallel_loop3A_165 = vector.broadcast %parallel_loop3A_164 : i32 to vector<16xi32>
          %parallel_loop3A_166 = arith.addi %mul3A_3, %parallel_loop3A_165 : vector<16xi32>
          %parallel_loop3A_167 = tpu.vector_load_idx %arg7[%parallel_loop3A_166] : memref<5376xi32, #tpu.memory_space<vmem>>[vector<16xi32>], vector<16xi32>,
          %parallel_loop3A_168 = tpu.vector_load_idx %arg5[%parallel_loop3A_167] : memref<100000xf32, #tpu.memory_space<vmem>>[vector<16xi32>], vector<16xf32>,
          %parallel_loop3A_169 = arith.addf %parallel_loop3A_157, %parallel_loop3A_168 : vector<16xf32>
          %parallel_loop3A_170 = arith.constant 42 : i32
          %parallel_loop3A_171 = arith.muli %parallel_loop3A_131, %parallel_loop3A_170 : i32
          %parallel_loop3A_172 = arith.addi %sub3A, %parallel_loop3A_171 : i32
          %parallel_loop3A_173 = arith.constant 18 : i32
          %parallel_loop3A_174 = arith.addi %parallel_loop3A_172, %parallel_loop3A_173 : i32
          %parallel_loop3A_175 = arith.constant 3 : i32
          %parallel_loop3A_176 = arith.addi %parallel_loop3A_174, %parallel_loop3A_175 : i32
          %parallel_loop3A_177 = vector.broadcast %parallel_loop3A_176 : i32 to vector<16xi32>
          %parallel_loop3A_178 = arith.addi %mul3A_3, %parallel_loop3A_177 : vector<16xi32>
          %parallel_loop3A_179 = tpu.vector_load_idx %arg7[%parallel_loop3A_178] : memref<5376xi32, #tpu.memory_space<vmem>>[vector<16xi32>], vector<16xi32>,
          %parallel_loop3A_180 = tpu.vector_load_idx %arg5[%parallel_loop3A_179] : memref<100000xf32, #tpu.memory_space<vmem>>[vector<16xi32>], vector<16xf32>,
          %parallel_loop3A_181 = arith.addf %parallel_loop3A_169, %parallel_loop3A_180 : vector<16xf32>
          %parallel_loop3A_182 = arith.constant 42 : i32
          %parallel_loop3A_183 = arith.muli %parallel_loop3A_131, %parallel_loop3A_182 : i32
          %parallel_loop3A_184 = arith.addi %sub3A, %parallel_loop3A_183 : i32
          %parallel_loop3A_185 = arith.constant 18 : i32
          %parallel_loop3A_186 = arith.addi %parallel_loop3A_184, %parallel_loop3A_185 : i32
          %parallel_loop3A_187 = arith.constant 4 : i32
          %parallel_loop3A_188 = arith.addi %parallel_loop3A_186, %parallel_loop3A_187 : i32
          %parallel_loop3A_189 = vector.broadcast %parallel_loop3A_188 : i32 to vector<16xi32>
          %parallel_loop3A_190 = arith.addi %mul3A_3, %parallel_loop3A_189 : vector<16xi32>
          %parallel_loop3A_191 = tpu.vector_load_idx %arg7[%parallel_loop3A_190] : memref<5376xi32, #tpu.memory_space<vmem>>[vector<16xi32>], vector<16xi32>,
          %parallel_loop3A_192 = tpu.vector_load_idx %arg5[%parallel_loop3A_191] : memref<100000xf32, #tpu.memory_space<vmem>>[vector<16xi32>], vector<16xf32>,
          %parallel_loop3A_193 = arith.addf %parallel_loop3A_181, %parallel_loop3A_192 : vector<16xf32>
          %parallel_loop3A_194 = arith.constant 42 : i32
          %parallel_loop3A_195 = arith.muli %parallel_loop3A_131, %parallel_loop3A_194 : i32
          %parallel_loop3A_196 = arith.addi %sub3A, %parallel_loop3A_195 : i32
          %parallel_loop3A_197 = arith.constant 18 : i32
          %parallel_loop3A_198 = arith.addi %parallel_loop3A_196, %parallel_loop3A_197 : i32
          %parallel_loop3A_199 = arith.constant 5 : i32
          %parallel_loop3A_200 = arith.addi %parallel_loop3A_198, %parallel_loop3A_199 : i32
          %parallel_loop3A_201 = vector.broadcast %parallel_loop3A_200 : i32 to vector<16xi32>
          %parallel_loop3A_202 = arith.addi %mul3A_3, %parallel_loop3A_201 : vector<16xi32>
          %parallel_loop3A_203 = tpu.vector_load_idx %arg7[%parallel_loop3A_202] : memref<5376xi32, #tpu.memory_space<vmem>>[vector<16xi32>], vector<16xi32>,
          %parallel_loop3A_204 = tpu.vector_load_idx %arg5[%parallel_loop3A_203] : memref<100000xf32, #tpu.memory_space<vmem>>[vector<16xi32>], vector<16xf32>,
          %parallel_loop3A_205 = arith.addf %parallel_loop3A_193, %parallel_loop3A_204 : vector<16xf32>
          %parallel_loop3A_206 = arith.constant 0.166666672 : f32
          %parallel_loop3A_207 = vector.broadcast %parallel_loop3A_206 : f32 to vector<16xf32>
          %parallel_loop3A_208 = arith.mulf %parallel_loop3A_205, %parallel_loop3A_207 : vector<16xf32>
          %parallel_loop3A_209 = arith.constant 3 : i32
          %parallel_loop3A_210 = arith.index_cast %parallel_loop3A_209 : i32 to index
          %parallel_loop3A_211 = arith.index_cast %parallel_loop3A_131 : i32 to index
          %parallel_loop3A_212 = tpu.vector_load %arg9[%parallel_loop3A_210, %parallel_loop3A_211] {strides = array<i32>} : memref<7x128xf32, #tpu.memory_space<vmem>>, vector<16xf32>,
          tpu.vector_store %arg9[%parallel_loop3A_210, %parallel_loop3A_211], %parallel_loop3A_208 {strides = array<i32>} : memref<7x128xf32, #tpu.memory_space<vmem>>, vector<16xf32>,
        } {sc.loop_unroll_factor = 2 : i64, sc.parallel_access}
        %parallel_loop3A_105 = arith.constant 0 : i32
        %parallel_loop3A_106 = arith.constant 1 : i32
        scf.for %parallel_loop3A_129 = %parallel_loop3A_105 to %select_n3A step %parallel_loop3A_106  : i32 {
          %parallel_loop3A_130 = arith.constant 16 : i32
          %parallel_loop3A_131 = arith.muli %parallel_loop3A_129, %parallel_loop3A_130 : i32
          %parallel_loop3A_132 = arith.constant 0.000000e+00 : f32
          %parallel_loop3A_133 = vector.broadcast %parallel_loop3A_132 : f32 to vector<16xf32>
          %parallel_loop3A_134 = arith.constant 42 : i32
          %parallel_loop3A_135 = arith.muli %parallel_loop3A_131, %parallel_loop3A_134 : i32
          %parallel_loop3A_136 = arith.addi %sub3A, %parallel_loop3A_135 : i32
          %parallel_loop3A_137 = arith.constant 24 : i32
          %parallel_loop3A_138 = arith.addi %parallel_loop3A_136, %parallel_loop3A_137 : i32
          %parallel_loop3A_139 = arith.constant 0 : i32
          %parallel_loop3A_140 = arith.addi %parallel_loop3A_138, %parallel_loop3A_139 : i32
          %parallel_loop3A_141 = vector.broadcast %parallel_loop3A_140 : i32 to vector<16xi32>
          %parallel_loop3A_142 = arith.addi %mul3A_3, %parallel_loop3A_141 : vector<16xi32>
          %parallel_loop3A_143 = tpu.vector_load_idx %arg7[%parallel_loop3A_142] : memref<5376xi32, #tpu.memory_space<vmem>>[vector<16xi32>], vector<16xi32>,
          %parallel_loop3A_144 = tpu.vector_load_idx %arg5[%parallel_loop3A_143] : memref<100000xf32, #tpu.memory_space<vmem>>[vector<16xi32>], vector<16xf32>,
          %parallel_loop3A_145 = arith.addf %parallel_loop3A_133, %parallel_loop3A_144 : vector<16xf32>
          %parallel_loop3A_146 = arith.constant 42 : i32
          %parallel_loop3A_147 = arith.muli %parallel_loop3A_131, %parallel_loop3A_146 : i32
          %parallel_loop3A_148 = arith.addi %sub3A, %parallel_loop3A_147 : i32
          %parallel_loop3A_149 = arith.constant 24 : i32
          %parallel_loop3A_150 = arith.addi %parallel_loop3A_148, %parallel_loop3A_149 : i32
          %parallel_loop3A_151 = arith.constant 1 : i32
          %parallel_loop3A_152 = arith.addi %parallel_loop3A_150, %parallel_loop3A_151 : i32
          %parallel_loop3A_153 = vector.broadcast %parallel_loop3A_152 : i32 to vector<16xi32>
          %parallel_loop3A_154 = arith.addi %mul3A_3, %parallel_loop3A_153 : vector<16xi32>
          %parallel_loop3A_155 = tpu.vector_load_idx %arg7[%parallel_loop3A_154] : memref<5376xi32, #tpu.memory_space<vmem>>[vector<16xi32>], vector<16xi32>,
          %parallel_loop3A_156 = tpu.vector_load_idx %arg5[%parallel_loop3A_155] : memref<100000xf32, #tpu.memory_space<vmem>>[vector<16xi32>], vector<16xf32>,
          %parallel_loop3A_157 = arith.addf %parallel_loop3A_145, %parallel_loop3A_156 : vector<16xf32>
          %parallel_loop3A_158 = arith.constant 42 : i32
          %parallel_loop3A_159 = arith.muli %parallel_loop3A_131, %parallel_loop3A_158 : i32
          %parallel_loop3A_160 = arith.addi %sub3A, %parallel_loop3A_159 : i32
          %parallel_loop3A_161 = arith.constant 24 : i32
          %parallel_loop3A_162 = arith.addi %parallel_loop3A_160, %parallel_loop3A_161 : i32
          %parallel_loop3A_163 = arith.constant 2 : i32
          %parallel_loop3A_164 = arith.addi %parallel_loop3A_162, %parallel_loop3A_163 : i32
          %parallel_loop3A_165 = vector.broadcast %parallel_loop3A_164 : i32 to vector<16xi32>
          %parallel_loop3A_166 = arith.addi %mul3A_3, %parallel_loop3A_165 : vector<16xi32>
          %parallel_loop3A_167 = tpu.vector_load_idx %arg7[%parallel_loop3A_166] : memref<5376xi32, #tpu.memory_space<vmem>>[vector<16xi32>], vector<16xi32>,
          %parallel_loop3A_168 = tpu.vector_load_idx %arg5[%parallel_loop3A_167] : memref<100000xf32, #tpu.memory_space<vmem>>[vector<16xi32>], vector<16xf32>,
          %parallel_loop3A_169 = arith.addf %parallel_loop3A_157, %parallel_loop3A_168 : vector<16xf32>
          %parallel_loop3A_170 = arith.constant 42 : i32
          %parallel_loop3A_171 = arith.muli %parallel_loop3A_131, %parallel_loop3A_170 : i32
          %parallel_loop3A_172 = arith.addi %sub3A, %parallel_loop3A_171 : i32
          %parallel_loop3A_173 = arith.constant 24 : i32
          %parallel_loop3A_174 = arith.addi %parallel_loop3A_172, %parallel_loop3A_173 : i32
          %parallel_loop3A_175 = arith.constant 3 : i32
          %parallel_loop3A_176 = arith.addi %parallel_loop3A_174, %parallel_loop3A_175 : i32
          %parallel_loop3A_177 = vector.broadcast %parallel_loop3A_176 : i32 to vector<16xi32>
          %parallel_loop3A_178 = arith.addi %mul3A_3, %parallel_loop3A_177 : vector<16xi32>
          %parallel_loop3A_179 = tpu.vector_load_idx %arg7[%parallel_loop3A_178] : memref<5376xi32, #tpu.memory_space<vmem>>[vector<16xi32>], vector<16xi32>,
          %parallel_loop3A_180 = tpu.vector_load_idx %arg5[%parallel_loop3A_179] : memref<100000xf32, #tpu.memory_space<vmem>>[vector<16xi32>], vector<16xf32>,
          %parallel_loop3A_181 = arith.addf %parallel_loop3A_169, %parallel_loop3A_180 : vector<16xf32>
          %parallel_loop3A_182 = arith.constant 42 : i32
          %parallel_loop3A_183 = arith.muli %parallel_loop3A_131, %parallel_loop3A_182 : i32
          %parallel_loop3A_184 = arith.addi %sub3A, %parallel_loop3A_183 : i32
          %parallel_loop3A_185 = arith.constant 24 : i32
          %parallel_loop3A_186 = arith.addi %parallel_loop3A_184, %parallel_loop3A_185 : i32
          %parallel_loop3A_187 = arith.constant 4 : i32
          %parallel_loop3A_188 = arith.addi %parallel_loop3A_186, %parallel_loop3A_187 : i32
          %parallel_loop3A_189 = vector.broadcast %parallel_loop3A_188 : i32 to vector<16xi32>
          %parallel_loop3A_190 = arith.addi %mul3A_3, %parallel_loop3A_189 : vector<16xi32>
          %parallel_loop3A_191 = tpu.vector_load_idx %arg7[%parallel_loop3A_190] : memref<5376xi32, #tpu.memory_space<vmem>>[vector<16xi32>], vector<16xi32>,
          %parallel_loop3A_192 = tpu.vector_load_idx %arg5[%parallel_loop3A_191] : memref<100000xf32, #tpu.memory_space<vmem>>[vector<16xi32>], vector<16xf32>,
          %parallel_loop3A_193 = arith.addf %parallel_loop3A_181, %parallel_loop3A_192 : vector<16xf32>
          %parallel_loop3A_194 = arith.constant 42 : i32
          %parallel_loop3A_195 = arith.muli %parallel_loop3A_131, %parallel_loop3A_194 : i32
          %parallel_loop3A_196 = arith.addi %sub3A, %parallel_loop3A_195 : i32
          %parallel_loop3A_197 = arith.constant 24 : i32
          %parallel_loop3A_198 = arith.addi %parallel_loop3A_196, %parallel_loop3A_197 : i32
          %parallel_loop3A_199 = arith.constant 5 : i32
          %parallel_loop3A_200 = arith.addi %parallel_loop3A_198, %parallel_loop3A_199 : i32
          %parallel_loop3A_201 = vector.broadcast %parallel_loop3A_200 : i32 to vector<16xi32>
          %parallel_loop3A_202 = arith.addi %mul3A_3, %parallel_loop3A_201 : vector<16xi32>
          %parallel_loop3A_203 = tpu.vector_load_idx %arg7[%parallel_loop3A_202] : memref<5376xi32, #tpu.memory_space<vmem>>[vector<16xi32>], vector<16xi32>,
          %parallel_loop3A_204 = tpu.vector_load_idx %arg5[%parallel_loop3A_203] : memref<100000xf32, #tpu.memory_space<vmem>>[vector<16xi32>], vector<16xf32>,
          %parallel_loop3A_205 = arith.addf %parallel_loop3A_193, %parallel_loop3A_204 : vector<16xf32>
          %parallel_loop3A_206 = arith.constant 0.166666672 : f32
          %parallel_loop3A_207 = vector.broadcast %parallel_loop3A_206 : f32 to vector<16xf32>
          %parallel_loop3A_208 = arith.mulf %parallel_loop3A_205, %parallel_loop3A_207 : vector<16xf32>
          %parallel_loop3A_209 = arith.constant 4 : i32
          %parallel_loop3A_210 = arith.index_cast %parallel_loop3A_209 : i32 to index
          %parallel_loop3A_211 = arith.index_cast %parallel_loop3A_131 : i32 to index
          %parallel_loop3A_212 = tpu.vector_load %arg9[%parallel_loop3A_210, %parallel_loop3A_211] {strides = array<i32>} : memref<7x128xf32, #tpu.memory_space<vmem>>, vector<16xf32>,
          tpu.vector_store %arg9[%parallel_loop3A_210, %parallel_loop3A_211], %parallel_loop3A_208 {strides = array<i32>} : memref<7x128xf32, #tpu.memory_space<vmem>>, vector<16xf32>,
        } {sc.loop_unroll_factor = 2 : i64, sc.parallel_access}
        %parallel_loop3A_107 = arith.constant 0 : i32
        %parallel_loop3A_108 = arith.constant 1 : i32
        scf.for %parallel_loop3A_129 = %parallel_loop3A_107 to %select_n3A step %parallel_loop3A_108  : i32 {
          %parallel_loop3A_130 = arith.constant 16 : i32
          %parallel_loop3A_131 = arith.muli %parallel_loop3A_129, %parallel_loop3A_130 : i32
          %parallel_loop3A_132 = arith.constant 0.000000e+00 : f32
          %parallel_loop3A_133 = vector.broadcast %parallel_loop3A_132 : f32 to vector<16xf32>
          %parallel_loop3A_134 = arith.constant 42 : i32
          %parallel_loop3A_135 = arith.muli %parallel_loop3A_131, %parallel_loop3A_134 : i32
          %parallel_loop3A_136 = arith.addi %sub3A, %parallel_loop3A_135 : i32
          %parallel_loop3A_137 = arith.constant 30 : i32
          %parallel_loop3A_138 = arith.addi %parallel_loop3A_136, %parallel_loop3A_137 : i32
          %parallel_loop3A_139 = arith.constant 0 : i32
          %parallel_loop3A_140 = arith.addi %parallel_loop3A_138, %parallel_loop3A_139 : i32
          %parallel_loop3A_141 = vector.broadcast %parallel_loop3A_140 : i32 to vector<16xi32>
          %parallel_loop3A_142 = arith.addi %mul3A_3, %parallel_loop3A_141 : vector<16xi32>
          %parallel_loop3A_143 = tpu.vector_load_idx %arg7[%parallel_loop3A_142] : memref<5376xi32, #tpu.memory_space<vmem>>[vector<16xi32>], vector<16xi32>,
          %parallel_loop3A_144 = tpu.vector_load_idx %arg5[%parallel_loop3A_143] : memref<100000xf32, #tpu.memory_space<vmem>>[vector<16xi32>], vector<16xf32>,
          %parallel_loop3A_145 = arith.addf %parallel_loop3A_133, %parallel_loop3A_144 : vector<16xf32>
          %parallel_loop3A_146 = arith.constant 42 : i32
          %parallel_loop3A_147 = arith.muli %parallel_loop3A_131, %parallel_loop3A_146 : i32
          %parallel_loop3A_148 = arith.addi %sub3A, %parallel_loop3A_147 : i32
          %parallel_loop3A_149 = arith.constant 30 : i32
          %parallel_loop3A_150 = arith.addi %parallel_loop3A_148, %parallel_loop3A_149 : i32
          %parallel_loop3A_151 = arith.constant 1 : i32
          %parallel_loop3A_152 = arith.addi %parallel_loop3A_150, %parallel_loop3A_151 : i32
          %parallel_loop3A_153 = vector.broadcast %parallel_loop3A_152 : i32 to vector<16xi32>
          %parallel_loop3A_154 = arith.addi %mul3A_3, %parallel_loop3A_153 : vector<16xi32>
          %parallel_loop3A_155 = tpu.vector_load_idx %arg7[%parallel_loop3A_154] : memref<5376xi32, #tpu.memory_space<vmem>>[vector<16xi32>], vector<16xi32>,
          %parallel_loop3A_156 = tpu.vector_load_idx %arg5[%parallel_loop3A_155] : memref<100000xf32, #tpu.memory_space<vmem>>[vector<16xi32>], vector<16xf32>,
          %parallel_loop3A_157 = arith.addf %parallel_loop3A_145, %parallel_loop3A_156 : vector<16xf32>
          %parallel_loop3A_158 = arith.constant 42 : i32
          %parallel_loop3A_159 = arith.muli %parallel_loop3A_131, %parallel_loop3A_158 : i32
          %parallel_loop3A_160 = arith.addi %sub3A, %parallel_loop3A_159 : i32
          %parallel_loop3A_161 = arith.constant 30 : i32
          %parallel_loop3A_162 = arith.addi %parallel_loop3A_160, %parallel_loop3A_161 : i32
          %parallel_loop3A_163 = arith.constant 2 : i32
          %parallel_loop3A_164 = arith.addi %parallel_loop3A_162, %parallel_loop3A_163 : i32
          %parallel_loop3A_165 = vector.broadcast %parallel_loop3A_164 : i32 to vector<16xi32>
          %parallel_loop3A_166 = arith.addi %mul3A_3, %parallel_loop3A_165 : vector<16xi32>
          %parallel_loop3A_167 = tpu.vector_load_idx %arg7[%parallel_loop3A_166] : memref<5376xi32, #tpu.memory_space<vmem>>[vector<16xi32>], vector<16xi32>,
          %parallel_loop3A_168 = tpu.vector_load_idx %arg5[%parallel_loop3A_167] : memref<100000xf32, #tpu.memory_space<vmem>>[vector<16xi32>], vector<16xf32>,
          %parallel_loop3A_169 = arith.addf %parallel_loop3A_157, %parallel_loop3A_168 : vector<16xf32>
          %parallel_loop3A_170 = arith.constant 42 : i32
          %parallel_loop3A_171 = arith.muli %parallel_loop3A_131, %parallel_loop3A_170 : i32
          %parallel_loop3A_172 = arith.addi %sub3A, %parallel_loop3A_171 : i32
          %parallel_loop3A_173 = arith.constant 30 : i32
          %parallel_loop3A_174 = arith.addi %parallel_loop3A_172, %parallel_loop3A_173 : i32
          %parallel_loop3A_175 = arith.constant 3 : i32
          %parallel_loop3A_176 = arith.addi %parallel_loop3A_174, %parallel_loop3A_175 : i32
          %parallel_loop3A_177 = vector.broadcast %parallel_loop3A_176 : i32 to vector<16xi32>
          %parallel_loop3A_178 = arith.addi %mul3A_3, %parallel_loop3A_177 : vector<16xi32>
          %parallel_loop3A_179 = tpu.vector_load_idx %arg7[%parallel_loop3A_178] : memref<5376xi32, #tpu.memory_space<vmem>>[vector<16xi32>], vector<16xi32>,
          %parallel_loop3A_180 = tpu.vector_load_idx %arg5[%parallel_loop3A_179] : memref<100000xf32, #tpu.memory_space<vmem>>[vector<16xi32>], vector<16xf32>,
          %parallel_loop3A_181 = arith.addf %parallel_loop3A_169, %parallel_loop3A_180 : vector<16xf32>
          %parallel_loop3A_182 = arith.constant 42 : i32
          %parallel_loop3A_183 = arith.muli %parallel_loop3A_131, %parallel_loop3A_182 : i32
          %parallel_loop3A_184 = arith.addi %sub3A, %parallel_loop3A_183 : i32
          %parallel_loop3A_185 = arith.constant 30 : i32
          %parallel_loop3A_186 = arith.addi %parallel_loop3A_184, %parallel_loop3A_185 : i32
          %parallel_loop3A_187 = arith.constant 4 : i32
          %parallel_loop3A_188 = arith.addi %parallel_loop3A_186, %parallel_loop3A_187 : i32
          %parallel_loop3A_189 = vector.broadcast %parallel_loop3A_188 : i32 to vector<16xi32>
          %parallel_loop3A_190 = arith.addi %mul3A_3, %parallel_loop3A_189 : vector<16xi32>
          %parallel_loop3A_191 = tpu.vector_load_idx %arg7[%parallel_loop3A_190] : memref<5376xi32, #tpu.memory_space<vmem>>[vector<16xi32>], vector<16xi32>,
          %parallel_loop3A_192 = tpu.vector_load_idx %arg5[%parallel_loop3A_191] : memref<100000xf32, #tpu.memory_space<vmem>>[vector<16xi32>], vector<16xf32>,
          %parallel_loop3A_193 = arith.addf %parallel_loop3A_181, %parallel_loop3A_192 : vector<16xf32>
          %parallel_loop3A_194 = arith.constant 42 : i32
          %parallel_loop3A_195 = arith.muli %parallel_loop3A_131, %parallel_loop3A_194 : i32
          %parallel_loop3A_196 = arith.addi %sub3A, %parallel_loop3A_195 : i32
          %parallel_loop3A_197 = arith.constant 30 : i32
          %parallel_loop3A_198 = arith.addi %parallel_loop3A_196, %parallel_loop3A_197 : i32
          %parallel_loop3A_199 = arith.constant 5 : i32
          %parallel_loop3A_200 = arith.addi %parallel_loop3A_198, %parallel_loop3A_199 : i32
          %parallel_loop3A_201 = vector.broadcast %parallel_loop3A_200 : i32 to vector<16xi32>
          %parallel_loop3A_202 = arith.addi %mul3A_3, %parallel_loop3A_201 : vector<16xi32>
          %parallel_loop3A_203 = tpu.vector_load_idx %arg7[%parallel_loop3A_202] : memref<5376xi32, #tpu.memory_space<vmem>>[vector<16xi32>], vector<16xi32>,
          %parallel_loop3A_204 = tpu.vector_load_idx %arg5[%parallel_loop3A_203] : memref<100000xf32, #tpu.memory_space<vmem>>[vector<16xi32>], vector<16xf32>,
          %parallel_loop3A_205 = arith.addf %parallel_loop3A_193, %parallel_loop3A_204 : vector<16xf32>
          %parallel_loop3A_206 = arith.constant 0.166666672 : f32
          %parallel_loop3A_207 = vector.broadcast %parallel_loop3A_206 : f32 to vector<16xf32>
          %parallel_loop3A_208 = arith.mulf %parallel_loop3A_205, %parallel_loop3A_207 : vector<16xf32>
          %parallel_loop3A_209 = arith.constant 5 : i32
          %parallel_loop3A_210 = arith.index_cast %parallel_loop3A_209 : i32 to index
          %parallel_loop3A_211 = arith.index_cast %parallel_loop3A_131 : i32 to index
          %parallel_loop3A_212 = tpu.vector_load %arg9[%parallel_loop3A_210, %parallel_loop3A_211] {strides = array<i32>} : memref<7x128xf32, #tpu.memory_space<vmem>>, vector<16xf32>,
          tpu.vector_store %arg9[%parallel_loop3A_210, %parallel_loop3A_211], %parallel_loop3A_208 {strides = array<i32>} : memref<7x128xf32, #tpu.memory_space<vmem>>, vector<16xf32>,
        } {sc.loop_unroll_factor = 2 : i64, sc.parallel_access}
        %parallel_loop3A_109 = arith.constant 0 : i32
        %parallel_loop3A_110 = arith.constant 1 : i32
        scf.for %parallel_loop3A_129 = %parallel_loop3A_109 to %select_n3A step %parallel_loop3A_110  : i32 {
          %parallel_loop3A_130 = arith.constant 16 : i32
          %parallel_loop3A_131 = arith.muli %parallel_loop3A_129, %parallel_loop3A_130 : i32
          %parallel_loop3A_132 = arith.constant 0.000000e+00 : f32
          %parallel_loop3A_133 = vector.broadcast %parallel_loop3A_132 : f32 to vector<16xf32>
          %parallel_loop3A_134 = arith.constant 42 : i32
          %parallel_loop3A_135 = arith.muli %parallel_loop3A_131, %parallel_loop3A_134 : i32
          %parallel_loop3A_136 = arith.addi %sub3A, %parallel_loop3A_135 : i32
          %parallel_loop3A_137 = arith.constant 36 : i32
          %parallel_loop3A_138 = arith.addi %parallel_loop3A_136, %parallel_loop3A_137 : i32
          %parallel_loop3A_139 = arith.constant 0 : i32
          %parallel_loop3A_140 = arith.addi %parallel_loop3A_138, %parallel_loop3A_139 : i32
          %parallel_loop3A_141 = vector.broadcast %parallel_loop3A_140 : i32 to vector<16xi32>
          %parallel_loop3A_142 = arith.addi %mul3A_3, %parallel_loop3A_141 : vector<16xi32>
          %parallel_loop3A_143 = tpu.vector_load_idx %arg7[%parallel_loop3A_142] : memref<5376xi32, #tpu.memory_space<vmem>>[vector<16xi32>], vector<16xi32>,
          %parallel_loop3A_144 = tpu.vector_load_idx %arg5[%parallel_loop3A_143] : memref<100000xf32, #tpu.memory_space<vmem>>[vector<16xi32>], vector<16xf32>,
          %parallel_loop3A_145 = arith.addf %parallel_loop3A_133, %parallel_loop3A_144 : vector<16xf32>
          %parallel_loop3A_146 = arith.constant 42 : i32
          %parallel_loop3A_147 = arith.muli %parallel_loop3A_131, %parallel_loop3A_146 : i32
          %parallel_loop3A_148 = arith.addi %sub3A, %parallel_loop3A_147 : i32
          %parallel_loop3A_149 = arith.constant 36 : i32
          %parallel_loop3A_150 = arith.addi %parallel_loop3A_148, %parallel_loop3A_149 : i32
          %parallel_loop3A_151 = arith.constant 1 : i32
          %parallel_loop3A_152 = arith.addi %parallel_loop3A_150, %parallel_loop3A_151 : i32
          %parallel_loop3A_153 = vector.broadcast %parallel_loop3A_152 : i32 to vector<16xi32>
          %parallel_loop3A_154 = arith.addi %mul3A_3, %parallel_loop3A_153 : vector<16xi32>
          %parallel_loop3A_155 = tpu.vector_load_idx %arg7[%parallel_loop3A_154] : memref<5376xi32, #tpu.memory_space<vmem>>[vector<16xi32>], vector<16xi32>,
          %parallel_loop3A_156 = tpu.vector_load_idx %arg5[%parallel_loop3A_155] : memref<100000xf32, #tpu.memory_space<vmem>>[vector<16xi32>], vector<16xf32>,
          %parallel_loop3A_157 = arith.addf %parallel_loop3A_145, %parallel_loop3A_156 : vector<16xf32>
          %parallel_loop3A_158 = arith.constant 42 : i32
          %parallel_loop3A_159 = arith.muli %parallel_loop3A_131, %parallel_loop3A_158 : i32
          %parallel_loop3A_160 = arith.addi %sub3A, %parallel_loop3A_159 : i32
          %parallel_loop3A_161 = arith.constant 36 : i32
          %parallel_loop3A_162 = arith.addi %parallel_loop3A_160, %parallel_loop3A_161 : i32
          %parallel_loop3A_163 = arith.constant 2 : i32
          %parallel_loop3A_164 = arith.addi %parallel_loop3A_162, %parallel_loop3A_163 : i32
          %parallel_loop3A_165 = vector.broadcast %parallel_loop3A_164 : i32 to vector<16xi32>
          %parallel_loop3A_166 = arith.addi %mul3A_3, %parallel_loop3A_165 : vector<16xi32>
          %parallel_loop3A_167 = tpu.vector_load_idx %arg7[%parallel_loop3A_166] : memref<5376xi32, #tpu.memory_space<vmem>>[vector<16xi32>], vector<16xi32>,
          %parallel_loop3A_168 = tpu.vector_load_idx %arg5[%parallel_loop3A_167] : memref<100000xf32, #tpu.memory_space<vmem>>[vector<16xi32>], vector<16xf32>,
          %parallel_loop3A_169 = arith.addf %parallel_loop3A_157, %parallel_loop3A_168 : vector<16xf32>
          %parallel_loop3A_170 = arith.constant 42 : i32
          %parallel_loop3A_171 = arith.muli %parallel_loop3A_131, %parallel_loop3A_170 : i32
          %parallel_loop3A_172 = arith.addi %sub3A, %parallel_loop3A_171 : i32
          %parallel_loop3A_173 = arith.constant 36 : i32
          %parallel_loop3A_174 = arith.addi %parallel_loop3A_172, %parallel_loop3A_173 : i32
          %parallel_loop3A_175 = arith.constant 3 : i32
          %parallel_loop3A_176 = arith.addi %parallel_loop3A_174, %parallel_loop3A_175 : i32
          %parallel_loop3A_177 = vector.broadcast %parallel_loop3A_176 : i32 to vector<16xi32>
          %parallel_loop3A_178 = arith.addi %mul3A_3, %parallel_loop3A_177 : vector<16xi32>
          %parallel_loop3A_179 = tpu.vector_load_idx %arg7[%parallel_loop3A_178] : memref<5376xi32, #tpu.memory_space<vmem>>[vector<16xi32>], vector<16xi32>,
          %parallel_loop3A_180 = tpu.vector_load_idx %arg5[%parallel_loop3A_179] : memref<100000xf32, #tpu.memory_space<vmem>>[vector<16xi32>], vector<16xf32>,
          %parallel_loop3A_181 = arith.addf %parallel_loop3A_169, %parallel_loop3A_180 : vector<16xf32>
          %parallel_loop3A_182 = arith.constant 42 : i32
          %parallel_loop3A_183 = arith.muli %parallel_loop3A_131, %parallel_loop3A_182 : i32
          %parallel_loop3A_184 = arith.addi %sub3A, %parallel_loop3A_183 : i32
          %parallel_loop3A_185 = arith.constant 36 : i32
          %parallel_loop3A_186 = arith.addi %parallel_loop3A_184, %parallel_loop3A_185 : i32
          %parallel_loop3A_187 = arith.constant 4 : i32
          %parallel_loop3A_188 = arith.addi %parallel_loop3A_186, %parallel_loop3A_187 : i32
          %parallel_loop3A_189 = vector.broadcast %parallel_loop3A_188 : i32 to vector<16xi32>
          %parallel_loop3A_190 = arith.addi %mul3A_3, %parallel_loop3A_189 : vector<16xi32>
          %parallel_loop3A_191 = tpu.vector_load_idx %arg7[%parallel_loop3A_190] : memref<5376xi32, #tpu.memory_space<vmem>>[vector<16xi32>], vector<16xi32>,
          %parallel_loop3A_192 = tpu.vector_load_idx %arg5[%parallel_loop3A_191] : memref<100000xf32, #tpu.memory_space<vmem>>[vector<16xi32>], vector<16xf32>,
          %parallel_loop3A_193 = arith.addf %parallel_loop3A_181, %parallel_loop3A_192 : vector<16xf32>
          %parallel_loop3A_194 = arith.constant 42 : i32
          %parallel_loop3A_195 = arith.muli %parallel_loop3A_131, %parallel_loop3A_194 : i32
          %parallel_loop3A_196 = arith.addi %sub3A, %parallel_loop3A_195 : i32
          %parallel_loop3A_197 = arith.constant 36 : i32
          %parallel_loop3A_198 = arith.addi %parallel_loop3A_196, %parallel_loop3A_197 : i32
          %parallel_loop3A_199 = arith.constant 5 : i32
          %parallel_loop3A_200 = arith.addi %parallel_loop3A_198, %parallel_loop3A_199 : i32
          %parallel_loop3A_201 = vector.broadcast %parallel_loop3A_200 : i32 to vector<16xi32>
          %parallel_loop3A_202 = arith.addi %mul3A_3, %parallel_loop3A_201 : vector<16xi32>
          %parallel_loop3A_203 = tpu.vector_load_idx %arg7[%parallel_loop3A_202] : memref<5376xi32, #tpu.memory_space<vmem>>[vector<16xi32>], vector<16xi32>,
          %parallel_loop3A_204 = tpu.vector_load_idx %arg5[%parallel_loop3A_203] : memref<100000xf32, #tpu.memory_space<vmem>>[vector<16xi32>], vector<16xf32>,
          %parallel_loop3A_205 = arith.addf %parallel_loop3A_193, %parallel_loop3A_204 : vector<16xf32>
          %parallel_loop3A_206 = arith.constant 0.166666672 : f32
          %parallel_loop3A_207 = vector.broadcast %parallel_loop3A_206 : f32 to vector<16xf32>
          %parallel_loop3A_208 = arith.mulf %parallel_loop3A_205, %parallel_loop3A_207 : vector<16xf32>
          %parallel_loop3A_209 = arith.constant 6 : i32
          %parallel_loop3A_210 = arith.index_cast %parallel_loop3A_209 : i32 to index
          %parallel_loop3A_211 = arith.index_cast %parallel_loop3A_131 : i32 to index
          %parallel_loop3A_212 = tpu.vector_load %arg9[%parallel_loop3A_210, %parallel_loop3A_211] {strides = array<i32>} : memref<7x128xf32, #tpu.memory_space<vmem>>, vector<16xf32>,
          tpu.vector_store %arg9[%parallel_loop3A_210, %parallel_loop3A_211], %parallel_loop3A_208 {strides = array<i32>} : memref<7x128xf32, #tpu.memory_space<vmem>>, vector<16xf32>,
        } {sc.loop_unroll_factor = 2 : i64, sc.parallel_access}
        %mul3A_111 = arith.constant 32 : i32
        %mul3A_112 = arith.muli %mul3A_111, %add3A_55 : i32
        %add3A_113 = arith.addi %add3A, %mul3A_112 : i32
        %min3A_114 = arith.constant 781 : i32
        %min3A_115 = arith.minsi %add3A_113, %min3A_114 : i32
        %mul3A_116 = arith.constant 128 : i32
        %mul3A_117 = arith.muli %min3A_115, %mul3A_116 : i32
        %dma_start3A_118 = arith.constant 0 : i32
        %dma_start3A_119 = tpu.memref_slice %arg4[%dma_start3A_118, %mul3A_117] : memref<7x100096xf32, #tpu.memory_space<hbm>> -> memref<7x128xf32, #tpu.memory_space<hbm>>
        %dma_start3A_120 = arith.constant 0 : i32
        %dma_start3A_121 = tpu.memref_slice %arg4[%dma_start3A_120, %mul3A_117] : memref<7x100096xf32, #tpu.memory_space<hbm>> -> memref<7x128xf32, #tpu.memory_space<hbm>>
        tpu.enqueue_dma source(%arg9 : memref<7x128xf32, #tpu.memory_space<vmem>>) target(%dma_start3A_121 : memref<7x128xf32, #tpu.memory_space<hbm>>) target_semaphore(%arg14 : memref<!tpu.dma_semaphore, #tpu.memory_space<semaphore_mem>>)
        %add3A_122 = arith.constant 2 : i32
        %add3A_123 = arith.addi %add3A_55, %add3A_122 : i32
        %lt3A_124 = arith.constant 25 : i32
        %lt3A_125 = arith.cmpi slt, %add3A_123, %lt3A_124 : i32
        %convert_element_type3A_126 = arith.extui %lt3A_125 : i1 to i32
        %cond3A_127 = arith.constant 0 : i32
        %cond3A_128 = arith.cmpi ne, %convert_element_type3A_126, %cond3A_127 : i32
        scf.if %cond3A_128 {
          %add3A_129 = arith.constant 2 : i32
          %add3A_130 = arith.addi %add3A_55, %add3A_129 : i32
          %mul3A_131 = arith.constant 32 : i32
          %mul3A_132 = arith.muli %mul3A_131, %add3A_130 : i32
          %add3A_133 = arith.addi %add3A, %mul3A_132 : i32
          %min3A_134 = arith.constant 781 : i32
          %min3A_135 = arith.minsi %add3A_133, %min3A_134 : i32
          %mul3A_136 = arith.constant 5376 : i32
          %mul3A_137 = arith.muli %min3A_135, %mul3A_136 : i32
          %min3A_138 = arith.constant 4194624 : i32
          %min3A_139 = arith.minsi %mul3A_137, %min3A_138 : i32
          %dma_start3A_140 = tpu.memref_slice %arg3[%min3A_139] : memref<4200000xi32, #tpu.memory_space<hbm>> -> memref<5376xi32, #tpu.memory_space<hbm>>
          %dma_start3A_141 = tpu.memref_slice %arg3[%min3A_139] : memref<4200000xi32, #tpu.memory_space<hbm>> -> memref<5376xi32, #tpu.memory_space<hbm>>
          tpu.enqueue_dma source(%dma_start3A_141 : memref<5376xi32, #tpu.memory_space<hbm>>) target(%arg7 : memref<5376xi32, #tpu.memory_space<vmem>>) target_semaphore(%arg12 : memref<!tpu.dma_semaphore, #tpu.memory_space<semaphore_mem>>)
        } else {
        }
      } else {
      }
      %mul3A_60 = arith.constant 2 : i32
      %mul3A_61 = arith.muli %mul3A_60, %add3A_51 : i32
      %add3A_62 = arith.constant 1 : i32
      %add3A_63 = arith.addi %mul3A_61, %add3A_62 : i32
      %lt3A_64 = arith.constant 25 : i32
      %lt3A_65 = arith.cmpi slt, %add3A_63, %lt3A_64 : i32
      %convert_element_type3A_66 = arith.extui %lt3A_65 : i1 to i32
      %cond3A_67 = arith.constant 0 : i32
      %cond3A_68 = arith.cmpi ne, %convert_element_type3A_66, %cond3A_67 : i32
      scf.if %cond3A_68 {
        %mul3A_69 = arith.constant 32 : i32
        %mul3A_70 = arith.muli %mul3A_69, %add3A_63 : i32
        %add3A_71 = arith.addi %add3A, %mul3A_70 : i32
        %min3A_72 = arith.constant 781 : i32
        %min3A_73 = arith.minsi %add3A_71, %min3A_72 : i32
        %mul3A_74 = arith.constant 5376 : i32
        %mul3A_75 = arith.muli %min3A_73, %mul3A_74 : i32
        %min3A_76 = arith.constant 4194624 : i32
        %min3A_77 = arith.minsi %mul3A_75, %min3A_76 : i32
        %dma_wait3A_78 = tpu.memref_slice %arg3[%min3A_77] : memref<4200000xi32, #tpu.memory_space<hbm>> -> memref<5376xi32, #tpu.memory_space<hbm>>
        %dma_wait3A_79 = tpu.memref_slice %arg3[%min3A_77] : memref<4200000xi32, #tpu.memory_space<hbm>> -> memref<5376xi32, #tpu.memory_space<hbm>>
        tpu.wait_dma2 semaphore(%arg13 : memref<!tpu.dma_semaphore, #tpu.memory_space<semaphore_mem>>) src(%dma_wait3A_79 : memref<5376xi32, #tpu.memory_space<hbm>>) dst(%arg8 : memref<5376xi32, #tpu.memory_space<vmem>>)
        %ge3A = arith.constant 2 : i32
        %ge3A_80 = arith.cmpi sge, %add3A_63, %ge3A : i32
        %convert_element_type3A_81 = arith.extui %ge3A_80 : i1 to i32
        %cond3A_82 = arith.constant 0 : i32
        %cond3A_83 = arith.cmpi ne, %convert_element_type3A_81, %cond3A_82 : i32
        scf.if %cond3A_83 {
          %sub3A_129 = arith.constant 2 : i32
          %sub3A_130 = arith.subi %add3A_63, %sub3A_129 : i32
          %mul3A_131 = arith.constant 32 : i32
          %mul3A_132 = arith.muli %mul3A_131, %sub3A_130 : i32
          %add3A_133 = arith.addi %add3A, %mul3A_132 : i32
          %min3A_134 = arith.constant 781 : i32
          %min3A_135 = arith.minsi %add3A_133, %min3A_134 : i32
          %mul3A_136 = arith.constant 128 : i32
          %mul3A_137 = arith.muli %min3A_135, %mul3A_136 : i32
          %dma_wait3A_138 = arith.constant 0 : i32
          %dma_wait3A_139 = tpu.memref_slice %arg4[%dma_wait3A_138, %mul3A_137] : memref<7x100096xf32, #tpu.memory_space<hbm>> -> memref<7x128xf32, #tpu.memory_space<hbm>>
          %dma_wait3A_140 = arith.constant 0 : i32
          %dma_wait3A_141 = tpu.memref_slice %arg4[%dma_wait3A_140, %mul3A_137] : memref<7x100096xf32, #tpu.memory_space<hbm>> -> memref<7x128xf32, #tpu.memory_space<hbm>>
          tpu.wait_dma2 semaphore(%arg15 : memref<!tpu.dma_semaphore, #tpu.memory_space<semaphore_mem>>) src(%arg10 : memref<7x128xf32, #tpu.memory_space<vmem>>) dst(%dma_wait3A_141 : memref<7x128xf32, #tpu.memory_space<hbm>>)
        } else {
        }
        %mul3A_84 = arith.constant 32 : i32
        %mul3A_85 = arith.muli %mul3A_84, %add3A_63 : i32
        %add3A_86 = arith.addi %add3A, %mul3A_85 : i32
        %min3A_87 = arith.constant 781 : i32
        %min3A_88 = arith.minsi %add3A_86, %min3A_87 : i32
        %mul3A_89 = arith.constant 5376 : i32
        %mul3A_90 = arith.muli %min3A_88, %mul3A_89 : i32
        %mul3A_91 = arith.constant 5376 : i32
        %mul3A_92 = arith.muli %min3A_88, %mul3A_91 : i32
        %min3A_93 = arith.constant 4194624 : i32
        %min3A_94 = arith.minsi %mul3A_92, %min3A_93 : i32
        %sub3A = arith.subi %mul3A_90, %min3A_94 : i32
        %eq3A_95 = arith.constant 781 : i32
        %eq3A_96 = arith.cmpi eq, %min3A_88, %eq3A_95 : i32
        %jit3A = arith.constant 2 : i32
        %jit3A_97 = arith.constant 8 : i32
        %select_n3A = arith.select %eq3A_96, %jit3A, %jit3A_97 : i32
        %parallel_loop3A = arith.constant 0 : i32
        %parallel_loop3A_98 = arith.constant 1 : i32
        scf.for %parallel_loop3A_129 = %parallel_loop3A to %select_n3A step %parallel_loop3A_98  : i32 {
          %parallel_loop3A_130 = arith.constant 16 : i32
          %parallel_loop3A_131 = arith.muli %parallel_loop3A_129, %parallel_loop3A_130 : i32
          %parallel_loop3A_132 = arith.constant 0.000000e+00 : f32
          %parallel_loop3A_133 = vector.broadcast %parallel_loop3A_132 : f32 to vector<16xf32>
          %parallel_loop3A_134 = arith.constant 42 : i32
          %parallel_loop3A_135 = arith.muli %parallel_loop3A_131, %parallel_loop3A_134 : i32
          %parallel_loop3A_136 = arith.addi %sub3A, %parallel_loop3A_135 : i32
          %parallel_loop3A_137 = arith.constant 0 : i32
          %parallel_loop3A_138 = arith.addi %parallel_loop3A_136, %parallel_loop3A_137 : i32
          %parallel_loop3A_139 = arith.constant 0 : i32
          %parallel_loop3A_140 = arith.addi %parallel_loop3A_138, %parallel_loop3A_139 : i32
          %parallel_loop3A_141 = vector.broadcast %parallel_loop3A_140 : i32 to vector<16xi32>
          %parallel_loop3A_142 = arith.addi %mul3A_3, %parallel_loop3A_141 : vector<16xi32>
          %parallel_loop3A_143 = tpu.vector_load_idx %arg8[%parallel_loop3A_142] : memref<5376xi32, #tpu.memory_space<vmem>>[vector<16xi32>], vector<16xi32>,
          %parallel_loop3A_144 = tpu.vector_load_idx %arg5[%parallel_loop3A_143] : memref<100000xf32, #tpu.memory_space<vmem>>[vector<16xi32>], vector<16xf32>,
          %parallel_loop3A_145 = arith.addf %parallel_loop3A_133, %parallel_loop3A_144 : vector<16xf32>
          %parallel_loop3A_146 = arith.constant 42 : i32
          %parallel_loop3A_147 = arith.muli %parallel_loop3A_131, %parallel_loop3A_146 : i32
          %parallel_loop3A_148 = arith.addi %sub3A, %parallel_loop3A_147 : i32
          %parallel_loop3A_149 = arith.constant 0 : i32
          %parallel_loop3A_150 = arith.addi %parallel_loop3A_148, %parallel_loop3A_149 : i32
          %parallel_loop3A_151 = arith.constant 1 : i32
          %parallel_loop3A_152 = arith.addi %parallel_loop3A_150, %parallel_loop3A_151 : i32
          %parallel_loop3A_153 = vector.broadcast %parallel_loop3A_152 : i32 to vector<16xi32>
          %parallel_loop3A_154 = arith.addi %mul3A_3, %parallel_loop3A_153 : vector<16xi32>
          %parallel_loop3A_155 = tpu.vector_load_idx %arg8[%parallel_loop3A_154] : memref<5376xi32, #tpu.memory_space<vmem>>[vector<16xi32>], vector<16xi32>,
          %parallel_loop3A_156 = tpu.vector_load_idx %arg5[%parallel_loop3A_155] : memref<100000xf32, #tpu.memory_space<vmem>>[vector<16xi32>], vector<16xf32>,
          %parallel_loop3A_157 = arith.addf %parallel_loop3A_145, %parallel_loop3A_156 : vector<16xf32>
          %parallel_loop3A_158 = arith.constant 42 : i32
          %parallel_loop3A_159 = arith.muli %parallel_loop3A_131, %parallel_loop3A_158 : i32
          %parallel_loop3A_160 = arith.addi %sub3A, %parallel_loop3A_159 : i32
          %parallel_loop3A_161 = arith.constant 0 : i32
          %parallel_loop3A_162 = arith.addi %parallel_loop3A_160, %parallel_loop3A_161 : i32
          %parallel_loop3A_163 = arith.constant 2 : i32
          %parallel_loop3A_164 = arith.addi %parallel_loop3A_162, %parallel_loop3A_163 : i32
          %parallel_loop3A_165 = vector.broadcast %parallel_loop3A_164 : i32 to vector<16xi32>
          %parallel_loop3A_166 = arith.addi %mul3A_3, %parallel_loop3A_165 : vector<16xi32>
          %parallel_loop3A_167 = tpu.vector_load_idx %arg8[%parallel_loop3A_166] : memref<5376xi32, #tpu.memory_space<vmem>>[vector<16xi32>], vector<16xi32>,
          %parallel_loop3A_168 = tpu.vector_load_idx %arg5[%parallel_loop3A_167] : memref<100000xf32, #tpu.memory_space<vmem>>[vector<16xi32>], vector<16xf32>,
          %parallel_loop3A_169 = arith.addf %parallel_loop3A_157, %parallel_loop3A_168 : vector<16xf32>
          %parallel_loop3A_170 = arith.constant 42 : i32
          %parallel_loop3A_171 = arith.muli %parallel_loop3A_131, %parallel_loop3A_170 : i32
          %parallel_loop3A_172 = arith.addi %sub3A, %parallel_loop3A_171 : i32
          %parallel_loop3A_173 = arith.constant 0 : i32
          %parallel_loop3A_174 = arith.addi %parallel_loop3A_172, %parallel_loop3A_173 : i32
          %parallel_loop3A_175 = arith.constant 3 : i32
          %parallel_loop3A_176 = arith.addi %parallel_loop3A_174, %parallel_loop3A_175 : i32
          %parallel_loop3A_177 = vector.broadcast %parallel_loop3A_176 : i32 to vector<16xi32>
          %parallel_loop3A_178 = arith.addi %mul3A_3, %parallel_loop3A_177 : vector<16xi32>
          %parallel_loop3A_179 = tpu.vector_load_idx %arg8[%parallel_loop3A_178] : memref<5376xi32, #tpu.memory_space<vmem>>[vector<16xi32>], vector<16xi32>,
          %parallel_loop3A_180 = tpu.vector_load_idx %arg5[%parallel_loop3A_179] : memref<100000xf32, #tpu.memory_space<vmem>>[vector<16xi32>], vector<16xf32>,
          %parallel_loop3A_181 = arith.addf %parallel_loop3A_169, %parallel_loop3A_180 : vector<16xf32>
          %parallel_loop3A_182 = arith.constant 42 : i32
          %parallel_loop3A_183 = arith.muli %parallel_loop3A_131, %parallel_loop3A_182 : i32
          %parallel_loop3A_184 = arith.addi %sub3A, %parallel_loop3A_183 : i32
          %parallel_loop3A_185 = arith.constant 0 : i32
          %parallel_loop3A_186 = arith.addi %parallel_loop3A_184, %parallel_loop3A_185 : i32
          %parallel_loop3A_187 = arith.constant 4 : i32
          %parallel_loop3A_188 = arith.addi %parallel_loop3A_186, %parallel_loop3A_187 : i32
          %parallel_loop3A_189 = vector.broadcast %parallel_loop3A_188 : i32 to vector<16xi32>
          %parallel_loop3A_190 = arith.addi %mul3A_3, %parallel_loop3A_189 : vector<16xi32>
          %parallel_loop3A_191 = tpu.vector_load_idx %arg8[%parallel_loop3A_190] : memref<5376xi32, #tpu.memory_space<vmem>>[vector<16xi32>], vector<16xi32>,
          %parallel_loop3A_192 = tpu.vector_load_idx %arg5[%parallel_loop3A_191] : memref<100000xf32, #tpu.memory_space<vmem>>[vector<16xi32>], vector<16xf32>,
          %parallel_loop3A_193 = arith.addf %parallel_loop3A_181, %parallel_loop3A_192 : vector<16xf32>
          %parallel_loop3A_194 = arith.constant 42 : i32
          %parallel_loop3A_195 = arith.muli %parallel_loop3A_131, %parallel_loop3A_194 : i32
          %parallel_loop3A_196 = arith.addi %sub3A, %parallel_loop3A_195 : i32
          %parallel_loop3A_197 = arith.constant 0 : i32
          %parallel_loop3A_198 = arith.addi %parallel_loop3A_196, %parallel_loop3A_197 : i32
          %parallel_loop3A_199 = arith.constant 5 : i32
          %parallel_loop3A_200 = arith.addi %parallel_loop3A_198, %parallel_loop3A_199 : i32
          %parallel_loop3A_201 = vector.broadcast %parallel_loop3A_200 : i32 to vector<16xi32>
          %parallel_loop3A_202 = arith.addi %mul3A_3, %parallel_loop3A_201 : vector<16xi32>
          %parallel_loop3A_203 = tpu.vector_load_idx %arg8[%parallel_loop3A_202] : memref<5376xi32, #tpu.memory_space<vmem>>[vector<16xi32>], vector<16xi32>,
          %parallel_loop3A_204 = tpu.vector_load_idx %arg5[%parallel_loop3A_203] : memref<100000xf32, #tpu.memory_space<vmem>>[vector<16xi32>], vector<16xf32>,
          %parallel_loop3A_205 = arith.addf %parallel_loop3A_193, %parallel_loop3A_204 : vector<16xf32>
          %parallel_loop3A_206 = arith.constant 0.166666672 : f32
          %parallel_loop3A_207 = vector.broadcast %parallel_loop3A_206 : f32 to vector<16xf32>
          %parallel_loop3A_208 = arith.mulf %parallel_loop3A_205, %parallel_loop3A_207 : vector<16xf32>
          %parallel_loop3A_209 = arith.constant 0 : i32
          %parallel_loop3A_210 = arith.index_cast %parallel_loop3A_209 : i32 to index
          %parallel_loop3A_211 = arith.index_cast %parallel_loop3A_131 : i32 to index
          %parallel_loop3A_212 = tpu.vector_load %arg10[%parallel_loop3A_210, %parallel_loop3A_211] {strides = array<i32>} : memref<7x128xf32, #tpu.memory_space<vmem>>, vector<16xf32>,
          tpu.vector_store %arg10[%parallel_loop3A_210, %parallel_loop3A_211], %parallel_loop3A_208 {strides = array<i32>} : memref<7x128xf32, #tpu.memory_space<vmem>>, vector<16xf32>,
        } {sc.loop_unroll_factor = 2 : i64, sc.parallel_access}
        %parallel_loop3A_99 = arith.constant 0 : i32
        %parallel_loop3A_100 = arith.constant 1 : i32
        scf.for %parallel_loop3A_129 = %parallel_loop3A_99 to %select_n3A step %parallel_loop3A_100  : i32 {
          %parallel_loop3A_130 = arith.constant 16 : i32
          %parallel_loop3A_131 = arith.muli %parallel_loop3A_129, %parallel_loop3A_130 : i32
          %parallel_loop3A_132 = arith.constant 0.000000e+00 : f32
          %parallel_loop3A_133 = vector.broadcast %parallel_loop3A_132 : f32 to vector<16xf32>
          %parallel_loop3A_134 = arith.constant 42 : i32
          %parallel_loop3A_135 = arith.muli %parallel_loop3A_131, %parallel_loop3A_134 : i32
          %parallel_loop3A_136 = arith.addi %sub3A, %parallel_loop3A_135 : i32
          %parallel_loop3A_137 = arith.constant 6 : i32
          %parallel_loop3A_138 = arith.addi %parallel_loop3A_136, %parallel_loop3A_137 : i32
          %parallel_loop3A_139 = arith.constant 0 : i32
          %parallel_loop3A_140 = arith.addi %parallel_loop3A_138, %parallel_loop3A_139 : i32
          %parallel_loop3A_141 = vector.broadcast %parallel_loop3A_140 : i32 to vector<16xi32>
          %parallel_loop3A_142 = arith.addi %mul3A_3, %parallel_loop3A_141 : vector<16xi32>
          %parallel_loop3A_143 = tpu.vector_load_idx %arg8[%parallel_loop3A_142] : memref<5376xi32, #tpu.memory_space<vmem>>[vector<16xi32>], vector<16xi32>,
          %parallel_loop3A_144 = tpu.vector_load_idx %arg5[%parallel_loop3A_143] : memref<100000xf32, #tpu.memory_space<vmem>>[vector<16xi32>], vector<16xf32>,
          %parallel_loop3A_145 = arith.addf %parallel_loop3A_133, %parallel_loop3A_144 : vector<16xf32>
          %parallel_loop3A_146 = arith.constant 42 : i32
          %parallel_loop3A_147 = arith.muli %parallel_loop3A_131, %parallel_loop3A_146 : i32
          %parallel_loop3A_148 = arith.addi %sub3A, %parallel_loop3A_147 : i32
          %parallel_loop3A_149 = arith.constant 6 : i32
          %parallel_loop3A_150 = arith.addi %parallel_loop3A_148, %parallel_loop3A_149 : i32
          %parallel_loop3A_151 = arith.constant 1 : i32
          %parallel_loop3A_152 = arith.addi %parallel_loop3A_150, %parallel_loop3A_151 : i32
          %parallel_loop3A_153 = vector.broadcast %parallel_loop3A_152 : i32 to vector<16xi32>
          %parallel_loop3A_154 = arith.addi %mul3A_3, %parallel_loop3A_153 : vector<16xi32>
          %parallel_loop3A_155 = tpu.vector_load_idx %arg8[%parallel_loop3A_154] : memref<5376xi32, #tpu.memory_space<vmem>>[vector<16xi32>], vector<16xi32>,
          %parallel_loop3A_156 = tpu.vector_load_idx %arg5[%parallel_loop3A_155] : memref<100000xf32, #tpu.memory_space<vmem>>[vector<16xi32>], vector<16xf32>,
          %parallel_loop3A_157 = arith.addf %parallel_loop3A_145, %parallel_loop3A_156 : vector<16xf32>
          %parallel_loop3A_158 = arith.constant 42 : i32
          %parallel_loop3A_159 = arith.muli %parallel_loop3A_131, %parallel_loop3A_158 : i32
          %parallel_loop3A_160 = arith.addi %sub3A, %parallel_loop3A_159 : i32
          %parallel_loop3A_161 = arith.constant 6 : i32
          %parallel_loop3A_162 = arith.addi %parallel_loop3A_160, %parallel_loop3A_161 : i32
          %parallel_loop3A_163 = arith.constant 2 : i32
          %parallel_loop3A_164 = arith.addi %parallel_loop3A_162, %parallel_loop3A_163 : i32
          %parallel_loop3A_165 = vector.broadcast %parallel_loop3A_164 : i32 to vector<16xi32>
          %parallel_loop3A_166 = arith.addi %mul3A_3, %parallel_loop3A_165 : vector<16xi32>
          %parallel_loop3A_167 = tpu.vector_load_idx %arg8[%parallel_loop3A_166] : memref<5376xi32, #tpu.memory_space<vmem>>[vector<16xi32>], vector<16xi32>,
          %parallel_loop3A_168 = tpu.vector_load_idx %arg5[%parallel_loop3A_167] : memref<100000xf32, #tpu.memory_space<vmem>>[vector<16xi32>], vector<16xf32>,
          %parallel_loop3A_169 = arith.addf %parallel_loop3A_157, %parallel_loop3A_168 : vector<16xf32>
          %parallel_loop3A_170 = arith.constant 42 : i32
          %parallel_loop3A_171 = arith.muli %parallel_loop3A_131, %parallel_loop3A_170 : i32
          %parallel_loop3A_172 = arith.addi %sub3A, %parallel_loop3A_171 : i32
          %parallel_loop3A_173 = arith.constant 6 : i32
          %parallel_loop3A_174 = arith.addi %parallel_loop3A_172, %parallel_loop3A_173 : i32
          %parallel_loop3A_175 = arith.constant 3 : i32
          %parallel_loop3A_176 = arith.addi %parallel_loop3A_174, %parallel_loop3A_175 : i32
          %parallel_loop3A_177 = vector.broadcast %parallel_loop3A_176 : i32 to vector<16xi32>
          %parallel_loop3A_178 = arith.addi %mul3A_3, %parallel_loop3A_177 : vector<16xi32>
          %parallel_loop3A_179 = tpu.vector_load_idx %arg8[%parallel_loop3A_178] : memref<5376xi32, #tpu.memory_space<vmem>>[vector<16xi32>], vector<16xi32>,
          %parallel_loop3A_180 = tpu.vector_load_idx %arg5[%parallel_loop3A_179] : memref<100000xf32, #tpu.memory_space<vmem>>[vector<16xi32>], vector<16xf32>,
          %parallel_loop3A_181 = arith.addf %parallel_loop3A_169, %parallel_loop3A_180 : vector<16xf32>
          %parallel_loop3A_182 = arith.constant 42 : i32
          %parallel_loop3A_183 = arith.muli %parallel_loop3A_131, %parallel_loop3A_182 : i32
          %parallel_loop3A_184 = arith.addi %sub3A, %parallel_loop3A_183 : i32
          %parallel_loop3A_185 = arith.constant 6 : i32
          %parallel_loop3A_186 = arith.addi %parallel_loop3A_184, %parallel_loop3A_185 : i32
          %parallel_loop3A_187 = arith.constant 4 : i32
          %parallel_loop3A_188 = arith.addi %parallel_loop3A_186, %parallel_loop3A_187 : i32
          %parallel_loop3A_189 = vector.broadcast %parallel_loop3A_188 : i32 to vector<16xi32>
          %parallel_loop3A_190 = arith.addi %mul3A_3, %parallel_loop3A_189 : vector<16xi32>
          %parallel_loop3A_191 = tpu.vector_load_idx %arg8[%parallel_loop3A_190] : memref<5376xi32, #tpu.memory_space<vmem>>[vector<16xi32>], vector<16xi32>,
          %parallel_loop3A_192 = tpu.vector_load_idx %arg5[%parallel_loop3A_191] : memref<100000xf32, #tpu.memory_space<vmem>>[vector<16xi32>], vector<16xf32>,
          %parallel_loop3A_193 = arith.addf %parallel_loop3A_181, %parallel_loop3A_192 : vector<16xf32>
          %parallel_loop3A_194 = arith.constant 42 : i32
          %parallel_loop3A_195 = arith.muli %parallel_loop3A_131, %parallel_loop3A_194 : i32
          %parallel_loop3A_196 = arith.addi %sub3A, %parallel_loop3A_195 : i32
          %parallel_loop3A_197 = arith.constant 6 : i32
          %parallel_loop3A_198 = arith.addi %parallel_loop3A_196, %parallel_loop3A_197 : i32
          %parallel_loop3A_199 = arith.constant 5 : i32
          %parallel_loop3A_200 = arith.addi %parallel_loop3A_198, %parallel_loop3A_199 : i32
          %parallel_loop3A_201 = vector.broadcast %parallel_loop3A_200 : i32 to vector<16xi32>
          %parallel_loop3A_202 = arith.addi %mul3A_3, %parallel_loop3A_201 : vector<16xi32>
          %parallel_loop3A_203 = tpu.vector_load_idx %arg8[%parallel_loop3A_202] : memref<5376xi32, #tpu.memory_space<vmem>>[vector<16xi32>], vector<16xi32>,
          %parallel_loop3A_204 = tpu.vector_load_idx %arg5[%parallel_loop3A_203] : memref<100000xf32, #tpu.memory_space<vmem>>[vector<16xi32>], vector<16xf32>,
          %parallel_loop3A_205 = arith.addf %parallel_loop3A_193, %parallel_loop3A_204 : vector<16xf32>
          %parallel_loop3A_206 = arith.constant 0.166666672 : f32
          %parallel_loop3A_207 = vector.broadcast %parallel_loop3A_206 : f32 to vector<16xf32>
          %parallel_loop3A_208 = arith.mulf %parallel_loop3A_205, %parallel_loop3A_207 : vector<16xf32>
          %parallel_loop3A_209 = arith.constant 1 : i32
          %parallel_loop3A_210 = arith.index_cast %parallel_loop3A_209 : i32 to index
          %parallel_loop3A_211 = arith.index_cast %parallel_loop3A_131 : i32 to index
          %parallel_loop3A_212 = tpu.vector_load %arg10[%parallel_loop3A_210, %parallel_loop3A_211] {strides = array<i32>} : memref<7x128xf32, #tpu.memory_space<vmem>>, vector<16xf32>,
          tpu.vector_store %arg10[%parallel_loop3A_210, %parallel_loop3A_211], %parallel_loop3A_208 {strides = array<i32>} : memref<7x128xf32, #tpu.memory_space<vmem>>, vector<16xf32>,
        } {sc.loop_unroll_factor = 2 : i64, sc.parallel_access}
        %parallel_loop3A_101 = arith.constant 0 : i32
        %parallel_loop3A_102 = arith.constant 1 : i32
        scf.for %parallel_loop3A_129 = %parallel_loop3A_101 to %select_n3A step %parallel_loop3A_102  : i32 {
          %parallel_loop3A_130 = arith.constant 16 : i32
          %parallel_loop3A_131 = arith.muli %parallel_loop3A_129, %parallel_loop3A_130 : i32
          %parallel_loop3A_132 = arith.constant 0.000000e+00 : f32
          %parallel_loop3A_133 = vector.broadcast %parallel_loop3A_132 : f32 to vector<16xf32>
          %parallel_loop3A_134 = arith.constant 42 : i32
          %parallel_loop3A_135 = arith.muli %parallel_loop3A_131, %parallel_loop3A_134 : i32
          %parallel_loop3A_136 = arith.addi %sub3A, %parallel_loop3A_135 : i32
          %parallel_loop3A_137 = arith.constant 12 : i32
          %parallel_loop3A_138 = arith.addi %parallel_loop3A_136, %parallel_loop3A_137 : i32
          %parallel_loop3A_139 = arith.constant 0 : i32
          %parallel_loop3A_140 = arith.addi %parallel_loop3A_138, %parallel_loop3A_139 : i32
          %parallel_loop3A_141 = vector.broadcast %parallel_loop3A_140 : i32 to vector<16xi32>
          %parallel_loop3A_142 = arith.addi %mul3A_3, %parallel_loop3A_141 : vector<16xi32>
          %parallel_loop3A_143 = tpu.vector_load_idx %arg8[%parallel_loop3A_142] : memref<5376xi32, #tpu.memory_space<vmem>>[vector<16xi32>], vector<16xi32>,
          %parallel_loop3A_144 = tpu.vector_load_idx %arg5[%parallel_loop3A_143] : memref<100000xf32, #tpu.memory_space<vmem>>[vector<16xi32>], vector<16xf32>,
          %parallel_loop3A_145 = arith.addf %parallel_loop3A_133, %parallel_loop3A_144 : vector<16xf32>
          %parallel_loop3A_146 = arith.constant 42 : i32
          %parallel_loop3A_147 = arith.muli %parallel_loop3A_131, %parallel_loop3A_146 : i32
          %parallel_loop3A_148 = arith.addi %sub3A, %parallel_loop3A_147 : i32
          %parallel_loop3A_149 = arith.constant 12 : i32
          %parallel_loop3A_150 = arith.addi %parallel_loop3A_148, %parallel_loop3A_149 : i32
          %parallel_loop3A_151 = arith.constant 1 : i32
          %parallel_loop3A_152 = arith.addi %parallel_loop3A_150, %parallel_loop3A_151 : i32
          %parallel_loop3A_153 = vector.broadcast %parallel_loop3A_152 : i32 to vector<16xi32>
          %parallel_loop3A_154 = arith.addi %mul3A_3, %parallel_loop3A_153 : vector<16xi32>
          %parallel_loop3A_155 = tpu.vector_load_idx %arg8[%parallel_loop3A_154] : memref<5376xi32, #tpu.memory_space<vmem>>[vector<16xi32>], vector<16xi32>,
          %parallel_loop3A_156 = tpu.vector_load_idx %arg5[%parallel_loop3A_155] : memref<100000xf32, #tpu.memory_space<vmem>>[vector<16xi32>], vector<16xf32>,
          %parallel_loop3A_157 = arith.addf %parallel_loop3A_145, %parallel_loop3A_156 : vector<16xf32>
          %parallel_loop3A_158 = arith.constant 42 : i32
          %parallel_loop3A_159 = arith.muli %parallel_loop3A_131, %parallel_loop3A_158 : i32
          %parallel_loop3A_160 = arith.addi %sub3A, %parallel_loop3A_159 : i32
          %parallel_loop3A_161 = arith.constant 12 : i32
          %parallel_loop3A_162 = arith.addi %parallel_loop3A_160, %parallel_loop3A_161 : i32
          %parallel_loop3A_163 = arith.constant 2 : i32
          %parallel_loop3A_164 = arith.addi %parallel_loop3A_162, %parallel_loop3A_163 : i32
          %parallel_loop3A_165 = vector.broadcast %parallel_loop3A_164 : i32 to vector<16xi32>
          %parallel_loop3A_166 = arith.addi %mul3A_3, %parallel_loop3A_165 : vector<16xi32>
          %parallel_loop3A_167 = tpu.vector_load_idx %arg8[%parallel_loop3A_166] : memref<5376xi32, #tpu.memory_space<vmem>>[vector<16xi32>], vector<16xi32>,
          %parallel_loop3A_168 = tpu.vector_load_idx %arg5[%parallel_loop3A_167] : memref<100000xf32, #tpu.memory_space<vmem>>[vector<16xi32>], vector<16xf32>,
          %parallel_loop3A_169 = arith.addf %parallel_loop3A_157, %parallel_loop3A_168 : vector<16xf32>
          %parallel_loop3A_170 = arith.constant 42 : i32
          %parallel_loop3A_171 = arith.muli %parallel_loop3A_131, %parallel_loop3A_170 : i32
          %parallel_loop3A_172 = arith.addi %sub3A, %parallel_loop3A_171 : i32
          %parallel_loop3A_173 = arith.constant 12 : i32
          %parallel_loop3A_174 = arith.addi %parallel_loop3A_172, %parallel_loop3A_173 : i32
          %parallel_loop3A_175 = arith.constant 3 : i32
          %parallel_loop3A_176 = arith.addi %parallel_loop3A_174, %parallel_loop3A_175 : i32
          %parallel_loop3A_177 = vector.broadcast %parallel_loop3A_176 : i32 to vector<16xi32>
          %parallel_loop3A_178 = arith.addi %mul3A_3, %parallel_loop3A_177 : vector<16xi32>
          %parallel_loop3A_179 = tpu.vector_load_idx %arg8[%parallel_loop3A_178] : memref<5376xi32, #tpu.memory_space<vmem>>[vector<16xi32>], vector<16xi32>,
          %parallel_loop3A_180 = tpu.vector_load_idx %arg5[%parallel_loop3A_179] : memref<100000xf32, #tpu.memory_space<vmem>>[vector<16xi32>], vector<16xf32>,
          %parallel_loop3A_181 = arith.addf %parallel_loop3A_169, %parallel_loop3A_180 : vector<16xf32>
          %parallel_loop3A_182 = arith.constant 42 : i32
          %parallel_loop3A_183 = arith.muli %parallel_loop3A_131, %parallel_loop3A_182 : i32
          %parallel_loop3A_184 = arith.addi %sub3A, %parallel_loop3A_183 : i32
          %parallel_loop3A_185 = arith.constant 12 : i32
          %parallel_loop3A_186 = arith.addi %parallel_loop3A_184, %parallel_loop3A_185 : i32
          %parallel_loop3A_187 = arith.constant 4 : i32
          %parallel_loop3A_188 = arith.addi %parallel_loop3A_186, %parallel_loop3A_187 : i32
          %parallel_loop3A_189 = vector.broadcast %parallel_loop3A_188 : i32 to vector<16xi32>
          %parallel_loop3A_190 = arith.addi %mul3A_3, %parallel_loop3A_189 : vector<16xi32>
          %parallel_loop3A_191 = tpu.vector_load_idx %arg8[%parallel_loop3A_190] : memref<5376xi32, #tpu.memory_space<vmem>>[vector<16xi32>], vector<16xi32>,
          %parallel_loop3A_192 = tpu.vector_load_idx %arg5[%parallel_loop3A_191] : memref<100000xf32, #tpu.memory_space<vmem>>[vector<16xi32>], vector<16xf32>,
          %parallel_loop3A_193 = arith.addf %parallel_loop3A_181, %parallel_loop3A_192 : vector<16xf32>
          %parallel_loop3A_194 = arith.constant 42 : i32
          %parallel_loop3A_195 = arith.muli %parallel_loop3A_131, %parallel_loop3A_194 : i32
          %parallel_loop3A_196 = arith.addi %sub3A, %parallel_loop3A_195 : i32
          %parallel_loop3A_197 = arith.constant 12 : i32
          %parallel_loop3A_198 = arith.addi %parallel_loop3A_196, %parallel_loop3A_197 : i32
          %parallel_loop3A_199 = arith.constant 5 : i32
          %parallel_loop3A_200 = arith.addi %parallel_loop3A_198, %parallel_loop3A_199 : i32
          %parallel_loop3A_201 = vector.broadcast %parallel_loop3A_200 : i32 to vector<16xi32>
          %parallel_loop3A_202 = arith.addi %mul3A_3, %parallel_loop3A_201 : vector<16xi32>
          %parallel_loop3A_203 = tpu.vector_load_idx %arg8[%parallel_loop3A_202] : memref<5376xi32, #tpu.memory_space<vmem>>[vector<16xi32>], vector<16xi32>,
          %parallel_loop3A_204 = tpu.vector_load_idx %arg5[%parallel_loop3A_203] : memref<100000xf32, #tpu.memory_space<vmem>>[vector<16xi32>], vector<16xf32>,
          %parallel_loop3A_205 = arith.addf %parallel_loop3A_193, %parallel_loop3A_204 : vector<16xf32>
          %parallel_loop3A_206 = arith.constant 0.166666672 : f32
          %parallel_loop3A_207 = vector.broadcast %parallel_loop3A_206 : f32 to vector<16xf32>
          %parallel_loop3A_208 = arith.mulf %parallel_loop3A_205, %parallel_loop3A_207 : vector<16xf32>
          %parallel_loop3A_209 = arith.constant 2 : i32
          %parallel_loop3A_210 = arith.index_cast %parallel_loop3A_209 : i32 to index
          %parallel_loop3A_211 = arith.index_cast %parallel_loop3A_131 : i32 to index
          %parallel_loop3A_212 = tpu.vector_load %arg10[%parallel_loop3A_210, %parallel_loop3A_211] {strides = array<i32>} : memref<7x128xf32, #tpu.memory_space<vmem>>, vector<16xf32>,
          tpu.vector_store %arg10[%parallel_loop3A_210, %parallel_loop3A_211], %parallel_loop3A_208 {strides = array<i32>} : memref<7x128xf32, #tpu.memory_space<vmem>>, vector<16xf32>,
        } {sc.loop_unroll_factor = 2 : i64, sc.parallel_access}
        %parallel_loop3A_103 = arith.constant 0 : i32
        %parallel_loop3A_104 = arith.constant 1 : i32
        scf.for %parallel_loop3A_129 = %parallel_loop3A_103 to %select_n3A step %parallel_loop3A_104  : i32 {
          %parallel_loop3A_130 = arith.constant 16 : i32
          %parallel_loop3A_131 = arith.muli %parallel_loop3A_129, %parallel_loop3A_130 : i32
          %parallel_loop3A_132 = arith.constant 0.000000e+00 : f32
          %parallel_loop3A_133 = vector.broadcast %parallel_loop3A_132 : f32 to vector<16xf32>
          %parallel_loop3A_134 = arith.constant 42 : i32
          %parallel_loop3A_135 = arith.muli %parallel_loop3A_131, %parallel_loop3A_134 : i32
          %parallel_loop3A_136 = arith.addi %sub3A, %parallel_loop3A_135 : i32
          %parallel_loop3A_137 = arith.constant 18 : i32
          %parallel_loop3A_138 = arith.addi %parallel_loop3A_136, %parallel_loop3A_137 : i32
          %parallel_loop3A_139 = arith.constant 0 : i32
          %parallel_loop3A_140 = arith.addi %parallel_loop3A_138, %parallel_loop3A_139 : i32
          %parallel_loop3A_141 = vector.broadcast %parallel_loop3A_140 : i32 to vector<16xi32>
          %parallel_loop3A_142 = arith.addi %mul3A_3, %parallel_loop3A_141 : vector<16xi32>
          %parallel_loop3A_143 = tpu.vector_load_idx %arg8[%parallel_loop3A_142] : memref<5376xi32, #tpu.memory_space<vmem>>[vector<16xi32>], vector<16xi32>,
          %parallel_loop3A_144 = tpu.vector_load_idx %arg5[%parallel_loop3A_143] : memref<100000xf32, #tpu.memory_space<vmem>>[vector<16xi32>], vector<16xf32>,
          %parallel_loop3A_145 = arith.addf %parallel_loop3A_133, %parallel_loop3A_144 : vector<16xf32>
          %parallel_loop3A_146 = arith.constant 42 : i32
          %parallel_loop3A_147 = arith.muli %parallel_loop3A_131, %parallel_loop3A_146 : i32
          %parallel_loop3A_148 = arith.addi %sub3A, %parallel_loop3A_147 : i32
          %parallel_loop3A_149 = arith.constant 18 : i32
          %parallel_loop3A_150 = arith.addi %parallel_loop3A_148, %parallel_loop3A_149 : i32
          %parallel_loop3A_151 = arith.constant 1 : i32
          %parallel_loop3A_152 = arith.addi %parallel_loop3A_150, %parallel_loop3A_151 : i32
          %parallel_loop3A_153 = vector.broadcast %parallel_loop3A_152 : i32 to vector<16xi32>
          %parallel_loop3A_154 = arith.addi %mul3A_3, %parallel_loop3A_153 : vector<16xi32>
          %parallel_loop3A_155 = tpu.vector_load_idx %arg8[%parallel_loop3A_154] : memref<5376xi32, #tpu.memory_space<vmem>>[vector<16xi32>], vector<16xi32>,
          %parallel_loop3A_156 = tpu.vector_load_idx %arg5[%parallel_loop3A_155] : memref<100000xf32, #tpu.memory_space<vmem>>[vector<16xi32>], vector<16xf32>,
          %parallel_loop3A_157 = arith.addf %parallel_loop3A_145, %parallel_loop3A_156 : vector<16xf32>
          %parallel_loop3A_158 = arith.constant 42 : i32
          %parallel_loop3A_159 = arith.muli %parallel_loop3A_131, %parallel_loop3A_158 : i32
          %parallel_loop3A_160 = arith.addi %sub3A, %parallel_loop3A_159 : i32
          %parallel_loop3A_161 = arith.constant 18 : i32
          %parallel_loop3A_162 = arith.addi %parallel_loop3A_160, %parallel_loop3A_161 : i32
          %parallel_loop3A_163 = arith.constant 2 : i32
          %parallel_loop3A_164 = arith.addi %parallel_loop3A_162, %parallel_loop3A_163 : i32
          %parallel_loop3A_165 = vector.broadcast %parallel_loop3A_164 : i32 to vector<16xi32>
          %parallel_loop3A_166 = arith.addi %mul3A_3, %parallel_loop3A_165 : vector<16xi32>
          %parallel_loop3A_167 = tpu.vector_load_idx %arg8[%parallel_loop3A_166] : memref<5376xi32, #tpu.memory_space<vmem>>[vector<16xi32>], vector<16xi32>,
          %parallel_loop3A_168 = tpu.vector_load_idx %arg5[%parallel_loop3A_167] : memref<100000xf32, #tpu.memory_space<vmem>>[vector<16xi32>], vector<16xf32>,
          %parallel_loop3A_169 = arith.addf %parallel_loop3A_157, %parallel_loop3A_168 : vector<16xf32>
          %parallel_loop3A_170 = arith.constant 42 : i32
          %parallel_loop3A_171 = arith.muli %parallel_loop3A_131, %parallel_loop3A_170 : i32
          %parallel_loop3A_172 = arith.addi %sub3A, %parallel_loop3A_171 : i32
          %parallel_loop3A_173 = arith.constant 18 : i32
          %parallel_loop3A_174 = arith.addi %parallel_loop3A_172, %parallel_loop3A_173 : i32
          %parallel_loop3A_175 = arith.constant 3 : i32
          %parallel_loop3A_176 = arith.addi %parallel_loop3A_174, %parallel_loop3A_175 : i32
          %parallel_loop3A_177 = vector.broadcast %parallel_loop3A_176 : i32 to vector<16xi32>
          %parallel_loop3A_178 = arith.addi %mul3A_3, %parallel_loop3A_177 : vector<16xi32>
          %parallel_loop3A_179 = tpu.vector_load_idx %arg8[%parallel_loop3A_178] : memref<5376xi32, #tpu.memory_space<vmem>>[vector<16xi32>], vector<16xi32>,
          %parallel_loop3A_180 = tpu.vector_load_idx %arg5[%parallel_loop3A_179] : memref<100000xf32, #tpu.memory_space<vmem>>[vector<16xi32>], vector<16xf32>,
          %parallel_loop3A_181 = arith.addf %parallel_loop3A_169, %parallel_loop3A_180 : vector<16xf32>
          %parallel_loop3A_182 = arith.constant 42 : i32
          %parallel_loop3A_183 = arith.muli %parallel_loop3A_131, %parallel_loop3A_182 : i32
          %parallel_loop3A_184 = arith.addi %sub3A, %parallel_loop3A_183 : i32
          %parallel_loop3A_185 = arith.constant 18 : i32
          %parallel_loop3A_186 = arith.addi %parallel_loop3A_184, %parallel_loop3A_185 : i32
          %parallel_loop3A_187 = arith.constant 4 : i32
          %parallel_loop3A_188 = arith.addi %parallel_loop3A_186, %parallel_loop3A_187 : i32
          %parallel_loop3A_189 = vector.broadcast %parallel_loop3A_188 : i32 to vector<16xi32>
          %parallel_loop3A_190 = arith.addi %mul3A_3, %parallel_loop3A_189 : vector<16xi32>
          %parallel_loop3A_191 = tpu.vector_load_idx %arg8[%parallel_loop3A_190] : memref<5376xi32, #tpu.memory_space<vmem>>[vector<16xi32>], vector<16xi32>,
          %parallel_loop3A_192 = tpu.vector_load_idx %arg5[%parallel_loop3A_191] : memref<100000xf32, #tpu.memory_space<vmem>>[vector<16xi32>], vector<16xf32>,
          %parallel_loop3A_193 = arith.addf %parallel_loop3A_181, %parallel_loop3A_192 : vector<16xf32>
          %parallel_loop3A_194 = arith.constant 42 : i32
          %parallel_loop3A_195 = arith.muli %parallel_loop3A_131, %parallel_loop3A_194 : i32
          %parallel_loop3A_196 = arith.addi %sub3A, %parallel_loop3A_195 : i32
          %parallel_loop3A_197 = arith.constant 18 : i32
          %parallel_loop3A_198 = arith.addi %parallel_loop3A_196, %parallel_loop3A_197 : i32
          %parallel_loop3A_199 = arith.constant 5 : i32
          %parallel_loop3A_200 = arith.addi %parallel_loop3A_198, %parallel_loop3A_199 : i32
          %parallel_loop3A_201 = vector.broadcast %parallel_loop3A_200 : i32 to vector<16xi32>
          %parallel_loop3A_202 = arith.addi %mul3A_3, %parallel_loop3A_201 : vector<16xi32>
          %parallel_loop3A_203 = tpu.vector_load_idx %arg8[%parallel_loop3A_202] : memref<5376xi32, #tpu.memory_space<vmem>>[vector<16xi32>], vector<16xi32>,
          %parallel_loop3A_204 = tpu.vector_load_idx %arg5[%parallel_loop3A_203] : memref<100000xf32, #tpu.memory_space<vmem>>[vector<16xi32>], vector<16xf32>,
          %parallel_loop3A_205 = arith.addf %parallel_loop3A_193, %parallel_loop3A_204 : vector<16xf32>
          %parallel_loop3A_206 = arith.constant 0.166666672 : f32
          %parallel_loop3A_207 = vector.broadcast %parallel_loop3A_206 : f32 to vector<16xf32>
          %parallel_loop3A_208 = arith.mulf %parallel_loop3A_205, %parallel_loop3A_207 : vector<16xf32>
          %parallel_loop3A_209 = arith.constant 3 : i32
          %parallel_loop3A_210 = arith.index_cast %parallel_loop3A_209 : i32 to index
          %parallel_loop3A_211 = arith.index_cast %parallel_loop3A_131 : i32 to index
          %parallel_loop3A_212 = tpu.vector_load %arg10[%parallel_loop3A_210, %parallel_loop3A_211] {strides = array<i32>} : memref<7x128xf32, #tpu.memory_space<vmem>>, vector<16xf32>,
          tpu.vector_store %arg10[%parallel_loop3A_210, %parallel_loop3A_211], %parallel_loop3A_208 {strides = array<i32>} : memref<7x128xf32, #tpu.memory_space<vmem>>, vector<16xf32>,
        } {sc.loop_unroll_factor = 2 : i64, sc.parallel_access}
        %parallel_loop3A_105 = arith.constant 0 : i32
        %parallel_loop3A_106 = arith.constant 1 : i32
        scf.for %parallel_loop3A_129 = %parallel_loop3A_105 to %select_n3A step %parallel_loop3A_106  : i32 {
          %parallel_loop3A_130 = arith.constant 16 : i32
          %parallel_loop3A_131 = arith.muli %parallel_loop3A_129, %parallel_loop3A_130 : i32
          %parallel_loop3A_132 = arith.constant 0.000000e+00 : f32
          %parallel_loop3A_133 = vector.broadcast %parallel_loop3A_132 : f32 to vector<16xf32>
          %parallel_loop3A_134 = arith.constant 42 : i32
          %parallel_loop3A_135 = arith.muli %parallel_loop3A_131, %parallel_loop3A_134 : i32
          %parallel_loop3A_136 = arith.addi %sub3A, %parallel_loop3A_135 : i32
          %parallel_loop3A_137 = arith.constant 24 : i32
          %parallel_loop3A_138 = arith.addi %parallel_loop3A_136, %parallel_loop3A_137 : i32
          %parallel_loop3A_139 = arith.constant 0 : i32
          %parallel_loop3A_140 = arith.addi %parallel_loop3A_138, %parallel_loop3A_139 : i32
          %parallel_loop3A_141 = vector.broadcast %parallel_loop3A_140 : i32 to vector<16xi32>
          %parallel_loop3A_142 = arith.addi %mul3A_3, %parallel_loop3A_141 : vector<16xi32>
          %parallel_loop3A_143 = tpu.vector_load_idx %arg8[%parallel_loop3A_142] : memref<5376xi32, #tpu.memory_space<vmem>>[vector<16xi32>], vector<16xi32>,
          %parallel_loop3A_144 = tpu.vector_load_idx %arg5[%parallel_loop3A_143] : memref<100000xf32, #tpu.memory_space<vmem>>[vector<16xi32>], vector<16xf32>,
          %parallel_loop3A_145 = arith.addf %parallel_loop3A_133, %parallel_loop3A_144 : vector<16xf32>
          %parallel_loop3A_146 = arith.constant 42 : i32
          %parallel_loop3A_147 = arith.muli %parallel_loop3A_131, %parallel_loop3A_146 : i32
          %parallel_loop3A_148 = arith.addi %sub3A, %parallel_loop3A_147 : i32
          %parallel_loop3A_149 = arith.constant 24 : i32
          %parallel_loop3A_150 = arith.addi %parallel_loop3A_148, %parallel_loop3A_149 : i32
          %parallel_loop3A_151 = arith.constant 1 : i32
          %parallel_loop3A_152 = arith.addi %parallel_loop3A_150, %parallel_loop3A_151 : i32
          %parallel_loop3A_153 = vector.broadcast %parallel_loop3A_152 : i32 to vector<16xi32>
          %parallel_loop3A_154 = arith.addi %mul3A_3, %parallel_loop3A_153 : vector<16xi32>
          %parallel_loop3A_155 = tpu.vector_load_idx %arg8[%parallel_loop3A_154] : memref<5376xi32, #tpu.memory_space<vmem>>[vector<16xi32>], vector<16xi32>,
          %parallel_loop3A_156 = tpu.vector_load_idx %arg5[%parallel_loop3A_155] : memref<100000xf32, #tpu.memory_space<vmem>>[vector<16xi32>], vector<16xf32>,
          %parallel_loop3A_157 = arith.addf %parallel_loop3A_145, %parallel_loop3A_156 : vector<16xf32>
          %parallel_loop3A_158 = arith.constant 42 : i32
          %parallel_loop3A_159 = arith.muli %parallel_loop3A_131, %parallel_loop3A_158 : i32
          %parallel_loop3A_160 = arith.addi %sub3A, %parallel_loop3A_159 : i32
          %parallel_loop3A_161 = arith.constant 24 : i32
          %parallel_loop3A_162 = arith.addi %parallel_loop3A_160, %parallel_loop3A_161 : i32
          %parallel_loop3A_163 = arith.constant 2 : i32
          %parallel_loop3A_164 = arith.addi %parallel_loop3A_162, %parallel_loop3A_163 : i32
          %parallel_loop3A_165 = vector.broadcast %parallel_loop3A_164 : i32 to vector<16xi32>
          %parallel_loop3A_166 = arith.addi %mul3A_3, %parallel_loop3A_165 : vector<16xi32>
          %parallel_loop3A_167 = tpu.vector_load_idx %arg8[%parallel_loop3A_166] : memref<5376xi32, #tpu.memory_space<vmem>>[vector<16xi32>], vector<16xi32>,
          %parallel_loop3A_168 = tpu.vector_load_idx %arg5[%parallel_loop3A_167] : memref<100000xf32, #tpu.memory_space<vmem>>[vector<16xi32>], vector<16xf32>,
          %parallel_loop3A_169 = arith.addf %parallel_loop3A_157, %parallel_loop3A_168 : vector<16xf32>
          %parallel_loop3A_170 = arith.constant 42 : i32
          %parallel_loop3A_171 = arith.muli %parallel_loop3A_131, %parallel_loop3A_170 : i32
          %parallel_loop3A_172 = arith.addi %sub3A, %parallel_loop3A_171 : i32
          %parallel_loop3A_173 = arith.constant 24 : i32
          %parallel_loop3A_174 = arith.addi %parallel_loop3A_172, %parallel_loop3A_173 : i32
          %parallel_loop3A_175 = arith.constant 3 : i32
          %parallel_loop3A_176 = arith.addi %parallel_loop3A_174, %parallel_loop3A_175 : i32
          %parallel_loop3A_177 = vector.broadcast %parallel_loop3A_176 : i32 to vector<16xi32>
          %parallel_loop3A_178 = arith.addi %mul3A_3, %parallel_loop3A_177 : vector<16xi32>
          %parallel_loop3A_179 = tpu.vector_load_idx %arg8[%parallel_loop3A_178] : memref<5376xi32, #tpu.memory_space<vmem>>[vector<16xi32>], vector<16xi32>,
          %parallel_loop3A_180 = tpu.vector_load_idx %arg5[%parallel_loop3A_179] : memref<100000xf32, #tpu.memory_space<vmem>>[vector<16xi32>], vector<16xf32>,
          %parallel_loop3A_181 = arith.addf %parallel_loop3A_169, %parallel_loop3A_180 : vector<16xf32>
          %parallel_loop3A_182 = arith.constant 42 : i32
          %parallel_loop3A_183 = arith.muli %parallel_loop3A_131, %parallel_loop3A_182 : i32
          %parallel_loop3A_184 = arith.addi %sub3A, %parallel_loop3A_183 : i32
          %parallel_loop3A_185 = arith.constant 24 : i32
          %parallel_loop3A_186 = arith.addi %parallel_loop3A_184, %parallel_loop3A_185 : i32
          %parallel_loop3A_187 = arith.constant 4 : i32
          %parallel_loop3A_188 = arith.addi %parallel_loop3A_186, %parallel_loop3A_187 : i32
          %parallel_loop3A_189 = vector.broadcast %parallel_loop3A_188 : i32 to vector<16xi32>
          %parallel_loop3A_190 = arith.addi %mul3A_3, %parallel_loop3A_189 : vector<16xi32>
          %parallel_loop3A_191 = tpu.vector_load_idx %arg8[%parallel_loop3A_190] : memref<5376xi32, #tpu.memory_space<vmem>>[vector<16xi32>], vector<16xi32>,
          %parallel_loop3A_192 = tpu.vector_load_idx %arg5[%parallel_loop3A_191] : memref<100000xf32, #tpu.memory_space<vmem>>[vector<16xi32>], vector<16xf32>,
          %parallel_loop3A_193 = arith.addf %parallel_loop3A_181, %parallel_loop3A_192 : vector<16xf32>
          %parallel_loop3A_194 = arith.constant 42 : i32
          %parallel_loop3A_195 = arith.muli %parallel_loop3A_131, %parallel_loop3A_194 : i32
          %parallel_loop3A_196 = arith.addi %sub3A, %parallel_loop3A_195 : i32
          %parallel_loop3A_197 = arith.constant 24 : i32
          %parallel_loop3A_198 = arith.addi %parallel_loop3A_196, %parallel_loop3A_197 : i32
          %parallel_loop3A_199 = arith.constant 5 : i32
          %parallel_loop3A_200 = arith.addi %parallel_loop3A_198, %parallel_loop3A_199 : i32
          %parallel_loop3A_201 = vector.broadcast %parallel_loop3A_200 : i32 to vector<16xi32>
          %parallel_loop3A_202 = arith.addi %mul3A_3, %parallel_loop3A_201 : vector<16xi32>
          %parallel_loop3A_203 = tpu.vector_load_idx %arg8[%parallel_loop3A_202] : memref<5376xi32, #tpu.memory_space<vmem>>[vector<16xi32>], vector<16xi32>,
          %parallel_loop3A_204 = tpu.vector_load_idx %arg5[%parallel_loop3A_203] : memref<100000xf32, #tpu.memory_space<vmem>>[vector<16xi32>], vector<16xf32>,
          %parallel_loop3A_205 = arith.addf %parallel_loop3A_193, %parallel_loop3A_204 : vector<16xf32>
          %parallel_loop3A_206 = arith.constant 0.166666672 : f32
          %parallel_loop3A_207 = vector.broadcast %parallel_loop3A_206 : f32 to vector<16xf32>
          %parallel_loop3A_208 = arith.mulf %parallel_loop3A_205, %parallel_loop3A_207 : vector<16xf32>
          %parallel_loop3A_209 = arith.constant 4 : i32
          %parallel_loop3A_210 = arith.index_cast %parallel_loop3A_209 : i32 to index
          %parallel_loop3A_211 = arith.index_cast %parallel_loop3A_131 : i32 to index
          %parallel_loop3A_212 = tpu.vector_load %arg10[%parallel_loop3A_210, %parallel_loop3A_211] {strides = array<i32>} : memref<7x128xf32, #tpu.memory_space<vmem>>, vector<16xf32>,
          tpu.vector_store %arg10[%parallel_loop3A_210, %parallel_loop3A_211], %parallel_loop3A_208 {strides = array<i32>} : memref<7x128xf32, #tpu.memory_space<vmem>>, vector<16xf32>,
        } {sc.loop_unroll_factor = 2 : i64, sc.parallel_access}
        %parallel_loop3A_107 = arith.constant 0 : i32
        %parallel_loop3A_108 = arith.constant 1 : i32
        scf.for %parallel_loop3A_129 = %parallel_loop3A_107 to %select_n3A step %parallel_loop3A_108  : i32 {
          %parallel_loop3A_130 = arith.constant 16 : i32
          %parallel_loop3A_131 = arith.muli %parallel_loop3A_129, %parallel_loop3A_130 : i32
          %parallel_loop3A_132 = arith.constant 0.000000e+00 : f32
          %parallel_loop3A_133 = vector.broadcast %parallel_loop3A_132 : f32 to vector<16xf32>
          %parallel_loop3A_134 = arith.constant 42 : i32
          %parallel_loop3A_135 = arith.muli %parallel_loop3A_131, %parallel_loop3A_134 : i32
          %parallel_loop3A_136 = arith.addi %sub3A, %parallel_loop3A_135 : i32
          %parallel_loop3A_137 = arith.constant 30 : i32
          %parallel_loop3A_138 = arith.addi %parallel_loop3A_136, %parallel_loop3A_137 : i32
          %parallel_loop3A_139 = arith.constant 0 : i32
          %parallel_loop3A_140 = arith.addi %parallel_loop3A_138, %parallel_loop3A_139 : i32
          %parallel_loop3A_141 = vector.broadcast %parallel_loop3A_140 : i32 to vector<16xi32>
          %parallel_loop3A_142 = arith.addi %mul3A_3, %parallel_loop3A_141 : vector<16xi32>
          %parallel_loop3A_143 = tpu.vector_load_idx %arg8[%parallel_loop3A_142] : memref<5376xi32, #tpu.memory_space<vmem>>[vector<16xi32>], vector<16xi32>,
          %parallel_loop3A_144 = tpu.vector_load_idx %arg5[%parallel_loop3A_143] : memref<100000xf32, #tpu.memory_space<vmem>>[vector<16xi32>], vector<16xf32>,
          %parallel_loop3A_145 = arith.addf %parallel_loop3A_133, %parallel_loop3A_144 : vector<16xf32>
          %parallel_loop3A_146 = arith.constant 42 : i32
          %parallel_loop3A_147 = arith.muli %parallel_loop3A_131, %parallel_loop3A_146 : i32
          %parallel_loop3A_148 = arith.addi %sub3A, %parallel_loop3A_147 : i32
          %parallel_loop3A_149 = arith.constant 30 : i32
          %parallel_loop3A_150 = arith.addi %parallel_loop3A_148, %parallel_loop3A_149 : i32
          %parallel_loop3A_151 = arith.constant 1 : i32
          %parallel_loop3A_152 = arith.addi %parallel_loop3A_150, %parallel_loop3A_151 : i32
          %parallel_loop3A_153 = vector.broadcast %parallel_loop3A_152 : i32 to vector<16xi32>
          %parallel_loop3A_154 = arith.addi %mul3A_3, %parallel_loop3A_153 : vector<16xi32>
          %parallel_loop3A_155 = tpu.vector_load_idx %arg8[%parallel_loop3A_154] : memref<5376xi32, #tpu.memory_space<vmem>>[vector<16xi32>], vector<16xi32>,
          %parallel_loop3A_156 = tpu.vector_load_idx %arg5[%parallel_loop3A_155] : memref<100000xf32, #tpu.memory_space<vmem>>[vector<16xi32>], vector<16xf32>,
          %parallel_loop3A_157 = arith.addf %parallel_loop3A_145, %parallel_loop3A_156 : vector<16xf32>
          %parallel_loop3A_158 = arith.constant 42 : i32
          %parallel_loop3A_159 = arith.muli %parallel_loop3A_131, %parallel_loop3A_158 : i32
          %parallel_loop3A_160 = arith.addi %sub3A, %parallel_loop3A_159 : i32
          %parallel_loop3A_161 = arith.constant 30 : i32
          %parallel_loop3A_162 = arith.addi %parallel_loop3A_160, %parallel_loop3A_161 : i32
          %parallel_loop3A_163 = arith.constant 2 : i32
          %parallel_loop3A_164 = arith.addi %parallel_loop3A_162, %parallel_loop3A_163 : i32
          %parallel_loop3A_165 = vector.broadcast %parallel_loop3A_164 : i32 to vector<16xi32>
          %parallel_loop3A_166 = arith.addi %mul3A_3, %parallel_loop3A_165 : vector<16xi32>
          %parallel_loop3A_167 = tpu.vector_load_idx %arg8[%parallel_loop3A_166] : memref<5376xi32, #tpu.memory_space<vmem>>[vector<16xi32>], vector<16xi32>,
          %parallel_loop3A_168 = tpu.vector_load_idx %arg5[%parallel_loop3A_167] : memref<100000xf32, #tpu.memory_space<vmem>>[vector<16xi32>], vector<16xf32>,
          %parallel_loop3A_169 = arith.addf %parallel_loop3A_157, %parallel_loop3A_168 : vector<16xf32>
          %parallel_loop3A_170 = arith.constant 42 : i32
          %parallel_loop3A_171 = arith.muli %parallel_loop3A_131, %parallel_loop3A_170 : i32
          %parallel_loop3A_172 = arith.addi %sub3A, %parallel_loop3A_171 : i32
          %parallel_loop3A_173 = arith.constant 30 : i32
          %parallel_loop3A_174 = arith.addi %parallel_loop3A_172, %parallel_loop3A_173 : i32
          %parallel_loop3A_175 = arith.constant 3 : i32
          %parallel_loop3A_176 = arith.addi %parallel_loop3A_174, %parallel_loop3A_175 : i32
          %parallel_loop3A_177 = vector.broadcast %parallel_loop3A_176 : i32 to vector<16xi32>
          %parallel_loop3A_178 = arith.addi %mul3A_3, %parallel_loop3A_177 : vector<16xi32>
          %parallel_loop3A_179 = tpu.vector_load_idx %arg8[%parallel_loop3A_178] : memref<5376xi32, #tpu.memory_space<vmem>>[vector<16xi32>], vector<16xi32>,
          %parallel_loop3A_180 = tpu.vector_load_idx %arg5[%parallel_loop3A_179] : memref<100000xf32, #tpu.memory_space<vmem>>[vector<16xi32>], vector<16xf32>,
          %parallel_loop3A_181 = arith.addf %parallel_loop3A_169, %parallel_loop3A_180 : vector<16xf32>
          %parallel_loop3A_182 = arith.constant 42 : i32
          %parallel_loop3A_183 = arith.muli %parallel_loop3A_131, %parallel_loop3A_182 : i32
          %parallel_loop3A_184 = arith.addi %sub3A, %parallel_loop3A_183 : i32
          %parallel_loop3A_185 = arith.constant 30 : i32
          %parallel_loop3A_186 = arith.addi %parallel_loop3A_184, %parallel_loop3A_185 : i32
          %parallel_loop3A_187 = arith.constant 4 : i32
          %parallel_loop3A_188 = arith.addi %parallel_loop3A_186, %parallel_loop3A_187 : i32
          %parallel_loop3A_189 = vector.broadcast %parallel_loop3A_188 : i32 to vector<16xi32>
          %parallel_loop3A_190 = arith.addi %mul3A_3, %parallel_loop3A_189 : vector<16xi32>
          %parallel_loop3A_191 = tpu.vector_load_idx %arg8[%parallel_loop3A_190] : memref<5376xi32, #tpu.memory_space<vmem>>[vector<16xi32>], vector<16xi32>,
          %parallel_loop3A_192 = tpu.vector_load_idx %arg5[%parallel_loop3A_191] : memref<100000xf32, #tpu.memory_space<vmem>>[vector<16xi32>], vector<16xf32>,
          %parallel_loop3A_193 = arith.addf %parallel_loop3A_181, %parallel_loop3A_192 : vector<16xf32>
          %parallel_loop3A_194 = arith.constant 42 : i32
          %parallel_loop3A_195 = arith.muli %parallel_loop3A_131, %parallel_loop3A_194 : i32
          %parallel_loop3A_196 = arith.addi %sub3A, %parallel_loop3A_195 : i32
          %parallel_loop3A_197 = arith.constant 30 : i32
          %parallel_loop3A_198 = arith.addi %parallel_loop3A_196, %parallel_loop3A_197 : i32
          %parallel_loop3A_199 = arith.constant 5 : i32
          %parallel_loop3A_200 = arith.addi %parallel_loop3A_198, %parallel_loop3A_199 : i32
          %parallel_loop3A_201 = vector.broadcast %parallel_loop3A_200 : i32 to vector<16xi32>
          %parallel_loop3A_202 = arith.addi %mul3A_3, %parallel_loop3A_201 : vector<16xi32>
          %parallel_loop3A_203 = tpu.vector_load_idx %arg8[%parallel_loop3A_202] : memref<5376xi32, #tpu.memory_space<vmem>>[vector<16xi32>], vector<16xi32>,
          %parallel_loop3A_204 = tpu.vector_load_idx %arg5[%parallel_loop3A_203] : memref<100000xf32, #tpu.memory_space<vmem>>[vector<16xi32>], vector<16xf32>,
          %parallel_loop3A_205 = arith.addf %parallel_loop3A_193, %parallel_loop3A_204 : vector<16xf32>
          %parallel_loop3A_206 = arith.constant 0.166666672 : f32
          %parallel_loop3A_207 = vector.broadcast %parallel_loop3A_206 : f32 to vector<16xf32>
          %parallel_loop3A_208 = arith.mulf %parallel_loop3A_205, %parallel_loop3A_207 : vector<16xf32>
          %parallel_loop3A_209 = arith.constant 5 : i32
          %parallel_loop3A_210 = arith.index_cast %parallel_loop3A_209 : i32 to index
          %parallel_loop3A_211 = arith.index_cast %parallel_loop3A_131 : i32 to index
          %parallel_loop3A_212 = tpu.vector_load %arg10[%parallel_loop3A_210, %parallel_loop3A_211] {strides = array<i32>} : memref<7x128xf32, #tpu.memory_space<vmem>>, vector<16xf32>,
          tpu.vector_store %arg10[%parallel_loop3A_210, %parallel_loop3A_211], %parallel_loop3A_208 {strides = array<i32>} : memref<7x128xf32, #tpu.memory_space<vmem>>, vector<16xf32>,
        } {sc.loop_unroll_factor = 2 : i64, sc.parallel_access}
        %parallel_loop3A_109 = arith.constant 0 : i32
        %parallel_loop3A_110 = arith.constant 1 : i32
        scf.for %parallel_loop3A_129 = %parallel_loop3A_109 to %select_n3A step %parallel_loop3A_110  : i32 {
          %parallel_loop3A_130 = arith.constant 16 : i32
          %parallel_loop3A_131 = arith.muli %parallel_loop3A_129, %parallel_loop3A_130 : i32
          %parallel_loop3A_132 = arith.constant 0.000000e+00 : f32
          %parallel_loop3A_133 = vector.broadcast %parallel_loop3A_132 : f32 to vector<16xf32>
          %parallel_loop3A_134 = arith.constant 42 : i32
          %parallel_loop3A_135 = arith.muli %parallel_loop3A_131, %parallel_loop3A_134 : i32
          %parallel_loop3A_136 = arith.addi %sub3A, %parallel_loop3A_135 : i32
          %parallel_loop3A_137 = arith.constant 36 : i32
          %parallel_loop3A_138 = arith.addi %parallel_loop3A_136, %parallel_loop3A_137 : i32
          %parallel_loop3A_139 = arith.constant 0 : i32
          %parallel_loop3A_140 = arith.addi %parallel_loop3A_138, %parallel_loop3A_139 : i32
          %parallel_loop3A_141 = vector.broadcast %parallel_loop3A_140 : i32 to vector<16xi32>
          %parallel_loop3A_142 = arith.addi %mul3A_3, %parallel_loop3A_141 : vector<16xi32>
          %parallel_loop3A_143 = tpu.vector_load_idx %arg8[%parallel_loop3A_142] : memref<5376xi32, #tpu.memory_space<vmem>>[vector<16xi32>], vector<16xi32>,
          %parallel_loop3A_144 = tpu.vector_load_idx %arg5[%parallel_loop3A_143] : memref<100000xf32, #tpu.memory_space<vmem>>[vector<16xi32>], vector<16xf32>,
          %parallel_loop3A_145 = arith.addf %parallel_loop3A_133, %parallel_loop3A_144 : vector<16xf32>
          %parallel_loop3A_146 = arith.constant 42 : i32
          %parallel_loop3A_147 = arith.muli %parallel_loop3A_131, %parallel_loop3A_146 : i32
          %parallel_loop3A_148 = arith.addi %sub3A, %parallel_loop3A_147 : i32
          %parallel_loop3A_149 = arith.constant 36 : i32
          %parallel_loop3A_150 = arith.addi %parallel_loop3A_148, %parallel_loop3A_149 : i32
          %parallel_loop3A_151 = arith.constant 1 : i32
          %parallel_loop3A_152 = arith.addi %parallel_loop3A_150, %parallel_loop3A_151 : i32
          %parallel_loop3A_153 = vector.broadcast %parallel_loop3A_152 : i32 to vector<16xi32>
          %parallel_loop3A_154 = arith.addi %mul3A_3, %parallel_loop3A_153 : vector<16xi32>
          %parallel_loop3A_155 = tpu.vector_load_idx %arg8[%parallel_loop3A_154] : memref<5376xi32, #tpu.memory_space<vmem>>[vector<16xi32>], vector<16xi32>,
          %parallel_loop3A_156 = tpu.vector_load_idx %arg5[%parallel_loop3A_155] : memref<100000xf32, #tpu.memory_space<vmem>>[vector<16xi32>], vector<16xf32>,
          %parallel_loop3A_157 = arith.addf %parallel_loop3A_145, %parallel_loop3A_156 : vector<16xf32>
          %parallel_loop3A_158 = arith.constant 42 : i32
          %parallel_loop3A_159 = arith.muli %parallel_loop3A_131, %parallel_loop3A_158 : i32
          %parallel_loop3A_160 = arith.addi %sub3A, %parallel_loop3A_159 : i32
          %parallel_loop3A_161 = arith.constant 36 : i32
          %parallel_loop3A_162 = arith.addi %parallel_loop3A_160, %parallel_loop3A_161 : i32
          %parallel_loop3A_163 = arith.constant 2 : i32
          %parallel_loop3A_164 = arith.addi %parallel_loop3A_162, %parallel_loop3A_163 : i32
          %parallel_loop3A_165 = vector.broadcast %parallel_loop3A_164 : i32 to vector<16xi32>
          %parallel_loop3A_166 = arith.addi %mul3A_3, %parallel_loop3A_165 : vector<16xi32>
          %parallel_loop3A_167 = tpu.vector_load_idx %arg8[%parallel_loop3A_166] : memref<5376xi32, #tpu.memory_space<vmem>>[vector<16xi32>], vector<16xi32>,
          %parallel_loop3A_168 = tpu.vector_load_idx %arg5[%parallel_loop3A_167] : memref<100000xf32, #tpu.memory_space<vmem>>[vector<16xi32>], vector<16xf32>,
          %parallel_loop3A_169 = arith.addf %parallel_loop3A_157, %parallel_loop3A_168 : vector<16xf32>
          %parallel_loop3A_170 = arith.constant 42 : i32
          %parallel_loop3A_171 = arith.muli %parallel_loop3A_131, %parallel_loop3A_170 : i32
          %parallel_loop3A_172 = arith.addi %sub3A, %parallel_loop3A_171 : i32
          %parallel_loop3A_173 = arith.constant 36 : i32
          %parallel_loop3A_174 = arith.addi %parallel_loop3A_172, %parallel_loop3A_173 : i32
          %parallel_loop3A_175 = arith.constant 3 : i32
          %parallel_loop3A_176 = arith.addi %parallel_loop3A_174, %parallel_loop3A_175 : i32
          %parallel_loop3A_177 = vector.broadcast %parallel_loop3A_176 : i32 to vector<16xi32>
          %parallel_loop3A_178 = arith.addi %mul3A_3, %parallel_loop3A_177 : vector<16xi32>
          %parallel_loop3A_179 = tpu.vector_load_idx %arg8[%parallel_loop3A_178] : memref<5376xi32, #tpu.memory_space<vmem>>[vector<16xi32>], vector<16xi32>,
          %parallel_loop3A_180 = tpu.vector_load_idx %arg5[%parallel_loop3A_179] : memref<100000xf32, #tpu.memory_space<vmem>>[vector<16xi32>], vector<16xf32>,
          %parallel_loop3A_181 = arith.addf %parallel_loop3A_169, %parallel_loop3A_180 : vector<16xf32>
          %parallel_loop3A_182 = arith.constant 42 : i32
          %parallel_loop3A_183 = arith.muli %parallel_loop3A_131, %parallel_loop3A_182 : i32
          %parallel_loop3A_184 = arith.addi %sub3A, %parallel_loop3A_183 : i32
          %parallel_loop3A_185 = arith.constant 36 : i32
          %parallel_loop3A_186 = arith.addi %parallel_loop3A_184, %parallel_loop3A_185 : i32
          %parallel_loop3A_187 = arith.constant 4 : i32
          %parallel_loop3A_188 = arith.addi %parallel_loop3A_186, %parallel_loop3A_187 : i32
          %parallel_loop3A_189 = vector.broadcast %parallel_loop3A_188 : i32 to vector<16xi32>
          %parallel_loop3A_190 = arith.addi %mul3A_3, %parallel_loop3A_189 : vector<16xi32>
          %parallel_loop3A_191 = tpu.vector_load_idx %arg8[%parallel_loop3A_190] : memref<5376xi32, #tpu.memory_space<vmem>>[vector<16xi32>], vector<16xi32>,
          %parallel_loop3A_192 = tpu.vector_load_idx %arg5[%parallel_loop3A_191] : memref<100000xf32, #tpu.memory_space<vmem>>[vector<16xi32>], vector<16xf32>,
          %parallel_loop3A_193 = arith.addf %parallel_loop3A_181, %parallel_loop3A_192 : vector<16xf32>
          %parallel_loop3A_194 = arith.constant 42 : i32
          %parallel_loop3A_195 = arith.muli %parallel_loop3A_131, %parallel_loop3A_194 : i32
          %parallel_loop3A_196 = arith.addi %sub3A, %parallel_loop3A_195 : i32
          %parallel_loop3A_197 = arith.constant 36 : i32
          %parallel_loop3A_198 = arith.addi %parallel_loop3A_196, %parallel_loop3A_197 : i32
          %parallel_loop3A_199 = arith.constant 5 : i32
          %parallel_loop3A_200 = arith.addi %parallel_loop3A_198, %parallel_loop3A_199 : i32
          %parallel_loop3A_201 = vector.broadcast %parallel_loop3A_200 : i32 to vector<16xi32>
          %parallel_loop3A_202 = arith.addi %mul3A_3, %parallel_loop3A_201 : vector<16xi32>
          %parallel_loop3A_203 = tpu.vector_load_idx %arg8[%parallel_loop3A_202] : memref<5376xi32, #tpu.memory_space<vmem>>[vector<16xi32>], vector<16xi32>,
          %parallel_loop3A_204 = tpu.vector_load_idx %arg5[%parallel_loop3A_203] : memref<100000xf32, #tpu.memory_space<vmem>>[vector<16xi32>], vector<16xf32>,
          %parallel_loop3A_205 = arith.addf %parallel_loop3A_193, %parallel_loop3A_204 : vector<16xf32>
          %parallel_loop3A_206 = arith.constant 0.166666672 : f32
          %parallel_loop3A_207 = vector.broadcast %parallel_loop3A_206 : f32 to vector<16xf32>
          %parallel_loop3A_208 = arith.mulf %parallel_loop3A_205, %parallel_loop3A_207 : vector<16xf32>
          %parallel_loop3A_209 = arith.constant 6 : i32
          %parallel_loop3A_210 = arith.index_cast %parallel_loop3A_209 : i32 to index
          %parallel_loop3A_211 = arith.index_cast %parallel_loop3A_131 : i32 to index
          %parallel_loop3A_212 = tpu.vector_load %arg10[%parallel_loop3A_210, %parallel_loop3A_211] {strides = array<i32>} : memref<7x128xf32, #tpu.memory_space<vmem>>, vector<16xf32>,
          tpu.vector_store %arg10[%parallel_loop3A_210, %parallel_loop3A_211], %parallel_loop3A_208 {strides = array<i32>} : memref<7x128xf32, #tpu.memory_space<vmem>>, vector<16xf32>,
        } {sc.loop_unroll_factor = 2 : i64, sc.parallel_access}
        %mul3A_111 = arith.constant 32 : i32
        %mul3A_112 = arith.muli %mul3A_111, %add3A_63 : i32
        %add3A_113 = arith.addi %add3A, %mul3A_112 : i32
        %min3A_114 = arith.constant 781 : i32
        %min3A_115 = arith.minsi %add3A_113, %min3A_114 : i32
        %mul3A_116 = arith.constant 128 : i32
        %mul3A_117 = arith.muli %min3A_115, %mul3A_116 : i32
        %dma_start3A_118 = arith.constant 0 : i32
        %dma_start3A_119 = tpu.memref_slice %arg4[%dma_start3A_118, %mul3A_117] : memref<7x100096xf32, #tpu.memory_space<hbm>> -> memref<7x128xf32, #tpu.memory_space<hbm>>
        %dma_start3A_120 = arith.constant 0 : i32
        %dma_start3A_121 = tpu.memref_slice %arg4[%dma_start3A_120, %mul3A_117] : memref<7x100096xf32, #tpu.memory_space<hbm>> -> memref<7x128xf32, #tpu.memory_space<hbm>>
        tpu.enqueue_dma source(%arg10 : memref<7x128xf32, #tpu.memory_space<vmem>>) target(%dma_start3A_121 : memref<7x128xf32, #tpu.memory_space<hbm>>) target_semaphore(%arg15 : memref<!tpu.dma_semaphore, #tpu.memory_space<semaphore_mem>>)
        %add3A_122 = arith.constant 2 : i32
        %add3A_123 = arith.addi %add3A_63, %add3A_122 : i32
        %lt3A_124 = arith.constant 25 : i32
        %lt3A_125 = arith.cmpi slt, %add3A_123, %lt3A_124 : i32
        %convert_element_type3A_126 = arith.extui %lt3A_125 : i1 to i32
        %cond3A_127 = arith.constant 0 : i32
        %cond3A_128 = arith.cmpi ne, %convert_element_type3A_126, %cond3A_127 : i32
        scf.if %cond3A_128 {
          %add3A_129 = arith.constant 2 : i32
          %add3A_130 = arith.addi %add3A_63, %add3A_129 : i32
          %mul3A_131 = arith.constant 32 : i32
          %mul3A_132 = arith.muli %mul3A_131, %add3A_130 : i32
          %add3A_133 = arith.addi %add3A, %mul3A_132 : i32
          %min3A_134 = arith.constant 781 : i32
          %min3A_135 = arith.minsi %add3A_133, %min3A_134 : i32
          %mul3A_136 = arith.constant 5376 : i32
          %mul3A_137 = arith.muli %min3A_135, %mul3A_136 : i32
          %min3A_138 = arith.constant 4194624 : i32
          %min3A_139 = arith.minsi %mul3A_137, %min3A_138 : i32
          %dma_start3A_140 = tpu.memref_slice %arg3[%min3A_139] : memref<4200000xi32, #tpu.memory_space<hbm>> -> memref<5376xi32, #tpu.memory_space<hbm>>
          %dma_start3A_141 = tpu.memref_slice %arg3[%min3A_139] : memref<4200000xi32, #tpu.memory_space<hbm>> -> memref<5376xi32, #tpu.memory_space<hbm>>
          tpu.enqueue_dma source(%dma_start3A_141 : memref<5376xi32, #tpu.memory_space<hbm>>) target(%arg8 : memref<5376xi32, #tpu.memory_space<vmem>>) target_semaphore(%arg13 : memref<!tpu.dma_semaphore, #tpu.memory_space<semaphore_mem>>)
        } else {
        }
      } else {
      }
    }
    %scan3A_27 = arith.constant 13 : i32
    %add3A_28 = arith.constant 736 : i32
    %add3A_29 = arith.addi %add3A, %add3A_28 : i32
    %min3A_30 = arith.constant 781 : i32
    %min3A_31 = arith.minsi %add3A_29, %min3A_30 : i32
    %mul3A_32 = arith.constant 128 : i32
    %mul3A_33 = arith.muli %min3A_31, %mul3A_32 : i32
    %dma_wait3A = arith.constant 0 : i32
    %dma_wait3A_34 = tpu.memref_slice %arg4[%dma_wait3A, %mul3A_33] : memref<7x100096xf32, #tpu.memory_space<hbm>> -> memref<7x128xf32, #tpu.memory_space<hbm>>
    %dma_wait3A_35 = arith.constant 0 : i32
    %dma_wait3A_36 = tpu.memref_slice %arg4[%dma_wait3A_35, %mul3A_33] : memref<7x100096xf32, #tpu.memory_space<hbm>> -> memref<7x128xf32, #tpu.memory_space<hbm>>
    tpu.wait_dma2 semaphore(%arg15 : memref<!tpu.dma_semaphore, #tpu.memory_space<semaphore_mem>>) src(%arg10 : memref<7x128xf32, #tpu.memory_space<vmem>>) dst(%dma_wait3A_36 : memref<7x128xf32, #tpu.memory_space<hbm>>)
    %add3A_37 = arith.constant 768 : i32
    %add3A_38 = arith.addi %add3A, %add3A_37 : i32
    %min3A_39 = arith.constant 781 : i32
    %min3A_40 = arith.minsi %add3A_38, %min3A_39 : i32
    %mul3A_41 = arith.constant 128 : i32
    %mul3A_42 = arith.muli %min3A_40, %mul3A_41 : i32
    %dma_wait3A_43 = arith.constant 0 : i32
    %dma_wait3A_44 = tpu.memref_slice %arg4[%dma_wait3A_43, %mul3A_42] : memref<7x100096xf32, #tpu.memory_space<hbm>> -> memref<7x128xf32, #tpu.memory_space<hbm>>
    %dma_wait3A_45 = arith.constant 0 : i32
    %dma_wait3A_46 = tpu.memref_slice %arg4[%dma_wait3A_45, %mul3A_42] : memref<7x100096xf32, #tpu.memory_space<hbm>> -> memref<7x128xf32, #tpu.memory_space<hbm>>
    tpu.wait_dma2 semaphore(%arg14 : memref<!tpu.dma_semaphore, #tpu.memory_space<semaphore_mem>>) src(%arg9 : memref<7x128xf32, #tpu.memory_space<vmem>>) dst(%dma_wait3A_46 : memref<7x128xf32, #tpu.memory_space<hbm>>)
    return
  }
}

</mosaic_0001>

<sc_bundles>
// kernel: kernel.3.cloned.1.call-start
scs
__scs_entry_jumppad:
0x0: {  	(pc) =	sbr.rel $0x88, $3  }
0x1: {  	(tag) =	ssettag $0x0;
	lr =	simm.s32 $0x1  }
0x2: {  	[smem:$0x3F9F] =	sst lr;
	_ =	strace $0xD0000000  }
0x3: {  	_ = 	snop  }
0x4: {  	_ = 	snop  }
0x5: {  	_ = 	snop  }
0x6: {  	_ = 	snop  }
0x7: {  	_ = 	snop  }
__scs_overlays_trampoline_lowered:
0x8: {  	[smem:$0x3FAE] =	sst s0  }
0x9: {  	[smem:$0x3FAF] =	sst s1  }
0xa: {  	[smem:$0x3FB0] =	sst s2  }
0xb: {  	[smem:$0x3FB1] =	sst s3  }
0xc: {  	[smem:$0x3FB2] =	sst s4  }
0xd: {  	[smem:$0x3FB3] =	sst s5  }
0xe: {  	[smem:$0x3FB4] =	sst s6  }
0xf: {  	[smem:$0x3FB5] =	sst s7  }
0x10: {  	[smem:$0x3FB6] =	sst s8  }
0x11: {  	[smem:$0x3FB7] =	sst s9;
	s0 =	simm.s32 @!p0 $0x0  }
0x12: {  	s1 =	sld [smem:$0x3F9D];
	s0 =	simm.s32 @p0 $0x1  }
0x13: {  	[smem:$0x3FB8] =	sst s0;
	s0 =	simm.s32 @!p1 $0x0  }
0x14: {  	s2 =	sld [smem:$0x3F9C];
	s0 =	simm.s32 @p1 $0x1  }
0x15: {  	[smem:$0x3FB9] =	sst s0;
	s0 =	simm.s32 @!p2 $0x0  }
0x16: {  	s3 =	sld [smem:$0x3FDB];
	s0 =	simm.s32 @p2 $0x1  }
0x17: {  	s4 =	simm.s32 $0x1BF5;
	[smem:$0x3FBB] =	sst s0  }
0x18: {  	s0 =	sld [smem:$0x3F9E];
	_ =	swait.ge [sflag:s4], $0x0  }
0x19: {  	s7 =	sld [smem:$0x3F9F]  }
0x1a: {  	s8 =	sadd.s32 $0xFFFFE003, lr  }
0x1b: {  	s9 =	sadd.s32 $0xFFFFFEF7, lr;
	s5 =	simm.s32 $0xFFFFFFFF;
	p2 =	slt.u32 s8, $0xFFFFF086  }
0x1c: {  	p1 =	slt.u32 s9, $0xF7A;
	s5 =	simm.s32 @!p2 $0x0  }
0x1d: {  	s5 =	simm.s32 @p1 $0x1;
	p0 =	seq.s32 s7, s2  }
0x1e: {  	s7 =	smul.u32 @!p0 $0xF7A, s2;
	p2 =	seq.s32 @!p0 s5, $0x0  }
0x1f: {  	s9 =	smul.u32 $0xF7A, s1;
	s8 =	simm.s32 @!p0 $0x1BF5;
	p2 =	por !p2, p0  }
0x20: {  	[sflag:s8] =	ssyncset.s32 @!p0 $0xFFFFF086;
	s6 =	sadd.s32 @!p0 s3, s7;
	s7 =	simm.s32 @!p0 $0x108  }
0x21: {  	s3 =	sadd.s32 s3, s9;
	s6 =	sadd.s32 @!p0 $0x88, s6;
	s7 =	simm.s32 @p2 $0x1082  }
0x22: {  	[simem:s7], [sflag:s8] =	dma.local @!p0 [hbm:s6], $0xF7A  }
0x23: {  	s9 =	sor.u32 $0xD0000000, s2;
	s6 =	simm.s32 $0x108;
	_ =	swait.ge @!p0 [sflag:s8], $0x0  }
0x24: {  	s3 =	sadd.s32 $0x88, s3;
	s6 =	simm.s32 @!p1 $0x1082;
	[sflag:s4] =	ssyncset.s32 $0xFFFFF086  }
0x25: {  	[simem:s6], [sflag:s4] =	dma.local [hbm:s3], $0xF7A  }
0x26: {  	[smem:$0x3F9F] =	sst s1;
	(tag) =	ssettag s2;
	_ =	strace s9  }
0x27: {  	s1 =	sld [smem:$0x3FAF]  }
0x28: {  	s2 =	sld [smem:$0x3FB0]  }
0x29: {  	s4 =	sld [smem:$0x3FB2]  }
0x2a: {  	p0 =	seq.s32 s5, $0x0;
	s5 =	sld [smem:$0x3FB3]  }
0x2b: {  	s6 =	sld [smem:$0x3FB4]  }
0x2c: {  	s7 =	sld [smem:$0x3FB5]  }
0x2d: {  	s3 =	simm.s32 $0x108;
	s8 =	sld [smem:$0x3FB6]  }
0x2e: {  	s3 =	simm.s32 @!p0 $0x1082;
	s9 =	sld [smem:$0x3FB7]  }
0x2f: {  	lr =	sadd.s32 s0, s3;
	s0 =	sld [smem:$0x3FAE]  }
0x30: {  	s3 =	sld [smem:$0x3FB1]  }
0x31: {  	[smem:$0x3FBA] =	sst s10  }
0x32: {  	s10 =	sld [smem:$0x3FB8];
	_ =	sdelay $0x3  }
0x33: {  	p0 =	seq.s32 s10, $0x1;
	s10 =	sld [smem:$0x3FBA];
	_ =	sdelay $0x3  }
0x34: {  	[smem:$0x3FBA] =	sst s10  }
0x35: {  	s10 =	sld [smem:$0x3FB9];
	_ =	sdelay $0x3  }
0x36: {  	p1 =	seq.s32 s10, $0x1;
	s10 =	sld [smem:$0x3FBA];
	_ =	sdelay $0x3  }
0x37: {  	[smem:$0x3FBA] =	sst s10  }
0x38: {  	s10 =	sld [smem:$0x3FBB]  }
0x39: {  	_ = 	snop;
	(pc) =	sbr.ind lr, $3  }
0x3a: {  	_ = 	snop  }
0x3b: {  	_ = 	snop  }
0x3c: {  	p2 =	seq.s32 s10, $0x1;
	s10 =	sld [smem:$0x3FBA]  }
0x3d: {  	_ =	shalt  }
0x3e: {  	_ =	shalt  }
0x3f: {  	_ =	shalt  }
0x40: {  	_ =	shalt  }
0x41: {  	_ =	shalt  }
0x42: {  	_ =	shalt  }
0x43: {  	_ =	shalt  }
0x44: {  	_ =	shalt  }
0x45: {  	_ =	shalt  }
0x46: {  	_ =	shalt  }
0x47: {  	_ =	shalt  }
0x48: {  	_ =	shalt  }
0x49: {  	_ =	shalt  }
0x4a: {  	_ =	shalt  }
0x4b: {  	_ =	shalt  }
0x4c: {  	_ =	shalt  }
0x4d: {  	_ =	shalt  }
0x4e: {  	_ =	shalt  }
0x4f: {  	_ =	shalt  }
0x50: {  	_ =	shalt  }
0x51: {  	_ =	shalt  }
0x52: {  	_ =	shalt  }
0x53: {  	_ =	shalt  }
0x54: {  	_ =	shalt  }
0x55: {  	_ =	shalt  }
0x56: {  	_ =	shalt  }
0x57: {  	_ =	shalt  }
0x58: {  	_ =	shalt  }
0x59: {  	_ =	shalt  }
0x5a: {  	_ =	shalt  }
0x5b: {  	_ =	shalt  }
0x5c: {  	_ =	shalt  }
0x5d: {  	_ =	shalt  }
0x5e: {  	_ =	shalt  }
0x5f: {  	_ =	shalt  }
0x60: {  	_ =	shalt  }
0x61: {  	_ =	shalt  }
0x62: {  	_ =	shalt  }
0x63: {  	_ =	shalt  }
0x64: {  	_ =	shalt  }
0x65: {  	_ =	shalt  }
0x66: {  	_ =	shalt  }
0x67: {  	_ =	shalt  }
0x68: {  	_ =	shalt  }
0x69: {  	_ =	shalt  }
0x6a: {  	_ =	shalt  }
0x6b: {  	_ =	shalt  }
0x6c: {  	_ =	shalt  }
0x6d: {  	_ =	shalt  }
0x6e: {  	_ =	shalt  }
0x6f: {  	_ =	shalt  }
0x70: {  	_ =	shalt  }
0x71: {  	_ =	shalt  }
0x72: {  	_ =	shalt  }
0x73: {  	_ =	shalt  }
0x74: {  	_ =	shalt  }
0x75: {  	_ =	shalt  }
0x76: {  	_ =	shalt  }
0x77: {  	_ =	shalt  }
0x78: {  	_ =	shalt  }
0x79: {  	_ =	shalt  }
0x7a: {  	_ =	shalt  }
0x7b: {  	_ =	shalt  }
0x7c: {  	_ =	shalt  }
0x7d: {  	_ =	shalt  }
0x7e: {  	_ =	shalt  }
0x7f: {  	_ =	shalt  }
0x80: {  	_ =	shalt  }
0x81: {  	_ =	shalt  }
0x82: {  	_ =	shalt  }
0x83: {  	_ =	shalt  }
0x84: {  	_ =	shalt  }
0x85: {  	_ =	shalt  }
0x86: {  	_ =	shalt  }
0x87: {  	_ =	shalt  }
.Lfunc_end0:
.L_simem_size_0:
called_computation_lowered:
.L_overlay_start_0:
0x88: {  	s2 =	sld [smem:$0x3FD9]  }
0x89: {  	s3 =	sld [smem:$0x3FFE];
	_ =	sdelay $0x1  }
0x8a: {  	s1 =	srdreg.scid  }
0x8b: {  	s0 =	sand.u32 $0x1, s1  }
0x8c: {  	s17 =	sshll.u32 s0, $0xA;
	s2 =	sadd.s32 s3, s2  }
0x8d: {  	s2 =	sadd.s32 s2, s17  }
0x8e: {  	[smem:$0x3FC6] =	sst s2  }
0x8f: {  	_ = 	snop  }
0x90: {  	s2 =	sld [smem:$0x3FC9]  }
0x91: {  	s18 =	sld [smem:$0x3FC8];
	(tm) =	ssettm $0x1  }
0x92: {  	s4 =	sld [smem:$0x3FFB];
	_ =	sdelay $0x3  }
0x93: {  	_ =	strace s4  }
0x94: {  	s4 =	sld [smem:$0x3FFC];
	_ =	sdelay $0x3  }
0x95: {  	_ =	strace s4  }
0x96: {  	s4 =	sld [smem:$0x3FFD];
	_ =	sdelay $0x3  }
0x97: {  	_ =	strace s4  }
0x98: {  	_ =	strace $0x8FFFFFFF  }
0x99: {  	s19 =	sld [smem:$0x3FDB];
	_ =	sdelay $0x1  }
0x9a: {  	s5 =	simm.s32 $_scs_section_size  }
0x9b: {  	s6 =	simm.s32 $_size__tile_overlayer_lowered;
	s7 =	simm.s32 $_tile_overlayer_lowered  }
0x9c: {  	s22 =	simm.s32 $0x1BFF;
	s21 =	sshll.u32 s7, $0x1;
	s4 =	sadd.s32 s5, s19  }
0x9d: {  	s8 =	simm.s32 $0x0;
	s20 =	sshll.u32 s6, $0x1;
	s6 =	sadd.s32 s21, s4  }
0x9e: {  	[timem:s8], [sflag:s22] =	dma.local [hbm:s6], s20  }
0x9f: {  	_ =	swait.ge [sflag:s22], s20  }
0xa0: {  	s5 =	ssub.s32 $0x0, s20;
	[sflag:s22] =	ssyncset.done $0x0  }
0xa1: {  	[sflag:s22] =	ssyncadd.s32 s5;
	_ =	sdelay $0x1  }
0xa2: {  	s23 =	simm.s32 $0x1B8B  }
0xa3: {  	_ =	swait.ge [sflag:s23], $0x1  }
0xa4: {  	[sflag:s23] =	ssyncset.done $0x0  }
0xa5: {  	s25 =	simm.s32 $0x1B8E;
	s24 =	sld [smem:$0x3FFE];
	[sflag:s23] =	ssyncadd.s32 $0xFFFFFFFF  }
0xa6: {  	s26 =	simm.s32 $execute0_lowered;
	[smem:$0x3FD2] =	sst s25  }
0xa7: {  	s6 =	sshll.u32 s26, $0x1;
	_ =	strace $0x80000046;
	[dreg:$0x1] =	wrdreg $0xFFFFFFFF  }
0xa8: {  	s28 =	simm.s32 $_size_execute0_lowered;
	s4 =	sadd.s32 s4, s6;
	[dreg:$0x0] =	wrdreg $0x0  }
0xa9: {  	s6 =	sshll.u32 s28, $0x1;
	[dreg:$0x2] =	wrdreg s4  }
0xaa: {  	[dreg:$0x3] =	wrdreg s6  }
0xab: {  	[dreg:$0x4] =	wrdreg $0xC0  }
0xac: {  	_ =	task [dreg:s8], $0x5FFFF  }
0xad: {  	[dreg:$0x1] =	wrdreg $0xFFFFFFFF  }
0xae: {  	[dreg:$0x0] =	wrdreg $0x60  }
0xaf: {  	[dreg:$0x2] =	wrdreg s2  }
0xb0: {  	[dreg:$0x3] =	wrdreg s18  }
0xb1: {  	[dreg:$0x4] =	wrdreg s24  }
0xb2: {  	[dreg:$0x5] =	wrdreg $0x187000  }
0xb3: {  	[dreg:$0x6] =	wrdreg $0x9  }
0xb4: {  	_ =	task.clear_ibuf [dreg:s8], $0x7FFFF;
	_ =	strace $0x90000046  }
0xb5: {  	s29 =	simm.s32 $0x9;
	_ =	strace $0x80000048  }
0xb6: {  	_ =	swait.ge [sflag:s29], $0x1  }
0xb7: {  	[sflag:s29] =	ssyncadd.s32 $0xFFFFFFFF  }
0xb8: {  	_ =	strace $0x90000048  }
0xb9: {  	_ =	sfence  }
0xba: {  	s30 =	sld [smem:$0x0];
	_ =	sdelay $0x2  }
0xbb: {  	s31 =	sshll.u32 s1, $0xD;
	s1 =	sshrl.u32 s1, $0x2  }
0xbc: {  	s3 =	sand.u32 $0x4000, s31;
	s1 =	sadd.s32 s1, s30  }
0xbd: {  	s0 =	sor.u32 s3, s0;
	s1 =	sshll.u32 s1, $0x11  }
0xbe: {  	s0 =	sor.u32 s1, s0  }
0xbf: {  	s0 =	sadd.s32 $0x8F2B, s0  }
0xc0: {  	[sflag:s0] =	ssyncadd.remote.s32 $0x1  }
0xc1: {  	_ =	sfence.sel $0xFFFF  }
0xc2: {  	[dreg:$0x0] =	wrdreg $0xFFFFFFFF;
	(pc) =	sbr.abs _section_cstart, $3  }
0xc3: {  	[dreg:$0x1] =	wrdreg $0xFFFFFFFF  }
0xc4: {  	_ =	task.clear_ibuf [dreg:s8], $0x2FFFF;
	_ =	strace $0x9FFFFFFF  }
0xc5: {  	(tm) =	ssettm $0x7FFFFFFF  }
tec
execute0_lowered:
.L_overlay_start_1:
0x0: {  	(tag) =	ssettag $0x1  }
0x1: {  	s0 =	srdreg.scid;
	s3 =	rddreg [dreg:$0x1]  }
0x2: {  	s1 =	stileid.u32;
	s4 =	rddreg [dreg:$0x2]  }
0x3: {  	s8 =	rddreg [dreg:$0x3];
	s5 =	simm.s32 $0x0;
	s0 =	sand.u32 $0x1, s0  }
0x4: {  	s2 =	sshll.u32 s1, $0x1;
	[smem:$0x7FF] =	sst s5;
	s28 =	sadd.s32 $0x400, s4  }
0x5: {  	s7 =	sor.u32 s0, s2;
	_ =	strace $0x80000047;
	[dreg:$0x7] =	wrdreg s28  }
0x6: {  	s0 =	ssub.s32 $0x2, s0;
	s29 =	sor.u32 $0x40, s7;
	[dreg:$0x5] =	wrdreg s7  }
0x7: {  	s2 =	smul.u32 $0x1500, s7;
	s30 =	sor.u32 $0x60, s7;
	[dreg:$0x9] =	wrdreg s29  }
0x8: {  	s6 =	sshrl.u32 s0, $0x1;
	s31 =	sor.u32 $0x20, s7;
	[dreg:$0xa] =	wrdreg s30  }
0x9: {  	s0 =	ssub.s32 s0, s6;
	[dreg:$0xc] =	wrdreg s31  }
.Ltmp0:
0xa: {  	s2 =	sshrl.u32 s2, $0x3;
	s0 =	smax.u32 s0, $0x1;
	(pc) =	sbr.rel .LBB2_1-.Ltmp0, $4  }
0xb: {  	p0 =	sne.s32 s1, $0x0;
	s2 =	sadd.s32 s3, s2;
	[dreg:$0xb] =	wrdreg s0  }
0xc: {  	v0 =	vlaneseq.u32;
	s0 =	sshrl.u32 @!p0 s8, $0x3;
	[dreg:$0x6] =	wrdreg s2  }
0xd: {  	s13 =	simm.s32 $0x19F70;
	v0 =	vmul.u32 $0x2A, v0;
	s2 =	sadd.s32 $0x5400, s2;
	[dreg:$0xd] =	wrdreg s0  }
0xe: {  	s14 =	simm.s32 $0x1B470;
	[dreg:$0x8] =	wrdreg s2;
	s2 =	simm.s32 $0x0  }
.LBB2_90:
0xf: {  	s0 =	simm.s32 $0x5  }
0x10: {  	_ =	swait.ge [sflag:s0], $0x380  }
0x11: {  	[sflag:s0] =	ssyncset.done $0x0  }
0x12: {  	s1 =	simm.s32 $0x4;
	[sflag:s0] =	ssyncadd.s32 $0xFFFFFC80  }
0x13: {  	_ =	swait.ge [sflag:s1], $0x380  }
0x14: {  	s2 =	rddreg [dreg:$0xe]  }
0x15: {  	s31 =	rddreg [dreg:$0xb];
	s2 =	sadd.s32 $0x1, s2  }
0x16: {  	p1 =	sne.s32 s2, s31  }
.Ltmp1:
0x17: {  	_ = 	snop;
	(pc) =	sbr.rel @!p1 .LBB2_91-.Ltmp1, $3  }
0x18: {  	_ =	sdelay $0x1  }
0x19: {  	[sflag:s1] =	ssyncset.done $0x0  }
0x1a: {  	[sflag:s1] =	ssyncadd.s32 $0xFFFFFC80  }
.LBB2_1:
0x1b: {  	[dreg:$0xe] =	wrdreg s2  }
0x1c: {  	s0 =	rddreg [dreg:$0x6]  }
0x1d: {  	s26 =	rddreg [dreg:$0x8]  }
0x1e: {  	s1 =	rddreg [dreg:$0x0]  }
0x1f: {  	[tilespmem:s13], [sflag:$0x2] =	stream.linear.gather [hbm4b:s0+s5], $0x1500, $0x38;
	[tilespmem:$0x1D170] =	vst v63  }
0x20: {  	s2 =	rddreg [dreg:$0xd];
	s0 =	simm.s32 @!p0 $0x1C01  }
0x21: {  	[tilespmem:s14], [sflag:$0x3] =	stream.linear.gather [hbm4b:s26+s5], $0x1500, $0x38;
	[tilespmem:$0x1D170] =	vst v63  }
0x22: {  	[spmem:s2], [sflag:s0] =	dma.local @!p0 [hbm:s1], $0x30E0  }
0x23: {  	s0 =	simm.s32 @!p0 $0x1  }
0x24: {  	_ =	swait.ge @!p0 [sflag:s0], $0x30E0  }
0x25: {  	[sflag:s0] =	ssyncset.done @!p0 $0x0  }
0x26: {  	[sflag:s0] =	ssyncadd.s32 @!p0 $0xFFFFCF20  }
0x27: {  	[bflag:$0x0] =	sbarrier.arrive $0xFFFF  }
.Ltmp2:
0x28: {  	s31 =	simm.s32 $0x6;
	s30 =	rddreg [dreg:$0x3];
	(pc) =	sbr.rel .LBB2_2-.Ltmp2, $4  }
0x29: {  	[tilespmem:s5], [sflag:$0x6] =	stream.linear.gather [spmem:s30], $0x18700, $0x38;
	[tilespmem:$0x1D170] =	vst v63  }
0x2a: {  	_ =	swait.ge [sflag:s31], $0x18700  }
0x2b: {  	[sflag:s31] =	ssyncset.done $0x0;
	s26 =	rddreg [dreg:$0xc]  }
0x2c: {  	s29 =	simm.s32 $0x0;
	s28 =	rddreg [dreg:$0x5];
	[sflag:s31] =	ssyncadd.s32 $0xFFFE7900  }
.LBB2_83:
0x2d: {  	s2 =	simm.s32 $0x10  }
.LBB2_88:
0x2e: {  	_ =	sdelay $0x3  }
0x2f: {  	v5 =	vld.idx.msk [tilespmem:v5+s14+$0x0], $0xffff;
	_ =	sdelay $0x1  }
0x30: {  	v3 =	vld.idx.msk [tilespmem:v3+s5+$0x0], $0xffff  }
0x31: {  	v12 =	vld.idx.msk [tilespmem:v12+s5+$0x0], $0xffff  }
0x32: {  	v9 =	vld.idx.msk [tilespmem:v9+s5+$0x0], $0xffff  }
0x33: {  	v10 =	vadd.f32 v10, v13;
	v6 =	vadd.f32 v6, v11;
	v11 =	vld.idx.msk @p1 [tilespmem:v15+s5+$0x0], $0xffff  }
0x34: {  	v1 =	vld.idx.msk [tilespmem:v1+s5+$0x0], $0xffff  }
0x35: {  	v2 =	vld.idx.msk @p1 [tilespmem:v2+s5+$0x0], $0xffff;
	v7 =	vadd.f32 v7, v10;
	v3 =	vadd.f32 v3, v6  }
0x36: {  	v5 =	vld.idx.msk [tilespmem:v5+s5+$0x0], $0xffff  }
0x37: {  	v63 =	vadd.f32 v8, v7;
	v3 =	vadd.f32 v9, v3  }
0x38: {  	v4 =	vadd.f32 @p1 v11, v4  }
0x39: {  	v6 =	vadd.f32 v12, v63;
	v1 =	vadd.f32 v1, v3  }
0x3a: {  	s2 =	sadd.s32 @p1 $0x20, s2;
	v2 =	vadd.f32 @p1 v2, v4  }
0x3b: {  	s0 =	smov.u32 @p1 s2;
	v3 =	vmul.f32 $1.666666720e-01, v6;
	v1 =	vadd.f32 v5, v1  }
0x3c: {  	s2 =	sand.u32 $0x7FFFFFF0, s0;
	v2 =	vmul.f32 @p1 $1.666666720e-01, v2  }
0x3d: {  	s0 =	sadd.s32 $0xFFFFFFF0, s0;
	[tilespmem:s2+$0x1D070] =	vst v3;
	v1 =	vmul.f32 $1.666666720e-01, v1  }
0x3e: {  	s0 =	sand.u32 $0x7FFFFFE0, s0;
	[tilespmem:s1+$0x1D070] =	vst @p1 v2  }
0x3f: {  	s25 =	sshll.u32 s6, $0x7;
	s30 =	simm.s32 $0x400;
	[tilespmem:s0+$0x1D070] =	vst v1  }
0x40: {  	s31 =	simm.s32 $0xC3800;
	s3 =	simm.s32 $0x1CD70;
	s1 =	rddreg [dreg:$0x7]  }
0x41: {  	p1 =	slt.u32 s29, $0xB;
	s0 =	sadd.s32 s1, s25;
	s1 =	rddreg [dreg:$0xa]  }
0x42: {  	[hbm4b:s0+s30] =	stream.strided.scatter [tilespmem:s3], [sflag:$0x5], $0x0, s31, s30, $0x38;
	[tilespmem:$0x1D170] =	vst v63  }
0x43: {  	s1 =	sadd.s32 @p1 s1, s20  }
0x44: {  	s1 =	smin.u32 @p1 s1, $0x30D  }
0x45: {  	s1 =	smul.u32 @p1 $0x1500, s1  }
0x46: {  	[hbm4b:s0+s5] =	stream.linear.scatter [tilespmem:s3], [sflag:$0x5], $0x380, $0x38;
	[tilespmem:$0x1D170] =	vst v63  }
0x47: {  	s0 =	smin.u32 @p1 s1, $0x400140  }
0x48: {  	s1 =	rddreg [dreg:$0x1];
	s0 =	sshrl.u32 @p1 s0, $0x3  }
0x49: {  	s2 =	simm.s32 @p1 $0x1B470;
	s0 =	sadd.s32 @p1 s1, s0;
	s1 =	simm.s32 @p1 $0x0  }
0x4a: {  	[tilespmem:s2], [sflag:$0x3] =	stream.linear.gather @p1 [hbm4b:s0+s1], $0x1500, $0x38;
	[tilespmem:$0x1D170] =	vst v63  }
.LBB2_89:
0x4b: {  	s29 =	sadd.s32 $0x1, s29  }
0x4c: {  	p1 =	sne.s32 s29, $0xD  }
.Ltmp3:
0x4d: {  	_ = 	snop;
	(pc) =	sbr.rel @!p1 .LBB2_90-.Ltmp3, $2  }
0x4e: {  	_ =	sdelay $0x2  }
0x4f: {  	s28 =	sadd.s32 $0x40, s28;
	s26 =	sadd.s32 $0x40, s26  }
.LBB2_2:
0x50: {  	p1 =	slt.s32 s28, $0x30D;
	s0 =	smov.u32 s28  }
0x51: {  	s0 =	simm.s32 @!p1 $0x30D  }
0x52: {  	s0 =	smul.u32 $0x1500, s0;
	_ =	sdelay $0x1  }
0x53: {  	s1 =	smin.u32 s0, $0x400140  }
0x54: {  	s6 =	ssub.s32 s0, s1  }
0x55: {  	s2 =	simm.s32 $0x2;
	s7 =	sadd.s32 $0x2A5, s6  }
0x56: {  	_ =	swait.ge [sflag:s2], $0x1500;
	s8 =	sadd.s32 $0xFFFFFFFB, s7  }
0x57: {  	p1 =	seq.s32 s29, $0x0;
	[sflag:s2] =	ssyncset.done $0x0;
	s9 =	sadd.s32 $0xFFFFFD5B, s7;
	v1 =	vadd.s32 s8, v0  }
0x58: {  	[sflag:s2] =	ssyncadd.s32 $0xFFFFEB00;
	s0 =	simm.s32 @!p1 $0x4;
	s10 =	sadd.s32 $0xFFFFFFFC, s7;
	v2 =	vadd.s32 s9, v0  }
0x59: {  	_ =	swait.ge @!p1 [sflag:s0], $0x380;
	s11 =	sadd.s32 $0xFFFFFD5C, s7;
	v3 =	vadd.s32 s10, v0  }
0x5a: {  	[sflag:s0] =	ssyncset.done @!p1 $0x0;
	s12 =	sadd.s32 $0xFFFFFFFD, s7;
	v4 =	vadd.s32 s11, v0  }
0x5b: {  	s15 =	sadd.s32 $0xFFFFFD5D, s7;
	[sflag:s0] =	ssyncadd.s32 @!p1 $0xFFFFFC80;
	v5 =	vadd.s32 s12, v0  }
0x5c: {  	s16 =	sadd.s32 $0xFFFFFFFE, s7;
	v6 =	vadd.s32 s15, v0;
	v1 =	vld.idx.msk [tilespmem:v1+s13+$0x0], $0xffff  }
0x5d: {  	s17 =	sadd.s32 $0xFFFFFFFF, s7;
	v7 =	vadd.s32 s16, v0;
	v2 =	vld.idx.msk [tilespmem:v2+s13+$0x0], $0xffff  }
0x5e: {  	v9 =	vadd.s32 s17, v0;
	v8 =	vld.idx.msk [tilespmem:v3+s13+$0x0], $0xffff  }
0x5f: {  	v4 =	vld.idx.msk [tilespmem:v4+s13+$0x0], $0xffff  }
0x60: {  	v10 =	vadd.s32 s7, v0;
	v5 =	vld.idx.msk [tilespmem:v5+s13+$0x0], $0xffff  }
0x61: {  	s4 =	sadd.s32 $0xFFFFFD5E, s7;
	v3 =	vld.idx.msk [tilespmem:v6+s13+$0x0], $0xffff  }
0x62: {  	p2 =	slt.s32 s26, $0x30D;
	v6 =	vld.idx.msk [tilespmem:v7+s13+$0x0], $0xffff;
	v7 =	vadd.s32 s4, v0  }
0x63: {  	s23 =	sshll.u32 s29, $0x1;
	s1 =	simm.s32 $0x0;
	s21 =	sadd.s32 $0x2C9, s6;
	v12 =	vld.idx.msk [tilespmem:v9+s13+$0x0], $0xffff  }
0x64: {  	s22 =	sadd.s32 $0x2BE, s6;
	s25 =	sadd.s32 $0x2BD, s6;
	s19 =	sadd.s32 $0xFFFFFD5F, s7;
	v1 =	vld.idx.msk [tilespmem:v1+s1+$0x0], $0xffff  }
0x65: {  	s3 =	rddreg [dreg:$0x5];
	s0 =	smov.u32 s26;
	s16 =	sshll.u32 s29, $0x6;
	v9 =	vld.idx.msk [tilespmem:v10+s13+$0x0], $0xffff  }
0x66: {  	s24 =	sadd.s32 $0x2B1, s6;
	v14 =	vadd.s32 s19, v0;
	s0 =	simm.s32 @!p2 $0x30D;
	s20 =	sor.u32 s3, s16;
	v13 =	vld.idx.msk [tilespmem:v8+s1+$0x0], $0xffff  }
0x67: {  	s12 =	smov.u32 s16;
	s16 =	simm.s32 $0x2;
	p2 =	sgt.u32 s20, $0x30C;
	v11 =	vld.idx.msk [tilespmem:v7+s13+$0x0], $0xffff  }
0x68: {  	s30 =	sadd.s32 $0xFFFFFD60, s7;
	s0 =	smul.u32 $0x1500, s0;
	s16 =	simm.s32 @!p2 $0x8;
	v2 =	vld.idx.msk [tilespmem:v2+s1+$0x0], $0xffff  }
0x69: {  	s7 =	sadd.s32 $0x540, s7;
	s10 =	sadd.s32 $0x2B7, s6;
	p3 =	sgt.u32 s16, $0x2;
	v10 =	vld.idx.msk [tilespmem:v5+s1+$0x0], $0xffff;
	v1 =	vadd.f32 $0.0e+00, v1  }
.Ltmp4:
0x6a: {  	s18 =	smin.u32 s0, $0x400140;
	v7 =	vld.idx.msk [tilespmem:v6+s1+$0x0], $0xffff;
	[dreg:$0xf] =	wrdreg s23;
	(pc) =	sbr.rel @!p3 .LBB2_3-.Ltmp4, $4  }
0x6b: {  	s19 =	simm.s32 $0x1C980;
	p2 =	por $0x0, $0x0;
	s9 =	ssub.s32 s0, s18;
	v13 =	vadd.f32 v13, v1;
	v1 =	vld.idx.msk [tilespmem:v14+s13+$0x0], $0xffff  }
0x6c: {  	s18 =	sadd.s32 $0x2AB, s6;
	s6 =	smin.u32 s20, $0x30D;
	s31 =	sadd.s32 $0x2C9, s9  }
0x6d: {  	s2 =	sadd.s32 $0x2BE, s9;
	s0 =	sadd.s32 $0x2BD, s9;
	s4 =	sadd.s32 $0x2B7, s9;
	v6 =	vld.idx.msk [tilespmem:v4+s1+$0x0], $0xffff  }
0x6e: {  	s8 =	sadd.s32 $0x2B1, s9;
	s11 =	sadd.s32 $0x2AB, s9;
	s15 =	sadd.s32 $0x2A5, s9;
	v8 =	vld.idx.msk [tilespmem:v12+s1+$0x0], $0xffff;
	v4 =	vadd.s32 s30, v0;
	v12 =	vadd.f32 $0.0e+00, v2  }
0x6f: {  	_ =	sdelay $0x1  }
0x70: {  	s9 =	sadd.s32 $0xFFFFFFFB, s7  }
0x71: {  	s20 =	sadd.s32 $0xFFFFFD5B, s7;
	v5 =	vadd.s32 s9, v0  }
0x72: {  	v14 =	vld.idx.msk [tilespmem:v9+s1+$0x0], $0xffff;
	s3 =	sadd.s32 $0xFFFFFFFC, s7;
	v9 =	vadd.s32 s20, v0  }
0x73: {  	s17 =	sadd.s32 $0xFFFFFD5C, s7;
	v15 =	vld.idx.msk [tilespmem:v3+s1+$0x0], $0xffff;
	v3 =	vadd.s32 s3, v0  }
0x74: {  	v2 =	vld.idx.msk [tilespmem:v4+s13+$0x0], $0xffff;
	s23 =	sadd.s32 $0xFFFFFFFD, s7;
	v16 =	vadd.s32 s17, v0  }
0x75: {  	s30 =	sadd.s32 $0xFFFFFD5D, s7;
	v4 =	vld.idx.msk [tilespmem:v11+s1+$0x0], $0xffff;
	v11 =	vadd.s32 s23, v0  }
0x76: {  	v17 =	vadd.s32 s30, v0;
	s3 =	sadd.s32 $0xFFFFFFFE, s7;
	v5 =	vld.idx.msk [tilespmem:v5+s13+$0x0], $0xffff  }
0x77: {  	s17 =	sadd.s32 $0xFFFFFFFF, s7;
	v18 =	vld.idx.msk [tilespmem:v9+s13+$0x0], $0xffff;
	v9 =	vadd.s32 s3, v0  }
0x78: {  	v20 =	vadd.s32 s17, v0;
	v19 =	vld.idx.msk [tilespmem:v3+s13+$0x0], $0xffff  }
0x79: {  	v21 =	vadd.s32 s7, v0;
	v16 =	vld.idx.msk [tilespmem:v16+s13+$0x0], $0xffff  }
0x7a: {  	v11 =	vld.idx.msk [tilespmem:v11+s13+$0x0], $0xffff  }
0x7b: {  	v3 =	vld.idx.msk [tilespmem:v17+s13+$0x0], $0xffff  }
0x7c: {  	v61 =	vld.idx.msk [tilespmem:v9+s13+$0x0], $0xffff;
	v9 =	vadd.f32 v10, v13  }
0x7d: {  	s20 =	sadd.s32 $0xFFFFFD5E, s7;
	v13 =	vld.idx.msk [tilespmem:v20+s13+$0x0], $0xffff  }
0x7e: {  	v62 =	vadd.s32 s20, v0;
	v7 =	vadd.f32 v7, v9;
	v9 =	vld.idx.msk [tilespmem:v21+s13+$0x0], $0xffff  }
0x7f: {  	v5 =	vld.idx.msk [tilespmem:v5+s1+$0x0], $0xffff  }
0x80: {  	v19 =	vld.idx.msk [tilespmem:v19+s1+$0x0], $0xffff  }
0x81: {  	s23 =	sadd.s32 $0xFFFFFD5F, s7;
	v6 =	vadd.f32 v6, v12;
	v18 =	vld.idx.msk [tilespmem:v18+s1+$0x0], $0xffff;
	v7 =	vadd.f32 v8, v7  }
0x82: {  	p5 =	sgt.u32 s16, $0x4;
	v63 =	vadd.s32 s23, v0;
	v10 =	vld.idx.msk [tilespmem:v11+s1+$0x0], $0xffff  }
.Ltmp5:
0x83: {  	v12 =	vadd.f32 v15, v6;
	v11 =	vld.idx.msk [tilespmem:v62+s13+$0x0], $0xffff;
	v8 =	vadd.f32 v14, v7;
	(pc) =	sbr.rel @!p5 .LBB2_5-.Ltmp5, $4  }
0x84: {  	s30 =	sadd.s32 $0xFFFFFD60, s7;
	v6 =	vld.idx.msk [tilespmem:v16+s1+$0x0], $0xffff;
	v15 =	vadd.f32 $0.0e+00, v5  }
0x85: {  	v7 =	vld.idx.msk [tilespmem:v61+s1+$0x0], $0xffff;
	v14 =	vmul.f32 $1.666666720e-01, v8;
	v5 =	vadd.f32 v4, v12;
	v4 =	vadd.s32 s30, v0  }
0x86: {  	p4 =	por $0x1, $0x1;
	s7 =	sadd.s32 $0x540, s7;
	v8 =	vld.idx.msk [tilespmem:v13+s1+$0x0], $0xffff;
	v13 =	vadd.f32 v19, v15  }
0x87: {  	s9 =	simm.s32 $0x1C980;
	s20 =	simm.s32 $0x4;
	s23 =	simm.s32 $0x1C980;
	v12 =	vadd.f32 $0.0e+00, v18;
	[tilespmem:s19+$0x0] =	vst v14;
	v14 =	vld.idx.msk [tilespmem:v63+s13+$0x0], $0xffff  }
.LBB2_6:
0x88: {  	s17 =	sadd.s32 $0xFFFFFD5B, s7;
	s3 =	sadd.s32 $0xFFFFFFFB, s7;
	s20 =	sadd.s32 $0x2, s20;
	v10 =	vadd.f32 v10, v13;
	v9 =	vld.idx.msk [tilespmem:v9+s1+$0x0], $0xffff  }
0x89: {  	s30 =	sadd.s32 $0xFFFFFD5D, s7;
	v13 =	vadd.s32 s17, v0;
	s17 =	sadd.s32 $0xFFFFFD5C, s7;
	v15 =	vadd.s32 s3, v0;
	p5 =	slt.u32 s20, s16;
	v3 =	vld.idx.msk [tilespmem:v3+s1+$0x0], $0xffff  }
0x8a: {  	v17 =	vadd.s32 s30, v0;
	s3 =	sadd.s32 $0xFFFFFD5E, s7;
	s30 =	sadd.s32 $0xFFFFFFFC, s7;
	v16 =	vadd.s32 s17, v0;
	s17 =	sadd.s32 $0xFFFFFD5F, s7;
	v18 =	vld.idx.msk [tilespmem:v4+s13+$0x0], $0xffff;
	v7 =	vadd.f32 v7, v10  }
0x8b: {  	v19 =	vadd.s32 s3, v0;
	s3 =	sadd.s32 $0xFFFFFD60, s7;
	v10 =	vadd.s32 s30, v0;
	v20 =	vadd.s32 s17, v0;
	v11 =	vld.idx.msk [tilespmem:v11+s1+$0x0], $0xffff  }
0x8c: {  	v6 =	vadd.f32 v6, v12;
	v4 =	vadd.s32 s3, v0;
	s3 =	sadd.s32 $0xFFFFFFFD, s7;
	v7 =	vadd.f32 v8, v7;
	v8 =	vld.idx.msk [tilespmem:v1+s1+$0x0], $0xffff;
	v1 =	vmovc v14  }
0x8d: {  	v12 =	vadd.s32 s3, v0;
	v14 =	vld.idx.msk [tilespmem:v2+s1+$0x0], $0xffff  }
0x8e: {  	s3 =	sadd.s32 $0xFFFFFFFE, s7;
	v15 =	vld.idx.msk [tilespmem:v15+s13+$0x0], $0xffff;
	v7 =	vadd.f32 v9, v7  }
0x8f: {  	v9 =	vadd.s32 s3, v0;
	s3 =	sadd.s32 $0xFFFFFFFF, s7;
	v3 =	vadd.f32 v3, v6;
	v13 =	vld.idx.msk [tilespmem:v13+s13+$0x0], $0xffff;
	v2 =	vmov v18  }
0x90: {  	v6 =	vld.idx.msk [tilespmem:v10+s13+$0x0], $0xffff;
	v10 =	vadd.s32 s3, v0;
	v7 =	vmul.f32 $1.666666720e-01, v7  }
0x91: {  	s9 =	sadd.s32 $0x20, s9;
	v11 =	vadd.f32 v11, v3;
	v16 =	vld.idx.msk [tilespmem:v16+s13+$0x0], $0xffff  }
0x92: {  	v18 =	vadd.s32 s7, v0;
	v12 =	vld.idx.msk [tilespmem:v12+s13+$0x0], $0xffff;
	[tilespmem:s9+$0x0] =	vst v7;
	v7 =	vadd.f32 v8, v5  }
0x93: {  	v5 =	vmov v11;
	v3 =	vld.idx.msk [tilespmem:v17+s13+$0x0], $0xffff  }
0x94: {  	v8 =	vld.idx.msk [tilespmem:v9+s13+$0x0], $0xffff;
	v7 =	vadd.f32 v14, v7  }
0x95: {  	v14 =	vld.idx.msk [tilespmem:v10+s13+$0x0], $0xffff  }
0x96: {  	v15 =	vld.idx.msk [tilespmem:v15+s1+$0x0], $0xffff;
	v7 =	vmul.f32 $1.666666720e-01, v7  }
0x97: {  	v9 =	vld.idx.msk [tilespmem:v18+s13+$0x0], $0xffff  }
0x98: {  	v17 =	vld.idx.msk [tilespmem:v6+s1+$0x0], $0xffff;
	[tilespmem:s23+$0xFFFFFFF0] =	vst v7;
	s23 =	smov.u32 s9  }
0x99: {  	v18 =	vld.idx.msk [tilespmem:v13+s1+$0x0], $0xffff  }
0x9a: {  	v10 =	vld.idx.msk [tilespmem:v12+s1+$0x0], $0xffff  }
.Ltmp6:
0x9b: {  	v11 =	vld.idx.msk [tilespmem:v19+s13+$0x0], $0xffff;
	(pc) =	sbr.rel @p5 .LBB2_6-.Ltmp6, $4  }
0x9c: {  	v12 =	vadd.f32 $0.0e+00, v15;
	v7 =	vld.idx.msk [tilespmem:v8+s1+$0x0], $0xffff  }
0x9d: {  	v6 =	vld.idx.msk [tilespmem:v16+s1+$0x0], $0xffff  }
0x9e: {  	v13 =	vadd.f32 v17, v12;
	v8 =	vld.idx.msk [tilespmem:v14+s1+$0x0], $0xffff  }
0x9f: {  	s7 =	sadd.s32 $0x540, s7;
	v12 =	vadd.f32 $0.0e+00, v18;
	v14 =	vld.idx.msk [tilespmem:v20+s13+$0x0], $0xffff  }
0xa0: {  	_ =	sdelay $0x3  }
0xa1: {  	v15 =	vmov v1;
	v1 =	vmov v14  }
.LBB2_8:
0xa2: {  	_ =	sdelay $0x3  }
0xa3: {  	v4 =	vld.idx.msk [tilespmem:v4+s13+$0x0], $0xffff;
	_ =	sdelay $0x1  }
0xa4: {  	v3 =	vld.idx.msk [tilespmem:v3+s1+$0x0], $0xffff  }
0xa5: {  	v9 =	vld.idx.msk [tilespmem:v9+s1+$0x0], $0xffff  }
0xa6: {  	v11 =	vld.idx.msk [tilespmem:v11+s1+$0x0], $0xffff  }
0xa7: {  	v10 =	vadd.f32 v10, v13;
	v6 =	vadd.f32 v6, v12;
	v12 =	vld.idx.msk @p4 [tilespmem:v15+s1+$0x0], $0xffff  }
0xa8: {  	v1 =	vld.idx.msk [tilespmem:v1+s1+$0x0], $0xffff  }
0xa9: {  	v2 =	vld.idx.msk @p4 [tilespmem:v2+s1+$0x0], $0xffff;
	v7 =	vadd.f32 v7, v10;
	v3 =	vadd.f32 v3, v6  }
0xaa: {  	v4 =	vld.idx.msk [tilespmem:v4+s1+$0x0], $0xffff  }
0xab: {  	v6 =	vadd.f32 v8, v7;
	v3 =	vadd.f32 v11, v3  }
0xac: {  	v5 =	vadd.f32 @p4 v12, v5  }
0xad: {  	v6 =	vadd.f32 v9, v6;
	v1 =	vadd.f32 v1, v3  }
0xae: {  	s3 =	sadd.s32 $0xFFFFFFFB, s18;
	v2 =	vadd.f32 @p4 v2, v5  }
0xaf: {  	s7 =	sadd.s32 @p4 $0x20, s9;
	v3 =	vmul.f32 $1.666666720e-01, v6;
	v1 =	vadd.f32 v4, v1;
	v4 =	vadd.s32 s3, v0  }
0xb0: {  	s20 =	sadd.s32 $0xFFFFFFFC, s18;
	s19 =	smov.u32 @p4 s7;
	v2 =	vmul.f32 @p4 $1.666666720e-01, v2  }
0xb1: {  	s17 =	sadd.s32 $0xFFFFFD5B, s18;
	[tilespmem:s19+$0x0] =	vst v3;
	v3 =	vadd.s32 s20, v0;
	v1 =	vmul.f32 $1.666666720e-01, v1  }
0xb2: {  	s30 =	sadd.s32 $0xFFFFFD5C, s18;
	v5 =	vadd.s32 s17, v0;
	[tilespmem:s23+$0xFFFFFFF0] =	vst @p4 v2  }
0xb3: {  	s7 =	sadd.s32 $0xFFFFFFFD, s18;
	v2 =	vadd.s32 s30, v0;
	[tilespmem:s19+$0xFFFFFFF0] =	vst v1  }
0xb4: {  	s9 =	sadd.s32 $0xFFFFFD5D, s18;
	v1 =	vadd.s32 s7, v0;
	v4 =	vld.idx.msk [tilespmem:v4+s13+$0x0], $0xffff  }
0xb5: {  	s17 =	sadd.s32 $0xFFFFFFFE, s18;
	v6 =	vadd.s32 s9, v0  }
0xb6: {  	v7 =	vadd.s32 s17, v0;
	v8 =	vld.idx.msk [tilespmem:v3+s13+$0x0], $0xffff  }
0xb7: {  	s19 =	sadd.s32 $0xFFFFFFFF, s18;
	v5 =	vld.idx.msk [tilespmem:v5+s13+$0x0], $0xffff  }
0xb8: {  	v9 =	vadd.s32 s19, v0;
	v2 =	vld.idx.msk [tilespmem:v2+s13+$0x0], $0xffff  }
0xb9: {  	v1 =	vld.idx.msk [tilespmem:v1+s13+$0x0], $0xffff  }
0xba: {  	v10 =	vadd.s32 s18, v0;
	v3 =	vld.idx.msk [tilespmem:v6+s13+$0x0], $0xffff  }
0xbb: {  	v6 =	vld.idx.msk [tilespmem:v7+s13+$0x0], $0xffff  }
0xbc: {  	s20 =	sadd.s32 $0xFFFFFD5E, s18;
	v4 =	vld.idx.msk [tilespmem:v4+s1+$0x0], $0xffff  }
0xbd: {  	s23 =	sadd.s32 $0xFFFFFD5F, s18;
	v7 =	vadd.s32 s20, v0;
	v11 =	vld.idx.msk [tilespmem:v9+s13+$0x0], $0xffff  }
0xbe: {  	v15 =	vadd.s32 s23, v0;
	v13 =	vld.idx.msk [tilespmem:v8+s1+$0x0], $0xffff  }
0xbf: {  	v12 =	vld.idx.msk [tilespmem:v10+s13+$0x0], $0xffff  }
0xc0: {  	v14 =	vld.idx.msk [tilespmem:v5+s1+$0x0], $0xffff  }
0xc1: {  	v10 =	vld.idx.msk [tilespmem:v1+s1+$0x0], $0xffff;
	v1 =	vadd.f32 $0.0e+00, v4  }
.Ltmp7:
0xc2: {  	v9 =	vld.idx.msk [tilespmem:v7+s13+$0x0], $0xffff;
	(pc) =	sbr.rel @!p3 .LBB2_9-.Ltmp7, $4  }
0xc3: {  	v13 =	vadd.f32 v13, v1;
	v1 =	vld.idx.msk [tilespmem:v15+s13+$0x0], $0xffff  }
0xc4: {  	v7 =	vld.idx.msk [tilespmem:v6+s1+$0x0], $0xffff  }
0xc5: {  	s30 =	sadd.s32 $0xFFFFFD60, s18;
	v6 =	vld.idx.msk [tilespmem:v2+s1+$0x0], $0xffff  }
0xc6: {  	s23 =	simm.s32 $0x10;
	s7 =	sadd.s32 $0x540, s18;
	v5 =	vadd.s32 s30, v0;
	v8 =	vld.idx.msk [tilespmem:v11+s1+$0x0], $0xffff;
	v11 =	vadd.f32 $0.0e+00, v14  }
0xc7: {  	_ =	sdelay $0x1  }
0xc8: {  	s3 =	sadd.s32 $0xFFFFFFFB, s7  }
0xc9: {  	s9 =	sadd.s32 $0xFFFFFD5B, s7;
	v4 =	vadd.s32 s3, v0  }
0xca: {  	v14 =	vld.idx.msk [tilespmem:v12+s1+$0x0], $0xffff;
	s18 =	sadd.s32 $0xFFFFFFFC, s7;
	v12 =	vadd.s32 s9, v0  }
0xcb: {  	s19 =	sadd.s32 $0xFFFFFD5C, s7;
	v15 =	vld.idx.msk [tilespmem:v3+s1+$0x0], $0xffff;
	v3 =	vadd.s32 s18, v0  }
0xcc: {  	v2 =	vld.idx.msk [tilespmem:v5+s13+$0x0], $0xffff;
	s20 =	sadd.s32 $0xFFFFFFFD, s7;
	v16 =	vadd.s32 s19, v0  }
0xcd: {  	s30 =	sadd.s32 $0xFFFFFD5D, s7;
	v5 =	vld.idx.msk [tilespmem:v9+s1+$0x0], $0xffff;
	v9 =	vadd.s32 s20, v0  }
0xce: {  	v17 =	vadd.s32 s30, v0;
	s18 =	sadd.s32 $0xFFFFFFFF, s7;
	v4 =	vld.idx.msk [tilespmem:v4+s13+$0x0], $0xffff  }
0xcf: {  	s17 =	sadd.s32 $0xFFFFFFFE, s7;
	v20 =	vadd.s32 s18, v0;
	v18 =	vld.idx.msk [tilespmem:v12+s13+$0x0], $0xffff  }
0xd0: {  	v12 =	vadd.s32 s17, v0;
	v19 =	vld.idx.msk [tilespmem:v3+s13+$0x0], $0xffff  }
0xd1: {  	v21 =	vadd.s32 s7, v0;
	v16 =	vld.idx.msk [tilespmem:v16+s13+$0x0], $0xffff  }
0xd2: {  	v10 =	vadd.f32 v10, v13;
	v9 =	vld.idx.msk [tilespmem:v9+s13+$0x0], $0xffff  }
0xd3: {  	v3 =	vld.idx.msk [tilespmem:v17+s13+$0x0], $0xffff  }
0xd4: {  	v7 =	vadd.f32 v7, v10;
	v13 =	vld.idx.msk [tilespmem:v20+s13+$0x0], $0xffff  }
0xd5: {  	s19 =	sadd.s32 $0xFFFFFD5E, s7;
	v61 =	vld.idx.msk [tilespmem:v12+s13+$0x0], $0xffff  }
0xd6: {  	s20 =	sadd.s32 $0xFFFFFD5F, s7;
	s18 =	simm.s32 $0x0;
	v62 =	vadd.s32 s19, v0;
	v7 =	vadd.f32 v8, v7;
	v12 =	vld.idx.msk [tilespmem:v21+s13+$0x0], $0xffff  }
0xd7: {  	v63 =	vadd.s32 s20, v0;
	v4 =	vld.idx.msk [tilespmem:v4+s18+$0x0], $0xffff  }
0xd8: {  	v8 =	vadd.f32 v14, v7;
	v19 =	vld.idx.msk [tilespmem:v19+s18+$0x0], $0xffff  }
0xd9: {  	v6 =	vadd.f32 v6, v11;
	v18 =	vld.idx.msk [tilespmem:v18+s18+$0x0], $0xffff  }
0xda: {  	p3 =	sgt.u32 s16, $0x4;
	v14 =	vmul.f32 $1.666666720e-01, v8;
	v10 =	vld.idx.msk [tilespmem:v9+s18+$0x0], $0xffff  }
.Ltmp8:
0xdb: {  	v11 =	vadd.f32 v15, v6;
	s17 =	sand.u32 $0x7FFFFFF0, s23;
	v9 =	vld.idx.msk [tilespmem:v62+s13+$0x0], $0xffff;
	(pc) =	sbr.rel @!p3 .LBB2_11-.Ltmp8, $4  }
0xdc: {  	s3 =	sadd.s32 $0xFFFFFD60, s7;
	[tilespmem:s17+$0x1C9F0] =	vst v14;
	v14 =	vld.idx.msk [tilespmem:v63+s13+$0x0], $0xffff;
	v15 =	vadd.f32 $0.0e+00, v4  }
0xdd: {  	v7 =	vld.idx.msk [tilespmem:v61+s18+$0x0], $0xffff;
	v4 =	vadd.f32 v5, v11;
	v5 =	vadd.s32 s3, v0  }
0xde: {  	p2 =	por $0x1, $0x1;
	s30 =	simm.s32 $0x0;
	s7 =	sadd.s32 $0x540, s7;
	v8 =	vld.idx.msk [tilespmem:v13+s18+$0x0], $0xffff;
	v13 =	vadd.f32 v19, v15  }
0xdf: {  	s9 =	simm.s32 $0x10;
	s20 =	simm.s32 $0x4;
	s19 =	sand.u32 $0x7FFFFFE0, s30;
	v6 =	vld.idx.msk [tilespmem:v16+s18+$0x0], $0xffff;
	v11 =	vadd.f32 $0.0e+00, v18  }
.LBB2_12:
0xe0: {  	s3 =	sadd.s32 $0xFFFFFD5B, s7;
	s17 =	sadd.s32 $0xFFFFFFFB, s7;
	s20 =	sadd.s32 $0x2, s20;
	v10 =	vadd.f32 v10, v13;
	v12 =	vld.idx.msk [tilespmem:v12+s18+$0x0], $0xffff  }
0xe1: {  	s30 =	sadd.s32 $0xFFFFFD5D, s7;
	v13 =	vadd.s32 s3, v0;
	s3 =	sadd.s32 $0xFFFFFD5C, s7;
	v15 =	vadd.s32 s17, v0;
	p3 =	slt.u32 s20, s16;
	v3 =	vld.idx.msk [tilespmem:v3+s18+$0x0], $0xffff  }
0xe2: {  	v17 =	vadd.s32 s30, v0;
	s17 =	sadd.s32 $0xFFFFFD5F, s7;
	s30 =	sadd.s32 $0xFFFFFFFC, s7;
	v16 =	vadd.s32 s3, v0;
	s3 =	sadd.s32 $0xFFFFFD5E, s7;
	v18 =	vld.idx.msk [tilespmem:v5+s13+$0x0], $0xffff;
	v7 =	vadd.f32 v7, v10  }
0xe3: {  	v20 =	vadd.s32 s17, v0;
	v10 =	vadd.s32 s30, v0;
	v19 =	vadd.s32 s3, v0;
	s3 =	sadd.s32 $0xFFFFFD60, s7;
	v9 =	vld.idx.msk [tilespmem:v9+s18+$0x0], $0xffff  }
0xe4: {  	v6 =	vadd.f32 v6, v11;
	v5 =	vadd.s32 s3, v0;
	s3 =	sadd.s32 $0xFFFFFFFD, s7;
	v7 =	vadd.f32 v8, v7;
	v8 =	vld.idx.msk [tilespmem:v1+s1+$0x0], $0xffff;
	v1 =	vmovc v14  }
0xe5: {  	v11 =	vadd.s32 s3, v0;
	v14 =	vld.idx.msk [tilespmem:v2+s1+$0x0], $0xffff;
	s1 =	smov.u32 s18  }
0xe6: {  	s3 =	sadd.s32 $0xFFFFFFFE, s7;
	v15 =	vld.idx.msk [tilespmem:v15+s13+$0x0], $0xffff;
	v7 =	vadd.f32 v12, v7  }
0xe7: {  	v12 =	vadd.s32 s3, v0;
	s3 =	sadd.s32 $0xFFFFFFFF, s7;
	v3 =	vadd.f32 v3, v6;
	v13 =	vld.idx.msk [tilespmem:v13+s13+$0x0], $0xffff;
	v2 =	vmov v18  }
0xe8: {  	s9 =	sadd.s32 $0x20, s9;
	v6 =	vld.idx.msk [tilespmem:v10+s13+$0x0], $0xffff;
	v10 =	vadd.s32 s3, v0;
	v7 =	vmul.f32 $1.666666720e-01, v7  }
0xe9: {  	s17 =	sand.u32 $0x7FFFFFF0, s9;
	s3 =	sadd.s32 $0xFFFFFFF0, s9;
	v9 =	vadd.f32 v9, v3;
	v16 =	vld.idx.msk [tilespmem:v16+s13+$0x0], $0xffff  }
0xea: {  	v18 =	vadd.s32 s7, v0;
	s3 =	sand.u32 $0x7FFFFFE0, s3;
	v11 =	vld.idx.msk [tilespmem:v11+s13+$0x0], $0xffff;
	[tilespmem:s17+$0x1C9F0] =	vst v7;
	v7 =	vadd.f32 v8, v4  }
0xeb: {  	v4 =	vmov v9;
	v3 =	vld.idx.msk [tilespmem:v17+s13+$0x0], $0xffff  }
0xec: {  	v8 =	vld.idx.msk [tilespmem:v12+s13+$0x0], $0xffff;
	v7 =	vadd.f32 v14, v7  }
0xed: {  	v14 =	vld.idx.msk [tilespmem:v10+s13+$0x0], $0xffff  }
0xee: {  	v15 =	vld.idx.msk [tilespmem:v15+s18+$0x0], $0xffff;
	v7 =	vmul.f32 $1.666666720e-01, v7  }
0xef: {  	v12 =	vld.idx.msk [tilespmem:v18+s13+$0x0], $0xffff  }
0xf0: {  	v17 =	vld.idx.msk [tilespmem:v6+s18+$0x0], $0xffff;
	[tilespmem:s19+$0x1C9F0] =	vst v7;
	s19 =	smov.u32 s3  }
0xf1: {  	v18 =	vld.idx.msk [tilespmem:v13+s18+$0x0], $0xffff  }
0xf2: {  	v10 =	vld.idx.msk [tilespmem:v11+s18+$0x0], $0xffff  }
.Ltmp9:
0xf3: {  	v9 =	vld.idx.msk [tilespmem:v19+s13+$0x0], $0xffff;
	(pc) =	sbr.rel @p3 .LBB2_12-.Ltmp9, $4  }
0xf4: {  	v11 =	vadd.f32 $0.0e+00, v15;
	v7 =	vld.idx.msk [tilespmem:v8+s18+$0x0], $0xffff  }
0xf5: {  	v6 =	vld.idx.msk [tilespmem:v16+s18+$0x0], $0xffff  }
0xf6: {  	v13 =	vadd.f32 v17, v11;
	v8 =	vld.idx.msk [tilespmem:v14+s18+$0x0], $0xffff  }
0xf7: {  	s7 =	sadd.s32 $0x540, s7;
	v11 =	vadd.f32 $0.0e+00, v18;
	v14 =	vld.idx.msk [tilespmem:v20+s13+$0x0], $0xffff  }
0xf8: {  	_ =	sdelay $0x3  }
0xf9: {  	v15 =	vmov v1;
	v1 =	vmov v14  }
.LBB2_14:
0xfa: {  	_ =	sdelay $0x3  }
0xfb: {  	v5 =	vld.idx.msk [tilespmem:v5+s13+$0x0], $0xffff;
	_ =	sdelay $0x1  }
0xfc: {  	v3 =	vld.idx.msk [tilespmem:v3+s18+$0x0], $0xffff  }
0xfd: {  	v12 =	vld.idx.msk [tilespmem:v12+s18+$0x0], $0xffff  }
0xfe: {  	v9 =	vld.idx.msk [tilespmem:v9+s18+$0x0], $0xffff  }
0xff: {  	v10 =	vadd.f32 v10, v13;
	v6 =	vadd.f32 v6, v11;
	v11 =	vld.idx.msk @p2 [tilespmem:v15+s1+$0x0], $0xffff  }
0x100: {  	v1 =	vld.idx.msk [tilespmem:v1+s18+$0x0], $0xffff  }
0x101: {  	v2 =	vld.idx.msk @p2 [tilespmem:v2+s1+$0x0], $0xffff;
	v7 =	vadd.f32 v7, v10;
	v3 =	vadd.f32 v3, v6  }
0x102: {  	v5 =	vld.idx.msk [tilespmem:v5+s18+$0x0], $0xffff  }
0x103: {  	v6 =	vadd.f32 v8, v7;
	v3 =	vadd.f32 v9, v3  }
0x104: {  	v4 =	vadd.f32 @p2 v11, v4  }
0x105: {  	v6 =	vadd.f32 v12, v6;
	v1 =	vadd.f32 v1, v3  }
0x106: {  	s1 =	sadd.s32 @p2 $0x20, s9;
	s3 =	simm.s32 $0x10;
	s7 =	sadd.s32 $0xFFFFFFFB, s24;
	v2 =	vadd.f32 @p2 v2, v4  }
0x107: {  	s3 =	smov.u32 @p2 s1;
	v4 =	vadd.s32 s7, v0;
	v3 =	vmul.f32 $1.666666720e-01, v6;
	v1 =	vadd.f32 v5, v1  }
0x108: {  	s9 =	sadd.s32 $0xFFFFFFFC, s24;
	s30 =	sand.u32 $0x7FFFFFF0, s3;
	v2 =	vmul.f32 @p2 $1.666666720e-01, v2  }
0x109: {  	s20 =	sadd.s32 $0xFFFFFD5B, s24;
	s3 =	sadd.s32 $0xFFFFFFF0, s3;
	[tilespmem:s30+$0x1C9F0] =	vst v3;
	v3 =	vadd.s32 s9, v0;
	v1 =	vmul.f32 $1.666666720e-01, v1  }
0x10a: {  	s17 =	sadd.s32 $0xFFFFFD5C, s24;
	[tilespmem:s19+$0x1C9F0] =	vst @p2 v2;
	v5 =	vadd.s32 s20, v0;
	s20 =	sand.u32 $0x7FFFFFE0, s3  }
0x10b: {  	v2 =	vadd.s32 s17, v0;
	s30 =	sadd.s32 $0xFFFFFFFD, s24;
	[tilespmem:s20+$0x1C9F0] =	vst v1  }
0x10c: {  	s7 =	sadd.s32 $0xFFFFFD5D, s24;
	v1 =	vadd.s32 s30, v0;
	v4 =	vld.idx.msk [tilespmem:v4+s13+$0x0], $0xffff  }
0x10d: {  	v6 =	vadd.s32 s7, v0;
	s9 =	sadd.s32 $0xFFFFFFFE, s24  }
0x10e: {  	v7 =	vadd.s32 s9, v0;
	v8 =	vld.idx.msk [tilespmem:v3+s13+$0x0], $0xffff  }
0x10f: {  	s17 =	sadd.s32 $0xFFFFFFFF, s24;
	v5 =	vld.idx.msk [tilespmem:v5+s13+$0x0], $0xffff  }
0x110: {  	v9 =	vadd.s32 s17, v0;
	v2 =	vld.idx.msk [tilespmem:v2+s13+$0x0], $0xffff  }
0x111: {  	v1 =	vld.idx.msk [tilespmem:v1+s13+$0x0], $0xffff  }
0x112: {  	v10 =	vadd.s32 s24, v0;
	v3 =	vld.idx.msk [tilespmem:v6+s13+$0x0], $0xffff  }
0x113: {  	v6 =	vld.idx.msk [tilespmem:v7+s13+$0x0], $0xffff  }
0x114: {  	s19 =	sadd.s32 $0xFFFFFD5E, s24;
	v4 =	vld.idx.msk [tilespmem:v4+s18+$0x0], $0xffff  }
0x115: {  	s20 =	sadd.s32 $0xFFFFFD5F, s24;
	v11 =	vld.idx.msk [tilespmem:v9+s13+$0x0], $0xffff;
	v7 =	vadd.s32 s19, v0  }
0x116: {  	v15 =	vadd.s32 s20, v0;
	v13 =	vld.idx.msk [tilespmem:v8+s18+$0x0], $0xffff  }
0x117: {  	v12 =	vld.idx.msk [tilespmem:v10+s13+$0x0], $0xffff  }
0x118: {  	s19 =	sadd.s32 $0x2, s18;
	v14 =	vld.idx.msk [tilespmem:v5+s18+$0x0], $0xffff  }
0x119: {  	p3 =	slt.u32 s19, s16;
	v10 =	vld.idx.msk [tilespmem:v1+s18+$0x0], $0xffff;
	v1 =	vadd.f32 $0.0e+00, v4  }
.Ltmp10:
0x11a: {  	v9 =	vld.idx.msk [tilespmem:v7+s13+$0x0], $0xffff;
	(pc) =	sbr.rel @!p3 .LBB2_15-.Ltmp10, $4  }
0x11b: {  	v13 =	vadd.f32 v13, v1;
	v1 =	vld.idx.msk [tilespmem:v15+s13+$0x0], $0xffff  }
0x11c: {  	v7 =	vld.idx.msk [tilespmem:v6+s18+$0x0], $0xffff  }
0x11d: {  	s30 =	sadd.s32 $0xFFFFFD60, s24;
	v6 =	vld.idx.msk [tilespmem:v2+s18+$0x0], $0xffff  }
0x11e: {  	s7 =	sadd.s32 $0x540, s24;
	p2 =	por $0x0, $0x0;
	v8 =	vld.idx.msk [tilespmem:v11+s18+$0x0], $0xffff;
	v5 =	vadd.s32 s30, v0;
	v11 =	vadd.f32 $0.0e+00, v14  }
0x11f: {  	_ =	sdelay $0x1  }
0x120: {  	s1 =	sadd.s32 $0xFFFFFFFB, s7  }
0x121: {  	s3 =	sadd.s32 $0xFFFFFD5B, s7;
	v4 =	vadd.s32 s1, v0  }
0x122: {  	v14 =	vld.idx.msk [tilespmem:v12+s18+$0x0], $0xffff;
	s17 =	sadd.s32 $0xFFFFFFFC, s7;
	v12 =	vadd.s32 s3, v0  }
0x123: {  	s20 =	sadd.s32 $0xFFFFFD5C, s7;
	v15 =	vld.idx.msk [tilespmem:v3+s18+$0x0], $0xffff;
	v3 =	vadd.s32 s17, v0  }
0x124: {  	v2 =	vld.idx.msk [tilespmem:v5+s13+$0x0], $0xffff;
	s24 =	sadd.s32 $0xFFFFFFFD, s7;
	v16 =	vadd.s32 s20, v0  }
0x125: {  	s30 =	sadd.s32 $0xFFFFFD5D, s7;
	v5 =	vld.idx.msk [tilespmem:v9+s18+$0x0], $0xffff;
	v9 =	vadd.s32 s24, v0  }
0x126: {  	s9 =	sadd.s32 $0xFFFFFFFF, s7;
	v17 =	vadd.s32 s30, v0;
	v4 =	vld.idx.msk [tilespmem:v4+s13+$0x0], $0xffff  }
0x127: {  	s3 =	sadd.s32 $0xFFFFFFFE, s7;
	v20 =	vadd.s32 s9, v0;
	v18 =	vld.idx.msk [tilespmem:v12+s13+$0x0], $0xffff  }
0x128: {  	v12 =	vadd.s32 s3, v0;
	v19 =	vld.idx.msk [tilespmem:v3+s13+$0x0], $0xffff  }
0x129: {  	v21 =	vadd.s32 s7, v0;
	v16 =	vld.idx.msk [tilespmem:v16+s13+$0x0], $0xffff  }
0x12a: {  	v10 =	vadd.f32 v10, v13;
	v9 =	vld.idx.msk [tilespmem:v9+s13+$0x0], $0xffff  }
0x12b: {  	v3 =	vld.idx.msk [tilespmem:v17+s13+$0x0], $0xffff  }
0x12c: {  	v7 =	vadd.f32 v7, v10;
	v13 =	vld.idx.msk [tilespmem:v20+s13+$0x0], $0xffff  }
0x12d: {  	s17 =	sadd.s32 $0xFFFFFD5E, s7;
	v61 =	vld.idx.msk [tilespmem:v12+s13+$0x0], $0xffff  }
0x12e: {  	s20 =	sadd.s32 $0xFFFFFD5F, s7;
	v62 =	vadd.s32 s17, v0;
	v7 =	vadd.f32 v8, v7;
	v12 =	vld.idx.msk [tilespmem:v21+s13+$0x0], $0xffff  }
0x12f: {  	v63 =	vadd.s32 s20, v0;
	v4 =	vld.idx.msk [tilespmem:v4+s18+$0x0], $0xffff  }
0x130: {  	v8 =	vadd.f32 v14, v7;
	v19 =	vld.idx.msk [tilespmem:v19+s18+$0x0], $0xffff  }
0x131: {  	s20 =	sadd.s32 $0x2, s19;
	v6 =	vadd.f32 v6, v11;
	v18 =	vld.idx.msk [tilespmem:v18+s18+$0x0], $0xffff  }
0x132: {  	p5 =	slt.u32 s20, s16;
	v14 =	vmul.f32 $1.666666720e-01, v8;
	v10 =	vld.idx.msk [tilespmem:v9+s18+$0x0], $0xffff  }
.Ltmp11:
0x133: {  	s9 =	sand.u32 $0x7FFFFFF0, s23;
	v11 =	vadd.f32 v15, v6;
	v9 =	vld.idx.msk [tilespmem:v62+s13+$0x0], $0xffff;
	(pc) =	sbr.rel @!p5 .LBB2_17-.Ltmp11, $4  }
0x134: {  	s24 =	sadd.s32 $0xFFFFFD60, s7;
	[tilespmem:s9+$0x1CA70] =	vst v14;
	v14 =	vld.idx.msk [tilespmem:v63+s13+$0x0], $0xffff;
	v15 =	vadd.f32 $0.0e+00, v4  }
0x135: {  	v7 =	vld.idx.msk [tilespmem:v61+s18+$0x0], $0xffff;
	v4 =	vadd.f32 v5, v11;
	v5 =	vadd.s32 s24, v0  }
0x136: {  	p4 =	por $0x1, $0x1;
	s30 =	simm.s32 $0x0;
	v8 =	vld.idx.msk [tilespmem:v13+s18+$0x0], $0xffff;
	v13 =	vadd.f32 v19, v15  }
0x137: {  	s7 =	sadd.s32 $0x540, s7;
	s1 =	sand.u32 $0x7FFFFFE0, s30;
	s9 =	simm.s32 $0x10;
	v6 =	vld.idx.msk [tilespmem:v16+s18+$0x0], $0xffff;
	v11 =	vadd.f32 $0.0e+00, v18  }
.LBB2_18:
0x138: {  	s3 =	sadd.s32 $0xFFFFFD5B, s7;
	s17 =	sadd.s32 $0xFFFFFFFB, s7;
	s20 =	sadd.s32 $0x2, s20;
	v10 =	vadd.f32 v10, v13;
	v12 =	vld.idx.msk [tilespmem:v12+s18+$0x0], $0xffff  }
0x139: {  	s24 =	sadd.s32 $0xFFFFFD5D, s7;
	v13 =	vadd.s32 s3, v0;
	s3 =	sadd.s32 $0xFFFFFD5C, s7;
	v15 =	vadd.s32 s17, v0;
	p5 =	slt.u32 s20, s16;
	v3 =	vld.idx.msk [tilespmem:v3+s18+$0x0], $0xffff  }
0x13a: {  	v17 =	vadd.s32 s24, v0;
	s17 =	sadd.s32 $0xFFFFFD5F, s7;
	s24 =	sadd.s32 $0xFFFFFFFC, s7;
	v16 =	vadd.s32 s3, v0;
	s3 =	sadd.s32 $0xFFFFFD5E, s7;
	v18 =	vld.idx.msk [tilespmem:v5+s13+$0x0], $0xffff;
	v7 =	vadd.f32 v7, v10  }
0x13b: {  	v20 =	vadd.s32 s17, v0;
	v10 =	vadd.s32 s24, v0;
	v19 =	vadd.s32 s3, v0;
	s3 =	sadd.s32 $0xFFFFFD60, s7;
	v9 =	vld.idx.msk [tilespmem:v9+s18+$0x0], $0xffff  }
0x13c: {  	v6 =	vadd.f32 v6, v11;
	v5 =	vadd.s32 s3, v0;
	s3 =	sadd.s32 $0xFFFFFFFD, s7;
	v7 =	vadd.f32 v8, v7;
	v8 =	vld.idx.msk [tilespmem:v1+s18+$0x0], $0xffff;
	v1 =	vmovc v14  }
0x13d: {  	v11 =	vadd.s32 s3, v0;
	v14 =	vld.idx.msk [tilespmem:v2+s18+$0x0], $0xffff  }
0x13e: {  	s3 =	sadd.s32 $0xFFFFFFFE, s7;
	v15 =	vld.idx.msk [tilespmem:v15+s13+$0x0], $0xffff;
	v7 =	vadd.f32 v12, v7  }
0x13f: {  	v12 =	vadd.s32 s3, v0;
	s3 =	sadd.s32 $0xFFFFFFFF, s7;
	v3 =	vadd.f32 v3, v6;
	v13 =	vld.idx.msk [tilespmem:v13+s13+$0x0], $0xffff;
	v2 =	vmov v18  }
0x140: {  	s9 =	sadd.s32 $0x20, s9;
	v6 =	vld.idx.msk [tilespmem:v10+s13+$0x0], $0xffff;
	v10 =	vadd.s32 s3, v0;
	v7 =	vmul.f32 $1.666666720e-01, v7  }
0x141: {  	s17 =	sand.u32 $0x7FFFFFF0, s9;
	s3 =	sadd.s32 $0xFFFFFFF0, s9;
	v9 =	vadd.f32 v9, v3;
	v16 =	vld.idx.msk [tilespmem:v16+s13+$0x0], $0xffff  }
0x142: {  	v18 =	vadd.s32 s7, v0;
	s3 =	sand.u32 $0x7FFFFFE0, s3;
	v11 =	vld.idx.msk [tilespmem:v11+s13+$0x0], $0xffff;
	[tilespmem:s17+$0x1CA70] =	vst v7;
	v7 =	vadd.f32 v8, v4  }
0x143: {  	v4 =	vmov v9;
	v3 =	vld.idx.msk [tilespmem:v17+s13+$0x0], $0xffff  }
0x144: {  	v8 =	vld.idx.msk [tilespmem:v12+s13+$0x0], $0xffff;
	v7 =	vadd.f32 v14, v7  }
0x145: {  	v14 =	vld.idx.msk [tilespmem:v10+s13+$0x0], $0xffff  }
0x146: {  	v15 =	vld.idx.msk [tilespmem:v15+s18+$0x0], $0xffff;
	v7 =	vmul.f32 $1.666666720e-01, v7  }
0x147: {  	v12 =	vld.idx.msk [tilespmem:v18+s13+$0x0], $0xffff  }
0x148: {  	v17 =	vld.idx.msk [tilespmem:v6+s18+$0x0], $0xffff;
	[tilespmem:s1+$0x1CA70] =	vst v7;
	s1 =	smov.u32 s3  }
0x149: {  	v18 =	vld.idx.msk [tilespmem:v13+s18+$0x0], $0xffff  }
0x14a: {  	v10 =	vld.idx.msk [tilespmem:v11+s18+$0x0], $0xffff  }
.Ltmp12:
0x14b: {  	v9 =	vld.idx.msk [tilespmem:v19+s13+$0x0], $0xffff;
	(pc) =	sbr.rel @p5 .LBB2_18-.Ltmp12, $4  }
0x14c: {  	v11 =	vadd.f32 $0.0e+00, v15;
	v7 =	vld.idx.msk [tilespmem:v8+s18+$0x0], $0xffff  }
0x14d: {  	v6 =	vld.idx.msk [tilespmem:v16+s18+$0x0], $0xffff  }
0x14e: {  	v13 =	vadd.f32 v17, v11;
	v8 =	vld.idx.msk [tilespmem:v14+s18+$0x0], $0xffff  }
0x14f: {  	s7 =	sadd.s32 $0x540, s7;
	v11 =	vadd.f32 $0.0e+00, v18;
	v14 =	vld.idx.msk [tilespmem:v20+s13+$0x0], $0xffff  }
0x150: {  	_ =	sdelay $0x3  }
0x151: {  	v15 =	vmov v1;
	v1 =	vmov v14  }
.LBB2_20:
0x152: {  	_ =	sdelay $0x3  }
0x153: {  	v5 =	vld.idx.msk [tilespmem:v5+s13+$0x0], $0xffff;
	_ =	sdelay $0x1  }
0x154: {  	v3 =	vld.idx.msk [tilespmem:v3+s18+$0x0], $0xffff  }
0x155: {  	v12 =	vld.idx.msk [tilespmem:v12+s18+$0x0], $0xffff  }
0x156: {  	v9 =	vld.idx.msk [tilespmem:v9+s18+$0x0], $0xffff  }
0x157: {  	v10 =	vadd.f32 v10, v13;
	v6 =	vadd.f32 v6, v11;
	v11 =	vld.idx.msk @p4 [tilespmem:v15+s18+$0x0], $0xffff  }
0x158: {  	v1 =	vld.idx.msk [tilespmem:v1+s18+$0x0], $0xffff  }
0x159: {  	v2 =	vld.idx.msk @p4 [tilespmem:v2+s18+$0x0], $0xffff;
	v7 =	vadd.f32 v7, v10;
	v3 =	vadd.f32 v3, v6  }
0x15a: {  	v5 =	vld.idx.msk [tilespmem:v5+s18+$0x0], $0xffff  }
0x15b: {  	v6 =	vadd.f32 v8, v7;
	v3 =	vadd.f32 v9, v3  }
0x15c: {  	v4 =	vadd.f32 @p4 v11, v4  }
0x15d: {  	v6 =	vadd.f32 v12, v6;
	v1 =	vadd.f32 v1, v3  }
0x15e: {  	s3 =	sadd.s32 @p4 $0x20, s9;
	s7 =	sadd.s32 $0xFFFFFFFB, s10;
	v2 =	vadd.f32 @p4 v2, v4  }
0x15f: {  	s23 =	smov.u32 @p4 s3;
	v4 =	vadd.s32 s7, v0;
	v3 =	vmul.f32 $1.666666720e-01, v6;
	v1 =	vadd.f32 v5, v1  }
0x160: {  	s20 =	sadd.s32 $0xFFFFFFFC, s10;
	s18 =	sand.u32 $0x7FFFFFF0, s23;
	v2 =	vmul.f32 @p4 $1.666666720e-01, v2  }
0x161: {  	s17 =	sadd.s32 $0xFFFFFD5B, s10;
	s23 =	sadd.s32 $0xFFFFFFF0, s23;
	[tilespmem:s18+$0x1CA70] =	vst v3;
	v3 =	vadd.s32 s20, v0;
	v1 =	vmul.f32 $1.666666720e-01, v1  }
0x162: {  	s24 =	sadd.s32 $0xFFFFFD5C, s10;
	s30 =	sand.u32 $0x7FFFFFE0, s23;
	[tilespmem:s1+$0x1CA70] =	vst @p4 v2;
	v5 =	vadd.s32 s17, v0  }
0x163: {  	s7 =	sadd.s32 $0xFFFFFFFD, s10;
	v2 =	vadd.s32 s24, v0;
	[tilespmem:s30+$0x1CA70] =	vst v1  }
0x164: {  	s9 =	sadd.s32 $0xFFFFFD5D, s10;
	v1 =	vadd.s32 s7, v0;
	v4 =	vld.idx.msk [tilespmem:v4+s13+$0x0], $0xffff  }
0x165: {  	v6 =	vadd.s32 s9, v0;
	s18 =	sadd.s32 $0xFFFFFFFF, s10  }
0x166: {  	v9 =	vadd.s32 s18, v0;
	v8 =	vld.idx.msk [tilespmem:v3+s13+$0x0], $0xffff  }
0x167: {  	s17 =	sadd.s32 $0xFFFFFFFE, s10;
	v5 =	vld.idx.msk [tilespmem:v5+s13+$0x0], $0xffff  }
0x168: {  	v7 =	vadd.s32 s17, v0;
	v2 =	vld.idx.msk [tilespmem:v2+s13+$0x0], $0xffff  }
0x169: {  	v1 =	vld.idx.msk [tilespmem:v1+s13+$0x0], $0xffff  }
0x16a: {  	v10 =	vadd.s32 s10, v0;
	v3 =	vld.idx.msk [tilespmem:v6+s13+$0x0], $0xffff  }
0x16b: {  	s23 =	simm.s32 $0x0;
	v11 =	vld.idx.msk [tilespmem:v9+s13+$0x0], $0xffff  }
0x16c: {  	s20 =	sadd.s32 $0xFFFFFD5E, s10;
	v4 =	vld.idx.msk [tilespmem:v4+s23+$0x0], $0xffff  }
0x16d: {  	s24 =	sadd.s32 $0xFFFFFD5F, s10;
	v6 =	vld.idx.msk [tilespmem:v7+s13+$0x0], $0xffff;
	v7 =	vadd.s32 s20, v0  }
0x16e: {  	v15 =	vadd.s32 s24, v0;
	v13 =	vld.idx.msk [tilespmem:v8+s23+$0x0], $0xffff  }
0x16f: {  	v12 =	vld.idx.msk [tilespmem:v10+s13+$0x0], $0xffff  }
0x170: {  	v14 =	vld.idx.msk [tilespmem:v5+s23+$0x0], $0xffff  }
0x171: {  	v10 =	vld.idx.msk [tilespmem:v1+s23+$0x0], $0xffff;
	v1 =	vadd.f32 $0.0e+00, v4  }
.Ltmp13:
0x172: {  	v9 =	vld.idx.msk [tilespmem:v7+s13+$0x0], $0xffff;
	(pc) =	sbr.rel @!p3 .LBB2_21-.Ltmp13, $4  }
0x173: {  	v13 =	vadd.f32 v13, v1;
	v1 =	vld.idx.msk [tilespmem:v15+s13+$0x0], $0xffff  }
0x174: {  	v8 =	vld.idx.msk [tilespmem:v11+s23+$0x0], $0xffff  }
0x175: {  	s30 =	sadd.s32 $0xFFFFFD60, s10;
	v7 =	vld.idx.msk [tilespmem:v6+s23+$0x0], $0xffff  }
0x176: {  	s1 =	simm.s32 $0x10;
	s7 =	sadd.s32 $0x540, s10;
	v5 =	vadd.s32 s30, v0;
	v6 =	vld.idx.msk [tilespmem:v2+s23+$0x0], $0xffff;
	v11 =	vadd.f32 $0.0e+00, v14  }
0x177: {  	_ =	sdelay $0x1  }
0x178: {  	s3 =	sadd.s32 $0xFFFFFFFB, s7  }
0x179: {  	s9 =	sadd.s32 $0xFFFFFD5B, s7;
	v4 =	vadd.s32 s3, v0  }
0x17a: {  	v14 =	vld.idx.msk [tilespmem:v12+s23+$0x0], $0xffff;
	s18 =	sadd.s32 $0xFFFFFFFC, s7;
	v12 =	vadd.s32 s9, v0  }
0x17b: {  	s20 =	sadd.s32 $0xFFFFFD5C, s7;
	v15 =	vld.idx.msk [tilespmem:v3+s23+$0x0], $0xffff;
	v3 =	vadd.s32 s18, v0  }
0x17c: {  	v2 =	vld.idx.msk [tilespmem:v5+s13+$0x0], $0xffff;
	s24 =	sadd.s32 $0xFFFFFFFD, s7;
	v16 =	vadd.s32 s20, v0  }
0x17d: {  	s30 =	sadd.s32 $0xFFFFFD5D, s7;
	v5 =	vld.idx.msk [tilespmem:v9+s23+$0x0], $0xffff;
	v9 =	vadd.s32 s24, v0  }
0x17e: {  	s17 =	sadd.s32 $0xFFFFFFFF, s7;
	v17 =	vadd.s32 s30, v0;
	v4 =	vld.idx.msk [tilespmem:v4+s13+$0x0], $0xffff  }
0x17f: {  	s10 =	sadd.s32 $0xFFFFFFFE, s7;
	v20 =	vadd.s32 s17, v0;
	v18 =	vld.idx.msk [tilespmem:v12+s13+$0x0], $0xffff  }
0x180: {  	v12 =	vadd.s32 s10, v0;
	v19 =	vld.idx.msk [tilespmem:v3+s13+$0x0], $0xffff  }
0x181: {  	v21 =	vadd.s32 s7, v0;
	v16 =	vld.idx.msk [tilespmem:v16+s13+$0x0], $0xffff  }
0x182: {  	v10 =	vadd.f32 v10, v13;
	v9 =	vld.idx.msk [tilespmem:v9+s13+$0x0], $0xffff  }
0x183: {  	v3 =	vld.idx.msk [tilespmem:v17+s13+$0x0], $0xffff  }
0x184: {  	v7 =	vadd.f32 v7, v10;
	v13 =	vld.idx.msk [tilespmem:v20+s13+$0x0], $0xffff  }
0x185: {  	s18 =	sadd.s32 $0xFFFFFD5E, s7;
	v61 =	vld.idx.msk [tilespmem:v12+s13+$0x0], $0xffff  }
0x186: {  	s20 =	sadd.s32 $0xFFFFFD5F, s7;
	v62 =	vadd.s32 s18, v0;
	v7 =	vadd.f32 v8, v7;
	v12 =	vld.idx.msk [tilespmem:v21+s13+$0x0], $0xffff  }
0x187: {  	v63 =	vadd.s32 s20, v0;
	v4 =	vld.idx.msk [tilespmem:v4+s23+$0x0], $0xffff  }
0x188: {  	v8 =	vadd.f32 v14, v7;
	v19 =	vld.idx.msk [tilespmem:v19+s23+$0x0], $0xffff  }
0x189: {  	s19 =	sadd.s32 $0x2, s19;
	v6 =	vadd.f32 v6, v11;
	v18 =	vld.idx.msk [tilespmem:v18+s23+$0x0], $0xffff  }
0x18a: {  	p3 =	slt.u32 s19, s16;
	v14 =	vmul.f32 $1.666666720e-01, v8;
	v10 =	vld.idx.msk [tilespmem:v9+s23+$0x0], $0xffff  }
.Ltmp14:
0x18b: {  	s30 =	sand.u32 $0x7FFFFFF0, s1;
	v11 =	vadd.f32 v15, v6;
	v9 =	vld.idx.msk [tilespmem:v62+s13+$0x0], $0xffff;
	(pc) =	sbr.rel @!p3 .LBB2_23-.Ltmp14, $4  }
0x18c: {  	s17 =	sadd.s32 $0xFFFFFD60, s7;
	[tilespmem:s30+$0x1CAF0] =	vst v14;
	v14 =	vld.idx.msk [tilespmem:v63+s13+$0x0], $0xffff;
	v15 =	vadd.f32 $0.0e+00, v4  }
0x18d: {  	v7 =	vld.idx.msk [tilespmem:v61+s23+$0x0], $0xffff;
	v4 =	vadd.f32 v5, v11;
	v5 =	vadd.s32 s17, v0  }
0x18e: {  	p2 =	por $0x1, $0x1;
	s24 =	simm.s32 $0x0;
	s9 =	simm.s32 $0x10;
	v8 =	vld.idx.msk [tilespmem:v13+s23+$0x0], $0xffff;
	v13 =	vadd.f32 v19, v15  }
0x18f: {  	s20 =	sadd.s32 $0x540, s7;
	s18 =	simm.s32 $0x0;
	s10 =	sand.u32 $0x7FFFFFE0, s24;
	v6 =	vld.idx.msk [tilespmem:v16+s23+$0x0], $0xffff;
	v11 =	vadd.f32 $0.0e+00, v18  }
.LBB2_24:
0x190: {  	s3 =	sadd.s32 $0xFFFFFD5B, s20;
	s7 =	sadd.s32 $0xFFFFFFFB, s20;
	s19 =	sadd.s32 $0x2, s19;
	v10 =	vadd.f32 v10, v13;
	v12 =	vld.idx.msk [tilespmem:v12+s23+$0x0], $0xffff  }
0x191: {  	s17 =	sadd.s32 $0xFFFFFD5D, s20;
	v13 =	vadd.s32 s3, v0;
	s3 =	sadd.s32 $0xFFFFFD5C, s20;
	v15 =	vadd.s32 s7, v0;
	p3 =	slt.u32 s19, s16;
	v3 =	vld.idx.msk [tilespmem:v3+s23+$0x0], $0xffff  }
0x192: {  	v17 =	vadd.s32 s17, v0;
	s7 =	sadd.s32 $0xFFFFFD5F, s20;
	s17 =	sadd.s32 $0xFFFFFFFC, s20;
	v16 =	vadd.s32 s3, v0;
	s3 =	sadd.s32 $0xFFFFFD5E, s20;
	v18 =	vld.idx.msk [tilespmem:v5+s13+$0x0], $0xffff;
	v7 =	vadd.f32 v7, v10  }
0x193: {  	v20 =	vadd.s32 s7, v0;
	v10 =	vadd.s32 s17, v0;
	v19 =	vadd.s32 s3, v0;
	s3 =	sadd.s32 $0xFFFFFD60, s20;
	v9 =	vld.idx.msk [tilespmem:v9+s23+$0x0], $0xffff  }
0x194: {  	v6 =	vadd.f32 v6, v11;
	v5 =	vadd.s32 s3, v0;
	s3 =	sadd.s32 $0xFFFFFFFD, s20;
	v7 =	vadd.f32 v8, v7;
	v8 =	vld.idx.msk [tilespmem:v1+s18+$0x0], $0xffff;
	v1 =	vmovc v14  }
0x195: {  	v11 =	vadd.s32 s3, v0;
	v14 =	vld.idx.msk [tilespmem:v2+s18+$0x0], $0xffff;
	s18 =	smov.u32 s23  }
0x196: {  	s3 =	sadd.s32 $0xFFFFFFFE, s20;
	v15 =	vld.idx.msk [tilespmem:v15+s13+$0x0], $0xffff;
	v7 =	vadd.f32 v12, v7  }
0x197: {  	v12 =	vadd.s32 s3, v0;
	s3 =	sadd.s32 $0xFFFFFFFF, s20;
	v3 =	vadd.f32 v3, v6;
	v13 =	vld.idx.msk [tilespmem:v13+s13+$0x0], $0xffff;
	v2 =	vmov v18  }
0x198: {  	s9 =	sadd.s32 $0x20, s9;
	v6 =	vld.idx.msk [tilespmem:v10+s13+$0x0], $0xffff;
	v10 =	vadd.s32 s3, v0;
	v7 =	vmul.f32 $1.666666720e-01, v7  }
0x199: {  	s7 =	sand.u32 $0x7FFFFFF0, s9;
	s3 =	sadd.s32 $0xFFFFFFF0, s9;
	v9 =	vadd.f32 v9, v3;
	v16 =	vld.idx.msk [tilespmem:v16+s13+$0x0], $0xffff  }
0x19a: {  	v18 =	vadd.s32 s20, v0;
	s3 =	sand.u32 $0x7FFFFFE0, s3;
	v11 =	vld.idx.msk [tilespmem:v11+s13+$0x0], $0xffff;
	[tilespmem:s7+$0x1CAF0] =	vst v7;
	v7 =	vadd.f32 v8, v4  }
0x19b: {  	v4 =	vmov v9;
	v3 =	vld.idx.msk [tilespmem:v17+s13+$0x0], $0xffff  }
0x19c: {  	v8 =	vld.idx.msk [tilespmem:v12+s13+$0x0], $0xffff;
	v7 =	vadd.f32 v14, v7  }
0x19d: {  	s23 =	simm.s32 $0x0;
	v14 =	vld.idx.msk [tilespmem:v10+s13+$0x0], $0xffff  }
0x19e: {  	v15 =	vld.idx.msk [tilespmem:v15+s23+$0x0], $0xffff;
	v7 =	vmul.f32 $1.666666720e-01, v7  }
0x19f: {  	v12 =	vld.idx.msk [tilespmem:v18+s13+$0x0], $0xffff  }
0x1a0: {  	v17 =	vld.idx.msk [tilespmem:v6+s23+$0x0], $0xffff;
	[tilespmem:s10+$0x1CAF0] =	vst v7;
	s10 =	smov.u32 s3  }
0x1a1: {  	v18 =	vld.idx.msk [tilespmem:v13+s23+$0x0], $0xffff  }
0x1a2: {  	v10 =	vld.idx.msk [tilespmem:v11+s23+$0x0], $0xffff  }
.Ltmp15:
0x1a3: {  	v9 =	vld.idx.msk [tilespmem:v19+s13+$0x0], $0xffff;
	(pc) =	sbr.rel @p3 .LBB2_24-.Ltmp15, $4  }
0x1a4: {  	v11 =	vadd.f32 $0.0e+00, v15;
	v7 =	vld.idx.msk [tilespmem:v8+s23+$0x0], $0xffff  }
0x1a5: {  	v6 =	vld.idx.msk [tilespmem:v16+s23+$0x0], $0xffff  }
0x1a6: {  	v13 =	vadd.f32 v17, v11;
	v8 =	vld.idx.msk [tilespmem:v14+s23+$0x0], $0xffff  }
0x1a7: {  	s20 =	sadd.s32 $0x540, s20;
	v11 =	vadd.f32 $0.0e+00, v18;
	v14 =	vld.idx.msk [tilespmem:v20+s13+$0x0], $0xffff  }
0x1a8: {  	_ =	sdelay $0x3  }
0x1a9: {  	v15 =	vmov v1;
	v1 =	vmov v14  }
.LBB2_26:
0x1aa: {  	_ =	sdelay $0x3  }
0x1ab: {  	v5 =	vld.idx.msk [tilespmem:v5+s13+$0x0], $0xffff;
	_ =	sdelay $0x1  }
0x1ac: {  	v3 =	vld.idx.msk [tilespmem:v3+s23+$0x0], $0xffff  }
0x1ad: {  	v12 =	vld.idx.msk [tilespmem:v12+s23+$0x0], $0xffff  }
0x1ae: {  	v9 =	vld.idx.msk [tilespmem:v9+s23+$0x0], $0xffff  }
0x1af: {  	v10 =	vadd.f32 v10, v13;
	v6 =	vadd.f32 v6, v11;
	v11 =	vld.idx.msk @p2 [tilespmem:v15+s18+$0x0], $0xffff  }
0x1b0: {  	v1 =	vld.idx.msk [tilespmem:v1+s23+$0x0], $0xffff  }
0x1b1: {  	v2 =	vld.idx.msk @p2 [tilespmem:v2+s18+$0x0], $0xffff;
	v7 =	vadd.f32 v7, v10;
	v3 =	vadd.f32 v3, v6  }
0x1b2: {  	v5 =	vld.idx.msk [tilespmem:v5+s23+$0x0], $0xffff  }
0x1b3: {  	v6 =	vadd.f32 v8, v7;
	v3 =	vadd.f32 v9, v3  }
0x1b4: {  	v4 =	vadd.f32 @p2 v11, v4  }
0x1b5: {  	v6 =	vadd.f32 v12, v6;
	v1 =	vadd.f32 v1, v3  }
0x1b6: {  	s3 =	sadd.s32 @p2 $0x20, s9;
	s7 =	simm.s32 $0x10;
	s18 =	sadd.s32 $0xFFFFFFFB, s25;
	v2 =	vadd.f32 @p2 v2, v4  }
0x1b7: {  	s7 =	smov.u32 @p2 s3;
	v4 =	vadd.s32 s18, v0;
	v3 =	vmul.f32 $1.666666720e-01, v6;
	v1 =	vadd.f32 v5, v1  }
0x1b8: {  	s24 =	sadd.s32 $0xFFFFFFFC, s25;
	s20 =	sand.u32 $0x7FFFFFF0, s7;
	v2 =	vmul.f32 @p2 $1.666666720e-01, v2  }
0x1b9: {  	s19 =	sadd.s32 $0xFFFFFD5B, s25;
	s7 =	sadd.s32 $0xFFFFFFF0, s7;
	[tilespmem:s20+$0x1CAF0] =	vst v3;
	v3 =	vadd.s32 s24, v0;
	v1 =	vmul.f32 $1.666666720e-01, v1  }
0x1ba: {  	s30 =	sadd.s32 $0xFFFFFD5C, s25;
	s7 =	sand.u32 $0x7FFFFFE0, s7;
	[tilespmem:s10+$0x1CAF0] =	vst @p2 v2;
	v5 =	vadd.s32 s19, v0  }
0x1bb: {  	v2 =	vadd.s32 s30, v0;
	s10 =	sadd.s32 $0xFFFFFFFD, s25;
	[tilespmem:s7+$0x1CAF0] =	vst v1  }
0x1bc: {  	s17 =	sadd.s32 $0xFFFFFD5D, s25;
	v1 =	vadd.s32 s10, v0;
	v4 =	vld.idx.msk [tilespmem:v4+s13+$0x0], $0xffff  }
0x1bd: {  	s18 =	sadd.s32 $0xFFFFFFFE, s25;
	v6 =	vadd.s32 s17, v0  }
0x1be: {  	v7 =	vadd.s32 s18, v0;
	v8 =	vld.idx.msk [tilespmem:v3+s13+$0x0], $0xffff  }
0x1bf: {  	s19 =	sadd.s32 $0xFFFFFFFF, s25;
	v5 =	vld.idx.msk [tilespmem:v5+s13+$0x0], $0xffff  }
0x1c0: {  	v9 =	vadd.s32 s19, v0;
	v2 =	vld.idx.msk [tilespmem:v2+s13+$0x0], $0xffff  }
0x1c1: {  	v1 =	vld.idx.msk [tilespmem:v1+s13+$0x0], $0xffff  }
0x1c2: {  	v10 =	vadd.s32 s25, v0;
	v3 =	vld.idx.msk [tilespmem:v6+s13+$0x0], $0xffff  }
0x1c3: {  	v6 =	vld.idx.msk [tilespmem:v7+s13+$0x0], $0xffff  }
0x1c4: {  	s20 =	sadd.s32 $0xFFFFFD5E, s25;
	v4 =	vld.idx.msk [tilespmem:v4+s23+$0x0], $0xffff  }
0x1c5: {  	s24 =	sadd.s32 $0xFFFFFD5F, s25;
	v7 =	vadd.s32 s20, v0;
	v11 =	vld.idx.msk [tilespmem:v9+s13+$0x0], $0xffff  }
0x1c6: {  	v15 =	vadd.s32 s24, v0;
	v13 =	vld.idx.msk [tilespmem:v8+s23+$0x0], $0xffff  }
0x1c7: {  	v12 =	vld.idx.msk [tilespmem:v10+s13+$0x0], $0xffff  }
0x1c8: {  	s10 =	sadd.s32 $0x2, s23;
	v14 =	vld.idx.msk [tilespmem:v5+s23+$0x0], $0xffff  }
0x1c9: {  	p3 =	slt.u32 s10, s16;
	v10 =	vld.idx.msk [tilespmem:v1+s23+$0x0], $0xffff;
	v1 =	vadd.f32 $0.0e+00, v4  }
.Ltmp16:
0x1ca: {  	v9 =	vld.idx.msk [tilespmem:v7+s13+$0x0], $0xffff;
	(pc) =	sbr.rel @!p3 .LBB2_27-.Ltmp16, $4  }
0x1cb: {  	v13 =	vadd.f32 v13, v1;
	v1 =	vld.idx.msk [tilespmem:v15+s13+$0x0], $0xffff  }
0x1cc: {  	v7 =	vld.idx.msk [tilespmem:v6+s23+$0x0], $0xffff  }
0x1cd: {  	s30 =	sadd.s32 $0xFFFFFD60, s25;
	v6 =	vld.idx.msk [tilespmem:v2+s23+$0x0], $0xffff  }
0x1ce: {  	p2 =	por $0x0, $0x0;
	s7 =	sadd.s32 $0x540, s25;
	v5 =	vadd.s32 s30, v0;
	v8 =	vld.idx.msk [tilespmem:v11+s23+$0x0], $0xffff;
	v11 =	vadd.f32 $0.0e+00, v14  }
0x1cf: {  	_ =	sdelay $0x1  }
0x1d0: {  	s3 =	sadd.s32 $0xFFFFFFFB, s7  }
0x1d1: {  	s9 =	sadd.s32 $0xFFFFFD5B, s7;
	v4 =	vadd.s32 s3, v0  }
0x1d2: {  	v14 =	vld.idx.msk [tilespmem:v12+s23+$0x0], $0xffff;
	s25 =	sadd.s32 $0xFFFFFFFC, s7;
	v12 =	vadd.s32 s9, v0  }
0x1d3: {  	s30 =	sadd.s32 $0xFFFFFD5C, s7;
	v15 =	vld.idx.msk [tilespmem:v3+s23+$0x0], $0xffff;
	v3 =	vadd.s32 s25, v0  }
0x1d4: {  	v2 =	vld.idx.msk [tilespmem:v5+s13+$0x0], $0xffff;
	v16 =	vadd.s32 s30, v0;
	s9 =	sadd.s32 $0xFFFFFFFD, s7  }
0x1d5: {  	s17 =	sadd.s32 $0xFFFFFD5D, s7;
	v5 =	vld.idx.msk [tilespmem:v9+s23+$0x0], $0xffff;
	v9 =	vadd.s32 s9, v0  }
0x1d6: {  	s19 =	sadd.s32 $0xFFFFFFFF, s7;
	v17 =	vadd.s32 s17, v0;
	v4 =	vld.idx.msk [tilespmem:v4+s13+$0x0], $0xffff  }
0x1d7: {  	s18 =	sadd.s32 $0xFFFFFFFE, s7;
	v20 =	vadd.s32 s19, v0;
	v18 =	vld.idx.msk [tilespmem:v12+s13+$0x0], $0xffff  }
0x1d8: {  	v12 =	vadd.s32 s18, v0;
	v19 =	vld.idx.msk [tilespmem:v3+s13+$0x0], $0xffff  }
0x1d9: {  	v21 =	vadd.s32 s7, v0;
	v16 =	vld.idx.msk [tilespmem:v16+s13+$0x0], $0xffff  }
0x1da: {  	v10 =	vadd.f32 v10, v13;
	v9 =	vld.idx.msk [tilespmem:v9+s13+$0x0], $0xffff  }
0x1db: {  	v3 =	vld.idx.msk [tilespmem:v17+s13+$0x0], $0xffff  }
0x1dc: {  	v7 =	vadd.f32 v7, v10;
	v13 =	vld.idx.msk [tilespmem:v20+s13+$0x0], $0xffff  }
0x1dd: {  	s20 =	sadd.s32 $0xFFFFFD5E, s7;
	v61 =	vld.idx.msk [tilespmem:v12+s13+$0x0], $0xffff  }
0x1de: {  	s24 =	sadd.s32 $0xFFFFFD5F, s7;
	v62 =	vadd.s32 s20, v0;
	v7 =	vadd.f32 v8, v7;
	v12 =	vld.idx.msk [tilespmem:v21+s13+$0x0], $0xffff  }
0x1df: {  	v63 =	vadd.s32 s24, v0;
	v4 =	vld.idx.msk [tilespmem:v4+s23+$0x0], $0xffff  }
0x1e0: {  	v8 =	vadd.f32 v14, v7;
	v19 =	vld.idx.msk [tilespmem:v19+s23+$0x0], $0xffff  }
0x1e1: {  	s19 =	sadd.s32 $0x2, s10;
	v6 =	vadd.f32 v6, v11;
	v18 =	vld.idx.msk [tilespmem:v18+s23+$0x0], $0xffff  }
0x1e2: {  	p5 =	slt.u32 s19, s16;
	v14 =	vmul.f32 $1.666666720e-01, v8;
	v10 =	vld.idx.msk [tilespmem:v9+s23+$0x0], $0xffff  }
.Ltmp17:
0x1e3: {  	s17 =	sand.u32 $0x7FFFFFF0, s1;
	v11 =	vadd.f32 v15, v6;
	v9 =	vld.idx.msk [tilespmem:v62+s13+$0x0], $0xffff;
	(pc) =	sbr.rel @!p5 .LBB2_29-.Ltmp17, $4  }
0x1e4: {  	s25 =	sadd.s32 $0xFFFFFD60, s7;
	[tilespmem:s17+$0x1CB70] =	vst v14;
	v14 =	vld.idx.msk [tilespmem:v63+s13+$0x0], $0xffff;
	v15 =	vadd.f32 $0.0e+00, v4  }
0x1e5: {  	v7 =	vld.idx.msk [tilespmem:v61+s23+$0x0], $0xffff;
	v4 =	vadd.f32 v5, v11;
	v5 =	vadd.s32 s25, v0  }
0x1e6: {  	p4 =	por $0x1, $0x1;
	s30 =	simm.s32 $0x0;
	v8 =	vld.idx.msk [tilespmem:v13+s23+$0x0], $0xffff;
	v13 =	vadd.f32 v19, v15  }
0x1e7: {  	s7 =	sadd.s32 $0x540, s7;
	s9 =	simm.s32 $0x10;
	s18 =	sand.u32 $0x7FFFFFE0, s30;
	v6 =	vld.idx.msk [tilespmem:v16+s23+$0x0], $0xffff;
	v11 =	vadd.f32 $0.0e+00, v18  }
.LBB2_30:
0x1e8: {  	s3 =	sadd.s32 $0xFFFFFD5B, s7;
	s17 =	sadd.s32 $0xFFFFFFFB, s7;
	s19 =	sadd.s32 $0x2, s19;
	v10 =	vadd.f32 v10, v13;
	v12 =	vld.idx.msk [tilespmem:v12+s23+$0x0], $0xffff  }
0x1e9: {  	s20 =	sadd.s32 $0xFFFFFD5D, s7;
	v13 =	vadd.s32 s3, v0;
	s3 =	sadd.s32 $0xFFFFFD5C, s7;
	v15 =	vadd.s32 s17, v0;
	p5 =	slt.u32 s19, s16;
	v3 =	vld.idx.msk [tilespmem:v3+s23+$0x0], $0xffff  }
0x1ea: {  	v17 =	vadd.s32 s20, v0;
	s17 =	sadd.s32 $0xFFFFFD5F, s7;
	s20 =	sadd.s32 $0xFFFFFFFC, s7;
	v16 =	vadd.s32 s3, v0;
	s3 =	sadd.s32 $0xFFFFFD5E, s7;
	v18 =	vld.idx.msk [tilespmem:v5+s13+$0x0], $0xffff;
	v7 =	vadd.f32 v7, v10  }
0x1eb: {  	v20 =	vadd.s32 s17, v0;
	v10 =	vadd.s32 s20, v0;
	v19 =	vadd.s32 s3, v0;
	s3 =	sadd.s32 $0xFFFFFD60, s7;
	v9 =	vld.idx.msk [tilespmem:v9+s23+$0x0], $0xffff  }
0x1ec: {  	v6 =	vadd.f32 v6, v11;
	v5 =	vadd.s32 s3, v0;
	s3 =	sadd.s32 $0xFFFFFFFD, s7;
	v7 =	vadd.f32 v8, v7;
	v8 =	vld.idx.msk [tilespmem:v1+s23+$0x0], $0xffff;
	v1 =	vmovc v14  }
0x1ed: {  	v11 =	vadd.s32 s3, v0;
	v14 =	vld.idx.msk [tilespmem:v2+s23+$0x0], $0xffff  }
0x1ee: {  	s3 =	sadd.s32 $0xFFFFFFFE, s7;
	v15 =	vld.idx.msk [tilespmem:v15+s13+$0x0], $0xffff;
	v7 =	vadd.f32 v12, v7  }
0x1ef: {  	v12 =	vadd.s32 s3, v0;
	s3 =	sadd.s32 $0xFFFFFFFF, s7;
	v3 =	vadd.f32 v3, v6;
	v13 =	vld.idx.msk [tilespmem:v13+s13+$0x0], $0xffff;
	v2 =	vmov v18  }
0x1f0: {  	s9 =	sadd.s32 $0x20, s9;
	v6 =	vld.idx.msk [tilespmem:v10+s13+$0x0], $0xffff;
	v10 =	vadd.s32 s3, v0;
	v7 =	vmul.f32 $1.666666720e-01, v7  }
0x1f1: {  	s17 =	sand.u32 $0x7FFFFFF0, s9;
	s3 =	sadd.s32 $0xFFFFFFF0, s9;
	v9 =	vadd.f32 v9, v3;
	v16 =	vld.idx.msk [tilespmem:v16+s13+$0x0], $0xffff  }
0x1f2: {  	v18 =	vadd.s32 s7, v0;
	s3 =	sand.u32 $0x7FFFFFE0, s3;
	v11 =	vld.idx.msk [tilespmem:v11+s13+$0x0], $0xffff;
	[tilespmem:s17+$0x1CB70] =	vst v7;
	v7 =	vadd.f32 v8, v4  }
0x1f3: {  	v4 =	vmov v9;
	v3 =	vld.idx.msk [tilespmem:v17+s13+$0x0], $0xffff  }
0x1f4: {  	v8 =	vld.idx.msk [tilespmem:v12+s13+$0x0], $0xffff;
	v7 =	vadd.f32 v14, v7  }
0x1f5: {  	v14 =	vld.idx.msk [tilespmem:v10+s13+$0x0], $0xffff  }
0x1f6: {  	v15 =	vld.idx.msk [tilespmem:v15+s23+$0x0], $0xffff;
	v7 =	vmul.f32 $1.666666720e-01, v7  }
0x1f7: {  	v12 =	vld.idx.msk [tilespmem:v18+s13+$0x0], $0xffff  }
0x1f8: {  	v17 =	vld.idx.msk [tilespmem:v6+s23+$0x0], $0xffff;
	[tilespmem:s18+$0x1CB70] =	vst v7;
	s18 =	smov.u32 s3  }
0x1f9: {  	v18 =	vld.idx.msk [tilespmem:v13+s23+$0x0], $0xffff  }
0x1fa: {  	v10 =	vld.idx.msk [tilespmem:v11+s23+$0x0], $0xffff  }
.Ltmp18:
0x1fb: {  	v9 =	vld.idx.msk [tilespmem:v19+s13+$0x0], $0xffff;
	(pc) =	sbr.rel @p5 .LBB2_30-.Ltmp18, $4  }
0x1fc: {  	v11 =	vadd.f32 $0.0e+00, v15;
	v7 =	vld.idx.msk [tilespmem:v8+s23+$0x0], $0xffff  }
0x1fd: {  	v6 =	vld.idx.msk [tilespmem:v16+s23+$0x0], $0xffff  }
0x1fe: {  	v13 =	vadd.f32 v17, v11;
	v8 =	vld.idx.msk [tilespmem:v14+s23+$0x0], $0xffff  }
0x1ff: {  	s7 =	sadd.s32 $0x540, s7;
	v11 =	vadd.f32 $0.0e+00, v18;
	v14 =	vld.idx.msk [tilespmem:v20+s13+$0x0], $0xffff  }
0x200: {  	_ =	sdelay $0x3  }
0x201: {  	v15 =	vmov v1;
	v1 =	vmov v14  }
.LBB2_32:
0x202: {  	_ =	sdelay $0x3  }
0x203: {  	v5 =	vld.idx.msk [tilespmem:v5+s13+$0x0], $0xffff;
	_ =	sdelay $0x1  }
0x204: {  	v3 =	vld.idx.msk [tilespmem:v3+s23+$0x0], $0xffff  }
0x205: {  	v12 =	vld.idx.msk [tilespmem:v12+s23+$0x0], $0xffff  }
0x206: {  	v9 =	vld.idx.msk [tilespmem:v9+s23+$0x0], $0xffff  }
0x207: {  	v10 =	vadd.f32 v10, v13;
	v6 =	vadd.f32 v6, v11;
	v11 =	vld.idx.msk @p4 [tilespmem:v15+s23+$0x0], $0xffff  }
0x208: {  	v1 =	vld.idx.msk [tilespmem:v1+s23+$0x0], $0xffff  }
0x209: {  	v2 =	vld.idx.msk @p4 [tilespmem:v2+s23+$0x0], $0xffff;
	v7 =	vadd.f32 v7, v10;
	v3 =	vadd.f32 v3, v6  }
0x20a: {  	v5 =	vld.idx.msk [tilespmem:v5+s23+$0x0], $0xffff  }
0x20b: {  	v6 =	vadd.f32 v8, v7;
	v3 =	vadd.f32 v9, v3  }
0x20c: {  	v4 =	vadd.f32 @p4 v11, v4  }
0x20d: {  	v6 =	vadd.f32 v12, v6;
	v1 =	vadd.f32 v1, v3  }
0x20e: {  	s3 =	sadd.s32 @p4 $0x20, s9;
	v2 =	vadd.f32 @p4 v2, v4  }
0x20f: {  	s25 =	sadd.s32 $0xFFFFFD60, s22;
	s1 =	smov.u32 @p4 s3;
	v4 =	vadd.s32 s22, v0;
	v3 =	vmul.f32 $1.666666720e-01, v6;
	v1 =	vadd.f32 v5, v1  }
0x210: {  	s30 =	sadd.s32 $0x1, s22;
	s7 =	sand.u32 $0x7FFFFFF0, s1;
	v2 =	vmul.f32 @p4 $1.666666720e-01, v2;
	v5 =	vadd.s32 s25, v0  }
0x211: {  	s9 =	sadd.s32 $0xFFFFFD61, s22;
	s1 =	sadd.s32 $0xFFFFFFF0, s1;
	[tilespmem:s7+$0x1CB70] =	vst v3;
	v3 =	vadd.s32 s30, v0;
	v1 =	vmul.f32 $1.666666720e-01, v1  }
0x212: {  	s19 =	sadd.s32 $0x3, s22;
	s1 =	sand.u32 $0x7FFFFFE0, s1;
	[tilespmem:s18+$0x1CB70] =	vst @p4 v2;
	v2 =	vadd.s32 s9, v0  }
0x213: {  	s20 =	sadd.s32 $0xFFFFFD63, s22;
	v7 =	vadd.s32 s19, v0;
	[tilespmem:s1+$0x1CB70] =	vst v1  }
0x214: {  	s17 =	sadd.s32 $0x2, s22;
	v8 =	vadd.s32 s20, v0;
	v4 =	vld.idx.msk [tilespmem:v4+s13+$0x0], $0xffff  }
0x215: {  	s18 =	sadd.s32 $0xFFFFFD62, s22;
	v1 =	vadd.s32 s17, v0;
	v5 =	vld.idx.msk [tilespmem:v5+s13+$0x0], $0xffff  }
0x216: {  	v6 =	vadd.s32 s18, v0;
	v9 =	vld.idx.msk [tilespmem:v3+s13+$0x0], $0xffff  }
0x217: {  	v2 =	vld.idx.msk [tilespmem:v2+s13+$0x0], $0xffff  }
0x218: {  	s23 =	sadd.s32 $0xFFFFFD64, s22;
	v3 =	vld.idx.msk [tilespmem:v7+s13+$0x0], $0xffff  }
0x219: {  	v10 =	vadd.s32 s23, v0;
	v7 =	vld.idx.msk [tilespmem:v8+s13+$0x0], $0xffff  }
0x21a: {  	v14 =	vld.idx.msk [tilespmem:v1+s13+$0x0], $0xffff  }
0x21b: {  	v1 =	vld.idx.msk [tilespmem:v6+s13+$0x0], $0xffff;
	_ =	sdelay $0x2  }
0x21c: {  	s18 =	simm.s32 $0x0;
	s25 =	sadd.s32 $0x4, s22;
	v8 =	vld.idx.msk [tilespmem:v10+s13+$0x0], $0xffff  }
0x21d: {  	s24 =	sadd.s32 $0xFFFFFD65, s22;
	v12 =	vadd.s32 s25, v0;
	v5 =	vld.idx.msk [tilespmem:v5+s18+$0x0], $0xffff  }
0x21e: {  	v6 =	vadd.s32 s24, v0;
	v2 =	vld.idx.msk [tilespmem:v2+s18+$0x0], $0xffff  }
0x21f: {  	v4 =	vld.idx.msk [tilespmem:v4+s18+$0x0], $0xffff  }
0x220: {  	v7 =	vld.idx.msk [tilespmem:v7+s18+$0x0], $0xffff  }
0x221: {  	v10 =	vld.idx.msk [tilespmem:v1+s18+$0x0], $0xffff  }
.Ltmp19:
0x222: {  	v1 =	vld.idx.msk [tilespmem:v12+s13+$0x0], $0xffff;
	(pc) =	sbr.rel @!p3 .LBB2_33-.Ltmp19, $4  }
0x223: {  	v11 =	vld.idx.msk [tilespmem:v6+s13+$0x0], $0xffff  }
0x224: {  	v6 =	vld.idx.msk [tilespmem:v9+s18+$0x0], $0xffff;
	v9 =	vadd.f32 $0.0e+00, v5  }
0x225: {  	s30 =	sadd.s32 $0x5, s22;
	v8 =	vld.idx.msk [tilespmem:v8+s18+$0x0], $0xffff  }
0x226: {  	s7 =	sadd.s32 $0x540, s22;
	s1 =	simm.s32 $0x10;
	v5 =	vadd.s32 s30, v0;
	v12 =	vadd.f32 $0.0e+00, v4;
	v13 =	vadd.f32 v2, v9;
	v9 =	vld.idx.msk [tilespmem:v14+s18+$0x0], $0xffff  }
0x227: {  	_ =	sdelay $0x2  }
0x228: {  	s3 =	sadd.s32 $0xFFFFFD60, s7;
	v4 =	vadd.s32 s7, v0  }
0x229: {  	s9 =	sadd.s32 $0x1, s7;
	v14 =	vadd.s32 s3, v0  }
0x22a: {  	s25 =	sadd.s32 $0xFFFFFD61, s7;
	v15 =	vld.idx.msk [tilespmem:v11+s18+$0x0], $0xffff;
	v11 =	vadd.s32 s9, v0  }
0x22b: {  	s30 =	sadd.s32 $0x2, s7;
	v2 =	vld.idx.msk [tilespmem:v5+s13+$0x0], $0xffff;
	v5 =	vadd.s32 s25, v0  }
0x22c: {  	v17 =	vld.idx.msk [tilespmem:v3+s18+$0x0], $0xffff;
	s17 =	sadd.s32 $0xFFFFFD62, s7;
	v16 =	vadd.s32 s30, v0  }
0x22d: {  	s19 =	sadd.s32 $0x3, s7;
	v3 =	vadd.s32 s17, v0;
	v4 =	vld.idx.msk [tilespmem:v4+s13+$0x0], $0xffff  }
0x22e: {  	s20 =	sadd.s32 $0xFFFFFD63, s7;
	v18 =	vadd.s32 s19, v0;
	v14 =	vld.idx.msk [tilespmem:v14+s13+$0x0], $0xffff  }
0x22f: {  	s22 =	sadd.s32 $0xFFFFFD64, s7;
	v19 =	vadd.s32 s20, v0;
	v20 =	vld.idx.msk [tilespmem:v11+s13+$0x0], $0xffff  }
0x230: {  	s23 =	sadd.s32 $0xFFFFFD65, s7;
	v5 =	vld.idx.msk [tilespmem:v5+s13+$0x0], $0xffff;
	v11 =	vadd.s32 s22, v0  }
0x231: {  	v22 =	vadd.s32 s23, v0;
	v16 =	vld.idx.msk [tilespmem:v16+s13+$0x0], $0xffff  }
0x232: {  	v21 =	vld.idx.msk [tilespmem:v3+s13+$0x0], $0xffff  }
0x233: {  	v3 =	vld.idx.msk [tilespmem:v18+s13+$0x0], $0xffff  }
0x234: {  	v10 =	vadd.f32 v10, v13;
	v61 =	vld.idx.msk [tilespmem:v19+s13+$0x0], $0xffff  }
0x235: {  	v13 =	vld.idx.msk [tilespmem:v11+s13+$0x0], $0xffff  }
0x236: {  	v7 =	vadd.f32 v7, v10;
	v11 =	vld.idx.msk [tilespmem:v22+s13+$0x0], $0xffff  }
0x237: {  	s24 =	sadd.s32 $0x4, s7;
	v14 =	vld.idx.msk [tilespmem:v14+s18+$0x0], $0xffff  }
0x238: {  	v62 =	vadd.s32 s24, v0;
	v63 =	vld.idx.msk [tilespmem:v5+s18+$0x0], $0xffff;
	v5 =	vadd.f32 v8, v7  }
0x239: {  	s22 =	sadd.s32 $0x2, s10;
	v23 =	vld.idx.msk [tilespmem:v4+s18+$0x0], $0xffff;
	v4 =	vadd.f32 v6, v12  }
0x23a: {  	p3 =	slt.u32 s22, s16;
	v10 =	vld.idx.msk [tilespmem:v21+s18+$0x0], $0xffff;
	v5 =	vadd.f32 v15, v5  }
.Ltmp20:
0x23b: {  	s30 =	sadd.s32 $0x5, s7;
	v6 =	vld.idx.msk [tilespmem:v20+s18+$0x0], $0xffff;
	v4 =	vadd.f32 v9, v4;
	(pc) =	sbr.rel @!p3 .LBB2_35-.Ltmp20, $4  }
0x23c: {  	v7 =	vld.idx.msk [tilespmem:v61+s18+$0x0], $0xffff;
	v9 =	vmul.f32 $1.666666720e-01, v5;
	v5 =	vadd.s32 s30, v0;
	v12 =	vadd.f32 $0.0e+00, v14  }
0x23d: {  	s25 =	simm.s32 $0x0;
	v14 =	vld.idx.msk [tilespmem:v62+s13+$0x0], $0xffff  }
0x23e: {  	p2 =	por $0x1, $0x1;
	s20 =	sadd.s32 $0x540, s7;
	s3 =	sand.u32 $0x7FFFFFE0, s25;
	v8 =	vld.idx.msk [tilespmem:v13+s18+$0x0], $0xffff;
	v13 =	vadd.f32 v63, v12  }
0x23f: {  	s19 =	simm.s32 $0x0;
	s9 =	simm.s32 $0x10;
	s10 =	sand.u32 $0x7FFFFFF0, s1;
	v4 =	vadd.f32 v17, v4;
	[tilespmem:s3+$0x1CBF0] =	vst v9;
	v9 =	vld.idx.msk [tilespmem:v16+s18+$0x0], $0xffff;
	v12 =	vadd.f32 $0.0e+00, v23  }
.LBB2_36:
0x240: {  	s3 =	sadd.s32 $0xFFFFFD60, s20;
	v15 =	vadd.s32 s20, v0;
	s7 =	sadd.s32 $0x1, s20;
	s22 =	sadd.s32 $0x2, s22;
	v10 =	vadd.f32 v10, v13;
	v11 =	vld.idx.msk [tilespmem:v11+s18+$0x0], $0xffff  }
0x241: {  	v13 =	vadd.s32 s3, v0;
	v16 =	vadd.s32 s7, v0;
	s3 =	sadd.s32 $0x2, s20;
	s7 =	sadd.s32 $0x3, s20;
	p3 =	slt.u32 s22, s16;
	v6 =	vadd.f32 v6, v12;
	v12 =	vld.idx.msk [tilespmem:v5+s13+$0x0], $0xffff  }
0x242: {  	s17 =	sadd.s32 $0xFFFFFD61, s20;
	v17 =	vadd.s32 s3, v0;
	v18 =	vadd.s32 s7, v0;
	s3 =	sadd.s32 $0x4, s20;
	s7 =	sadd.s32 $0x5, s20;
	v7 =	vadd.f32 v7, v10;
	v3 =	vld.idx.msk [tilespmem:v3+s18+$0x0], $0xffff  }
0x243: {  	v10 =	vadd.s32 s17, v0;
	v19 =	vadd.s32 s3, v0;
	v5 =	vadd.s32 s7, v0;
	v20 =	vld.idx.msk [tilespmem:v1+s19+$0x0], $0xffff;
	v1 =	vmovc v14  }
0x244: {  	s3 =	sadd.s32 $0xFFFFFD62, s20;
	v7 =	vadd.f32 v8, v7;
	v8 =	vld.idx.msk [tilespmem:v2+s19+$0x0], $0xffff;
	s19 =	smov.u32 s18  }
0x245: {  	v14 =	vadd.s32 s3, v0;
	v6 =	vadd.f32 v9, v6;
	v15 =	vld.idx.msk [tilespmem:v15+s13+$0x0], $0xffff  }
0x246: {  	s3 =	sadd.s32 $0xFFFFFD63, s20;
	v9 =	vld.idx.msk [tilespmem:v13+s13+$0x0], $0xffff;
	v7 =	vadd.f32 v11, v7;
	v2 =	vmov v12  }
0x247: {  	s9 =	sadd.s32 $0x20, s9;
	v11 =	vadd.s32 s3, v0;
	s3 =	sadd.s32 $0xFFFFFD64, s20;
	v12 =	vld.idx.msk [tilespmem:v16+s13+$0x0], $0xffff  }
0x248: {  	s7 =	sand.u32 $0x7FFFFFF0, s9;
	v13 =	vadd.s32 s3, v0;
	s3 =	sadd.s32 $0xFFFFFFF0, s9;
	v3 =	vadd.f32 v3, v6;
	v10 =	vld.idx.msk [tilespmem:v10+s13+$0x0], $0xffff;
	v7 =	vmul.f32 $1.666666720e-01, v7  }
0x249: {  	s17 =	sadd.s32 $0xFFFFFD65, s20;
	s3 =	sand.u32 $0x7FFFFFE0, s3;
	v6 =	vadd.f32 v20, v4;
	v16 =	vld.idx.msk [tilespmem:v17+s13+$0x0], $0xffff  }
0x24a: {  	v17 =	vadd.s32 s17, v0;
	v4 =	vmov v3;
	v14 =	vld.idx.msk [tilespmem:v14+s13+$0x0], $0xffff;
	[tilespmem:s3+$0x1CBF0] =	vst v7  }
0x24b: {  	v6 =	vadd.f32 v8, v6;
	v3 =	vld.idx.msk [tilespmem:v18+s13+$0x0], $0xffff  }
0x24c: {  	v7 =	vld.idx.msk [tilespmem:v11+s13+$0x0], $0xffff  }
0x24d: {  	s18 =	simm.s32 $0x0;
	v6 =	vmul.f32 $1.666666720e-01, v6;
	v8 =	vld.idx.msk [tilespmem:v13+s13+$0x0], $0xffff  }
0x24e: {  	v9 =	vld.idx.msk [tilespmem:v9+s18+$0x0], $0xffff  }
0x24f: {  	v11 =	vld.idx.msk [tilespmem:v17+s13+$0x0], $0xffff;
	[tilespmem:s10+$0x1CBF0] =	vst v6;
	s10 =	smov.u32 s7  }
0x250: {  	v13 =	vld.idx.msk [tilespmem:v10+s18+$0x0], $0xffff  }
0x251: {  	v15 =	vld.idx.msk [tilespmem:v15+s18+$0x0], $0xffff  }
0x252: {  	v10 =	vld.idx.msk [tilespmem:v14+s18+$0x0], $0xffff  }
.Ltmp21:
0x253: {  	v6 =	vld.idx.msk [tilespmem:v12+s18+$0x0], $0xffff;
	(pc) =	sbr.rel @p3 .LBB2_36-.Ltmp21, $4  }
0x254: {  	v9 =	vadd.f32 $0.0e+00, v9;
	v7 =	vld.idx.msk [tilespmem:v7+s18+$0x0], $0xffff  }
0x255: {  	v14 =	vld.idx.msk [tilespmem:v19+s13+$0x0], $0xffff  }
0x256: {  	v13 =	vadd.f32 v13, v9;
	v8 =	vld.idx.msk [tilespmem:v8+s18+$0x0], $0xffff  }
0x257: {  	s20 =	sadd.s32 $0x540, s20;
	v12 =	vadd.f32 $0.0e+00, v15;
	v9 =	vld.idx.msk [tilespmem:v16+s18+$0x0], $0xffff  }
0x258: {  	_ =	sdelay $0x1  }
0x259: {  	v15 =	vmov v1;
	v1 =	vmov v14  }
.LBB2_38:
0x25a: {  	_ =	sdelay $0x3  }
0x25b: {  	v5 =	vld.idx.msk [tilespmem:v5+s13+$0x0], $0xffff;
	_ =	sdelay $0x3  }
0x25c: {  	v3 =	vld.idx.msk [tilespmem:v3+s18+$0x0], $0xffff  }
0x25d: {  	v6 =	vadd.f32 v6, v12  }
0x25e: {  	v1 =	vld.idx.msk [tilespmem:v1+s18+$0x0], $0xffff  }
0x25f: {  	v12 =	vld.idx.msk @p2 [tilespmem:v15+s19+$0x0], $0xffff;
	v6 =	vadd.f32 v9, v6  }
0x260: {  	v5 =	vld.idx.msk [tilespmem:v5+s18+$0x0], $0xffff  }
0x261: {  	v10 =	vadd.f32 v10, v13;
	v2 =	vld.idx.msk @p2 [tilespmem:v2+s19+$0x0], $0xffff;
	v3 =	vadd.f32 v3, v6  }
0x262: {  	v11 =	vld.idx.msk [tilespmem:v11+s18+$0x0], $0xffff  }
0x263: {  	v7 =	vadd.f32 v7, v10;
	v1 =	vadd.f32 v1, v3  }
0x264: {  	v4 =	vadd.f32 @p2 v12, v4  }
0x265: {  	v7 =	vadd.f32 v8, v7;
	v1 =	vadd.f32 v5, v1  }
0x266: {  	s3 =	sadd.s32 @p2 $0x20, s9;
	s7 =	simm.s32 $0x10;
	v2 =	vadd.f32 @p2 v2, v4  }
0x267: {  	s7 =	smov.u32 @p2 s3;
	v6 =	vadd.f32 v11, v7;
	v1 =	vmul.f32 $1.666666720e-01, v1  }
0x268: {  	s3 =	sadd.s32 $0xFFFFFFF0, s7;
	s30 =	sand.u32 $0x7FFFFFF0, s7;
	s7 =	sadd.s32 $0xFFFFFFFB, s21;
	v2 =	vmul.f32 @p2 $1.666666720e-01, v2  }
0x269: {  	v3 =	vmul.f32 $1.666666720e-01, v6;
	[tilespmem:s30+$0x1CBF0] =	vst v1;
	v1 =	vadd.s32 s7, v0  }
0x26a: {  	s3 =	sand.u32 $0x7FFFFFE0, s3;
	[tilespmem:s10+$0x1CBF0] =	vst @p2 v2;
	s10 =	sadd.s32 $0xFFFFFFFC, s21  }
0x26b: {  	s9 =	sadd.s32 $0xFFFFFD5B, s21;
	[tilespmem:s3+$0x1CBF0] =	vst v3;
	v3 =	vadd.s32 s10, v0  }
0x26c: {  	s17 =	sadd.s32 $0xFFFFFD5C, s21;
	v2 =	vadd.s32 s9, v0  }
0x26d: {  	s19 =	sadd.s32 $0xFFFFFFFD, s21;
	v4 =	vadd.s32 s17, v0  }
0x26e: {  	s20 =	sadd.s32 $0xFFFFFD5D, s21;
	v5 =	vadd.s32 s19, v0;
	v1 =	vld.idx.msk [tilespmem:v1+s13+$0x0], $0xffff  }
0x26f: {  	s22 =	sadd.s32 $0xFFFFFFFE, s21;
	v6 =	vadd.s32 s20, v0  }
0x270: {  	v7 =	vadd.s32 s22, v0;
	v8 =	vld.idx.msk [tilespmem:v3+s13+$0x0], $0xffff  }
0x271: {  	s23 =	sadd.s32 $0xFFFFFFFF, s21;
	v2 =	vld.idx.msk [tilespmem:v2+s13+$0x0], $0xffff  }
0x272: {  	v9 =	vadd.s32 s23, v0;
	v4 =	vld.idx.msk [tilespmem:v4+s13+$0x0], $0xffff  }
0x273: {  	v5 =	vld.idx.msk [tilespmem:v5+s13+$0x0], $0xffff  }
0x274: {  	s24 =	sadd.s32 $0xFFFFFD5E, s21;
	v10 =	vadd.s32 s21, v0;
	v3 =	vld.idx.msk [tilespmem:v6+s13+$0x0], $0xffff  }
0x275: {  	v6 =	vld.idx.msk [tilespmem:v7+s13+$0x0], $0xffff;
	v7 =	vadd.s32 s24, v0  }
0x276: {  	v1 =	vld.idx.msk [tilespmem:v1+s5+$0x0], $0xffff  }
0x277: {  	s25 =	sadd.s32 $0xFFFFFD5F, s21;
	v11 =	vld.idx.msk [tilespmem:v9+s13+$0x0], $0xffff  }
0x278: {  	v14 =	vadd.s32 s25, v0;
	v13 =	vld.idx.msk [tilespmem:v8+s5+$0x0], $0xffff  }
0x279: {  	v12 =	vld.idx.msk [tilespmem:v10+s13+$0x0], $0xffff  }
0x27a: {  	s9 =	sadd.s32 $0x2, s18;
	v9 =	vld.idx.msk [tilespmem:v7+s13+$0x0], $0xffff  }
0x27b: {  	p3 =	slt.u32 s9, s16;
	v2 =	vld.idx.msk [tilespmem:v2+s5+$0x0], $0xffff;
	v1 =	vadd.f32 $0.0e+00, v1  }
.Ltmp22:
0x27c: {  	v10 =	vld.idx.msk [tilespmem:v5+s5+$0x0], $0xffff;
	(pc) =	sbr.rel @!p3 .LBB2_39-.Ltmp22, $4  }
0x27d: {  	v13 =	vadd.f32 v13, v1;
	v1 =	vld.idx.msk [tilespmem:v14+s13+$0x0], $0xffff  }
0x27e: {  	v7 =	vld.idx.msk [tilespmem:v6+s5+$0x0], $0xffff  }
0x27f: {  	s30 =	sadd.s32 $0xFFFFFD60, s21;
	v6 =	vld.idx.msk [tilespmem:v4+s5+$0x0], $0xffff  }
0x280: {  	p2 =	por $0x0, $0x0;
	s7 =	sadd.s32 $0x540, s21;
	v8 =	vld.idx.msk [tilespmem:v11+s5+$0x0], $0xffff;
	v5 =	vadd.s32 s30, v0;
	v11 =	vadd.f32 $0.0e+00, v2  }
0x281: {  	_ =	sdelay $0x1  }
0x282: {  	s3 =	sadd.s32 $0xFFFFFFFB, s7  }
0x283: {  	s10 =	sadd.s32 $0xFFFFFD5B, s7;
	v4 =	vadd.s32 s3, v0  }
0x284: {  	v14 =	vld.idx.msk [tilespmem:v12+s5+$0x0], $0xffff;
	s17 =	sadd.s32 $0xFFFFFFFC, s7;
	v12 =	vadd.s32 s10, v0  }
0x285: {  	s18 =	sadd.s32 $0xFFFFFD5C, s7;
	v15 =	vld.idx.msk [tilespmem:v3+s5+$0x0], $0xffff;
	v3 =	vadd.s32 s17, v0  }
0x286: {  	v2 =	vld.idx.msk [tilespmem:v5+s13+$0x0], $0xffff;
	s19 =	sadd.s32 $0xFFFFFFFD, s7;
	v16 =	vadd.s32 s18, v0  }
0x287: {  	s20 =	sadd.s32 $0xFFFFFD5D, s7;
	v5 =	vld.idx.msk [tilespmem:v9+s5+$0x0], $0xffff;
	v9 =	vadd.s32 s19, v0  }
0x288: {  	s22 =	sadd.s32 $0xFFFFFFFF, s7;
	v17 =	vadd.s32 s20, v0;
	v4 =	vld.idx.msk [tilespmem:v4+s13+$0x0], $0xffff  }
0x289: {  	s21 =	sadd.s32 $0xFFFFFFFE, s7;
	v20 =	vadd.s32 s22, v0;
	v18 =	vld.idx.msk [tilespmem:v12+s13+$0x0], $0xffff  }
0x28a: {  	v12 =	vadd.s32 s21, v0;
	v19 =	vld.idx.msk [tilespmem:v3+s13+$0x0], $0xffff  }
0x28b: {  	v21 =	vadd.s32 s7, v0;
	v16 =	vld.idx.msk [tilespmem:v16+s13+$0x0], $0xffff  }
0x28c: {  	v10 =	vadd.f32 v10, v13;
	v9 =	vld.idx.msk [tilespmem:v9+s13+$0x0], $0xffff  }
0x28d: {  	v3 =	vld.idx.msk [tilespmem:v17+s13+$0x0], $0xffff  }
0x28e: {  	v7 =	vadd.f32 v7, v10;
	v13 =	vld.idx.msk [tilespmem:v20+s13+$0x0], $0xffff  }
0x28f: {  	s23 =	sadd.s32 $0xFFFFFD5E, s7;
	v61 =	vld.idx.msk [tilespmem:v12+s13+$0x0], $0xffff  }
0x290: {  	s24 =	sadd.s32 $0xFFFFFD5F, s7;
	v62 =	vadd.s32 s23, v0;
	v7 =	vadd.f32 v8, v7;
	v12 =	vld.idx.msk [tilespmem:v21+s13+$0x0], $0xffff  }
0x291: {  	v63 =	vadd.s32 s24, v0;
	v4 =	vld.idx.msk [tilespmem:v4+s5+$0x0], $0xffff  }
0x292: {  	v8 =	vadd.f32 v14, v7;
	v19 =	vld.idx.msk [tilespmem:v19+s5+$0x0], $0xffff  }
0x293: {  	s18 =	sadd.s32 $0x2, s9;
	v6 =	vadd.f32 v6, v11;
	v18 =	vld.idx.msk [tilespmem:v18+s5+$0x0], $0xffff  }
0x294: {  	p3 =	slt.u32 s18, s16;
	v14 =	vmul.f32 $1.666666720e-01, v8;
	v10 =	vld.idx.msk [tilespmem:v9+s5+$0x0], $0xffff  }
.Ltmp23:
0x295: {  	s17 =	sand.u32 $0x7FFFFFF0, s1;
	v11 =	vadd.f32 v15, v6;
	v9 =	vld.idx.msk [tilespmem:v62+s13+$0x0], $0xffff;
	(pc) =	sbr.rel @!p3 .LBB2_41-.Ltmp23, $4  }
0x296: {  	s25 =	sadd.s32 $0xFFFFFD60, s7;
	[tilespmem:s17+$0x1CC70] =	vst v14;
	v14 =	vld.idx.msk [tilespmem:v63+s13+$0x0], $0xffff;
	v15 =	vadd.f32 $0.0e+00, v4  }
0x297: {  	v7 =	vld.idx.msk [tilespmem:v61+s5+$0x0], $0xffff;
	v4 =	vadd.f32 v5, v11;
	v5 =	vadd.s32 s25, v0  }
0x298: {  	s30 =	simm.s32 $0x0;
	s7 =	sadd.s32 $0x540, s7;
	p2 =	por $0x1, $0x1;
	v8 =	vld.idx.msk [tilespmem:v13+s5+$0x0], $0xffff;
	v13 =	vadd.f32 v19, v15  }
0x299: {  	s10 =	sand.u32 $0x7FFFFFE0, s30;
	s9 =	simm.s32 $0x10;
	s20 =	smov.u32 s12;
	v6 =	vld.idx.msk [tilespmem:v16+s5+$0x0], $0xffff;
	v11 =	vadd.f32 $0.0e+00, v18  }
.LBB2_42:
0x29a: {  	s3 =	sadd.s32 $0xFFFFFD5B, s7;
	s17 =	sadd.s32 $0xFFFFFFFB, s7;
	s18 =	sadd.s32 $0x2, s18;
	v10 =	vadd.f32 v10, v13;
	v12 =	vld.idx.msk [tilespmem:v12+s5+$0x0], $0xffff  }
0x29b: {  	s19 =	sadd.s32 $0xFFFFFD5D, s7;
	v13 =	vadd.s32 s3, v0;
	s3 =	sadd.s32 $0xFFFFFD5C, s7;
	v15 =	vadd.s32 s17, v0;
	p3 =	slt.u32 s18, s16;
	v3 =	vld.idx.msk [tilespmem:v3+s5+$0x0], $0xffff  }
0x29c: {  	v17 =	vadd.s32 s19, v0;
	s17 =	sadd.s32 $0xFFFFFD5F, s7;
	s19 =	sadd.s32 $0xFFFFFFFC, s7;
	v16 =	vadd.s32 s3, v0;
	s3 =	sadd.s32 $0xFFFFFD5E, s7;
	v18 =	vld.idx.msk [tilespmem:v5+s13+$0x0], $0xffff;
	v7 =	vadd.f32 v7, v10  }
0x29d: {  	v20 =	vadd.s32 s17, v0;
	v10 =	vadd.s32 s19, v0;
	v19 =	vadd.s32 s3, v0;
	s3 =	sadd.s32 $0xFFFFFD60, s7;
	v9 =	vld.idx.msk [tilespmem:v9+s5+$0x0], $0xffff  }
0x29e: {  	v6 =	vadd.f32 v6, v11;
	v5 =	vadd.s32 s3, v0;
	s3 =	sadd.s32 $0xFFFFFFFD, s7;
	v7 =	vadd.f32 v8, v7;
	v8 =	vld.idx.msk [tilespmem:v1+s5+$0x0], $0xffff;
	v1 =	vmovc v14  }
0x29f: {  	v11 =	vadd.s32 s3, v0;
	v14 =	vld.idx.msk [tilespmem:v2+s5+$0x0], $0xffff  }
0x2a0: {  	s3 =	sadd.s32 $0xFFFFFFFE, s7;
	v15 =	vld.idx.msk [tilespmem:v15+s13+$0x0], $0xffff;
	v7 =	vadd.f32 v12, v7  }
0x2a1: {  	v12 =	vadd.s32 s3, v0;
	s3 =	sadd.s32 $0xFFFFFFFF, s7;
	v3 =	vadd.f32 v3, v6;
	v13 =	vld.idx.msk [tilespmem:v13+s13+$0x0], $0xffff;
	v2 =	vmov v18  }
0x2a2: {  	s9 =	sadd.s32 $0x20, s9;
	v6 =	vld.idx.msk [tilespmem:v10+s13+$0x0], $0xffff;
	v10 =	vadd.s32 s3, v0;
	v7 =	vmul.f32 $1.666666720e-01, v7  }
0x2a3: {  	s17 =	sand.u32 $0x7FFFFFF0, s9;
	s3 =	sadd.s32 $0xFFFFFFF0, s9;
	v9 =	vadd.f32 v9, v3;
	v16 =	vld.idx.msk [tilespmem:v16+s13+$0x0], $0xffff  }
0x2a4: {  	v18 =	vadd.s32 s7, v0;
	s3 =	sand.u32 $0x7FFFFFE0, s3;
	v11 =	vld.idx.msk [tilespmem:v11+s13+$0x0], $0xffff;
	[tilespmem:s17+$0x1CC70] =	vst v7;
	v7 =	vadd.f32 v8, v4  }
0x2a5: {  	v4 =	vmov v9;
	v3 =	vld.idx.msk [tilespmem:v17+s13+$0x0], $0xffff  }
0x2a6: {  	v8 =	vld.idx.msk [tilespmem:v12+s13+$0x0], $0xffff;
	v7 =	vadd.f32 v14, v7  }
0x2a7: {  	v14 =	vld.idx.msk [tilespmem:v10+s13+$0x0], $0xffff  }
0x2a8: {  	v15 =	vld.idx.msk [tilespmem:v15+s5+$0x0], $0xffff;
	v7 =	vmul.f32 $1.666666720e-01, v7  }
0x2a9: {  	v12 =	vld.idx.msk [tilespmem:v18+s13+$0x0], $0xffff  }
0x2aa: {  	v17 =	vld.idx.msk [tilespmem:v6+s5+$0x0], $0xffff;
	[tilespmem:s10+$0x1CC70] =	vst v7;
	s10 =	smov.u32 s3  }
0x2ab: {  	v18 =	vld.idx.msk [tilespmem:v13+s5+$0x0], $0xffff  }
0x2ac: {  	v10 =	vld.idx.msk [tilespmem:v11+s5+$0x0], $0xffff  }
.Ltmp24:
0x2ad: {  	v9 =	vld.idx.msk [tilespmem:v19+s13+$0x0], $0xffff;
	(pc) =	sbr.rel @p3 .LBB2_42-.Ltmp24, $4  }
0x2ae: {  	v11 =	vadd.f32 $0.0e+00, v15;
	v7 =	vld.idx.msk [tilespmem:v8+s5+$0x0], $0xffff  }
0x2af: {  	v6 =	vld.idx.msk [tilespmem:v16+s5+$0x0], $0xffff  }
0x2b0: {  	v13 =	vadd.f32 v17, v11;
	v8 =	vld.idx.msk [tilespmem:v14+s5+$0x0], $0xffff  }
0x2b1: {  	s7 =	sadd.s32 $0x540, s7;
	v11 =	vadd.f32 $0.0e+00, v18;
	v14 =	vld.idx.msk [tilespmem:v20+s13+$0x0], $0xffff  }
0x2b2: {  	_ =	sdelay $0x3  }
0x2b3: {  	v15 =	vmov v1;
	v1 =	vmov v14  }
.LBB2_44:
0x2b4: {  	_ =	sdelay $0x3  }
0x2b5: {  	v5 =	vld.idx.msk [tilespmem:v5+s13+$0x0], $0xffff;
	_ =	sdelay $0x1  }
0x2b6: {  	v3 =	vld.idx.msk [tilespmem:v3+s5+$0x0], $0xffff  }
0x2b7: {  	v12 =	vld.idx.msk [tilespmem:v12+s5+$0x0], $0xffff  }
0x2b8: {  	v9 =	vld.idx.msk [tilespmem:v9+s5+$0x0], $0xffff  }
0x2b9: {  	v10 =	vadd.f32 v10, v13;
	v6 =	vadd.f32 v6, v11;
	v11 =	vld.idx.msk @p2 [tilespmem:v15+s5+$0x0], $0xffff  }
0x2ba: {  	v1 =	vld.idx.msk [tilespmem:v1+s5+$0x0], $0xffff  }
0x2bb: {  	v2 =	vld.idx.msk @p2 [tilespmem:v2+s5+$0x0], $0xffff;
	v7 =	vadd.f32 v7, v10;
	v3 =	vadd.f32 v3, v6  }
0x2bc: {  	v5 =	vld.idx.msk [tilespmem:v5+s5+$0x0], $0xffff  }
0x2bd: {  	v63 =	vadd.f32 v8, v7;
	v3 =	vadd.f32 v9, v3  }
0x2be: {  	v4 =	vadd.f32 @p2 v11, v4  }
0x2bf: {  	v6 =	vadd.f32 v12, v63;
	v1 =	vadd.f32 v1, v3  }
0x2c0: {  	s3 =	sadd.s32 @p2 $0x20, s9;
	v2 =	vadd.f32 @p2 v2, v4  }
0x2c1: {  	s1 =	smov.u32 @p2 s3;
	v3 =	vmul.f32 $1.666666720e-01, v6;
	v1 =	vadd.f32 v5, v1  }
0x2c2: {  	s3 =	sand.u32 $0x7FFFFFF0, s1;
	v2 =	vmul.f32 @p2 $1.666666720e-01, v2  }
0x2c3: {  	s1 =	sadd.s32 $0xFFFFFFF0, s1;
	[tilespmem:s3+$0x1CC70] =	vst v3;
	v1 =	vmul.f32 $1.666666720e-01, v1  }
0x2c4: {  	s1 =	sand.u32 $0x7FFFFFE0, s1;
	[tilespmem:s10+$0x1CC70] =	vst @p2 v2  }
0x2c5: {  	s24 =	sshll.u32 s6, $0x7;
	p2 =	seq.s32 s29, $0xC;
	[tilespmem:s1+$0x1CC70] =	vst v1  }
.Ltmp25:
0x2c6: {  	s25 =	simm.s32 $0x400;
	s3 =	rddreg [dreg:$0x7];
	(pc) =	sbr.rel @p2 .LBB2_90-.Ltmp25, $4  }
0x2c7: {  	s30 =	simm.s32 $0xC3800;
	s7 =	simm.s32 $0x1C970;
	s1 =	sadd.s32 s3, s24  }
0x2c8: {  	[hbm4b:s1+s25] =	stream.strided.scatter [tilespmem:s7], [sflag:$0x4], $0x0, s30, s25, $0x38;
	[tilespmem:$0x1D170] =	vst v63  }
0x2c9: {  	_ = 	snop  }
0x2ca: {  	[hbm4b:s1+s5] =	stream.linear.scatter [tilespmem:s7], [sflag:$0x4], $0x380, $0x38;
	[tilespmem:$0x1D170] =	vst v63  }
0x2cb: {  	s1 =	rddreg [dreg:$0x9]  }
0x2cc: {  	s1 =	sadd.s32 s1, s20  }
0x2cd: {  	s1 =	smin.u32 s1, $0x30D  }
0x2ce: {  	s1 =	smul.u32 $0x1500, s1;
	_ =	sdelay $0x1  }
0x2cf: {  	s1 =	smin.u32 s1, $0x400140  }
0x2d0: {  	s3 =	rddreg [dreg:$0x1];
	s1 =	sshrl.u32 s1, $0x3  }
0x2d1: {  	s30 =	rddreg [dreg:$0xf];
	s1 =	sadd.s32 s3, s1  }
0x2d2: {  	[tilespmem:s13], [sflag:$0x2] =	stream.linear.gather [hbm4b:s1+s5], $0x1500, $0x38;
	[tilespmem:$0x1D170] =	vst v63  }
0x2d3: {  	s1 =	sor.u32 $0x1, s30  }
0x2d4: {  	p2 =	sgt.u32 s1, $0x18  }
.Ltmp26:
0x2d5: {  	_ = 	snop;
	(pc) =	sbr.rel @p2 .LBB2_89-.Ltmp26, $1  }
0x2d6: {  	_ =	sdelay $0x3  }
0x2d7: {  	s7 =	simm.s32 $0x3  }
0x2d8: {  	s3 =	sadd.s32 $0xFFFFFFFB, s15;
	_ =	swait.ge [sflag:s7], $0x1500  }
0x2d9: {  	v1 =	vadd.s32 s3, v0;
	[sflag:s7] =	ssyncset.done $0x0  }
0x2da: {  	s16 =	sadd.s32 $0xFFFFFFFC, s15;
	s3 =	simm.s32 @!p1 $0x5;
	[sflag:s7] =	ssyncadd.s32 $0xFFFFEB00  }
0x2db: {  	s6 =	sadd.s32 $0xFFFFFD5B, s15;
	v3 =	vadd.s32 s16, v0;
	_ =	swait.ge @!p1 [sflag:s3], $0x380  }
0x2dc: {  	s17 =	sadd.s32 $0xFFFFFD5C, s15;
	v2 =	vadd.s32 s6, v0;
	[sflag:s3] =	ssyncset.done @!p1 $0x0  }
0x2dd: {  	s18 =	sadd.s32 $0xFFFFFFFD, s15;
	v4 =	vadd.s32 s17, v0;
	[sflag:s3] =	ssyncadd.s32 @!p1 $0xFFFFFC80  }
0x2de: {  	s19 =	sadd.s32 $0xFFFFFD5D, s15;
	v5 =	vadd.s32 s18, v0;
	v1 =	vld.idx.msk [tilespmem:v1+s14+$0x0], $0xffff  }
0x2df: {  	s21 =	sadd.s32 $0xFFFFFFFE, s15;
	v6 =	vadd.s32 s19, v0  }
0x2e0: {  	v7 =	vadd.s32 s21, v0;
	v8 =	vld.idx.msk [tilespmem:v3+s14+$0x0], $0xffff  }
0x2e1: {  	s22 =	sadd.s32 $0xFFFFFFFF, s15;
	v2 =	vld.idx.msk [tilespmem:v2+s14+$0x0], $0xffff  }
0x2e2: {  	v9 =	vadd.s32 s22, v0;
	v4 =	vld.idx.msk [tilespmem:v4+s14+$0x0], $0xffff  }
0x2e3: {  	v5 =	vld.idx.msk [tilespmem:v5+s14+$0x0], $0xffff  }
0x2e4: {  	v10 =	vadd.s32 s15, v0;
	s23 =	sadd.s32 $0xFFFFFD5E, s15;
	v3 =	vld.idx.msk [tilespmem:v6+s14+$0x0], $0xffff  }
0x2e5: {  	s10 =	simm.s32 $0x0;
	v6 =	vld.idx.msk [tilespmem:v7+s14+$0x0], $0xffff;
	v7 =	vadd.s32 s23, v0  }
0x2e6: {  	v1 =	vld.idx.msk [tilespmem:v1+s10+$0x0], $0xffff  }
0x2e7: {  	s24 =	sadd.s32 $0xFFFFFD5F, s15;
	s1 =	sshll.u32 s1, $0x5;
	s25 =	rddreg [dreg:$0x5];
	v12 =	vld.idx.msk [tilespmem:v9+s14+$0x0], $0xffff  }
0x2e8: {  	v14 =	vadd.s32 s24, v0;
	s1 =	sor.u32 s25, s1;
	v13 =	vld.idx.msk [tilespmem:v8+s10+$0x0], $0xffff  }
0x2e9: {  	s12 =	simm.s32 $0x2;
	v11 =	vld.idx.msk [tilespmem:v10+s14+$0x0], $0xffff;
	p1 =	sgt.u32 s1, $0x30C  }
0x2ea: {  	s12 =	simm.s32 @!p1 $0x8;
	v10 =	vld.idx.msk [tilespmem:v7+s14+$0x0], $0xffff  }
0x2eb: {  	p2 =	sgt.u32 s12, $0x2;
	v2 =	vld.idx.msk [tilespmem:v2+s10+$0x0], $0xffff;
	v1 =	vadd.f32 $0.0e+00, v1  }
.Ltmp27:
0x2ec: {  	v9 =	vld.idx.msk [tilespmem:v5+s10+$0x0], $0xffff;
	(pc) =	sbr.rel @!p2 .LBB2_47-.Ltmp27, $4  }
0x2ed: {  	v13 =	vadd.f32 v13, v1;
	v1 =	vld.idx.msk [tilespmem:v14+s14+$0x0], $0xffff  }
0x2ee: {  	v7 =	vld.idx.msk [tilespmem:v6+s10+$0x0], $0xffff  }
0x2ef: {  	s30 =	sadd.s32 $0xFFFFFD60, s15;
	s7 =	sadd.s32 $0x540, s15;
	v6 =	vld.idx.msk [tilespmem:v4+s10+$0x0], $0xffff  }
0x2f0: {  	s6 =	smin.u32 s1, $0x30D;
	s1 =	simm.s32 $0x1CD80;
	p1 =	por $0x0, $0x0;
	v8 =	vld.idx.msk [tilespmem:v12+s10+$0x0], $0xffff;
	v5 =	vadd.s32 s30, v0;
	v12 =	vadd.f32 $0.0e+00, v2  }
0x2f1: {  	_ =	sdelay $0x1  }
0x2f2: {  	s3 =	sadd.s32 $0xFFFFFFFB, s7  }
0x2f3: {  	s9 =	sadd.s32 $0xFFFFFD5B, s7;
	v4 =	vadd.s32 s3, v0  }
0x2f4: {  	v14 =	vld.idx.msk [tilespmem:v11+s10+$0x0], $0xffff;
	s17 =	sadd.s32 $0xFFFFFFFC, s7;
	v11 =	vadd.s32 s9, v0  }
0x2f5: {  	s18 =	sadd.s32 $0xFFFFFD5C, s7;
	v15 =	vld.idx.msk [tilespmem:v3+s10+$0x0], $0xffff;
	v3 =	vadd.s32 s17, v0  }
0x2f6: {  	v2 =	vld.idx.msk [tilespmem:v5+s14+$0x0], $0xffff;
	s19 =	sadd.s32 $0xFFFFFFFD, s7;
	v16 =	vadd.s32 s18, v0  }
0x2f7: {  	s21 =	sadd.s32 $0xFFFFFD5D, s7;
	v5 =	vld.idx.msk [tilespmem:v10+s10+$0x0], $0xffff;
	v10 =	vadd.s32 s19, v0  }
0x2f8: {  	s23 =	sadd.s32 $0xFFFFFFFF, s7;
	v17 =	vadd.s32 s21, v0;
	v4 =	vld.idx.msk [tilespmem:v4+s14+$0x0], $0xffff  }
0x2f9: {  	s22 =	sadd.s32 $0xFFFFFFFE, s7;
	v20 =	vadd.s32 s23, v0;
	v18 =	vld.idx.msk [tilespmem:v11+s14+$0x0], $0xffff  }
0x2fa: {  	v11 =	vadd.s32 s22, v0;
	v19 =	vld.idx.msk [tilespmem:v3+s14+$0x0], $0xffff  }
0x2fb: {  	v21 =	vadd.s32 s7, v0;
	v16 =	vld.idx.msk [tilespmem:v16+s14+$0x0], $0xffff  }
0x2fc: {  	v9 =	vadd.f32 v9, v13;
	v10 =	vld.idx.msk [tilespmem:v10+s14+$0x0], $0xffff  }
0x2fd: {  	v3 =	vld.idx.msk [tilespmem:v17+s14+$0x0], $0xffff  }
0x2fe: {  	v7 =	vadd.f32 v7, v9;
	v13 =	vld.idx.msk [tilespmem:v20+s14+$0x0], $0xffff  }
0x2ff: {  	s24 =	sadd.s32 $0xFFFFFD5E, s7;
	v61 =	vld.idx.msk [tilespmem:v11+s14+$0x0], $0xffff  }
0x300: {  	s25 =	sadd.s32 $0xFFFFFD5F, s7;
	v62 =	vadd.s32 s24, v0;
	v7 =	vadd.f32 v8, v7;
	v11 =	vld.idx.msk [tilespmem:v21+s14+$0x0], $0xffff  }
0x301: {  	v63 =	vadd.s32 s25, v0;
	v4 =	vld.idx.msk [tilespmem:v4+s10+$0x0], $0xffff  }
0x302: {  	v8 =	vadd.f32 v14, v7;
	v19 =	vld.idx.msk [tilespmem:v19+s10+$0x0], $0xffff  }
0x303: {  	v6 =	vadd.f32 v6, v12;
	v18 =	vld.idx.msk [tilespmem:v18+s10+$0x0], $0xffff  }
0x304: {  	p4 =	sgt.u32 s12, $0x4;
	v14 =	vmul.f32 $1.666666720e-01, v8;
	v9 =	vld.idx.msk [tilespmem:v10+s10+$0x0], $0xffff  }
.Ltmp28:
0x305: {  	v12 =	vadd.f32 v15, v6;
	v10 =	vld.idx.msk [tilespmem:v62+s14+$0x0], $0xffff;
	(pc) =	sbr.rel @!p4 .LBB2_49-.Ltmp28, $4  }
0x306: {  	s30 =	sadd.s32 $0xFFFFFD60, s7;
	[tilespmem:s1+$0x0] =	vst v14;
	v14 =	vld.idx.msk [tilespmem:v63+s14+$0x0], $0xffff;
	v15 =	vadd.f32 $0.0e+00, v4  }
0x307: {  	v7 =	vld.idx.msk [tilespmem:v61+s10+$0x0], $0xffff;
	v4 =	vadd.f32 v5, v12;
	v5 =	vadd.s32 s30, v0  }
0x308: {  	s16 =	simm.s32 $0x4;
	s7 =	sadd.s32 $0x540, s7;
	v8 =	vld.idx.msk [tilespmem:v13+s10+$0x0], $0xffff;
	v13 =	vadd.f32 v19, v15  }
0x309: {  	p3 =	por $0x1, $0x1;
	s15 =	simm.s32 $0x1CD80;
	s9 =	simm.s32 $0x1CD80;
	v6 =	vld.idx.msk [tilespmem:v16+s10+$0x0], $0xffff;
	v12 =	vadd.f32 $0.0e+00, v18  }
.LBB2_50:
0x30a: {  	s3 =	sadd.s32 $0xFFFFFD5B, s7;
	s17 =	sadd.s32 $0xFFFFFFFB, s7;
	s16 =	sadd.s32 $0x2, s16;
	v9 =	vadd.f32 v9, v13;
	v11 =	vld.idx.msk [tilespmem:v11+s10+$0x0], $0xffff  }
0x30b: {  	s18 =	sadd.s32 $0xFFFFFD5D, s7;
	v13 =	vadd.s32 s3, v0;
	s3 =	sadd.s32 $0xFFFFFD5C, s7;
	v15 =	vadd.s32 s17, v0;
	p4 =	slt.u32 s16, s12;
	v3 =	vld.idx.msk [tilespmem:v3+s10+$0x0], $0xffff  }
0x30c: {  	v17 =	vadd.s32 s18, v0;
	s17 =	sadd.s32 $0xFFFFFD5F, s7;
	s18 =	sadd.s32 $0xFFFFFFFC, s7;
	v16 =	vadd.s32 s3, v0;
	s3 =	sadd.s32 $0xFFFFFD5E, s7;
	v18 =	vld.idx.msk [tilespmem:v5+s14+$0x0], $0xffff;
	v7 =	vadd.f32 v7, v9  }
0x30d: {  	v20 =	vadd.s32 s17, v0;
	v9 =	vadd.s32 s18, v0;
	v19 =	vadd.s32 s3, v0;
	s3 =	sadd.s32 $0xFFFFFD60, s7;
	v10 =	vld.idx.msk [tilespmem:v10+s10+$0x0], $0xffff  }
0x30e: {  	v6 =	vadd.f32 v6, v12;
	v5 =	vadd.s32 s3, v0;
	s3 =	sadd.s32 $0xFFFFFFFD, s7;
	v7 =	vadd.f32 v8, v7;
	v8 =	vld.idx.msk [tilespmem:v1+s10+$0x0], $0xffff;
	v1 =	vmovc v14  }
0x30f: {  	v12 =	vadd.s32 s3, v0;
	v14 =	vld.idx.msk [tilespmem:v2+s10+$0x0], $0xffff  }
0x310: {  	s3 =	sadd.s32 $0xFFFFFFFE, s7;
	v15 =	vld.idx.msk [tilespmem:v15+s14+$0x0], $0xffff;
	v7 =	vadd.f32 v11, v7  }
0x311: {  	v11 =	vadd.s32 s3, v0;
	s3 =	sadd.s32 $0xFFFFFFFF, s7;
	v3 =	vadd.f32 v3, v6;
	v13 =	vld.idx.msk [tilespmem:v13+s14+$0x0], $0xffff;
	v2 =	vmov v18  }
0x312: {  	v6 =	vld.idx.msk [tilespmem:v9+s14+$0x0], $0xffff;
	v9 =	vadd.s32 s3, v0;
	v7 =	vmul.f32 $1.666666720e-01, v7  }
0x313: {  	s9 =	sadd.s32 $0x20, s9;
	v10 =	vadd.f32 v10, v3;
	v16 =	vld.idx.msk [tilespmem:v16+s14+$0x0], $0xffff  }
0x314: {  	v18 =	vadd.s32 s7, v0;
	v12 =	vld.idx.msk [tilespmem:v12+s14+$0x0], $0xffff;
	[tilespmem:s9+$0x0] =	vst v7;
	v7 =	vadd.f32 v8, v4  }
0x315: {  	v4 =	vmov v10;
	v3 =	vld.idx.msk [tilespmem:v17+s14+$0x0], $0xffff  }
0x316: {  	v8 =	vld.idx.msk [tilespmem:v11+s14+$0x0], $0xffff;
	v7 =	vadd.f32 v14, v7  }
0x317: {  	v14 =	vld.idx.msk [tilespmem:v9+s14+$0x0], $0xffff  }
0x318: {  	v15 =	vld.idx.msk [tilespmem:v15+s10+$0x0], $0xffff;
	v7 =	vmul.f32 $1.666666720e-01, v7  }
0x319: {  	v11 =	vld.idx.msk [tilespmem:v18+s14+$0x0], $0xffff  }
0x31a: {  	v17 =	vld.idx.msk [tilespmem:v6+s10+$0x0], $0xffff;
	[tilespmem:s15+$0xFFFFFFF0] =	vst v7;
	s15 =	smov.u32 s9  }
0x31b: {  	v18 =	vld.idx.msk [tilespmem:v13+s10+$0x0], $0xffff  }
0x31c: {  	v9 =	vld.idx.msk [tilespmem:v12+s10+$0x0], $0xffff  }
.Ltmp29:
0x31d: {  	v10 =	vld.idx.msk [tilespmem:v19+s14+$0x0], $0xffff;
	(pc) =	sbr.rel @p4 .LBB2_50-.Ltmp29, $4  }
0x31e: {  	v12 =	vadd.f32 $0.0e+00, v15;
	v7 =	vld.idx.msk [tilespmem:v8+s10+$0x0], $0xffff  }
0x31f: {  	v6 =	vld.idx.msk [tilespmem:v16+s10+$0x0], $0xffff  }
0x320: {  	v13 =	vadd.f32 v17, v12;
	v8 =	vld.idx.msk [tilespmem:v14+s10+$0x0], $0xffff  }
0x321: {  	s7 =	sadd.s32 $0x540, s7;
	v12 =	vadd.f32 $0.0e+00, v18;
	v14 =	vld.idx.msk [tilespmem:v20+s14+$0x0], $0xffff  }
0x322: {  	_ =	sdelay $0x3  }
0x323: {  	v15 =	vmov v1;
	v1 =	vmov v14  }
.LBB2_52:
0x324: {  	_ =	sdelay $0x3  }
0x325: {  	v5 =	vld.idx.msk [tilespmem:v5+s14+$0x0], $0xffff;
	_ =	sdelay $0x1  }
0x326: {  	v3 =	vld.idx.msk [tilespmem:v3+s10+$0x0], $0xffff  }
0x327: {  	v11 =	vld.idx.msk [tilespmem:v11+s10+$0x0], $0xffff  }
0x328: {  	v10 =	vld.idx.msk [tilespmem:v10+s10+$0x0], $0xffff  }
0x329: {  	v9 =	vadd.f32 v9, v13;
	v6 =	vadd.f32 v6, v12;
	v12 =	vld.idx.msk @p3 [tilespmem:v15+s10+$0x0], $0xffff  }
0x32a: {  	v1 =	vld.idx.msk [tilespmem:v1+s10+$0x0], $0xffff  }
0x32b: {  	v2 =	vld.idx.msk @p3 [tilespmem:v2+s10+$0x0], $0xffff;
	v7 =	vadd.f32 v7, v9;
	v3 =	vadd.f32 v3, v6  }
0x32c: {  	v5 =	vld.idx.msk [tilespmem:v5+s10+$0x0], $0xffff  }
0x32d: {  	v6 =	vadd.f32 v8, v7;
	v3 =	vadd.f32 v10, v3  }
0x32e: {  	v4 =	vadd.f32 @p3 v12, v4  }
0x32f: {  	v6 =	vadd.f32 v11, v6;
	v1 =	vadd.f32 v1, v3  }
0x330: {  	s3 =	sadd.s32 $0xFFFFFFFB, s11;
	v2 =	vadd.f32 @p3 v2, v4  }
0x331: {  	s7 =	sadd.s32 @p3 $0x20, s9;
	v4 =	vadd.s32 s3, v0;
	v3 =	vmul.f32 $1.666666720e-01, v6;
	v1 =	vadd.f32 v5, v1  }
0x332: {  	s17 =	sadd.s32 $0xFFFFFFFC, s11;
	s1 =	smov.u32 @p3 s7;
	v2 =	vmul.f32 @p3 $1.666666720e-01, v2  }
0x333: {  	s16 =	sadd.s32 $0xFFFFFD5B, s11;
	[tilespmem:s1+$0x0] =	vst v3;
	v3 =	vadd.s32 s17, v0;
	v1 =	vmul.f32 $1.666666720e-01, v1  }
0x334: {  	s18 =	sadd.s32 $0xFFFFFD5C, s11;
	[tilespmem:s15+$0xFFFFFFF0] =	vst @p3 v2;
	v5 =	vadd.s32 s16, v0  }
0x335: {  	s19 =	sadd.s32 $0xFFFFFFFD, s11;
	v2 =	vadd.s32 s18, v0;
	[tilespmem:s1+$0xFFFFFFF0] =	vst v1  }
0x336: {  	s21 =	sadd.s32 $0xFFFFFD5D, s11;
	v1 =	vadd.s32 s19, v0;
	v4 =	vld.idx.msk [tilespmem:v4+s14+$0x0], $0xffff  }
0x337: {  	s22 =	sadd.s32 $0xFFFFFFFE, s11;
	v6 =	vadd.s32 s21, v0  }
0x338: {  	v7 =	vadd.s32 s22, v0;
	v8 =	vld.idx.msk [tilespmem:v3+s14+$0x0], $0xffff  }
0x339: {  	s23 =	sadd.s32 $0xFFFFFFFF, s11;
	v5 =	vld.idx.msk [tilespmem:v5+s14+$0x0], $0xffff  }
0x33a: {  	v9 =	vadd.s32 s23, v0;
	v2 =	vld.idx.msk [tilespmem:v2+s14+$0x0], $0xffff  }
0x33b: {  	v1 =	vld.idx.msk [tilespmem:v1+s14+$0x0], $0xffff  }
0x33c: {  	v10 =	vadd.s32 s11, v0;
	v3 =	vld.idx.msk [tilespmem:v6+s14+$0x0], $0xffff  }
0x33d: {  	v6 =	vld.idx.msk [tilespmem:v7+s14+$0x0], $0xffff  }
0x33e: {  	s24 =	sadd.s32 $0xFFFFFD5E, s11;
	v4 =	vld.idx.msk [tilespmem:v4+s10+$0x0], $0xffff  }
0x33f: {  	s25 =	sadd.s32 $0xFFFFFD5F, s11;
	v11 =	vld.idx.msk [tilespmem:v9+s14+$0x0], $0xffff;
	v7 =	vadd.s32 s24, v0  }
0x340: {  	v15 =	vadd.s32 s25, v0;
	v13 =	vld.idx.msk [tilespmem:v8+s10+$0x0], $0xffff  }
0x341: {  	v12 =	vld.idx.msk [tilespmem:v10+s14+$0x0], $0xffff  }
0x342: {  	v14 =	vld.idx.msk [tilespmem:v5+s10+$0x0], $0xffff  }
0x343: {  	v10 =	vld.idx.msk [tilespmem:v1+s10+$0x0], $0xffff;
	v1 =	vadd.f32 $0.0e+00, v4  }
.Ltmp30:
0x344: {  	v9 =	vld.idx.msk [tilespmem:v7+s14+$0x0], $0xffff;
	(pc) =	sbr.rel @!p2 .LBB2_53-.Ltmp30, $4  }
0x345: {  	v13 =	vadd.f32 v13, v1;
	v1 =	vld.idx.msk [tilespmem:v15+s14+$0x0], $0xffff  }
0x346: {  	v7 =	vld.idx.msk [tilespmem:v6+s10+$0x0], $0xffff  }
0x347: {  	s30 =	sadd.s32 $0xFFFFFD60, s11;
	v6 =	vld.idx.msk [tilespmem:v2+s10+$0x0], $0xffff  }
0x348: {  	s7 =	sadd.s32 $0x540, s11;
	s1 =	simm.s32 $0x10;
	v8 =	vld.idx.msk [tilespmem:v11+s10+$0x0], $0xffff;
	v5 =	vadd.s32 s30, v0;
	v11 =	vadd.f32 $0.0e+00, v14  }
0x349: {  	_ =	sdelay $0x1  }
0x34a: {  	s3 =	sadd.s32 $0xFFFFFFFB, s7  }
0x34b: {  	s9 =	sadd.s32 $0xFFFFFD5B, s7;
	v4 =	vadd.s32 s3, v0  }
0x34c: {  	v14 =	vld.idx.msk [tilespmem:v12+s10+$0x0], $0xffff;
	s16 =	sadd.s32 $0xFFFFFFFC, s7;
	v12 =	vadd.s32 s9, v0  }
0x34d: {  	s17 =	sadd.s32 $0xFFFFFD5C, s7;
	v15 =	vld.idx.msk [tilespmem:v3+s10+$0x0], $0xffff;
	v3 =	vadd.s32 s16, v0  }
0x34e: {  	v2 =	vld.idx.msk [tilespmem:v5+s14+$0x0], $0xffff;
	s18 =	sadd.s32 $0xFFFFFFFD, s7;
	v16 =	vadd.s32 s17, v0  }
0x34f: {  	s19 =	sadd.s32 $0xFFFFFD5D, s7;
	v5 =	vld.idx.msk [tilespmem:v9+s10+$0x0], $0xffff;
	v9 =	vadd.s32 s18, v0  }
0x350: {  	s22 =	sadd.s32 $0xFFFFFFFF, s7;
	v17 =	vadd.s32 s19, v0;
	v4 =	vld.idx.msk [tilespmem:v4+s14+$0x0], $0xffff  }
0x351: {  	s21 =	sadd.s32 $0xFFFFFFFE, s7;
	v20 =	vadd.s32 s22, v0;
	v18 =	vld.idx.msk [tilespmem:v12+s14+$0x0], $0xffff  }
0x352: {  	v12 =	vadd.s32 s21, v0;
	v19 =	vld.idx.msk [tilespmem:v3+s14+$0x0], $0xffff  }
0x353: {  	v21 =	vadd.s32 s7, v0;
	v16 =	vld.idx.msk [tilespmem:v16+s14+$0x0], $0xffff  }
0x354: {  	v10 =	vadd.f32 v10, v13;
	v9 =	vld.idx.msk [tilespmem:v9+s14+$0x0], $0xffff  }
0x355: {  	v3 =	vld.idx.msk [tilespmem:v17+s14+$0x0], $0xffff  }
0x356: {  	v7 =	vadd.f32 v7, v10;
	v13 =	vld.idx.msk [tilespmem:v20+s14+$0x0], $0xffff  }
0x357: {  	s23 =	sadd.s32 $0xFFFFFD5E, s7;
	v61 =	vld.idx.msk [tilespmem:v12+s14+$0x0], $0xffff  }
0x358: {  	s11 =	simm.s32 $0x0;
	s24 =	sadd.s32 $0xFFFFFD5F, s7;
	v62 =	vadd.s32 s23, v0;
	v7 =	vadd.f32 v8, v7;
	v12 =	vld.idx.msk [tilespmem:v21+s14+$0x0], $0xffff  }
0x359: {  	v63 =	vadd.s32 s24, v0;
	v4 =	vld.idx.msk [tilespmem:v4+s11+$0x0], $0xffff  }
0x35a: {  	v8 =	vadd.f32 v14, v7;
	v19 =	vld.idx.msk [tilespmem:v19+s11+$0x0], $0xffff  }
0x35b: {  	v6 =	vadd.f32 v6, v11;
	v18 =	vld.idx.msk [tilespmem:v18+s11+$0x0], $0xffff  }
0x35c: {  	p2 =	sgt.u32 s12, $0x4;
	v14 =	vmul.f32 $1.666666720e-01, v8;
	v10 =	vld.idx.msk [tilespmem:v9+s11+$0x0], $0xffff  }
.Ltmp31:
0x35d: {  	s17 =	sand.u32 $0x7FFFFFF0, s1;
	v11 =	vadd.f32 v15, v6;
	v9 =	vld.idx.msk [tilespmem:v62+s14+$0x0], $0xffff;
	(pc) =	sbr.rel @!p2 .LBB2_55-.Ltmp31, $4  }
0x35e: {  	s25 =	sadd.s32 $0xFFFFFD60, s7;
	[tilespmem:s17+$0x1CDF0] =	vst v14;
	v14 =	vld.idx.msk [tilespmem:v63+s14+$0x0], $0xffff;
	v15 =	vadd.f32 $0.0e+00, v4  }
0x35f: {  	v7 =	vld.idx.msk [tilespmem:v61+s11+$0x0], $0xffff;
	v4 =	vadd.f32 v5, v11;
	v5 =	vadd.s32 s25, v0  }
0x360: {  	s30 =	simm.s32 $0x0;
	s7 =	sadd.s32 $0x540, s7;
	p1 =	por $0x1, $0x1;
	v8 =	vld.idx.msk [tilespmem:v13+s11+$0x0], $0xffff;
	v13 =	vadd.f32 v19, v15  }
0x361: {  	s16 =	simm.s32 $0x4;
	s15 =	sand.u32 $0x7FFFFFE0, s30;
	s9 =	simm.s32 $0x10;
	v6 =	vld.idx.msk [tilespmem:v16+s11+$0x0], $0xffff;
	v11 =	vadd.f32 $0.0e+00, v18  }
.LBB2_56:
0x362: {  	s3 =	sadd.s32 $0xFFFFFD5B, s7;
	s17 =	sadd.s32 $0xFFFFFFFB, s7;
	s16 =	sadd.s32 $0x2, s16;
	v10 =	vadd.f32 v10, v13;
	v12 =	vld.idx.msk [tilespmem:v12+s11+$0x0], $0xffff  }
0x363: {  	s18 =	sadd.s32 $0xFFFFFD5D, s7;
	v13 =	vadd.s32 s3, v0;
	s3 =	sadd.s32 $0xFFFFFD5C, s7;
	v15 =	vadd.s32 s17, v0;
	p2 =	slt.u32 s16, s12;
	v3 =	vld.idx.msk [tilespmem:v3+s11+$0x0], $0xffff  }
0x364: {  	v17 =	vadd.s32 s18, v0;
	s17 =	sadd.s32 $0xFFFFFD5F, s7;
	s18 =	sadd.s32 $0xFFFFFFFC, s7;
	v16 =	vadd.s32 s3, v0;
	s3 =	sadd.s32 $0xFFFFFD5E, s7;
	v18 =	vld.idx.msk [tilespmem:v5+s14+$0x0], $0xffff;
	v7 =	vadd.f32 v7, v10  }
0x365: {  	v20 =	vadd.s32 s17, v0;
	v10 =	vadd.s32 s18, v0;
	v19 =	vadd.s32 s3, v0;
	s3 =	sadd.s32 $0xFFFFFD60, s7;
	v9 =	vld.idx.msk [tilespmem:v9+s11+$0x0], $0xffff  }
0x366: {  	v6 =	vadd.f32 v6, v11;
	v5 =	vadd.s32 s3, v0;
	s3 =	sadd.s32 $0xFFFFFFFD, s7;
	v7 =	vadd.f32 v8, v7;
	v8 =	vld.idx.msk [tilespmem:v1+s10+$0x0], $0xffff;
	v1 =	vmovc v14  }
0x367: {  	v11 =	vadd.s32 s3, v0;
	v14 =	vld.idx.msk [tilespmem:v2+s10+$0x0], $0xffff;
	s10 =	smov.u32 s11  }
0x368: {  	s3 =	sadd.s32 $0xFFFFFFFE, s7;
	v15 =	vld.idx.msk [tilespmem:v15+s14+$0x0], $0xffff;
	v7 =	vadd.f32 v12, v7  }
0x369: {  	v12 =	vadd.s32 s3, v0;
	s3 =	sadd.s32 $0xFFFFFFFF, s7;
	v3 =	vadd.f32 v3, v6;
	v13 =	vld.idx.msk [tilespmem:v13+s14+$0x0], $0xffff;
	v2 =	vmov v18  }
0x36a: {  	s9 =	sadd.s32 $0x20, s9;
	v6 =	vld.idx.msk [tilespmem:v10+s14+$0x0], $0xffff;
	v10 =	vadd.s32 s3, v0;
	v7 =	vmul.f32 $1.666666720e-01, v7  }
0x36b: {  	s17 =	sand.u32 $0x7FFFFFF0, s9;
	s3 =	sadd.s32 $0xFFFFFFF0, s9;
	v9 =	vadd.f32 v9, v3;
	v16 =	vld.idx.msk [tilespmem:v16+s14+$0x0], $0xffff  }
0x36c: {  	v18 =	vadd.s32 s7, v0;
	s3 =	sand.u32 $0x7FFFFFE0, s3;
	v11 =	vld.idx.msk [tilespmem:v11+s14+$0x0], $0xffff;
	[tilespmem:s17+$0x1CDF0] =	vst v7;
	v7 =	vadd.f32 v8, v4  }
0x36d: {  	v4 =	vmov v9;
	v3 =	vld.idx.msk [tilespmem:v17+s14+$0x0], $0xffff  }
0x36e: {  	v8 =	vld.idx.msk [tilespmem:v12+s14+$0x0], $0xffff;
	v7 =	vadd.f32 v14, v7  }
0x36f: {  	v14 =	vld.idx.msk [tilespmem:v10+s14+$0x0], $0xffff  }
0x370: {  	v15 =	vld.idx.msk [tilespmem:v15+s11+$0x0], $0xffff;
	v7 =	vmul.f32 $1.666666720e-01, v7  }
0x371: {  	v12 =	vld.idx.msk [tilespmem:v18+s14+$0x0], $0xffff  }
0x372: {  	v17 =	vld.idx.msk [tilespmem:v6+s11+$0x0], $0xffff;
	[tilespmem:s15+$0x1CDF0] =	vst v7;
	s15 =	smov.u32 s3  }
0x373: {  	v18 =	vld.idx.msk [tilespmem:v13+s11+$0x0], $0xffff  }
0x374: {  	v10 =	vld.idx.msk [tilespmem:v11+s11+$0x0], $0xffff  }
.Ltmp32:
0x375: {  	v9 =	vld.idx.msk [tilespmem:v19+s14+$0x0], $0xffff;
	(pc) =	sbr.rel @p2 .LBB2_56-.Ltmp32, $4  }
0x376: {  	v11 =	vadd.f32 $0.0e+00, v15;
	v7 =	vld.idx.msk [tilespmem:v8+s11+$0x0], $0xffff  }
0x377: {  	v6 =	vld.idx.msk [tilespmem:v16+s11+$0x0], $0xffff  }
0x378: {  	v13 =	vadd.f32 v17, v11;
	v8 =	vld.idx.msk [tilespmem:v14+s11+$0x0], $0xffff  }
0x379: {  	s7 =	sadd.s32 $0x540, s7;
	v11 =	vadd.f32 $0.0e+00, v18;
	v14 =	vld.idx.msk [tilespmem:v20+s14+$0x0], $0xffff  }
0x37a: {  	_ =	sdelay $0x3  }
0x37b: {  	v15 =	vmov v1;
	v1 =	vmov v14  }
.LBB2_58:
0x37c: {  	_ =	sdelay $0x3  }
0x37d: {  	v5 =	vld.idx.msk [tilespmem:v5+s14+$0x0], $0xffff;
	_ =	sdelay $0x1  }
0x37e: {  	v3 =	vld.idx.msk [tilespmem:v3+s11+$0x0], $0xffff  }
0x37f: {  	v12 =	vld.idx.msk [tilespmem:v12+s11+$0x0], $0xffff  }
0x380: {  	v9 =	vld.idx.msk [tilespmem:v9+s11+$0x0], $0xffff  }
0x381: {  	v10 =	vadd.f32 v10, v13;
	v6 =	vadd.f32 v6, v11;
	v11 =	vld.idx.msk @p1 [tilespmem:v15+s10+$0x0], $0xffff  }
0x382: {  	v1 =	vld.idx.msk [tilespmem:v1+s11+$0x0], $0xffff  }
0x383: {  	v2 =	vld.idx.msk @p1 [tilespmem:v2+s10+$0x0], $0xffff;
	v7 =	vadd.f32 v7, v10;
	v3 =	vadd.f32 v3, v6  }
0x384: {  	v5 =	vld.idx.msk [tilespmem:v5+s11+$0x0], $0xffff  }
0x385: {  	v6 =	vadd.f32 v8, v7;
	v3 =	vadd.f32 v9, v3  }
0x386: {  	v4 =	vadd.f32 @p1 v11, v4  }
0x387: {  	v6 =	vadd.f32 v12, v6;
	v1 =	vadd.f32 v1, v3  }
0x388: {  	s3 =	sadd.s32 @p1 $0x20, s9;
	s7 =	simm.s32 $0x10;
	s25 =	sadd.s32 $0xFFFFFFFB, s8;
	v2 =	vadd.f32 @p1 v2, v4  }
0x389: {  	s7 =	smov.u32 @p1 s3;
	v4 =	vadd.s32 s25, v0;
	v3 =	vmul.f32 $1.666666720e-01, v6;
	v1 =	vadd.f32 v5, v1  }
0x38a: {  	s16 =	sadd.s32 $0xFFFFFFFC, s8;
	s10 =	sand.u32 $0x7FFFFFF0, s7;
	v2 =	vmul.f32 @p1 $1.666666720e-01, v2  }
0x38b: {  	s30 =	sadd.s32 $0xFFFFFD5B, s8;
	s7 =	sadd.s32 $0xFFFFFFF0, s7;
	[tilespmem:s10+$0x1CDF0] =	vst v3;
	v3 =	vadd.s32 s16, v0;
	v1 =	vmul.f32 $1.666666720e-01, v1  }
0x38c: {  	s17 =	sadd.s32 $0xFFFFFD5C, s8;
	s18 =	sand.u32 $0x7FFFFFE0, s7;
	[tilespmem:s15+$0x1CDF0] =	vst @p1 v2;
	v5 =	vadd.s32 s30, v0  }
0x38d: {  	s19 =	sadd.s32 $0xFFFFFFFD, s8;
	v2 =	vadd.s32 s17, v0;
	[tilespmem:s18+$0x1CDF0] =	vst v1  }
0x38e: {  	s21 =	sadd.s32 $0xFFFFFD5D, s8;
	v1 =	vadd.s32 s19, v0;
	v4 =	vld.idx.msk [tilespmem:v4+s14+$0x0], $0xffff  }
0x38f: {  	s22 =	sadd.s32 $0xFFFFFFFE, s8;
	v6 =	vadd.s32 s21, v0  }
0x390: {  	v7 =	vadd.s32 s22, v0;
	v8 =	vld.idx.msk [tilespmem:v3+s14+$0x0], $0xffff  }
0x391: {  	s23 =	sadd.s32 $0xFFFFFFFF, s8;
	v5 =	vld.idx.msk [tilespmem:v5+s14+$0x0], $0xffff  }
0x392: {  	v9 =	vadd.s32 s23, v0;
	v2 =	vld.idx.msk [tilespmem:v2+s14+$0x0], $0xffff  }
0x393: {  	v1 =	vld.idx.msk [tilespmem:v1+s14+$0x0], $0xffff  }
0x394: {  	v10 =	vadd.s32 s8, v0;
	v3 =	vld.idx.msk [tilespmem:v6+s14+$0x0], $0xffff  }
0x395: {  	v6 =	vld.idx.msk [tilespmem:v7+s14+$0x0], $0xffff  }
0x396: {  	s24 =	sadd.s32 $0xFFFFFD5E, s8;
	v4 =	vld.idx.msk [tilespmem:v4+s11+$0x0], $0xffff  }
0x397: {  	s25 =	sadd.s32 $0xFFFFFD5F, s8;
	v11 =	vld.idx.msk [tilespmem:v9+s14+$0x0], $0xffff;
	v7 =	vadd.s32 s24, v0  }
0x398: {  	v15 =	vadd.s32 s25, v0;
	v13 =	vld.idx.msk [tilespmem:v8+s11+$0x0], $0xffff  }
0x399: {  	v12 =	vld.idx.msk [tilespmem:v10+s14+$0x0], $0xffff  }
0x39a: {  	s10 =	sadd.s32 $0x2, s11;
	v14 =	vld.idx.msk [tilespmem:v5+s11+$0x0], $0xffff  }
0x39b: {  	p2 =	slt.u32 s10, s12;
	v10 =	vld.idx.msk [tilespmem:v1+s11+$0x0], $0xffff;
	v1 =	vadd.f32 $0.0e+00, v4  }
.Ltmp33:
0x39c: {  	v9 =	vld.idx.msk [tilespmem:v7+s14+$0x0], $0xffff;
	(pc) =	sbr.rel @!p2 .LBB2_59-.Ltmp33, $4  }
0x39d: {  	v13 =	vadd.f32 v13, v1;
	v1 =	vld.idx.msk [tilespmem:v15+s14+$0x0], $0xffff  }
0x39e: {  	v7 =	vld.idx.msk [tilespmem:v6+s11+$0x0], $0xffff  }
0x39f: {  	s30 =	sadd.s32 $0xFFFFFD60, s8;
	v6 =	vld.idx.msk [tilespmem:v2+s11+$0x0], $0xffff  }
0x3a0: {  	s7 =	sadd.s32 $0x540, s8;
	p1 =	por $0x0, $0x0;
	v8 =	vld.idx.msk [tilespmem:v11+s11+$0x0], $0xffff;
	v5 =	vadd.s32 s30, v0;
	v11 =	vadd.f32 $0.0e+00, v14  }
0x3a1: {  	_ =	sdelay $0x1  }
0x3a2: {  	s3 =	sadd.s32 $0xFFFFFFFB, s7  }
0x3a3: {  	s8 =	sadd.s32 $0xFFFFFD5B, s7;
	v4 =	vadd.s32 s3, v0  }
0x3a4: {  	v14 =	vld.idx.msk [tilespmem:v12+s11+$0x0], $0xffff;
	s16 =	sadd.s32 $0xFFFFFFFC, s7;
	v12 =	vadd.s32 s8, v0  }
0x3a5: {  	s17 =	sadd.s32 $0xFFFFFD5C, s7;
	v15 =	vld.idx.msk [tilespmem:v3+s11+$0x0], $0xffff;
	v3 =	vadd.s32 s16, v0  }
0x3a6: {  	v2 =	vld.idx.msk [tilespmem:v5+s14+$0x0], $0xffff;
	s18 =	sadd.s32 $0xFFFFFFFD, s7;
	v16 =	vadd.s32 s17, v0  }
0x3a7: {  	s19 =	sadd.s32 $0xFFFFFD5D, s7;
	v5 =	vld.idx.msk [tilespmem:v9+s11+$0x0], $0xffff;
	v9 =	vadd.s32 s18, v0  }
0x3a8: {  	s22 =	sadd.s32 $0xFFFFFFFF, s7;
	v17 =	vadd.s32 s19, v0;
	v4 =	vld.idx.msk [tilespmem:v4+s14+$0x0], $0xffff  }
0x3a9: {  	s21 =	sadd.s32 $0xFFFFFFFE, s7;
	v20 =	vadd.s32 s22, v0;
	v18 =	vld.idx.msk [tilespmem:v12+s14+$0x0], $0xffff  }
0x3aa: {  	v12 =	vadd.s32 s21, v0;
	v19 =	vld.idx.msk [tilespmem:v3+s14+$0x0], $0xffff  }
0x3ab: {  	v21 =	vadd.s32 s7, v0;
	v16 =	vld.idx.msk [tilespmem:v16+s14+$0x0], $0xffff  }
0x3ac: {  	v10 =	vadd.f32 v10, v13;
	v9 =	vld.idx.msk [tilespmem:v9+s14+$0x0], $0xffff  }
0x3ad: {  	v3 =	vld.idx.msk [tilespmem:v17+s14+$0x0], $0xffff  }
0x3ae: {  	v7 =	vadd.f32 v7, v10;
	v13 =	vld.idx.msk [tilespmem:v20+s14+$0x0], $0xffff  }
0x3af: {  	s23 =	sadd.s32 $0xFFFFFD5E, s7;
	v61 =	vld.idx.msk [tilespmem:v12+s14+$0x0], $0xffff  }
0x3b0: {  	s24 =	sadd.s32 $0xFFFFFD5F, s7;
	v62 =	vadd.s32 s23, v0;
	v7 =	vadd.f32 v8, v7;
	v12 =	vld.idx.msk [tilespmem:v21+s14+$0x0], $0xffff  }
0x3b1: {  	v63 =	vadd.s32 s24, v0;
	v4 =	vld.idx.msk [tilespmem:v4+s11+$0x0], $0xffff  }
0x3b2: {  	v8 =	vadd.f32 v14, v7;
	v19 =	vld.idx.msk [tilespmem:v19+s11+$0x0], $0xffff  }
0x3b3: {  	s15 =	sadd.s32 $0x2, s10;
	v6 =	vadd.f32 v6, v11;
	v18 =	vld.idx.msk [tilespmem:v18+s11+$0x0], $0xffff  }
0x3b4: {  	p4 =	slt.u32 s15, s12;
	v14 =	vmul.f32 $1.666666720e-01, v8;
	v10 =	vld.idx.msk [tilespmem:v9+s11+$0x0], $0xffff  }
.Ltmp34:
0x3b5: {  	s9 =	sand.u32 $0x7FFFFFF0, s1;
	v11 =	vadd.f32 v15, v6;
	v9 =	vld.idx.msk [tilespmem:v62+s14+$0x0], $0xffff;
	(pc) =	sbr.rel @!p4 .LBB2_61-.Ltmp34, $4  }
0x3b6: {  	s25 =	sadd.s32 $0xFFFFFD60, s7;
	[tilespmem:s9+$0x1CE70] =	vst v14;
	v14 =	vld.idx.msk [tilespmem:v63+s14+$0x0], $0xffff;
	v15 =	vadd.f32 $0.0e+00, v4  }
0x3b7: {  	v7 =	vld.idx.msk [tilespmem:v61+s11+$0x0], $0xffff;
	v4 =	vadd.f32 v5, v11;
	v5 =	vadd.s32 s25, v0  }
0x3b8: {  	s30 =	simm.s32 $0x0;
	s7 =	sadd.s32 $0x540, s7;
	v8 =	vld.idx.msk [tilespmem:v13+s11+$0x0], $0xffff;
	v13 =	vadd.f32 v19, v15  }
0x3b9: {  	p3 =	por $0x1, $0x1;
	s8 =	sand.u32 $0x7FFFFFE0, s30;
	s9 =	simm.s32 $0x10;
	v6 =	vld.idx.msk [tilespmem:v16+s11+$0x0], $0xffff;
	v11 =	vadd.f32 $0.0e+00, v18  }
.LBB2_62:
0x3ba: {  	s3 =	sadd.s32 $0xFFFFFD5B, s7;
	s16 =	sadd.s32 $0xFFFFFFFB, s7;
	s15 =	sadd.s32 $0x2, s15;
	v10 =	vadd.f32 v10, v13;
	v12 =	vld.idx.msk [tilespmem:v12+s11+$0x0], $0xffff  }
0x3bb: {  	s17 =	sadd.s32 $0xFFFFFD5D, s7;
	v13 =	vadd.s32 s3, v0;
	s3 =	sadd.s32 $0xFFFFFD5C, s7;
	v15 =	vadd.s32 s16, v0;
	p4 =	slt.u32 s15, s12;
	v3 =	vld.idx.msk [tilespmem:v3+s11+$0x0], $0xffff  }
0x3bc: {  	v17 =	vadd.s32 s17, v0;
	s16 =	sadd.s32 $0xFFFFFD5F, s7;
	s17 =	sadd.s32 $0xFFFFFFFC, s7;
	v16 =	vadd.s32 s3, v0;
	s3 =	sadd.s32 $0xFFFFFD5E, s7;
	v18 =	vld.idx.msk [tilespmem:v5+s14+$0x0], $0xffff;
	v7 =	vadd.f32 v7, v10  }
0x3bd: {  	v20 =	vadd.s32 s16, v0;
	v10 =	vadd.s32 s17, v0;
	v19 =	vadd.s32 s3, v0;
	s3 =	sadd.s32 $0xFFFFFD60, s7;
	v9 =	vld.idx.msk [tilespmem:v9+s11+$0x0], $0xffff  }
0x3be: {  	v6 =	vadd.f32 v6, v11;
	v5 =	vadd.s32 s3, v0;
	s3 =	sadd.s32 $0xFFFFFFFD, s7;
	v7 =	vadd.f32 v8, v7;
	v8 =	vld.idx.msk [tilespmem:v1+s11+$0x0], $0xffff;
	v1 =	vmovc v14  }
0x3bf: {  	v11 =	vadd.s32 s3, v0;
	v14 =	vld.idx.msk [tilespmem:v2+s11+$0x0], $0xffff  }
0x3c0: {  	s3 =	sadd.s32 $0xFFFFFFFE, s7;
	v15 =	vld.idx.msk [tilespmem:v15+s14+$0x0], $0xffff;
	v7 =	vadd.f32 v12, v7  }
0x3c1: {  	v12 =	vadd.s32 s3, v0;
	s3 =	sadd.s32 $0xFFFFFFFF, s7;
	v3 =	vadd.f32 v3, v6;
	v13 =	vld.idx.msk [tilespmem:v13+s14+$0x0], $0xffff;
	v2 =	vmov v18  }
0x3c2: {  	s9 =	sadd.s32 $0x20, s9;
	v6 =	vld.idx.msk [tilespmem:v10+s14+$0x0], $0xffff;
	v10 =	vadd.s32 s3, v0;
	v7 =	vmul.f32 $1.666666720e-01, v7  }
0x3c3: {  	s16 =	sand.u32 $0x7FFFFFF0, s9;
	s3 =	sadd.s32 $0xFFFFFFF0, s9;
	v9 =	vadd.f32 v9, v3;
	v16 =	vld.idx.msk [tilespmem:v16+s14+$0x0], $0xffff  }
0x3c4: {  	v18 =	vadd.s32 s7, v0;
	s3 =	sand.u32 $0x7FFFFFE0, s3;
	v11 =	vld.idx.msk [tilespmem:v11+s14+$0x0], $0xffff;
	[tilespmem:s16+$0x1CE70] =	vst v7;
	v7 =	vadd.f32 v8, v4  }
0x3c5: {  	v4 =	vmov v9;
	v3 =	vld.idx.msk [tilespmem:v17+s14+$0x0], $0xffff  }
0x3c6: {  	v8 =	vld.idx.msk [tilespmem:v12+s14+$0x0], $0xffff;
	v7 =	vadd.f32 v14, v7  }
0x3c7: {  	v14 =	vld.idx.msk [tilespmem:v10+s14+$0x0], $0xffff  }
0x3c8: {  	v15 =	vld.idx.msk [tilespmem:v15+s11+$0x0], $0xffff;
	v7 =	vmul.f32 $1.666666720e-01, v7  }
0x3c9: {  	v12 =	vld.idx.msk [tilespmem:v18+s14+$0x0], $0xffff  }
0x3ca: {  	v17 =	vld.idx.msk [tilespmem:v6+s11+$0x0], $0xffff;
	[tilespmem:s8+$0x1CE70] =	vst v7;
	s8 =	smov.u32 s3  }
0x3cb: {  	v18 =	vld.idx.msk [tilespmem:v13+s11+$0x0], $0xffff  }
0x3cc: {  	v10 =	vld.idx.msk [tilespmem:v11+s11+$0x0], $0xffff  }
.Ltmp35:
0x3cd: {  	v9 =	vld.idx.msk [tilespmem:v19+s14+$0x0], $0xffff;
	(pc) =	sbr.rel @p4 .LBB2_62-.Ltmp35, $4  }
0x3ce: {  	v11 =	vadd.f32 $0.0e+00, v15;
	v7 =	vld.idx.msk [tilespmem:v8+s11+$0x0], $0xffff  }
0x3cf: {  	v6 =	vld.idx.msk [tilespmem:v16+s11+$0x0], $0xffff  }
0x3d0: {  	v13 =	vadd.f32 v17, v11;
	v8 =	vld.idx.msk [tilespmem:v14+s11+$0x0], $0xffff  }
0x3d1: {  	s7 =	sadd.s32 $0x540, s7;
	v11 =	vadd.f32 $0.0e+00, v18;
	v14 =	vld.idx.msk [tilespmem:v20+s14+$0x0], $0xffff  }
0x3d2: {  	_ =	sdelay $0x3  }
0x3d3: {  	v15 =	vmov v1;
	v1 =	vmov v14  }
.LBB2_64:
0x3d4: {  	_ =	sdelay $0x3  }
0x3d5: {  	v5 =	vld.idx.msk [tilespmem:v5+s14+$0x0], $0xffff;
	_ =	sdelay $0x1  }
0x3d6: {  	v3 =	vld.idx.msk [tilespmem:v3+s11+$0x0], $0xffff  }
0x3d7: {  	v12 =	vld.idx.msk [tilespmem:v12+s11+$0x0], $0xffff  }
0x3d8: {  	v9 =	vld.idx.msk [tilespmem:v9+s11+$0x0], $0xffff  }
0x3d9: {  	v10 =	vadd.f32 v10, v13;
	v6 =	vadd.f32 v6, v11;
	v11 =	vld.idx.msk @p3 [tilespmem:v15+s11+$0x0], $0xffff  }
0x3da: {  	v1 =	vld.idx.msk [tilespmem:v1+s11+$0x0], $0xffff  }
0x3db: {  	v2 =	vld.idx.msk @p3 [tilespmem:v2+s11+$0x0], $0xffff;
	v7 =	vadd.f32 v7, v10;
	v3 =	vadd.f32 v3, v6  }
0x3dc: {  	v5 =	vld.idx.msk [tilespmem:v5+s11+$0x0], $0xffff  }
0x3dd: {  	v6 =	vadd.f32 v8, v7;
	v3 =	vadd.f32 v9, v3  }
0x3de: {  	v4 =	vadd.f32 @p3 v11, v4  }
0x3df: {  	v6 =	vadd.f32 v12, v6;
	v1 =	vadd.f32 v1, v3  }
0x3e0: {  	s3 =	sadd.s32 @p3 $0x20, s9;
	s7 =	sadd.s32 $0xFFFFFFFB, s4;
	v2 =	vadd.f32 @p3 v2, v4  }
0x3e1: {  	s1 =	smov.u32 @p3 s3;
	v4 =	vadd.s32 s7, v0;
	v3 =	vmul.f32 $1.666666720e-01, v6;
	v1 =	vadd.f32 v5, v1  }
0x3e2: {  	s17 =	sadd.s32 $0xFFFFFFFC, s4;
	s16 =	sand.u32 $0x7FFFFFF0, s1;
	v2 =	vmul.f32 @p3 $1.666666720e-01, v2  }
0x3e3: {  	s15 =	sadd.s32 $0xFFFFFD5B, s4;
	s1 =	sadd.s32 $0xFFFFFFF0, s1;
	[tilespmem:s16+$0x1CE70] =	vst v3;
	v3 =	vadd.s32 s17, v0;
	v1 =	vmul.f32 $1.666666720e-01, v1  }
0x3e4: {  	s18 =	sadd.s32 $0xFFFFFD5C, s4;
	s1 =	sand.u32 $0x7FFFFFE0, s1;
	[tilespmem:s8+$0x1CE70] =	vst @p3 v2;
	v5 =	vadd.s32 s15, v0  }
0x3e5: {  	s19 =	sadd.s32 $0xFFFFFFFD, s4;
	v2 =	vadd.s32 s18, v0;
	[tilespmem:s1+$0x1CE70] =	vst v1  }
0x3e6: {  	s21 =	sadd.s32 $0xFFFFFD5D, s4;
	v1 =	vadd.s32 s19, v0;
	v4 =	vld.idx.msk [tilespmem:v4+s14+$0x0], $0xffff  }
0x3e7: {  	s22 =	sadd.s32 $0xFFFFFFFE, s4;
	v6 =	vadd.s32 s21, v0  }
0x3e8: {  	v7 =	vadd.s32 s22, v0;
	v8 =	vld.idx.msk [tilespmem:v3+s14+$0x0], $0xffff  }
0x3e9: {  	s23 =	sadd.s32 $0xFFFFFFFF, s4;
	v5 =	vld.idx.msk [tilespmem:v5+s14+$0x0], $0xffff  }
0x3ea: {  	v9 =	vadd.s32 s23, v0;
	v2 =	vld.idx.msk [tilespmem:v2+s14+$0x0], $0xffff  }
0x3eb: {  	v1 =	vld.idx.msk [tilespmem:v1+s14+$0x0], $0xffff  }
0x3ec: {  	v10 =	vadd.s32 s4, v0;
	v3 =	vld.idx.msk [tilespmem:v6+s14+$0x0], $0xffff  }
0x3ed: {  	s8 =	simm.s32 $0x0;
	v6 =	vld.idx.msk [tilespmem:v7+s14+$0x0], $0xffff  }
0x3ee: {  	s24 =	sadd.s32 $0xFFFFFD5E, s4;
	v4 =	vld.idx.msk [tilespmem:v4+s8+$0x0], $0xffff  }
0x3ef: {  	s25 =	sadd.s32 $0xFFFFFD5F, s4;
	v11 =	vld.idx.msk [tilespmem:v9+s14+$0x0], $0xffff;
	v7 =	vadd.s32 s24, v0  }
0x3f0: {  	v15 =	vadd.s32 s25, v0;
	v13 =	vld.idx.msk [tilespmem:v8+s8+$0x0], $0xffff  }
0x3f1: {  	v12 =	vld.idx.msk [tilespmem:v10+s14+$0x0], $0xffff  }
0x3f2: {  	v14 =	vld.idx.msk [tilespmem:v5+s8+$0x0], $0xffff  }
0x3f3: {  	v10 =	vld.idx.msk [tilespmem:v1+s8+$0x0], $0xffff;
	v1 =	vadd.f32 $0.0e+00, v4  }
.Ltmp36:
0x3f4: {  	v9 =	vld.idx.msk [tilespmem:v7+s14+$0x0], $0xffff;
	(pc) =	sbr.rel @!p2 .LBB2_65-.Ltmp36, $4  }
0x3f5: {  	v13 =	vadd.f32 v13, v1;
	v1 =	vld.idx.msk [tilespmem:v15+s14+$0x0], $0xffff  }
0x3f6: {  	v7 =	vld.idx.msk [tilespmem:v6+s8+$0x0], $0xffff  }
0x3f7: {  	s30 =	sadd.s32 $0xFFFFFD60, s4;
	v6 =	vld.idx.msk [tilespmem:v2+s8+$0x0], $0xffff  }
0x3f8: {  	s7 =	sadd.s32 $0x540, s4;
	s1 =	simm.s32 $0x10;
	v8 =	vld.idx.msk [tilespmem:v11+s8+$0x0], $0xffff;
	v5 =	vadd.s32 s30, v0;
	v11 =	vadd.f32 $0.0e+00, v14  }
0x3f9: {  	_ =	sdelay $0x1  }
0x3fa: {  	s3 =	sadd.s32 $0xFFFFFFFB, s7  }
0x3fb: {  	s4 =	sadd.s32 $0xFFFFFD5B, s7;
	v4 =	vadd.s32 s3, v0  }
0x3fc: {  	v14 =	vld.idx.msk [tilespmem:v12+s8+$0x0], $0xffff;
	s16 =	sadd.s32 $0xFFFFFFFC, s7;
	v12 =	vadd.s32 s4, v0  }
0x3fd: {  	s17 =	sadd.s32 $0xFFFFFD5C, s7;
	v15 =	vld.idx.msk [tilespmem:v3+s8+$0x0], $0xffff;
	v3 =	vadd.s32 s16, v0  }
0x3fe: {  	v2 =	vld.idx.msk [tilespmem:v5+s14+$0x0], $0xffff;
	s18 =	sadd.s32 $0xFFFFFFFD, s7;
	v16 =	vadd.s32 s17, v0  }
0x3ff: {  	s19 =	sadd.s32 $0xFFFFFD5D, s7;
	v5 =	vld.idx.msk [tilespmem:v9+s8+$0x0], $0xffff;
	v9 =	vadd.s32 s18, v0  }
0x400: {  	s22 =	sadd.s32 $0xFFFFFFFF, s7;
	v17 =	vadd.s32 s19, v0;
	v4 =	vld.idx.msk [tilespmem:v4+s14+$0x0], $0xffff  }
0x401: {  	s21 =	sadd.s32 $0xFFFFFFFE, s7;
	v20 =	vadd.s32 s22, v0;
	v18 =	vld.idx.msk [tilespmem:v12+s14+$0x0], $0xffff  }
0x402: {  	v12 =	vadd.s32 s21, v0;
	v19 =	vld.idx.msk [tilespmem:v3+s14+$0x0], $0xffff  }
0x403: {  	v21 =	vadd.s32 s7, v0;
	v16 =	vld.idx.msk [tilespmem:v16+s14+$0x0], $0xffff  }
0x404: {  	v10 =	vadd.f32 v10, v13;
	v9 =	vld.idx.msk [tilespmem:v9+s14+$0x0], $0xffff  }
0x405: {  	v3 =	vld.idx.msk [tilespmem:v17+s14+$0x0], $0xffff  }
0x406: {  	v7 =	vadd.f32 v7, v10;
	v13 =	vld.idx.msk [tilespmem:v20+s14+$0x0], $0xffff  }
0x407: {  	s23 =	sadd.s32 $0xFFFFFD5E, s7;
	v61 =	vld.idx.msk [tilespmem:v12+s14+$0x0], $0xffff  }
0x408: {  	s24 =	sadd.s32 $0xFFFFFD5F, s7;
	v62 =	vadd.s32 s23, v0;
	v7 =	vadd.f32 v8, v7;
	v12 =	vld.idx.msk [tilespmem:v21+s14+$0x0], $0xffff  }
0x409: {  	v63 =	vadd.s32 s24, v0;
	v4 =	vld.idx.msk [tilespmem:v4+s8+$0x0], $0xffff  }
0x40a: {  	v8 =	vadd.f32 v14, v7;
	v19 =	vld.idx.msk [tilespmem:v19+s8+$0x0], $0xffff  }
0x40b: {  	s11 =	sadd.s32 $0x2, s10;
	v6 =	vadd.f32 v6, v11;
	v18 =	vld.idx.msk [tilespmem:v18+s8+$0x0], $0xffff  }
0x40c: {  	p2 =	slt.u32 s11, s12;
	v14 =	vmul.f32 $1.666666720e-01, v8;
	v10 =	vld.idx.msk [tilespmem:v9+s8+$0x0], $0xffff  }
.Ltmp37:
0x40d: {  	s9 =	sand.u32 $0x7FFFFFF0, s1;
	v11 =	vadd.f32 v15, v6;
	v9 =	vld.idx.msk [tilespmem:v62+s14+$0x0], $0xffff;
	(pc) =	sbr.rel @!p2 .LBB2_67-.Ltmp37, $4  }
0x40e: {  	s30 =	sadd.s32 $0xFFFFFD60, s7;
	[tilespmem:s9+$0x1CEF0] =	vst v14;
	v14 =	vld.idx.msk [tilespmem:v63+s14+$0x0], $0xffff;
	v15 =	vadd.f32 $0.0e+00, v4  }
0x40f: {  	v7 =	vld.idx.msk [tilespmem:v61+s8+$0x0], $0xffff;
	v4 =	vadd.f32 v5, v11;
	v5 =	vadd.s32 s30, v0  }
0x410: {  	s25 =	simm.s32 $0x0;
	s15 =	sadd.s32 $0x540, s7;
	p1 =	por $0x1, $0x1;
	v8 =	vld.idx.msk [tilespmem:v13+s8+$0x0], $0xffff;
	v13 =	vadd.f32 v19, v15  }
0x411: {  	s10 =	simm.s32 $0x0;
	s4 =	sand.u32 $0x7FFFFFE0, s25;
	s9 =	simm.s32 $0x10;
	v6 =	vld.idx.msk [tilespmem:v16+s8+$0x0], $0xffff;
	v11 =	vadd.f32 $0.0e+00, v18  }
.LBB2_68:
0x412: {  	s3 =	sadd.s32 $0xFFFFFD5B, s15;
	s7 =	sadd.s32 $0xFFFFFFFB, s15;
	s11 =	sadd.s32 $0x2, s11;
	v10 =	vadd.f32 v10, v13;
	v12 =	vld.idx.msk [tilespmem:v12+s8+$0x0], $0xffff  }
0x413: {  	s16 =	sadd.s32 $0xFFFFFD5D, s15;
	v13 =	vadd.s32 s3, v0;
	s3 =	sadd.s32 $0xFFFFFD5C, s15;
	v15 =	vadd.s32 s7, v0;
	p2 =	slt.u32 s11, s12;
	v3 =	vld.idx.msk [tilespmem:v3+s8+$0x0], $0xffff  }
0x414: {  	v17 =	vadd.s32 s16, v0;
	s7 =	sadd.s32 $0xFFFFFD5F, s15;
	s16 =	sadd.s32 $0xFFFFFFFC, s15;
	v16 =	vadd.s32 s3, v0;
	s3 =	sadd.s32 $0xFFFFFD5E, s15;
	v18 =	vld.idx.msk [tilespmem:v5+s14+$0x0], $0xffff;
	v7 =	vadd.f32 v7, v10  }
0x415: {  	v20 =	vadd.s32 s7, v0;
	v10 =	vadd.s32 s16, v0;
	v19 =	vadd.s32 s3, v0;
	s3 =	sadd.s32 $0xFFFFFD60, s15;
	v9 =	vld.idx.msk [tilespmem:v9+s8+$0x0], $0xffff  }
0x416: {  	v6 =	vadd.f32 v6, v11;
	v5 =	vadd.s32 s3, v0;
	s3 =	sadd.s32 $0xFFFFFFFD, s15;
	v7 =	vadd.f32 v8, v7;
	v8 =	vld.idx.msk [tilespmem:v1+s10+$0x0], $0xffff;
	v1 =	vmovc v14  }
0x417: {  	v11 =	vadd.s32 s3, v0;
	v14 =	vld.idx.msk [tilespmem:v2+s10+$0x0], $0xffff;
	s10 =	smov.u32 s8  }
0x418: {  	s3 =	sadd.s32 $0xFFFFFFFE, s15;
	v15 =	vld.idx.msk [tilespmem:v15+s14+$0x0], $0xffff;
	v7 =	vadd.f32 v12, v7  }
0x419: {  	v12 =	vadd.s32 s3, v0;
	s3 =	sadd.s32 $0xFFFFFFFF, s15;
	v3 =	vadd.f32 v3, v6;
	v13 =	vld.idx.msk [tilespmem:v13+s14+$0x0], $0xffff;
	v2 =	vmov v18  }
0x41a: {  	s9 =	sadd.s32 $0x20, s9;
	v6 =	vld.idx.msk [tilespmem:v10+s14+$0x0], $0xffff;
	v10 =	vadd.s32 s3, v0;
	v7 =	vmul.f32 $1.666666720e-01, v7  }
0x41b: {  	s7 =	sand.u32 $0x7FFFFFF0, s9;
	s3 =	sadd.s32 $0xFFFFFFF0, s9;
	v9 =	vadd.f32 v9, v3;
	v16 =	vld.idx.msk [tilespmem:v16+s14+$0x0], $0xffff  }
0x41c: {  	v18 =	vadd.s32 s15, v0;
	s3 =	sand.u32 $0x7FFFFFE0, s3;
	v11 =	vld.idx.msk [tilespmem:v11+s14+$0x0], $0xffff;
	[tilespmem:s7+$0x1CEF0] =	vst v7;
	v7 =	vadd.f32 v8, v4  }
0x41d: {  	v4 =	vmov v9;
	v3 =	vld.idx.msk [tilespmem:v17+s14+$0x0], $0xffff  }
0x41e: {  	v8 =	vld.idx.msk [tilespmem:v12+s14+$0x0], $0xffff;
	v7 =	vadd.f32 v14, v7  }
0x41f: {  	s8 =	simm.s32 $0x0;
	v14 =	vld.idx.msk [tilespmem:v10+s14+$0x0], $0xffff  }
0x420: {  	v15 =	vld.idx.msk [tilespmem:v15+s8+$0x0], $0xffff;
	v7 =	vmul.f32 $1.666666720e-01, v7  }
0x421: {  	v12 =	vld.idx.msk [tilespmem:v18+s14+$0x0], $0xffff  }
0x422: {  	v17 =	vld.idx.msk [tilespmem:v6+s8+$0x0], $0xffff;
	[tilespmem:s4+$0x1CEF0] =	vst v7;
	s4 =	smov.u32 s3  }
0x423: {  	v18 =	vld.idx.msk [tilespmem:v13+s8+$0x0], $0xffff  }
0x424: {  	v10 =	vld.idx.msk [tilespmem:v11+s8+$0x0], $0xffff  }
.Ltmp38:
0x425: {  	v9 =	vld.idx.msk [tilespmem:v19+s14+$0x0], $0xffff;
	(pc) =	sbr.rel @p2 .LBB2_68-.Ltmp38, $4  }
0x426: {  	v11 =	vadd.f32 $0.0e+00, v15;
	v7 =	vld.idx.msk [tilespmem:v8+s8+$0x0], $0xffff  }
0x427: {  	v6 =	vld.idx.msk [tilespmem:v16+s8+$0x0], $0xffff  }
0x428: {  	v13 =	vadd.f32 v17, v11;
	v8 =	vld.idx.msk [tilespmem:v14+s8+$0x0], $0xffff  }
0x429: {  	s15 =	sadd.s32 $0x540, s15;
	v11 =	vadd.f32 $0.0e+00, v18;
	v14 =	vld.idx.msk [tilespmem:v20+s14+$0x0], $0xffff  }
0x42a: {  	_ =	sdelay $0x3  }
0x42b: {  	v15 =	vmov v1;
	v1 =	vmov v14  }
.LBB2_70:
0x42c: {  	_ =	sdelay $0x3  }
0x42d: {  	v5 =	vld.idx.msk [tilespmem:v5+s14+$0x0], $0xffff;
	_ =	sdelay $0x1  }
0x42e: {  	v3 =	vld.idx.msk [tilespmem:v3+s8+$0x0], $0xffff  }
0x42f: {  	v12 =	vld.idx.msk [tilespmem:v12+s8+$0x0], $0xffff  }
0x430: {  	v9 =	vld.idx.msk [tilespmem:v9+s8+$0x0], $0xffff  }
0x431: {  	v10 =	vadd.f32 v10, v13;
	v6 =	vadd.f32 v6, v11;
	v11 =	vld.idx.msk @p1 [tilespmem:v15+s10+$0x0], $0xffff  }
0x432: {  	v1 =	vld.idx.msk [tilespmem:v1+s8+$0x0], $0xffff  }
0x433: {  	v2 =	vld.idx.msk @p1 [tilespmem:v2+s10+$0x0], $0xffff;
	v7 =	vadd.f32 v7, v10;
	v3 =	vadd.f32 v3, v6  }
0x434: {  	v5 =	vld.idx.msk [tilespmem:v5+s8+$0x0], $0xffff  }
0x435: {  	v6 =	vadd.f32 v8, v7;
	v3 =	vadd.f32 v9, v3  }
0x436: {  	v4 =	vadd.f32 @p1 v11, v4  }
0x437: {  	v6 =	vadd.f32 v12, v6;
	v1 =	vadd.f32 v1, v3  }
0x438: {  	s3 =	sadd.s32 @p1 $0x20, s9;
	s7 =	simm.s32 $0x10;
	s10 =	sadd.s32 $0xFFFFFFFB, s0;
	v2 =	vadd.f32 @p1 v2, v4  }
0x439: {  	s7 =	smov.u32 @p1 s3;
	v4 =	vadd.s32 s10, v0;
	v3 =	vmul.f32 $1.666666720e-01, v6;
	v1 =	vadd.f32 v5, v1  }
0x43a: {  	s16 =	sadd.s32 $0xFFFFFFFC, s0;
	s15 =	sand.u32 $0x7FFFFFF0, s7;
	v2 =	vmul.f32 @p1 $1.666666720e-01, v2  }
0x43b: {  	s11 =	sadd.s32 $0xFFFFFD5B, s0;
	s7 =	sadd.s32 $0xFFFFFFF0, s7;
	[tilespmem:s15+$0x1CEF0] =	vst v3;
	v3 =	vadd.s32 s16, v0;
	v1 =	vmul.f32 $1.666666720e-01, v1  }
0x43c: {  	s17 =	sadd.s32 $0xFFFFFD5C, s0;
	s18 =	sand.u32 $0x7FFFFFE0, s7;
	[tilespmem:s4+$0x1CEF0] =	vst @p1 v2;
	v5 =	vadd.s32 s11, v0  }
0x43d: {  	s19 =	sadd.s32 $0xFFFFFFFD, s0;
	v2 =	vadd.s32 s17, v0;
	[tilespmem:s18+$0x1CEF0] =	vst v1  }
0x43e: {  	s21 =	sadd.s32 $0xFFFFFD5D, s0;
	v1 =	vadd.s32 s19, v0;
	v4 =	vld.idx.msk [tilespmem:v4+s14+$0x0], $0xffff  }
0x43f: {  	s22 =	sadd.s32 $0xFFFFFFFE, s0;
	v6 =	vadd.s32 s21, v0  }
0x440: {  	v7 =	vadd.s32 s22, v0;
	v8 =	vld.idx.msk [tilespmem:v3+s14+$0x0], $0xffff  }
0x441: {  	s23 =	sadd.s32 $0xFFFFFFFF, s0;
	v5 =	vld.idx.msk [tilespmem:v5+s14+$0x0], $0xffff  }
0x442: {  	v9 =	vadd.s32 s23, v0;
	v2 =	vld.idx.msk [tilespmem:v2+s14+$0x0], $0xffff  }
0x443: {  	v1 =	vld.idx.msk [tilespmem:v1+s14+$0x0], $0xffff  }
0x444: {  	v10 =	vadd.s32 s0, v0;
	v3 =	vld.idx.msk [tilespmem:v6+s14+$0x0], $0xffff  }
0x445: {  	v6 =	vld.idx.msk [tilespmem:v7+s14+$0x0], $0xffff  }
0x446: {  	s24 =	sadd.s32 $0xFFFFFD5E, s0;
	v4 =	vld.idx.msk [tilespmem:v4+s8+$0x0], $0xffff  }
0x447: {  	s25 =	sadd.s32 $0xFFFFFD5F, s0;
	v11 =	vld.idx.msk [tilespmem:v9+s14+$0x0], $0xffff;
	v7 =	vadd.s32 s24, v0  }
0x448: {  	v15 =	vadd.s32 s25, v0;
	v13 =	vld.idx.msk [tilespmem:v8+s8+$0x0], $0xffff  }
0x449: {  	v12 =	vld.idx.msk [tilespmem:v10+s14+$0x0], $0xffff  }
0x44a: {  	s4 =	sadd.s32 $0x2, s8;
	v14 =	vld.idx.msk [tilespmem:v5+s8+$0x0], $0xffff  }
0x44b: {  	p2 =	slt.u32 s4, s12;
	v10 =	vld.idx.msk [tilespmem:v1+s8+$0x0], $0xffff;
	v1 =	vadd.f32 $0.0e+00, v4  }
.Ltmp39:
0x44c: {  	v9 =	vld.idx.msk [tilespmem:v7+s14+$0x0], $0xffff;
	(pc) =	sbr.rel @!p2 .LBB2_71-.Ltmp39, $4  }
0x44d: {  	v13 =	vadd.f32 v13, v1;
	v1 =	vld.idx.msk [tilespmem:v15+s14+$0x0], $0xffff  }
0x44e: {  	v7 =	vld.idx.msk [tilespmem:v6+s8+$0x0], $0xffff  }
0x44f: {  	s30 =	sadd.s32 $0xFFFFFD60, s0;
	v6 =	vld.idx.msk [tilespmem:v2+s8+$0x0], $0xffff  }
0x450: {  	s7 =	sadd.s32 $0x540, s0;
	p1 =	por $0x0, $0x0;
	v8 =	vld.idx.msk [tilespmem:v11+s8+$0x0], $0xffff;
	v5 =	vadd.s32 s30, v0;
	v11 =	vadd.f32 $0.0e+00, v14  }
0x451: {  	_ =	sdelay $0x1  }
0x452: {  	s0 =	sadd.s32 $0xFFFFFFFB, s7  }
0x453: {  	s3 =	sadd.s32 $0xFFFFFD5B, s7;
	v4 =	vadd.s32 s0, v0  }
0x454: {  	v14 =	vld.idx.msk [tilespmem:v12+s8+$0x0], $0xffff;
	s16 =	sadd.s32 $0xFFFFFFFC, s7;
	v12 =	vadd.s32 s3, v0  }
0x455: {  	s17 =	sadd.s32 $0xFFFFFD5C, s7;
	v15 =	vld.idx.msk [tilespmem:v3+s8+$0x0], $0xffff;
	v3 =	vadd.s32 s16, v0  }
0x456: {  	v2 =	vld.idx.msk [tilespmem:v5+s14+$0x0], $0xffff;
	s18 =	sadd.s32 $0xFFFFFFFD, s7;
	v16 =	vadd.s32 s17, v0  }
0x457: {  	s19 =	sadd.s32 $0xFFFFFD5D, s7;
	v5 =	vld.idx.msk [tilespmem:v9+s8+$0x0], $0xffff;
	v9 =	vadd.s32 s18, v0  }
0x458: {  	s22 =	sadd.s32 $0xFFFFFFFF, s7;
	v17 =	vadd.s32 s19, v0;
	v4 =	vld.idx.msk [tilespmem:v4+s14+$0x0], $0xffff  }
0x459: {  	s21 =	sadd.s32 $0xFFFFFFFE, s7;
	v20 =	vadd.s32 s22, v0;
	v18 =	vld.idx.msk [tilespmem:v12+s14+$0x0], $0xffff  }
0x45a: {  	v12 =	vadd.s32 s21, v0;
	v19 =	vld.idx.msk [tilespmem:v3+s14+$0x0], $0xffff  }
0x45b: {  	v21 =	vadd.s32 s7, v0;
	v16 =	vld.idx.msk [tilespmem:v16+s14+$0x0], $0xffff  }
0x45c: {  	v10 =	vadd.f32 v10, v13;
	v9 =	vld.idx.msk [tilespmem:v9+s14+$0x0], $0xffff  }
0x45d: {  	v3 =	vld.idx.msk [tilespmem:v17+s14+$0x0], $0xffff  }
0x45e: {  	v7 =	vadd.f32 v7, v10;
	v13 =	vld.idx.msk [tilespmem:v20+s14+$0x0], $0xffff  }
0x45f: {  	s23 =	sadd.s32 $0xFFFFFD5E, s7;
	v61 =	vld.idx.msk [tilespmem:v12+s14+$0x0], $0xffff  }
0x460: {  	s24 =	sadd.s32 $0xFFFFFD5F, s7;
	v62 =	vadd.s32 s23, v0;
	v7 =	vadd.f32 v8, v7;
	v12 =	vld.idx.msk [tilespmem:v21+s14+$0x0], $0xffff  }
0x461: {  	v63 =	vadd.s32 s24, v0;
	v4 =	vld.idx.msk [tilespmem:v4+s8+$0x0], $0xffff  }
0x462: {  	v8 =	vadd.f32 v14, v7;
	v19 =	vld.idx.msk [tilespmem:v19+s8+$0x0], $0xffff  }
0x463: {  	s10 =	sadd.s32 $0x2, s4;
	v6 =	vadd.f32 v6, v11;
	v18 =	vld.idx.msk [tilespmem:v18+s8+$0x0], $0xffff  }
0x464: {  	p4 =	slt.u32 s10, s12;
	v14 =	vmul.f32 $1.666666720e-01, v8;
	v10 =	vld.idx.msk [tilespmem:v9+s8+$0x0], $0xffff  }
.Ltmp40:
0x465: {  	s9 =	sand.u32 $0x7FFFFFF0, s1;
	v11 =	vadd.f32 v15, v6;
	v9 =	vld.idx.msk [tilespmem:v62+s14+$0x0], $0xffff;
	(pc) =	sbr.rel @!p4 .LBB2_73-.Ltmp40, $4  }
0x466: {  	s25 =	sadd.s32 $0xFFFFFD60, s7;
	[tilespmem:s9+$0x1CF70] =	vst v14;
	v14 =	vld.idx.msk [tilespmem:v63+s14+$0x0], $0xffff;
	v15 =	vadd.f32 $0.0e+00, v4  }
0x467: {  	v7 =	vld.idx.msk [tilespmem:v61+s8+$0x0], $0xffff;
	v4 =	vadd.f32 v5, v11;
	v5 =	vadd.s32 s25, v0  }
0x468: {  	s30 =	simm.s32 $0x0;
	s7 =	sadd.s32 $0x540, s7;
	v8 =	vld.idx.msk [tilespmem:v13+s8+$0x0], $0xffff;
	v13 =	vadd.f32 v19, v15  }
0x469: {  	p3 =	por $0x1, $0x1;
	s0 =	sand.u32 $0x7FFFFFE0, s30;
	s9 =	simm.s32 $0x10;
	v6 =	vld.idx.msk [tilespmem:v16+s8+$0x0], $0xffff;
	v11 =	vadd.f32 $0.0e+00, v18  }
.LBB2_74:
0x46a: {  	s3 =	sadd.s32 $0xFFFFFD5B, s7;
	s11 =	sadd.s32 $0xFFFFFFFB, s7;
	s10 =	sadd.s32 $0x2, s10;
	v10 =	vadd.f32 v10, v13;
	v12 =	vld.idx.msk [tilespmem:v12+s8+$0x0], $0xffff  }
0x46b: {  	s15 =	sadd.s32 $0xFFFFFD5D, s7;
	v13 =	vadd.s32 s3, v0;
	s3 =	sadd.s32 $0xFFFFFD5C, s7;
	v15 =	vadd.s32 s11, v0;
	p4 =	slt.u32 s10, s12;
	v3 =	vld.idx.msk [tilespmem:v3+s8+$0x0], $0xffff  }
0x46c: {  	v17 =	vadd.s32 s15, v0;
	s11 =	sadd.s32 $0xFFFFFD5F, s7;
	s15 =	sadd.s32 $0xFFFFFFFC, s7;
	v16 =	vadd.s32 s3, v0;
	s3 =	sadd.s32 $0xFFFFFD5E, s7;
	v18 =	vld.idx.msk [tilespmem:v5+s14+$0x0], $0xffff;
	v7 =	vadd.f32 v7, v10  }
0x46d: {  	v20 =	vadd.s32 s11, v0;
	v10 =	vadd.s32 s15, v0;
	v19 =	vadd.s32 s3, v0;
	s3 =	sadd.s32 $0xFFFFFD60, s7;
	v9 =	vld.idx.msk [tilespmem:v9+s8+$0x0], $0xffff  }
0x46e: {  	v6 =	vadd.f32 v6, v11;
	v5 =	vadd.s32 s3, v0;
	s3 =	sadd.s32 $0xFFFFFFFD, s7;
	v7 =	vadd.f32 v8, v7;
	v8 =	vld.idx.msk [tilespmem:v1+s8+$0x0], $0xffff;
	v1 =	vmovc v14  }
0x46f: {  	v11 =	vadd.s32 s3, v0;
	v14 =	vld.idx.msk [tilespmem:v2+s8+$0x0], $0xffff  }
0x470: {  	s3 =	sadd.s32 $0xFFFFFFFE, s7;
	v15 =	vld.idx.msk [tilespmem:v15+s14+$0x0], $0xffff;
	v7 =	vadd.f32 v12, v7  }
0x471: {  	v12 =	vadd.s32 s3, v0;
	s3 =	sadd.s32 $0xFFFFFFFF, s7;
	v3 =	vadd.f32 v3, v6;
	v13 =	vld.idx.msk [tilespmem:v13+s14+$0x0], $0xffff;
	v2 =	vmov v18  }
0x472: {  	s9 =	sadd.s32 $0x20, s9;
	v6 =	vld.idx.msk [tilespmem:v10+s14+$0x0], $0xffff;
	v10 =	vadd.s32 s3, v0;
	v7 =	vmul.f32 $1.666666720e-01, v7  }
0x473: {  	s11 =	sand.u32 $0x7FFFFFF0, s9;
	s3 =	sadd.s32 $0xFFFFFFF0, s9;
	v9 =	vadd.f32 v9, v3;
	v16 =	vld.idx.msk [tilespmem:v16+s14+$0x0], $0xffff  }
0x474: {  	v18 =	vadd.s32 s7, v0;
	s3 =	sand.u32 $0x7FFFFFE0, s3;
	v11 =	vld.idx.msk [tilespmem:v11+s14+$0x0], $0xffff;
	[tilespmem:s11+$0x1CF70] =	vst v7;
	v7 =	vadd.f32 v8, v4  }
0x475: {  	v4 =	vmov v9;
	v3 =	vld.idx.msk [tilespmem:v17+s14+$0x0], $0xffff  }
0x476: {  	v8 =	vld.idx.msk [tilespmem:v12+s14+$0x0], $0xffff;
	v7 =	vadd.f32 v14, v7  }
0x477: {  	v14 =	vld.idx.msk [tilespmem:v10+s14+$0x0], $0xffff  }
0x478: {  	v15 =	vld.idx.msk [tilespmem:v15+s8+$0x0], $0xffff;
	v7 =	vmul.f32 $1.666666720e-01, v7  }
0x479: {  	v12 =	vld.idx.msk [tilespmem:v18+s14+$0x0], $0xffff  }
0x47a: {  	v17 =	vld.idx.msk [tilespmem:v6+s8+$0x0], $0xffff;
	[tilespmem:s0+$0x1CF70] =	vst v7;
	s0 =	smov.u32 s3  }
0x47b: {  	v18 =	vld.idx.msk [tilespmem:v13+s8+$0x0], $0xffff  }
0x47c: {  	v10 =	vld.idx.msk [tilespmem:v11+s8+$0x0], $0xffff  }
.Ltmp41:
0x47d: {  	v9 =	vld.idx.msk [tilespmem:v19+s14+$0x0], $0xffff;
	(pc) =	sbr.rel @p4 .LBB2_74-.Ltmp41, $4  }
0x47e: {  	v11 =	vadd.f32 $0.0e+00, v15;
	v7 =	vld.idx.msk [tilespmem:v8+s8+$0x0], $0xffff  }
0x47f: {  	v6 =	vld.idx.msk [tilespmem:v16+s8+$0x0], $0xffff  }
0x480: {  	v13 =	vadd.f32 v17, v11;
	v8 =	vld.idx.msk [tilespmem:v14+s8+$0x0], $0xffff  }
0x481: {  	s7 =	sadd.s32 $0x540, s7;
	v11 =	vadd.f32 $0.0e+00, v18;
	v14 =	vld.idx.msk [tilespmem:v20+s14+$0x0], $0xffff  }
0x482: {  	_ =	sdelay $0x3  }
0x483: {  	v15 =	vmov v1;
	v1 =	vmov v14  }
.LBB2_76:
0x484: {  	_ =	sdelay $0x3  }
0x485: {  	v5 =	vld.idx.msk [tilespmem:v5+s14+$0x0], $0xffff;
	_ =	sdelay $0x1  }
0x486: {  	v3 =	vld.idx.msk [tilespmem:v3+s8+$0x0], $0xffff  }
0x487: {  	v12 =	vld.idx.msk [tilespmem:v12+s8+$0x0], $0xffff  }
0x488: {  	v9 =	vld.idx.msk [tilespmem:v9+s8+$0x0], $0xffff  }
0x489: {  	v10 =	vadd.f32 v10, v13;
	v6 =	vadd.f32 v6, v11;
	v11 =	vld.idx.msk @p3 [tilespmem:v15+s8+$0x0], $0xffff  }
0x48a: {  	v1 =	vld.idx.msk [tilespmem:v1+s8+$0x0], $0xffff  }
0x48b: {  	v2 =	vld.idx.msk @p3 [tilespmem:v2+s8+$0x0], $0xffff;
	v7 =	vadd.f32 v7, v10;
	v3 =	vadd.f32 v3, v6  }
0x48c: {  	v5 =	vld.idx.msk [tilespmem:v5+s8+$0x0], $0xffff  }
0x48d: {  	v6 =	vadd.f32 v8, v7;
	v3 =	vadd.f32 v9, v3  }
0x48e: {  	v4 =	vadd.f32 @p3 v11, v4  }
0x48f: {  	v6 =	vadd.f32 v12, v6;
	v1 =	vadd.f32 v1, v3  }
0x490: {  	s3 =	sadd.s32 @p3 $0x20, s9;
	v2 =	vadd.f32 @p3 v2, v4  }
0x491: {  	s15 =	sadd.s32 $0xFFFFFD60, s2;
	s1 =	smov.u32 @p3 s3;
	v4 =	vadd.s32 s2, v0;
	v3 =	vmul.f32 $1.666666720e-01, v6;
	v1 =	vadd.f32 v5, v1  }
0x492: {  	s16 =	sadd.s32 $0x1, s2;
	s7 =	sand.u32 $0x7FFFFFF0, s1;
	v2 =	vmul.f32 @p3 $1.666666720e-01, v2;
	v5 =	vadd.s32 s15, v0  }
0x493: {  	s17 =	sadd.s32 $0xFFFFFD61, s2;
	s1 =	sadd.s32 $0xFFFFFFF0, s1;
	[tilespmem:s7+$0x1CF70] =	vst v3;
	v3 =	vadd.s32 s16, v0;
	v1 =	vmul.f32 $1.666666720e-01, v1  }
0x494: {  	s21 =	sadd.s32 $0x3, s2;
	s1 =	sand.u32 $0x7FFFFFE0, s1;
	[tilespmem:s0+$0x1CF70] =	vst @p3 v2;
	v2 =	vadd.s32 s17, v0  }
0x495: {  	s22 =	sadd.s32 $0xFFFFFD63, s2;
	v7 =	vadd.s32 s21, v0;
	[tilespmem:s1+$0x1CF70] =	vst v1  }
0x496: {  	s18 =	sadd.s32 $0x2, s2;
	v8 =	vadd.s32 s22, v0;
	v4 =	vld.idx.msk [tilespmem:v4+s14+$0x0], $0xffff  }
0x497: {  	s19 =	sadd.s32 $0xFFFFFD62, s2;
	v1 =	vadd.s32 s18, v0;
	v5 =	vld.idx.msk [tilespmem:v5+s14+$0x0], $0xffff  }
0x498: {  	v6 =	vadd.s32 s19, v0;
	v9 =	vld.idx.msk [tilespmem:v3+s14+$0x0], $0xffff  }
0x499: {  	v2 =	vld.idx.msk [tilespmem:v2+s14+$0x0], $0xffff  }
0x49a: {  	s23 =	sadd.s32 $0xFFFFFD64, s2;
	v3 =	vld.idx.msk [tilespmem:v7+s14+$0x0], $0xffff  }
0x49b: {  	v10 =	vadd.s32 s23, v0;
	v7 =	vld.idx.msk [tilespmem:v8+s14+$0x0], $0xffff  }
0x49c: {  	v14 =	vld.idx.msk [tilespmem:v1+s14+$0x0], $0xffff  }
0x49d: {  	v1 =	vld.idx.msk [tilespmem:v6+s14+$0x0], $0xffff;
	_ =	sdelay $0x2  }
0x49e: {  	s25 =	sadd.s32 $0x4, s2;
	s1 =	simm.s32 $0x0;
	v8 =	vld.idx.msk [tilespmem:v10+s14+$0x0], $0xffff  }
0x49f: {  	s24 =	sadd.s32 $0xFFFFFD65, s2;
	v12 =	vadd.s32 s25, v0;
	v5 =	vld.idx.msk [tilespmem:v5+s1+$0x0], $0xffff  }
0x4a0: {  	v6 =	vadd.s32 s24, v0;
	v2 =	vld.idx.msk [tilespmem:v2+s1+$0x0], $0xffff  }
0x4a1: {  	v4 =	vld.idx.msk [tilespmem:v4+s1+$0x0], $0xffff  }
0x4a2: {  	v7 =	vld.idx.msk [tilespmem:v7+s1+$0x0], $0xffff  }
0x4a3: {  	v10 =	vld.idx.msk [tilespmem:v1+s1+$0x0], $0xffff  }
.Ltmp42:
0x4a4: {  	v1 =	vld.idx.msk [tilespmem:v12+s14+$0x0], $0xffff;
	(pc) =	sbr.rel @!p2 .LBB2_77-.Ltmp42, $4  }
0x4a5: {  	v11 =	vld.idx.msk [tilespmem:v6+s14+$0x0], $0xffff  }
0x4a6: {  	v6 =	vld.idx.msk [tilespmem:v9+s1+$0x0], $0xffff;
	v9 =	vadd.f32 $0.0e+00, v5  }
0x4a7: {  	s30 =	sadd.s32 $0x5, s2;
	v8 =	vld.idx.msk [tilespmem:v8+s1+$0x0], $0xffff  }
0x4a8: {  	s0 =	simm.s32 $0x10;
	s7 =	sadd.s32 $0x540, s2;
	v5 =	vadd.s32 s30, v0;
	v12 =	vadd.f32 $0.0e+00, v4;
	v13 =	vadd.f32 v2, v9;
	v9 =	vld.idx.msk [tilespmem:v14+s1+$0x0], $0xffff  }
0x4a9: {  	_ =	sdelay $0x2  }
0x4aa: {  	s2 =	sadd.s32 $0xFFFFFD60, s7;
	v4 =	vadd.s32 s7, v0  }
0x4ab: {  	s3 =	sadd.s32 $0x1, s7;
	v14 =	vadd.s32 s2, v0  }
0x4ac: {  	s16 =	sadd.s32 $0xFFFFFD61, s7;
	v15 =	vld.idx.msk [tilespmem:v11+s1+$0x0], $0xffff;
	v11 =	vadd.s32 s3, v0  }
0x4ad: {  	s17 =	sadd.s32 $0x2, s7;
	v2 =	vld.idx.msk [tilespmem:v5+s14+$0x0], $0xffff;
	v5 =	vadd.s32 s16, v0  }
0x4ae: {  	v17 =	vld.idx.msk [tilespmem:v3+s1+$0x0], $0xffff;
	s18 =	sadd.s32 $0xFFFFFD62, s7;
	v16 =	vadd.s32 s17, v0  }
0x4af: {  	s19 =	sadd.s32 $0x3, s7;
	v3 =	vadd.s32 s18, v0;
	v4 =	vld.idx.msk [tilespmem:v4+s14+$0x0], $0xffff  }
0x4b0: {  	s21 =	sadd.s32 $0xFFFFFD63, s7;
	v18 =	vadd.s32 s19, v0;
	v14 =	vld.idx.msk [tilespmem:v14+s14+$0x0], $0xffff  }
0x4b1: {  	s22 =	sadd.s32 $0xFFFFFD64, s7;
	v19 =	vadd.s32 s21, v0;
	v20 =	vld.idx.msk [tilespmem:v11+s14+$0x0], $0xffff  }
0x4b2: {  	s23 =	sadd.s32 $0xFFFFFD65, s7;
	v5 =	vld.idx.msk [tilespmem:v5+s14+$0x0], $0xffff;
	v11 =	vadd.s32 s22, v0  }
0x4b3: {  	v22 =	vadd.s32 s23, v0;
	v16 =	vld.idx.msk [tilespmem:v16+s14+$0x0], $0xffff  }
0x4b4: {  	v21 =	vld.idx.msk [tilespmem:v3+s14+$0x0], $0xffff  }
0x4b5: {  	v3 =	vld.idx.msk [tilespmem:v18+s14+$0x0], $0xffff  }
0x4b6: {  	v10 =	vadd.f32 v10, v13;
	v61 =	vld.idx.msk [tilespmem:v19+s14+$0x0], $0xffff  }
0x4b7: {  	v13 =	vld.idx.msk [tilespmem:v11+s14+$0x0], $0xffff  }
0x4b8: {  	v7 =	vadd.f32 v7, v10;
	v11 =	vld.idx.msk [tilespmem:v22+s14+$0x0], $0xffff  }
0x4b9: {  	s24 =	sadd.s32 $0x4, s7;
	v14 =	vld.idx.msk [tilespmem:v14+s1+$0x0], $0xffff  }
0x4ba: {  	v62 =	vadd.s32 s24, v0;
	v63 =	vld.idx.msk [tilespmem:v5+s1+$0x0], $0xffff;
	v5 =	vadd.f32 v8, v7  }
0x4bb: {  	s9 =	sadd.s32 $0x2, s4;
	v23 =	vld.idx.msk [tilespmem:v4+s1+$0x0], $0xffff;
	v4 =	vadd.f32 v6, v12  }
0x4bc: {  	p2 =	slt.u32 s9, s12;
	v10 =	vld.idx.msk [tilespmem:v21+s1+$0x0], $0xffff;
	v5 =	vadd.f32 v15, v5  }
.Ltmp43:
0x4bd: {  	s30 =	sadd.s32 $0x5, s7;
	v6 =	vld.idx.msk [tilespmem:v20+s1+$0x0], $0xffff;
	v4 =	vadd.f32 v9, v4;
	(pc) =	sbr.rel @!p2 .LBB2_79-.Ltmp43, $4  }
0x4be: {  	v7 =	vld.idx.msk [tilespmem:v61+s1+$0x0], $0xffff;
	v9 =	vmul.f32 $1.666666720e-01, v5;
	v5 =	vadd.s32 s30, v0;
	v12 =	vadd.f32 $0.0e+00, v14  }
0x4bf: {  	s25 =	simm.s32 $0x0;
	v14 =	vld.idx.msk [tilespmem:v62+s14+$0x0], $0xffff  }
0x4c0: {  	s10 =	sadd.s32 $0x540, s7;
	p1 =	por $0x1, $0x1;
	s3 =	sand.u32 $0x7FFFFFE0, s25;
	v8 =	vld.idx.msk [tilespmem:v13+s1+$0x0], $0xffff;
	v13 =	vadd.f32 v63, v12  }
0x4c1: {  	s8 =	simm.s32 $0x0;
	s4 =	simm.s32 $0x10;
	s2 =	sand.u32 $0x7FFFFFF0, s0;
	v4 =	vadd.f32 v17, v4;
	[tilespmem:s3+$0x1CFF0] =	vst v9;
	v9 =	vld.idx.msk [tilespmem:v16+s1+$0x0], $0xffff;
	v12 =	vadd.f32 $0.0e+00, v23  }
.LBB2_80:
0x4c2: {  	s3 =	sadd.s32 $0xFFFFFD60, s10;
	v15 =	vadd.s32 s10, v0;
	s7 =	sadd.s32 $0x1, s10;
	s9 =	sadd.s32 $0x2, s9;
	v10 =	vadd.f32 v10, v13;
	v11 =	vld.idx.msk [tilespmem:v11+s1+$0x0], $0xffff  }
0x4c3: {  	v13 =	vadd.s32 s3, v0;
	v16 =	vadd.s32 s7, v0;
	s3 =	sadd.s32 $0x2, s10;
	s7 =	sadd.s32 $0x3, s10;
	p2 =	slt.u32 s9, s12;
	v6 =	vadd.f32 v6, v12;
	v12 =	vld.idx.msk [tilespmem:v5+s14+$0x0], $0xffff  }
0x4c4: {  	s11 =	sadd.s32 $0xFFFFFD61, s10;
	v17 =	vadd.s32 s3, v0;
	v18 =	vadd.s32 s7, v0;
	s3 =	sadd.s32 $0x4, s10;
	s7 =	sadd.s32 $0x5, s10;
	v7 =	vadd.f32 v7, v10;
	v3 =	vld.idx.msk [tilespmem:v3+s1+$0x0], $0xffff  }
0x4c5: {  	v10 =	vadd.s32 s11, v0;
	v19 =	vadd.s32 s3, v0;
	v5 =	vadd.s32 s7, v0;
	v20 =	vld.idx.msk [tilespmem:v1+s8+$0x0], $0xffff;
	v1 =	vmovc v14  }
0x4c6: {  	s3 =	sadd.s32 $0xFFFFFD62, s10;
	v7 =	vadd.f32 v8, v7;
	v8 =	vld.idx.msk [tilespmem:v2+s8+$0x0], $0xffff;
	s8 =	smov.u32 s1  }
0x4c7: {  	v14 =	vadd.s32 s3, v0;
	v6 =	vadd.f32 v9, v6;
	v15 =	vld.idx.msk [tilespmem:v15+s14+$0x0], $0xffff  }
0x4c8: {  	s1 =	sadd.s32 $0xFFFFFD63, s10;
	v9 =	vld.idx.msk [tilespmem:v13+s14+$0x0], $0xffff;
	v7 =	vadd.f32 v11, v7;
	v2 =	vmov v12  }
0x4c9: {  	s4 =	sadd.s32 $0x20, s4;
	v11 =	vadd.s32 s1, v0;
	s1 =	sadd.s32 $0xFFFFFD64, s10;
	v12 =	vld.idx.msk [tilespmem:v16+s14+$0x0], $0xffff  }
0x4ca: {  	s3 =	sand.u32 $0x7FFFFFF0, s4;
	v13 =	vadd.s32 s1, v0;
	s1 =	sadd.s32 $0xFFFFFFF0, s4;
	v3 =	vadd.f32 v3, v6;
	v10 =	vld.idx.msk [tilespmem:v10+s14+$0x0], $0xffff;
	v7 =	vmul.f32 $1.666666720e-01, v7  }
0x4cb: {  	s7 =	sadd.s32 $0xFFFFFD65, s10;
	s1 =	sand.u32 $0x7FFFFFE0, s1;
	v6 =	vadd.f32 v20, v4;
	v16 =	vld.idx.msk [tilespmem:v17+s14+$0x0], $0xffff  }
0x4cc: {  	v17 =	vadd.s32 s7, v0;
	v4 =	vmov v3;
	v14 =	vld.idx.msk [tilespmem:v14+s14+$0x0], $0xffff;
	[tilespmem:s1+$0x1CFF0] =	vst v7  }
0x4cd: {  	v6 =	vadd.f32 v8, v6;
	v3 =	vld.idx.msk [tilespmem:v18+s14+$0x0], $0xffff  }
0x4ce: {  	v7 =	vld.idx.msk [tilespmem:v11+s14+$0x0], $0xffff  }
0x4cf: {  	s1 =	simm.s32 $0x0;
	v6 =	vmul.f32 $1.666666720e-01, v6;
	v8 =	vld.idx.msk [tilespmem:v13+s14+$0x0], $0xffff  }
0x4d0: {  	v9 =	vld.idx.msk [tilespmem:v9+s1+$0x0], $0xffff  }
0x4d1: {  	v11 =	vld.idx.msk [tilespmem:v17+s14+$0x0], $0xffff;
	[tilespmem:s2+$0x1CFF0] =	vst v6;
	s2 =	smov.u32 s3  }
0x4d2: {  	v13 =	vld.idx.msk [tilespmem:v10+s1+$0x0], $0xffff  }
0x4d3: {  	v15 =	vld.idx.msk [tilespmem:v15+s1+$0x0], $0xffff  }
0x4d4: {  	v10 =	vld.idx.msk [tilespmem:v14+s1+$0x0], $0xffff  }
.Ltmp44:
0x4d5: {  	v6 =	vld.idx.msk [tilespmem:v12+s1+$0x0], $0xffff;
	(pc) =	sbr.rel @p2 .LBB2_80-.Ltmp44, $4  }
0x4d6: {  	v9 =	vadd.f32 $0.0e+00, v9;
	v7 =	vld.idx.msk [tilespmem:v7+s1+$0x0], $0xffff  }
0x4d7: {  	v14 =	vld.idx.msk [tilespmem:v19+s14+$0x0], $0xffff  }
0x4d8: {  	v13 =	vadd.f32 v13, v9;
	v8 =	vld.idx.msk [tilespmem:v8+s1+$0x0], $0xffff  }
0x4d9: {  	s10 =	sadd.s32 $0x540, s10;
	v12 =	vadd.f32 $0.0e+00, v15;
	v9 =	vld.idx.msk [tilespmem:v16+s1+$0x0], $0xffff  }
0x4da: {  	_ =	sdelay $0x1  }
0x4db: {  	v15 =	vmov v1;
	v1 =	vmov v14  }
.LBB2_82:
0x4dc: {  	_ =	sdelay $0x3  }
0x4dd: {  	v5 =	vld.idx.msk [tilespmem:v5+s14+$0x0], $0xffff;
	_ =	sdelay $0x3  }
0x4de: {  	v3 =	vld.idx.msk [tilespmem:v3+s1+$0x0], $0xffff  }
0x4df: {  	v6 =	vadd.f32 v6, v12  }
0x4e0: {  	v1 =	vld.idx.msk [tilespmem:v1+s1+$0x0], $0xffff  }
0x4e1: {  	v6 =	vadd.f32 v9, v6  }
0x4e2: {  	v5 =	vld.idx.msk [tilespmem:v5+s1+$0x0], $0xffff  }
0x4e3: {  	v10 =	vadd.f32 v10, v13;
	v12 =	vld.idx.msk @p1 [tilespmem:v15+s8+$0x0], $0xffff;
	v3 =	vadd.f32 v3, v6  }
0x4e4: {  	v11 =	vld.idx.msk [tilespmem:v11+s1+$0x0], $0xffff  }
0x4e5: {  	v2 =	vld.idx.msk @p1 [tilespmem:v2+s8+$0x0], $0xffff;
	v7 =	vadd.f32 v7, v10;
	v1 =	vadd.f32 v1, v3;
	_ =	sdelay $0x1  }
0x4e6: {  	v7 =	vadd.f32 v8, v7;
	v1 =	vadd.f32 v5, v1  }
0x4e7: {  	s3 =	sadd.s32 @p1 $0x20, s4;
	s4 =	simm.s32 $0x10;
	v4 =	vadd.f32 @p1 v12, v4  }
0x4e8: {  	s4 =	smov.u32 @p1 s3;
	v6 =	vadd.f32 v11, v7;
	v1 =	vmul.f32 $1.666666720e-01, v1  }
0x4e9: {  	s15 =	sadd.s32 $0xFFFFFFFB, s31;
	s11 =	sand.u32 $0x7FFFFFF0, s4;
	v2 =	vadd.f32 @p1 v2, v4  }
0x4ea: {  	s3 =	sadd.s32 $0xFFFFFFF0, s4;
	v3 =	vmul.f32 $1.666666720e-01, v6;
	[tilespmem:s11+$0x1CFF0] =	vst v1;
	v1 =	vadd.s32 s15, v0  }
0x4eb: {  	s17 =	sadd.s32 $0xFFFFFFFC, s31;
	s3 =	sand.u32 $0x7FFFFFE0, s3;
	v2 =	vmul.f32 @p1 $1.666666720e-01, v2  }
0x4ec: {  	s16 =	sadd.s32 $0xFFFFFD5B, s31;
	[tilespmem:s3+$0x1CFF0] =	vst v3;
	v3 =	vadd.s32 s17, v0  }
0x4ed: {  	s18 =	sadd.s32 $0xFFFFFD5C, s31;
	[tilespmem:s2+$0x1CFF0] =	vst @p1 v2;
	v2 =	vadd.s32 s16, v0  }
0x4ee: {  	s19 =	sadd.s32 $0xFFFFFFFD, s31;
	v4 =	vadd.s32 s18, v0  }
0x4ef: {  	s21 =	sadd.s32 $0xFFFFFD5D, s31;
	v5 =	vadd.s32 s19, v0;
	v1 =	vld.idx.msk [tilespmem:v1+s14+$0x0], $0xffff  }
0x4f0: {  	s22 =	sadd.s32 $0xFFFFFFFE, s31;
	v6 =	vadd.s32 s21, v0  }
0x4f1: {  	v7 =	vadd.s32 s22, v0;
	v8 =	vld.idx.msk [tilespmem:v3+s14+$0x0], $0xffff  }
0x4f2: {  	s23 =	sadd.s32 $0xFFFFFFFF, s31;
	v2 =	vld.idx.msk [tilespmem:v2+s14+$0x0], $0xffff  }
0x4f3: {  	v9 =	vadd.s32 s23, v0;
	v4 =	vld.idx.msk [tilespmem:v4+s14+$0x0], $0xffff  }
0x4f4: {  	v5 =	vld.idx.msk [tilespmem:v5+s14+$0x0], $0xffff  }
0x4f5: {  	s24 =	sadd.s32 $0xFFFFFD5E, s31;
	v10 =	vadd.s32 s31, v0;
	v3 =	vld.idx.msk [tilespmem:v6+s14+$0x0], $0xffff  }
0x4f6: {  	v6 =	vld.idx.msk [tilespmem:v7+s14+$0x0], $0xffff;
	v7 =	vadd.s32 s24, v0  }
0x4f7: {  	v1 =	vld.idx.msk [tilespmem:v1+s5+$0x0], $0xffff  }
0x4f8: {  	s25 =	sadd.s32 $0xFFFFFD5F, s31;
	v11 =	vld.idx.msk [tilespmem:v9+s14+$0x0], $0xffff  }
0x4f9: {  	v14 =	vadd.s32 s25, v0;
	v13 =	vld.idx.msk [tilespmem:v8+s5+$0x0], $0xffff  }
0x4fa: {  	v12 =	vld.idx.msk [tilespmem:v10+s14+$0x0], $0xffff  }
0x4fb: {  	s1 =	sadd.s32 $0x2, s1;
	v9 =	vld.idx.msk [tilespmem:v7+s14+$0x0], $0xffff  }
0x4fc: {  	p2 =	slt.u32 s1, s12;
	v2 =	vld.idx.msk [tilespmem:v2+s5+$0x0], $0xffff;
	v1 =	vadd.f32 $0.0e+00, v1  }
.Ltmp45:
0x4fd: {  	v10 =	vld.idx.msk [tilespmem:v5+s5+$0x0], $0xffff;
	(pc) =	sbr.rel @!p2 .LBB2_83-.Ltmp45, $4  }
0x4fe: {  	v13 =	vadd.f32 v13, v1;
	v1 =	vld.idx.msk [tilespmem:v14+s14+$0x0], $0xffff  }
0x4ff: {  	v7 =	vld.idx.msk [tilespmem:v6+s5+$0x0], $0xffff  }
0x500: {  	s30 =	sadd.s32 $0xFFFFFD60, s31;
	v6 =	vld.idx.msk [tilespmem:v4+s5+$0x0], $0xffff  }
0x501: {  	s2 =	sadd.s32 $0x540, s31;
	p1 =	por $0x0, $0x0;
	v8 =	vld.idx.msk [tilespmem:v11+s5+$0x0], $0xffff;
	v5 =	vadd.s32 s30, v0;
	v11 =	vadd.f32 $0.0e+00, v2  }
0x502: {  	_ =	sdelay $0x1  }
0x503: {  	s3 =	sadd.s32 $0xFFFFFFFB, s2  }
0x504: {  	s4 =	sadd.s32 $0xFFFFFD5B, s2;
	v4 =	vadd.s32 s3, v0  }
0x505: {  	v14 =	vld.idx.msk [tilespmem:v12+s5+$0x0], $0xffff;
	s17 =	sadd.s32 $0xFFFFFFFC, s2;
	v12 =	vadd.s32 s4, v0  }
0x506: {  	s18 =	sadd.s32 $0xFFFFFD5C, s2;
	v15 =	vld.idx.msk [tilespmem:v3+s5+$0x0], $0xffff;
	v3 =	vadd.s32 s17, v0  }
0x507: {  	v2 =	vld.idx.msk [tilespmem:v5+s14+$0x0], $0xffff;
	s19 =	sadd.s32 $0xFFFFFFFD, s2;
	v16 =	vadd.s32 s18, v0  }
0x508: {  	s21 =	sadd.s32 $0xFFFFFD5D, s2;
	v5 =	vld.idx.msk [tilespmem:v9+s5+$0x0], $0xffff;
	v9 =	vadd.s32 s19, v0  }
0x509: {  	s23 =	sadd.s32 $0xFFFFFFFF, s2;
	v17 =	vadd.s32 s21, v0;
	v4 =	vld.idx.msk [tilespmem:v4+s14+$0x0], $0xffff  }
0x50a: {  	s22 =	sadd.s32 $0xFFFFFFFE, s2;
	v20 =	vadd.s32 s23, v0;
	v18 =	vld.idx.msk [tilespmem:v12+s14+$0x0], $0xffff  }
0x50b: {  	v12 =	vadd.s32 s22, v0;
	v19 =	vld.idx.msk [tilespmem:v3+s14+$0x0], $0xffff  }
0x50c: {  	v21 =	vadd.s32 s2, v0;
	v16 =	vld.idx.msk [tilespmem:v16+s14+$0x0], $0xffff  }
0x50d: {  	v10 =	vadd.f32 v10, v13;
	v9 =	vld.idx.msk [tilespmem:v9+s14+$0x0], $0xffff  }
0x50e: {  	v3 =	vld.idx.msk [tilespmem:v17+s14+$0x0], $0xffff  }
0x50f: {  	v7 =	vadd.f32 v7, v10;
	v13 =	vld.idx.msk [tilespmem:v20+s14+$0x0], $0xffff  }
0x510: {  	s24 =	sadd.s32 $0xFFFFFD5E, s2;
	v61 =	vld.idx.msk [tilespmem:v12+s14+$0x0], $0xffff  }
0x511: {  	s25 =	sadd.s32 $0xFFFFFD5F, s2;
	v62 =	vadd.s32 s24, v0;
	v7 =	vadd.f32 v8, v7;
	v12 =	vld.idx.msk [tilespmem:v21+s14+$0x0], $0xffff  }
0x512: {  	v63 =	vadd.s32 s25, v0;
	v4 =	vld.idx.msk [tilespmem:v4+s5+$0x0], $0xffff  }
0x513: {  	v8 =	vadd.f32 v14, v7;
	v19 =	vld.idx.msk [tilespmem:v19+s5+$0x0], $0xffff  }
0x514: {  	s4 =	sadd.s32 $0x2, s1;
	v6 =	vadd.f32 v6, v11;
	v18 =	vld.idx.msk [tilespmem:v18+s5+$0x0], $0xffff  }
0x515: {  	p2 =	slt.u32 s4, s12;
	v14 =	vmul.f32 $1.666666720e-01, v8;
	v10 =	vld.idx.msk [tilespmem:v9+s5+$0x0], $0xffff  }
.Ltmp46:
0x516: {  	s7 =	sand.u32 $0x7FFFFFF0, s0;
	v11 =	vadd.f32 v15, v6;
	v9 =	vld.idx.msk [tilespmem:v62+s14+$0x0], $0xffff;
	(pc) =	sbr.rel @!p2 .LBB2_85-.Ltmp46, $4  }
0x517: {  	s30 =	sadd.s32 $0xFFFFFD60, s2;
	[tilespmem:s7+$0x1D070] =	vst v14;
	v14 =	vld.idx.msk [tilespmem:v63+s14+$0x0], $0xffff;
	v15 =	vadd.f32 $0.0e+00, v4  }
0x518: {  	v7 =	vld.idx.msk [tilespmem:v61+s5+$0x0], $0xffff;
	v4 =	vadd.f32 v5, v11;
	v5 =	vadd.s32 s30, v0  }
0x519: {  	s31 =	simm.s32 $0x0;
	p1 =	por $0x1, $0x1;
	v8 =	vld.idx.msk [tilespmem:v13+s5+$0x0], $0xffff;
	v13 =	vadd.f32 v19, v15  }
0x51a: {  	s1 =	sand.u32 $0x7FFFFFE0, s31;
	s7 =	sadd.s32 $0x540, s2;
	s2 =	simm.s32 $0x10;
	v6 =	vld.idx.msk [tilespmem:v16+s5+$0x0], $0xffff;
	v11 =	vadd.f32 $0.0e+00, v18  }
.LBB2_86:
0x51b: {  	s3 =	sadd.s32 $0xFFFFFD5B, s7;
	s8 =	sadd.s32 $0xFFFFFFFB, s7;
	s4 =	sadd.s32 $0x2, s4;
	v10 =	vadd.f32 v10, v13;
	v12 =	vld.idx.msk [tilespmem:v12+s5+$0x0], $0xffff  }
0x51c: {  	s9 =	sadd.s32 $0xFFFFFD5D, s7;
	v13 =	vadd.s32 s3, v0;
	s3 =	sadd.s32 $0xFFFFFD5C, s7;
	v15 =	vadd.s32 s8, v0;
	p2 =	slt.u32 s4, s12;
	v3 =	vld.idx.msk [tilespmem:v3+s5+$0x0], $0xffff  }
0x51d: {  	v17 =	vadd.s32 s9, v0;
	s8 =	sadd.s32 $0xFFFFFD5F, s7;
	s9 =	sadd.s32 $0xFFFFFFFC, s7;
	v16 =	vadd.s32 s3, v0;
	s3 =	sadd.s32 $0xFFFFFD5E, s7;
	v18 =	vld.idx.msk [tilespmem:v5+s14+$0x0], $0xffff;
	v7 =	vadd.f32 v7, v10  }
0x51e: {  	v20 =	vadd.s32 s8, v0;
	v10 =	vadd.s32 s9, v0;
	v19 =	vadd.s32 s3, v0;
	s3 =	sadd.s32 $0xFFFFFD60, s7;
	v9 =	vld.idx.msk [tilespmem:v9+s5+$0x0], $0xffff  }
0x51f: {  	v6 =	vadd.f32 v6, v11;
	v5 =	vadd.s32 s3, v0;
	s3 =	sadd.s32 $0xFFFFFFFD, s7;
	v7 =	vadd.f32 v8, v7;
	v8 =	vld.idx.msk [tilespmem:v1+s5+$0x0], $0xffff;
	v1 =	vmovc v14  }
0x520: {  	v11 =	vadd.s32 s3, v0;
	v14 =	vld.idx.msk [tilespmem:v2+s5+$0x0], $0xffff  }
0x521: {  	s3 =	sadd.s32 $0xFFFFFFFE, s7;
	v15 =	vld.idx.msk [tilespmem:v15+s14+$0x0], $0xffff;
	v7 =	vadd.f32 v12, v7  }
0x522: {  	v12 =	vadd.s32 s3, v0;
	s3 =	sadd.s32 $0xFFFFFFFF, s7;
	v3 =	vadd.f32 v3, v6;
	v13 =	vld.idx.msk [tilespmem:v13+s14+$0x0], $0xffff;
	v2 =	vmov v18  }
0x523: {  	s2 =	sadd.s32 $0x20, s2;
	v6 =	vld.idx.msk [tilespmem:v10+s14+$0x0], $0xffff;
	v10 =	vadd.s32 s3, v0;
	v7 =	vmul.f32 $1.666666720e-01, v7  }
0x524: {  	s8 =	sand.u32 $0x7FFFFFF0, s2;
	s3 =	sadd.s32 $0xFFFFFFF0, s2;
	v9 =	vadd.f32 v9, v3;
	v16 =	vld.idx.msk [tilespmem:v16+s14+$0x0], $0xffff  }
0x525: {  	v18 =	vadd.s32 s7, v0;
	s3 =	sand.u32 $0x7FFFFFE0, s3;
	v11 =	vld.idx.msk [tilespmem:v11+s14+$0x0], $0xffff;
	[tilespmem:s8+$0x1D070] =	vst v7;
	v7 =	vadd.f32 v8, v4  }
0x526: {  	v4 =	vmov v9;
	v3 =	vld.idx.msk [tilespmem:v17+s14+$0x0], $0xffff  }
0x527: {  	v8 =	vld.idx.msk [tilespmem:v12+s14+$0x0], $0xffff;
	v7 =	vadd.f32 v14, v7  }
0x528: {  	v14 =	vld.idx.msk [tilespmem:v10+s14+$0x0], $0xffff  }
0x529: {  	v15 =	vld.idx.msk [tilespmem:v15+s5+$0x0], $0xffff;
	v7 =	vmul.f32 $1.666666720e-01, v7  }
0x52a: {  	v12 =	vld.idx.msk [tilespmem:v18+s14+$0x0], $0xffff  }
0x52b: {  	v17 =	vld.idx.msk [tilespmem:v6+s5+$0x0], $0xffff;
	[tilespmem:s1+$0x1D070] =	vst v7;
	s1 =	smov.u32 s3  }
0x52c: {  	v18 =	vld.idx.msk [tilespmem:v13+s5+$0x0], $0xffff  }
0x52d: {  	v10 =	vld.idx.msk [tilespmem:v11+s5+$0x0], $0xffff  }
.Ltmp47:
0x52e: {  	v9 =	vld.idx.msk [tilespmem:v19+s14+$0x0], $0xffff;
	(pc) =	sbr.rel @p2 .LBB2_86-.Ltmp47, $4  }
0x52f: {  	v11 =	vadd.f32 $0.0e+00, v15;
	v7 =	vld.idx.msk [tilespmem:v8+s5+$0x0], $0xffff  }
0x530: {  	v6 =	vld.idx.msk [tilespmem:v16+s5+$0x0], $0xffff  }
0x531: {  	v13 =	vadd.f32 v17, v11;
	v8 =	vld.idx.msk [tilespmem:v14+s5+$0x0], $0xffff  }
0x532: {  	s7 =	sadd.s32 $0x540, s7;
	v11 =	vadd.f32 $0.0e+00, v18;
	v14 =	vld.idx.msk [tilespmem:v20+s14+$0x0], $0xffff  }
.Ltmp48:
0x533: {  	_ = 	snop;
	(pc) =	sbr.rel .LBB2_88-.Ltmp48, $2  }
0x534: {  	_ =	sdelay $0x2  }
0x535: {  	v15 =	vmov v1;
	v1 =	vmov v14  }
.LBB2_3:
.Ltmp49:
0x536: {  	(pc) =	sbr.rel .LBB2_8-.Ltmp49, $2  }
0x537: {  	_ =	sdelay $0x2  }
0x538: {  	s9 =	simm.s32 $0x1C980;
	p4 =	por $0x0, $0x0  }
.LBB2_9:
.Ltmp50:
0x539: {  	(pc) =	sbr.rel .LBB2_14-.Ltmp50, $2  }
0x53a: {  	_ =	sdelay $0x2  }
0x53b: {  	s18 =	simm.s32 $0x0;
	s9 =	simm.s32 $0x10  }
.LBB2_15:
.Ltmp51:
0x53c: {  	(pc) =	sbr.rel .LBB2_20-.Ltmp51, $2  }
0x53d: {  	_ =	sdelay $0x2  }
0x53e: {  	s9 =	simm.s32 $0x10;
	p4 =	por $0x0, $0x0  }
.LBB2_21:
.Ltmp52:
0x53f: {  	(pc) =	sbr.rel .LBB2_26-.Ltmp52, $2  }
0x540: {  	_ =	sdelay $0x2  }
0x541: {  	s9 =	simm.s32 $0x10  }
.LBB2_27:
.Ltmp53:
0x542: {  	(pc) =	sbr.rel .LBB2_32-.Ltmp53, $2  }
0x543: {  	_ =	sdelay $0x2  }
0x544: {  	s9 =	simm.s32 $0x10;
	p4 =	por $0x0, $0x0  }
.LBB2_33:
.Ltmp54:
0x545: {  	(pc) =	sbr.rel .LBB2_38-.Ltmp54, $2  }
0x546: {  	_ =	sdelay $0x2  }
0x547: {  	s9 =	simm.s32 $0x10  }
.LBB2_39:
.Ltmp55:
0x548: {  	(pc) =	sbr.rel .LBB2_44-.Ltmp55, $2  }
0x549: {  	_ =	sdelay $0x2  }
0x54a: {  	s9 =	simm.s32 $0x10;
	s20 =	smov.u32 s12  }
.LBB2_5:
.Ltmp56:
0x54b: {  	_ = 	snop;
	(pc) =	sbr.rel .LBB2_8-.Ltmp56, $2  }
0x54c: {  	_ =	sdelay $0x2  }
0x54d: {  	v15 =	vmov v1;
	s9 =	simm.s32 $0x1C980;
	s23 =	simm.s32 $0x1C980;
	v1 =	vmov v14  }
.LBB2_11:
.Ltmp57:
0x54e: {  	(pc) =	sbr.rel .LBB2_14-.Ltmp57, $2  }
0x54f: {  	_ =	sdelay $0x2  }
0x550: {  	v15 =	vmov v1;
	s9 =	simm.s32 $0x10;
	v1 =	vmov v14  }
.LBB2_17:
.Ltmp58:
0x551: {  	(pc) =	sbr.rel .LBB2_20-.Ltmp58, $2  }
0x552: {  	_ =	sdelay $0x2  }
0x553: {  	v15 =	vmov v1;
	s9 =	simm.s32 $0x10;
	v1 =	vmov v14  }
.LBB2_23:
.Ltmp59:
0x554: {  	(pc) =	sbr.rel .LBB2_26-.Ltmp59, $2  }
0x555: {  	_ =	sdelay $0x2  }
0x556: {  	v15 =	vmov v1;
	s18 =	simm.s32 $0x0;
	s9 =	simm.s32 $0x10;
	v1 =	vmov v14  }
.LBB2_29:
.Ltmp60:
0x557: {  	(pc) =	sbr.rel .LBB2_32-.Ltmp60, $2  }
0x558: {  	_ =	sdelay $0x2  }
0x559: {  	v15 =	vmov v1;
	s9 =	simm.s32 $0x10;
	v1 =	vmov v14  }
.LBB2_35:
.Ltmp61:
0x55a: {  	(pc) =	sbr.rel .LBB2_38-.Ltmp61, $2  }
0x55b: {  	_ =	sdelay $0x2  }
0x55c: {  	v15 =	vmov v1;
	s19 =	simm.s32 $0x0;
	s9 =	simm.s32 $0x10;
	v1 =	vmov v14  }
.LBB2_41:
.Ltmp62:
0x55d: {  	(pc) =	sbr.rel .LBB2_44-.Ltmp62, $2  }
0x55e: {  	_ =	sdelay $0x2  }
0x55f: {  	v15 =	vmov v1;
	s9 =	simm.s32 $0x10;
	v1 =	vmov v14  }
.LBB2_47:
.Ltmp63:
0x560: {  	(pc) =	sbr.rel .LBB2_52-.Ltmp63, $2  }
0x561: {  	_ =	sdelay $0x2  }
0x562: {  	s9 =	simm.s32 $0x1CD80;
	p3 =	por $0x0, $0x0  }
.LBB2_53:
.Ltmp64:
0x563: {  	(pc) =	sbr.rel .LBB2_58-.Ltmp64, $2  }
0x564: {  	_ =	sdelay $0x2  }
0x565: {  	s11 =	simm.s32 $0x0;
	s9 =	simm.s32 $0x10  }
.LBB2_59:
.Ltmp65:
0x566: {  	(pc) =	sbr.rel .LBB2_64-.Ltmp65, $2  }
0x567: {  	_ =	sdelay $0x2  }
0x568: {  	s9 =	simm.s32 $0x10;
	p3 =	por $0x0, $0x0  }
.LBB2_65:
.Ltmp66:
0x569: {  	(pc) =	sbr.rel .LBB2_70-.Ltmp66, $2  }
0x56a: {  	_ =	sdelay $0x2  }
0x56b: {  	s9 =	simm.s32 $0x10  }
.LBB2_71:
.Ltmp67:
0x56c: {  	(pc) =	sbr.rel .LBB2_76-.Ltmp67, $2  }
0x56d: {  	_ =	sdelay $0x2  }
0x56e: {  	s9 =	simm.s32 $0x10;
	p3 =	por $0x0, $0x0  }
.LBB2_77:
.Ltmp68:
0x56f: {  	(pc) =	sbr.rel .LBB2_82-.Ltmp68, $2  }
0x570: {  	_ =	sdelay $0x2  }
0x571: {  	s4 =	simm.s32 $0x10  }
.LBB2_49:
.Ltmp69:
0x572: {  	(pc) =	sbr.rel .LBB2_52-.Ltmp69, $2  }
0x573: {  	_ =	sdelay $0x2  }
0x574: {  	v15 =	vmov v1;
	s9 =	simm.s32 $0x1CD80;
	s15 =	simm.s32 $0x1CD80;
	v1 =	vmov v14  }
.LBB2_55:
.Ltmp70:
0x575: {  	(pc) =	sbr.rel .LBB2_58-.Ltmp70, $2  }
0x576: {  	_ =	sdelay $0x2  }
0x577: {  	v15 =	vmov v1;
	s9 =	simm.s32 $0x10;
	v1 =	vmov v14  }
.LBB2_61:
.Ltmp71:
0x578: {  	(pc) =	sbr.rel .LBB2_64-.Ltmp71, $2  }
0x579: {  	_ =	sdelay $0x2  }
0x57a: {  	v15 =	vmov v1;
	s9 =	simm.s32 $0x10;
	v1 =	vmov v14  }
.LBB2_67:
.Ltmp72:
0x57b: {  	(pc) =	sbr.rel .LBB2_70-.Ltmp72, $2  }
0x57c: {  	_ =	sdelay $0x2  }
0x57d: {  	v15 =	vmov v1;
	s10 =	simm.s32 $0x0;
	s9 =	simm.s32 $0x10;
	v1 =	vmov v14  }
.LBB2_73:
.Ltmp73:
0x57e: {  	(pc) =	sbr.rel .LBB2_76-.Ltmp73, $2  }
0x57f: {  	_ =	sdelay $0x2  }
0x580: {  	v15 =	vmov v1;
	s9 =	simm.s32 $0x10;
	v1 =	vmov v14  }
.LBB2_79:
.Ltmp74:
0x581: {  	(pc) =	sbr.rel .LBB2_82-.Ltmp74, $2  }
0x582: {  	_ =	sdelay $0x2  }
0x583: {  	v15 =	vmov v1;
	s8 =	simm.s32 $0x0;
	s4 =	simm.s32 $0x10;
	v1 =	vmov v14  }
.LBB2_85:
.Ltmp75:
0x584: {  	(pc) =	sbr.rel .LBB2_88-.Ltmp75, $2  }
0x585: {  	_ =	sdelay $0x2  }
0x586: {  	v15 =	vmov v1;
	s2 =	simm.s32 $0x10;
	v1 =	vmov v14  }
.LBB2_91:
0x587: {  	_ =	sfence.sel $0x180000  }
0x588: {  	[bflag:$0x0] =	sbarrier.arrive $0xFFFF  }
0x589: {  	_ =	strace $0x90000047  }
0x58a: {  	[bflag:$0x2] =	sbarrier.arrive $0xFFFF  }
0x58b: {  	s0 =	rddreg [dreg:$0x4]  }
0x58c: {  	s0 =	sadd.s32 @!p0 $0x100000, s0  }
0x58d: {  	[sflag:s0] =	ssyncadd.tile.s32 @!p0 $0x1;
	_ =	shalt  }
.Lfunc_end2:
_tile_overlayer_lowered:
.L_overlay_start_2:
0x58e: {  	(tag) =	ssettag $0x2  }
0x58f: {  	s0 =	rddreg [dreg:$0x0];
	s2 =	stileid.u32  }
0x590: {  	s1 =	rddreg [dreg:$0x1];
	p0 =	sne.s32 s2, $0x0  }
0x591: {  	s3 =	rddreg [dreg:$0x2];
	[bflag:$0x3] =	sbarrier.arrive $0xFFFF;
	s2 =	simm.s32 @!p0 $0x1C06  }
0x592: {  	[timem:s3], [sflag:s2] =	dma.local @!p0 [hbm:s0], s1  }
0x593: {  	s0 =	simm.s32 @!p0 $0x6  }
0x594: {  	_ =	swait.ge @!p0 [sflag:s0], s1  }
0x595: {  	s1 =	ssub.s32 @!p0 $0x0, s1;
	[sflag:s0] =	ssyncset.done @!p0 $0x0  }
0x596: {  	[sflag:s0] =	ssyncadd.s32 @!p0 s1  }
0x597: {  	[bflag:$0x3] =	sbarrier.arrive $0xFFFF  }
0x598: {  	_ =	shalt  }

</sc_bundles>
